<compile_context>
chip_gen: v7x
topology: tpu7x:2x2x1
jax: 0.10.2.dev20260603
libtpu: 0.0.44.dev20260713+nightly
codegen_flags: <defaults>
</compile_context>

<pallas_src>
import functools

import jax
import jax.numpy as jnp
from jax import lax
from jax.experimental import pallas as pl
from jax.experimental.pallas import tpu as pltpu
from jax.experimental.pallas import tpu_sc as plsc

DIM = 64
B = 4096
L = 50
NW = 32
BPW = B // NW
LANES = 16

_mesh = plsc.VectorSubcoreMesh(core_axis_name="c", subcore_axis_name="s")


def _sc_body(dev_hbm, res_hbm, table_hbm, out_d, out_r,
             idx_d, idx_r, idxT_d, idxT_r, acc_d, acc_r, sem):
    wid = lax.axis_index("s") * 2 + lax.axis_index("c")
    base = wid * BPW

    pltpu.sync_copy(dev_hbm.at[pl.ds(base, BPW), :], idx_d)
    pltpu.sync_copy(res_hbm.at[pl.ds(base, BPW), :], idx_r)

    def transpose(src, dst):
        def body(l, carry):
            lvec = jnp.full((LANES,), l, dtype=jnp.int32)
            for bc in range(BPW // LANES):
                rows = bc * LANES + lax.iota(jnp.int32, LANES)
                v = plsc.load_gather(src, [rows, lvec])
                g = v * 2 - jnp.where(v >= HALFP, 2 * HALFP - 1, 0)
                dst[l, pl.ds(bc * LANES, LANES)] = g
            return carry
        lax.fori_loop(0, L, body, 0)

    transpose(idx_d, idxT_d)
    transpose(idx_r, idxT_r)

    pltpu.async_copy(table_hbm.at[idxT_d.at[0]], acc_d, sem)
    pltpu.async_copy(table_hbm.at[idxT_r.at[0]], acc_r, sem)
    pltpu.make_async_copy(table_hbm.at[idxT_d.at[0]], acc_d, sem).wait()
    pltpu.make_async_copy(table_hbm.at[idxT_r.at[0]], acc_r, sem).wait()
    for l in range(1, L):
        pltpu.async_copy(table_hbm.at[idxT_d.at[l]], acc_d, sem, add=True)
        pltpu.async_copy(table_hbm.at[idxT_r.at[l]], acc_r, sem, add=True)
    for l in range(1, L):
        pltpu.make_async_copy(table_hbm.at[idxT_d.at[l]], acc_d, sem).wait()
        pltpu.make_async_copy(table_hbm.at[idxT_r.at[l]], acc_r, sem).wait()

    pltpu.sync_copy(acc_d, out_d.at[pl.ds(base, BPW), :])
    pltpu.sync_copy(acc_r, out_r.at[pl.ds(base, BPW), :])


_sc_gather = functools.partial(
    pl.kernel,
    out_type=[jax.ShapeDtypeStruct((B, DIM), jnp.float32),
              jax.ShapeDtypeStruct((B, DIM), jnp.float32)],
    mesh=_mesh,
    compiler_params=pltpu.CompilerParams(needs_layout_passes=False,
                                         use_tc_tiling_on_sc=False),
    scratch_types=[
        pltpu.VMEM((BPW, L), jnp.int32),
        pltpu.VMEM((BPW, L), jnp.int32),
        pltpu.VMEM((L, BPW), jnp.int32),
        pltpu.VMEM((L, BPW), jnp.int32),
        pltpu.VMEM((BPW, DIM), jnp.float32),
        pltpu.VMEM((BPW, DIM), jnp.float32),
        pltpu.SemaphoreType.DMA,
    ],
)(_sc_body)


TRC = 16384
HG = 31
HALFP = HG * TRC
_MAX_IN_BLK = (1000000 + TRC - 1) // TRC - 1


def _tr_body(inl_ref, inr_ref, out_ref):
    stacked = jnp.concatenate([inl_ref[...], inr_ref[...]], axis=0)
    out_ref[...] = stacked.T


def _tr_table(table_t):
    return pl.pallas_call(
        _tr_body,
        grid=(HG,),
        in_specs=[
            pl.BlockSpec((DIM, TRC), lambda i: (0, i)),
            pl.BlockSpec((DIM, TRC),
                         lambda i: (0, jnp.minimum(i + HG, _MAX_IN_BLK))),
        ],
        out_specs=pl.BlockSpec((TRC, 2 * DIM), lambda i: (i, 0)),
        out_shape=jax.ShapeDtypeStruct((HALFP, 2 * DIM), jnp.float32),
    )(table_t, table_t)


BS = 512


def _tc_body(td_ref, tr_ref, idd_ref, idr_ref, tbl_ref, w_ref, b_ref, out_ref):
    tbl = tbl_ref[...]

    def corrected(sums, ids):
        acc = sums
        for k in range(4):
            cnt = jnp.sum((ids == k).astype(jnp.float32), axis=1, keepdims=True)
            acc = acc - cnt * tbl[k, :DIM][None, :]
        return acc

    text = corrected(td_ref[...], idd_ref[...])
    resv = corrected(tr_ref[...], idr_ref[...])
    w = w_ref[...]
    z = (jnp.dot(text, w[:DIM], preferred_element_type=jnp.float32)
         + jnp.dot(resv, w[DIM:], preferred_element_type=jnp.float32)
         + b_ref[...])
    out_ref[...] = jnp.tanh(z)


def _tc_proj(td, tr, dev, res, t128, w, b2d):
    return pl.pallas_call(
        _tc_body,
        grid=(B // BS,),
        in_specs=[
            pl.BlockSpec((BS, DIM), lambda i: (i, 0)),
            pl.BlockSpec((BS, DIM), lambda i: (i, 0)),
            pl.BlockSpec((BS, L), lambda i: (i, 0)),
            pl.BlockSpec((BS, L), lambda i: (i, 0)),
            pl.BlockSpec((8, 2 * DIM), lambda i: (0, 0)),
            pl.BlockSpec((2 * DIM, DIM), lambda i: (0, 0)),
            pl.BlockSpec((1, DIM), lambda i: (0, 0)),
        ],
        out_specs=pl.BlockSpec((BS, DIM), lambda i: (i, 0)),
        out_shape=jax.ShapeDtypeStruct((B, DIM), jnp.float32),
    )(td, tr, dev, res, t128, w, b2d)


def kernel(developer_token_id, resource_token_id, emb_table, W_proj, b_proj):
    dev = developer_token_id.astype(jnp.int32)
    res = resource_token_id.astype(jnp.int32)
    t128 = _tr_table(emb_table.T)
    table_lin = t128.reshape(2 * HALFP, DIM)
    td, tr = _sc_gather(dev, res, table_lin)
    return _tc_proj(td, tr, dev, res, t128, W_proj,
                    b_proj.reshape(1, DIM))

# --- scband reference (transcript-rebuilt; emitter-appended) ---
"""Pipeline reference for scband-text-embedding-61306363183674 (READ-ONLY COPY).

The authoritative reference and input builder live on the scoring server;
editing this copy changes nothing except your own understanding.
"""

import jax, jax.numpy as jnp
import numpy as np

VOCAB = 1000000
DIM = 64
B = 4096
L = 50


def setup_inputs(seed: int = 0) -> dict:
    key = jax.random.key(seed)
    k1, k2, k3, k4 = jax.random.split(key, 4)
    developer_token_id = jax.random.randint(k1, (B, L), 0, VOCAB)
    resource_token_id = jax.random.randint(k2, (B, L), 0, VOCAB)
    emb_table = jax.random.normal(k3, (VOCAB, DIM), dtype=jnp.float32) * 0.02
    W_proj = jax.random.normal(k4, (2 * DIM, DIM), dtype=jnp.float32) * (1.0 / np.sqrt(2 * DIM))
    b_proj = jnp.zeros((DIM,), dtype=jnp.float32)
    return {
        'developer_token_id': developer_token_id,
        'resource_token_id': resource_token_id,
        'emb_table': emb_table,
        'W_proj': W_proj,
        'b_proj': b_proj,
    }


def _aggregate_text_embedding(token_ids, embeddings):
    real_objects = (token_ids >= 4).astype(embeddings.dtype)
    return jnp.sum(embeddings * real_objects[..., None], axis=-2)


def reference(developer_token_id, resource_token_id, emb_table, W_proj, b_proj):
    text_emb = jnp.take(emb_table, developer_token_id, axis=0)
    resource_emb = jnp.take(emb_table, resource_token_id, axis=0)
    text_emb = _aggregate_text_embedding(developer_token_id, text_emb)
    resource_emb = _aggregate_text_embedding(resource_token_id, resource_emb)
    cat = jnp.concatenate([text_emb, resource_emb], axis=-1)
    out = jnp.tanh(cat @ W_proj + b_proj)
    return out

if __name__ == "__main__":
    import jax
    _d = setup_inputs()
    print(jax.jit(kernel)(*tuple(_d.values())))

</pallas_src>

<mosaic_0001>
#map = affine_map<(d0, d1) -> (0, 0)>
module attributes {stable_mosaic.version = 14 : i64} {
  func.func @_sc_body(%arg0: i32, %arg1: i32, %arg2: memref<4096x50xi32, #tpu.memory_space<hbm>>, %arg3: memref<4096x50xi32, #tpu.memory_space<hbm>>, %arg4: memref<1015808x64xf32, #tpu.memory_space<hbm>>, %arg5: memref<4096x64xf32, #tpu.memory_space<hbm>>, %arg6: memref<4096x64xf32, #tpu.memory_space<hbm>>, %arg7: memref<128x50xi32, #tpu.memory_space<vmem>>, %arg8: memref<128x50xi32, #tpu.memory_space<vmem>>, %arg9: memref<50x128xi32, #tpu.memory_space<vmem>>, %arg10: memref<50x128xi32, #tpu.memory_space<vmem>>, %arg11: memref<128x64xf32, #tpu.memory_space<vmem>>, %arg12: memref<128x64xf32, #tpu.memory_space<vmem>>, %arg13: memref<!tpu.dma_semaphore, #tpu.memory_space<semaphore_mem>>) attributes {dimension_semantics = [#tpu.dimension_semantics<core_parallel>, #tpu.dimension_semantics<subcore_parallel>], iteration_bounds = array<i64: 2, 16>, scalar_prefetch = 0 : i64, scratch_operands = 7 : i64, tpu.core_type = #tpu.core_type<sc_vector_subcore>, window_params = [{transform_indices = #map}, {transform_indices = #map}, {transform_indices = #map}, {transform_indices = #map}, {transform_indices = #map}]} {
    %mul3A = arith.constant 2 : i32
    %mul3A_0 = arith.muli %arg1, %mul3A : i32
    %add3A = arith.addi %mul3A_0, %arg0 : i32
    %mul3A_1 = arith.constant 128 : i32
    %mul3A_2 = arith.muli %add3A, %mul3A_1 : i32
    "tpu.region"() ({
      %run_scoped3A = tpu.sem_alloc : memref<!tpu.dma_semaphore, #tpu.memory_space<semaphore_mem>>
      %dma_start3A_1412 = arith.constant 0 : i32
      %dma_start3A_1413 = tpu.memref_slice %arg2[%mul3A_2, %dma_start3A_1412] : memref<4096x50xi32, #tpu.memory_space<hbm>> -> memref<128x50xi32, #tpu.memory_space<hbm>>
      %dma_start3A_1414 = arith.constant 0 : i32
      %dma_start3A_1415 = tpu.memref_slice %arg2[%mul3A_2, %dma_start3A_1414] : memref<4096x50xi32, #tpu.memory_space<hbm>> -> memref<128x50xi32, #tpu.memory_space<hbm>>
      tpu.enqueue_dma source(%dma_start3A_1415 : memref<128x50xi32, #tpu.memory_space<hbm>>) target(%arg7 : memref<128x50xi32, #tpu.memory_space<vmem>>) target_semaphore(%run_scoped3A : memref<!tpu.dma_semaphore, #tpu.memory_space<semaphore_mem>>)
      %dma_wait3A_1416 = arith.constant 0 : i32
      %dma_wait3A_1417 = tpu.memref_slice %arg2[%mul3A_2, %dma_wait3A_1416] : memref<4096x50xi32, #tpu.memory_space<hbm>> -> memref<128x50xi32, #tpu.memory_space<hbm>>
      %dma_wait3A_1418 = arith.constant 0 : i32
      %dma_wait3A_1419 = tpu.memref_slice %arg2[%mul3A_2, %dma_wait3A_1418] : memref<4096x50xi32, #tpu.memory_space<hbm>> -> memref<128x50xi32, #tpu.memory_space<hbm>>
      tpu.wait_dma2 semaphore(%run_scoped3A : memref<!tpu.dma_semaphore, #tpu.memory_space<semaphore_mem>>) src(%dma_wait3A_1419 : memref<128x50xi32, #tpu.memory_space<hbm>>) dst(%arg7 : memref<128x50xi32, #tpu.memory_space<vmem>>)
      tpu.yield
    }) : () -> ()
    "tpu.region"() ({
      %run_scoped3A = tpu.sem_alloc : memref<!tpu.dma_semaphore, #tpu.memory_space<semaphore_mem>>
      %dma_start3A_1412 = arith.constant 0 : i32
      %dma_start3A_1413 = tpu.memref_slice %arg3[%mul3A_2, %dma_start3A_1412] : memref<4096x50xi32, #tpu.memory_space<hbm>> -> memref<128x50xi32, #tpu.memory_space<hbm>>
      %dma_start3A_1414 = arith.constant 0 : i32
      %dma_start3A_1415 = tpu.memref_slice %arg3[%mul3A_2, %dma_start3A_1414] : memref<4096x50xi32, #tpu.memory_space<hbm>> -> memref<128x50xi32, #tpu.memory_space<hbm>>
      tpu.enqueue_dma source(%dma_start3A_1415 : memref<128x50xi32, #tpu.memory_space<hbm>>) target(%arg8 : memref<128x50xi32, #tpu.memory_space<vmem>>) target_semaphore(%run_scoped3A : memref<!tpu.dma_semaphore, #tpu.memory_space<semaphore_mem>>)
      %dma_wait3A_1416 = arith.constant 0 : i32
      %dma_wait3A_1417 = tpu.memref_slice %arg3[%mul3A_2, %dma_wait3A_1416] : memref<4096x50xi32, #tpu.memory_space<hbm>> -> memref<128x50xi32, #tpu.memory_space<hbm>>
      %dma_wait3A_1418 = arith.constant 0 : i32
      %dma_wait3A_1419 = tpu.memref_slice %arg3[%mul3A_2, %dma_wait3A_1418] : memref<4096x50xi32, #tpu.memory_space<hbm>> -> memref<128x50xi32, #tpu.memory_space<hbm>>
      tpu.wait_dma2 semaphore(%run_scoped3A : memref<!tpu.dma_semaphore, #tpu.memory_space<semaphore_mem>>) src(%dma_wait3A_1419 : memref<128x50xi32, #tpu.memory_space<hbm>>) dst(%arg8 : memref<128x50xi32, #tpu.memory_space<vmem>>)
      tpu.yield
    }) : () -> ()
    %scan3A = arith.constant 0 : i32
    %scan3A_3 = arith.constant 0 : i32
    %scan3A_4 = arith.constant 50 : i32
    %scan3A_5 = arith.addi %scan3A_3, %scan3A_4 : i32
    %scan3A_6 = arith.constant 1 : i32
    scf.for %scan3A_1412 = %scan3A_3 to %scan3A_5 step %scan3A_6  : i32 {
      %broadcast_in_dim3A = vector.broadcast %scan3A_1412 : i32 to vector<16xi32>
      %iota3A = tpu.iota {dimensions = array<i32: 0>} : vector<16xi32>
      %add3A_1413 = arith.constant 0 : i32
      %add3A_1414 = vector.broadcast %add3A_1413 : i32 to vector<16xi32>
      %add3A_1415 = arith.addi %add3A_1414, %iota3A : vector<16xi32>
      %gather3A = tpu.vector_load_idx %arg7[%add3A_1415, %broadcast_in_dim3A] : memref<128x50xi32, #tpu.memory_space<vmem>>[vector<16xi32>, vector<16xi32>], vector<16xi32>,
      %mul3A_1416 = arith.constant 2 : i32
      %mul3A_1417 = vector.broadcast %mul3A_1416 : i32 to vector<16xi32>
      %mul3A_1418 = arith.muli %gather3A, %mul3A_1417 : vector<16xi32>
      %ge3A = arith.constant 507904 : i32
      %ge3A_1419 = vector.broadcast %ge3A : i32 to vector<16xi32>
      %ge3A_1420 = arith.cmpi sge, %gather3A, %ge3A_1419 : vector<16xi32>
      %jit3A = arith.constant 1015807 : i32
      %jit3A_1421 = arith.constant 0 : i32
      %broadcast_in_dim3A_1422 = vector.broadcast %jit3A : i32 to vector<16xi32>
      %broadcast_in_dim3A_1423 = vector.broadcast %jit3A_1421 : i32 to vector<16xi32>
      %select_n3A = arith.select %ge3A_1420, %broadcast_in_dim3A_1422, %broadcast_in_dim3A_1423 : vector<16xi1>, vector<16xi32>
      %sub3A = arith.subi %mul3A_1418, %select_n3A : vector<16xi32>
      %swap3A = arith.index_cast %scan3A_1412 : i32 to index
      %swap3A_1424 = arith.constant 0 : index
      %swap3A_1425 = tpu.vector_load %arg9[%swap3A, %swap3A_1424] {strides = array<i32>} : memref<50x128xi32, #tpu.memory_space<vmem>>, vector<16xi32>,
      tpu.vector_store %arg9[%swap3A, %swap3A_1424], %sub3A {strides = array<i32>} : memref<50x128xi32, #tpu.memory_space<vmem>>, vector<16xi32>,
      %iota3A_1426 = tpu.iota {dimensions = array<i32: 0>} : vector<16xi32>
      %add3A_1427 = arith.constant 16 : i32
      %add3A_1428 = vector.broadcast %add3A_1427 : i32 to vector<16xi32>
      %add3A_1429 = arith.addi %add3A_1428, %iota3A_1426 : vector<16xi32>
      %gather3A_1430 = tpu.vector_load_idx %arg7[%add3A_1429, %broadcast_in_dim3A] : memref<128x50xi32, #tpu.memory_space<vmem>>[vector<16xi32>, vector<16xi32>], vector<16xi32>,
      %mul3A_1431 = arith.constant 2 : i32
      %mul3A_1432 = vector.broadcast %mul3A_1431 : i32 to vector<16xi32>
      %mul3A_1433 = arith.muli %gather3A_1430, %mul3A_1432 : vector<16xi32>
      %ge3A_1434 = arith.constant 507904 : i32
      %ge3A_1435 = vector.broadcast %ge3A_1434 : i32 to vector<16xi32>
      %ge3A_1436 = arith.cmpi sge, %gather3A_1430, %ge3A_1435 : vector<16xi32>
      %jit3A_1437 = arith.constant 1015807 : i32
      %jit3A_1438 = arith.constant 0 : i32
      %broadcast_in_dim3A_1439 = vector.broadcast %jit3A_1437 : i32 to vector<16xi32>
      %broadcast_in_dim3A_1440 = vector.broadcast %jit3A_1438 : i32 to vector<16xi32>
      %select_n3A_1441 = arith.select %ge3A_1436, %broadcast_in_dim3A_1439, %broadcast_in_dim3A_1440 : vector<16xi1>, vector<16xi32>
      %sub3A_1442 = arith.subi %mul3A_1433, %select_n3A_1441 : vector<16xi32>
      %swap3A_1443 = arith.index_cast %scan3A_1412 : i32 to index
      %swap3A_1444 = arith.constant 16 : index
      %swap3A_1445 = tpu.vector_load %arg9[%swap3A_1443, %swap3A_1444] {strides = array<i32>} : memref<50x128xi32, #tpu.memory_space<vmem>>, vector<16xi32>,
      tpu.vector_store %arg9[%swap3A_1443, %swap3A_1444], %sub3A_1442 {strides = array<i32>} : memref<50x128xi32, #tpu.memory_space<vmem>>, vector<16xi32>,
      %iota3A_1446 = tpu.iota {dimensions = array<i32: 0>} : vector<16xi32>
      %add3A_1447 = arith.constant 32 : i32
      %add3A_1448 = vector.broadcast %add3A_1447 : i32 to vector<16xi32>
      %add3A_1449 = arith.addi %add3A_1448, %iota3A_1446 : vector<16xi32>
      %gather3A_1450 = tpu.vector_load_idx %arg7[%add3A_1449, %broadcast_in_dim3A] : memref<128x50xi32, #tpu.memory_space<vmem>>[vector<16xi32>, vector<16xi32>], vector<16xi32>,
      %mul3A_1451 = arith.constant 2 : i32
      %mul3A_1452 = vector.broadcast %mul3A_1451 : i32 to vector<16xi32>
      %mul3A_1453 = arith.muli %gather3A_1450, %mul3A_1452 : vector<16xi32>
      %ge3A_1454 = arith.constant 507904 : i32
      %ge3A_1455 = vector.broadcast %ge3A_1454 : i32 to vector<16xi32>
      %ge3A_1456 = arith.cmpi sge, %gather3A_1450, %ge3A_1455 : vector<16xi32>
      %jit3A_1457 = arith.constant 1015807 : i32
      %jit3A_1458 = arith.constant 0 : i32
      %broadcast_in_dim3A_1459 = vector.broadcast %jit3A_1457 : i32 to vector<16xi32>
      %broadcast_in_dim3A_1460 = vector.broadcast %jit3A_1458 : i32 to vector<16xi32>
      %select_n3A_1461 = arith.select %ge3A_1456, %broadcast_in_dim3A_1459, %broadcast_in_dim3A_1460 : vector<16xi1>, vector<16xi32>
      %sub3A_1462 = arith.subi %mul3A_1453, %select_n3A_1461 : vector<16xi32>
      %swap3A_1463 = arith.index_cast %scan3A_1412 : i32 to index
      %swap3A_1464 = arith.constant 32 : index
      %swap3A_1465 = tpu.vector_load %arg9[%swap3A_1463, %swap3A_1464] {strides = array<i32>} : memref<50x128xi32, #tpu.memory_space<vmem>>, vector<16xi32>,
      tpu.vector_store %arg9[%swap3A_1463, %swap3A_1464], %sub3A_1462 {strides = array<i32>} : memref<50x128xi32, #tpu.memory_space<vmem>>, vector<16xi32>,
      %iota3A_1466 = tpu.iota {dimensions = array<i32: 0>} : vector<16xi32>
      %add3A_1467 = arith.constant 48 : i32
      %add3A_1468 = vector.broadcast %add3A_1467 : i32 to vector<16xi32>
      %add3A_1469 = arith.addi %add3A_1468, %iota3A_1466 : vector<16xi32>
      %gather3A_1470 = tpu.vector_load_idx %arg7[%add3A_1469, %broadcast_in_dim3A] : memref<128x50xi32, #tpu.memory_space<vmem>>[vector<16xi32>, vector<16xi32>], vector<16xi32>,
      %mul3A_1471 = arith.constant 2 : i32
      %mul3A_1472 = vector.broadcast %mul3A_1471 : i32 to vector<16xi32>
      %mul3A_1473 = arith.muli %gather3A_1470, %mul3A_1472 : vector<16xi32>
      %ge3A_1474 = arith.constant 507904 : i32
      %ge3A_1475 = vector.broadcast %ge3A_1474 : i32 to vector<16xi32>
      %ge3A_1476 = arith.cmpi sge, %gather3A_1470, %ge3A_1475 : vector<16xi32>
      %jit3A_1477 = arith.constant 1015807 : i32
      %jit3A_1478 = arith.constant 0 : i32
      %broadcast_in_dim3A_1479 = vector.broadcast %jit3A_1477 : i32 to vector<16xi32>
      %broadcast_in_dim3A_1480 = vector.broadcast %jit3A_1478 : i32 to vector<16xi32>
      %select_n3A_1481 = arith.select %ge3A_1476, %broadcast_in_dim3A_1479, %broadcast_in_dim3A_1480 : vector<16xi1>, vector<16xi32>
      %sub3A_1482 = arith.subi %mul3A_1473, %select_n3A_1481 : vector<16xi32>
      %swap3A_1483 = arith.index_cast %scan3A_1412 : i32 to index
      %swap3A_1484 = arith.constant 48 : index
      %swap3A_1485 = tpu.vector_load %arg9[%swap3A_1483, %swap3A_1484] {strides = array<i32>} : memref<50x128xi32, #tpu.memory_space<vmem>>, vector<16xi32>,
      tpu.vector_store %arg9[%swap3A_1483, %swap3A_1484], %sub3A_1482 {strides = array<i32>} : memref<50x128xi32, #tpu.memory_space<vmem>>, vector<16xi32>,
      %iota3A_1486 = tpu.iota {dimensions = array<i32: 0>} : vector<16xi32>
      %add3A_1487 = arith.constant 64 : i32
      %add3A_1488 = vector.broadcast %add3A_1487 : i32 to vector<16xi32>
      %add3A_1489 = arith.addi %add3A_1488, %iota3A_1486 : vector<16xi32>
      %gather3A_1490 = tpu.vector_load_idx %arg7[%add3A_1489, %broadcast_in_dim3A] : memref<128x50xi32, #tpu.memory_space<vmem>>[vector<16xi32>, vector<16xi32>], vector<16xi32>,
      %mul3A_1491 = arith.constant 2 : i32
      %mul3A_1492 = vector.broadcast %mul3A_1491 : i32 to vector<16xi32>
      %mul3A_1493 = arith.muli %gather3A_1490, %mul3A_1492 : vector<16xi32>
      %ge3A_1494 = arith.constant 507904 : i32
      %ge3A_1495 = vector.broadcast %ge3A_1494 : i32 to vector<16xi32>
      %ge3A_1496 = arith.cmpi sge, %gather3A_1490, %ge3A_1495 : vector<16xi32>
      %jit3A_1497 = arith.constant 1015807 : i32
      %jit3A_1498 = arith.constant 0 : i32
      %broadcast_in_dim3A_1499 = vector.broadcast %jit3A_1497 : i32 to vector<16xi32>
      %broadcast_in_dim3A_1500 = vector.broadcast %jit3A_1498 : i32 to vector<16xi32>
      %select_n3A_1501 = arith.select %ge3A_1496, %broadcast_in_dim3A_1499, %broadcast_in_dim3A_1500 : vector<16xi1>, vector<16xi32>
      %sub3A_1502 = arith.subi %mul3A_1493, %select_n3A_1501 : vector<16xi32>
      %swap3A_1503 = arith.index_cast %scan3A_1412 : i32 to index
      %swap3A_1504 = arith.constant 64 : index
      %swap3A_1505 = tpu.vector_load %arg9[%swap3A_1503, %swap3A_1504] {strides = array<i32>} : memref<50x128xi32, #tpu.memory_space<vmem>>, vector<16xi32>,
      tpu.vector_store %arg9[%swap3A_1503, %swap3A_1504], %sub3A_1502 {strides = array<i32>} : memref<50x128xi32, #tpu.memory_space<vmem>>, vector<16xi32>,
      %iota3A_1506 = tpu.iota {dimensions = array<i32: 0>} : vector<16xi32>
      %add3A_1507 = arith.constant 80 : i32
      %add3A_1508 = vector.broadcast %add3A_1507 : i32 to vector<16xi32>
      %add3A_1509 = arith.addi %add3A_1508, %iota3A_1506 : vector<16xi32>
      %gather3A_1510 = tpu.vector_load_idx %arg7[%add3A_1509, %broadcast_in_dim3A] : memref<128x50xi32, #tpu.memory_space<vmem>>[vector<16xi32>, vector<16xi32>], vector<16xi32>,
      %mul3A_1511 = arith.constant 2 : i32
      %mul3A_1512 = vector.broadcast %mul3A_1511 : i32 to vector<16xi32>
      %mul3A_1513 = arith.muli %gather3A_1510, %mul3A_1512 : vector<16xi32>
      %ge3A_1514 = arith.constant 507904 : i32
      %ge3A_1515 = vector.broadcast %ge3A_1514 : i32 to vector<16xi32>
      %ge3A_1516 = arith.cmpi sge, %gather3A_1510, %ge3A_1515 : vector<16xi32>
      %jit3A_1517 = arith.constant 1015807 : i32
      %jit3A_1518 = arith.constant 0 : i32
      %broadcast_in_dim3A_1519 = vector.broadcast %jit3A_1517 : i32 to vector<16xi32>
      %broadcast_in_dim3A_1520 = vector.broadcast %jit3A_1518 : i32 to vector<16xi32>
      %select_n3A_1521 = arith.select %ge3A_1516, %broadcast_in_dim3A_1519, %broadcast_in_dim3A_1520 : vector<16xi1>, vector<16xi32>
      %sub3A_1522 = arith.subi %mul3A_1513, %select_n3A_1521 : vector<16xi32>
      %swap3A_1523 = arith.index_cast %scan3A_1412 : i32 to index
      %swap3A_1524 = arith.constant 80 : index
      %swap3A_1525 = tpu.vector_load %arg9[%swap3A_1523, %swap3A_1524] {strides = array<i32>} : memref<50x128xi32, #tpu.memory_space<vmem>>, vector<16xi32>,
      tpu.vector_store %arg9[%swap3A_1523, %swap3A_1524], %sub3A_1522 {strides = array<i32>} : memref<50x128xi32, #tpu.memory_space<vmem>>, vector<16xi32>,
      %iota3A_1526 = tpu.iota {dimensions = array<i32: 0>} : vector<16xi32>
      %add3A_1527 = arith.constant 96 : i32
      %add3A_1528 = vector.broadcast %add3A_1527 : i32 to vector<16xi32>
      %add3A_1529 = arith.addi %add3A_1528, %iota3A_1526 : vector<16xi32>
      %gather3A_1530 = tpu.vector_load_idx %arg7[%add3A_1529, %broadcast_in_dim3A] : memref<128x50xi32, #tpu.memory_space<vmem>>[vector<16xi32>, vector<16xi32>], vector<16xi32>,
      %mul3A_1531 = arith.constant 2 : i32
      %mul3A_1532 = vector.broadcast %mul3A_1531 : i32 to vector<16xi32>
      %mul3A_1533 = arith.muli %gather3A_1530, %mul3A_1532 : vector<16xi32>
      %ge3A_1534 = arith.constant 507904 : i32
      %ge3A_1535 = vector.broadcast %ge3A_1534 : i32 to vector<16xi32>
      %ge3A_1536 = arith.cmpi sge, %gather3A_1530, %ge3A_1535 : vector<16xi32>
      %jit3A_1537 = arith.constant 1015807 : i32
      %jit3A_1538 = arith.constant 0 : i32
      %broadcast_in_dim3A_1539 = vector.broadcast %jit3A_1537 : i32 to vector<16xi32>
      %broadcast_in_dim3A_1540 = vector.broadcast %jit3A_1538 : i32 to vector<16xi32>
      %select_n3A_1541 = arith.select %ge3A_1536, %broadcast_in_dim3A_1539, %broadcast_in_dim3A_1540 : vector<16xi1>, vector<16xi32>
      %sub3A_1542 = arith.subi %mul3A_1533, %select_n3A_1541 : vector<16xi32>
      %swap3A_1543 = arith.index_cast %scan3A_1412 : i32 to index
      %swap3A_1544 = arith.constant 96 : index
      %swap3A_1545 = tpu.vector_load %arg9[%swap3A_1543, %swap3A_1544] {strides = array<i32>} : memref<50x128xi32, #tpu.memory_space<vmem>>, vector<16xi32>,
      tpu.vector_store %arg9[%swap3A_1543, %swap3A_1544], %sub3A_1542 {strides = array<i32>} : memref<50x128xi32, #tpu.memory_space<vmem>>, vector<16xi32>,
      %iota3A_1546 = tpu.iota {dimensions = array<i32: 0>} : vector<16xi32>
      %add3A_1547 = arith.constant 112 : i32
      %add3A_1548 = vector.broadcast %add3A_1547 : i32 to vector<16xi32>
      %add3A_1549 = arith.addi %add3A_1548, %iota3A_1546 : vector<16xi32>
      %gather3A_1550 = tpu.vector_load_idx %arg7[%add3A_1549, %broadcast_in_dim3A] : memref<128x50xi32, #tpu.memory_space<vmem>>[vector<16xi32>, vector<16xi32>], vector<16xi32>,
      %mul3A_1551 = arith.constant 2 : i32
      %mul3A_1552 = vector.broadcast %mul3A_1551 : i32 to vector<16xi32>
      %mul3A_1553 = arith.muli %gather3A_1550, %mul3A_1552 : vector<16xi32>
      %ge3A_1554 = arith.constant 507904 : i32
      %ge3A_1555 = vector.broadcast %ge3A_1554 : i32 to vector<16xi32>
      %ge3A_1556 = arith.cmpi sge, %gather3A_1550, %ge3A_1555 : vector<16xi32>
      %jit3A_1557 = arith.constant 1015807 : i32
      %jit3A_1558 = arith.constant 0 : i32
      %broadcast_in_dim3A_1559 = vector.broadcast %jit3A_1557 : i32 to vector<16xi32>
      %broadcast_in_dim3A_1560 = vector.broadcast %jit3A_1558 : i32 to vector<16xi32>
      %select_n3A_1561 = arith.select %ge3A_1556, %broadcast_in_dim3A_1559, %broadcast_in_dim3A_1560 : vector<16xi1>, vector<16xi32>
      %sub3A_1562 = arith.subi %mul3A_1553, %select_n3A_1561 : vector<16xi32>
      %swap3A_1563 = arith.index_cast %scan3A_1412 : i32 to index
      %swap3A_1564 = arith.constant 112 : index
      %swap3A_1565 = tpu.vector_load %arg9[%swap3A_1563, %swap3A_1564] {strides = array<i32>} : memref<50x128xi32, #tpu.memory_space<vmem>>, vector<16xi32>,
      tpu.vector_store %arg9[%swap3A_1563, %swap3A_1564], %sub3A_1562 {strides = array<i32>} : memref<50x128xi32, #tpu.memory_space<vmem>>, vector<16xi32>,
    }
    %scan3A_7 = arith.constant 50 : i32
    %scan3A_8 = arith.constant 0 : i32
    %scan3A_9 = arith.constant 0 : i32
    %scan3A_10 = arith.constant 50 : i32
    %scan3A_11 = arith.addi %scan3A_9, %scan3A_10 : i32
    %scan3A_12 = arith.constant 1 : i32
    scf.for %scan3A_1412 = %scan3A_9 to %scan3A_11 step %scan3A_12  : i32 {
      %broadcast_in_dim3A = vector.broadcast %scan3A_1412 : i32 to vector<16xi32>
      %iota3A = tpu.iota {dimensions = array<i32: 0>} : vector<16xi32>
      %add3A_1413 = arith.constant 0 : i32
      %add3A_1414 = vector.broadcast %add3A_1413 : i32 to vector<16xi32>
      %add3A_1415 = arith.addi %add3A_1414, %iota3A : vector<16xi32>
      %gather3A = tpu.vector_load_idx %arg8[%add3A_1415, %broadcast_in_dim3A] : memref<128x50xi32, #tpu.memory_space<vmem>>[vector<16xi32>, vector<16xi32>], vector<16xi32>,
      %mul3A_1416 = arith.constant 2 : i32
      %mul3A_1417 = vector.broadcast %mul3A_1416 : i32 to vector<16xi32>
      %mul3A_1418 = arith.muli %gather3A, %mul3A_1417 : vector<16xi32>
      %ge3A = arith.constant 507904 : i32
      %ge3A_1419 = vector.broadcast %ge3A : i32 to vector<16xi32>
      %ge3A_1420 = arith.cmpi sge, %gather3A, %ge3A_1419 : vector<16xi32>
      %jit3A = arith.constant 1015807 : i32
      %jit3A_1421 = arith.constant 0 : i32
      %broadcast_in_dim3A_1422 = vector.broadcast %jit3A : i32 to vector<16xi32>
      %broadcast_in_dim3A_1423 = vector.broadcast %jit3A_1421 : i32 to vector<16xi32>
      %select_n3A = arith.select %ge3A_1420, %broadcast_in_dim3A_1422, %broadcast_in_dim3A_1423 : vector<16xi1>, vector<16xi32>
      %sub3A = arith.subi %mul3A_1418, %select_n3A : vector<16xi32>
      %swap3A = arith.index_cast %scan3A_1412 : i32 to index
      %swap3A_1424 = arith.constant 0 : index
      %swap3A_1425 = tpu.vector_load %arg10[%swap3A, %swap3A_1424] {strides = array<i32>} : memref<50x128xi32, #tpu.memory_space<vmem>>, vector<16xi32>,
      tpu.vector_store %arg10[%swap3A, %swap3A_1424], %sub3A {strides = array<i32>} : memref<50x128xi32, #tpu.memory_space<vmem>>, vector<16xi32>,
      %iota3A_1426 = tpu.iota {dimensions = array<i32: 0>} : vector<16xi32>
      %add3A_1427 = arith.constant 16 : i32
      %add3A_1428 = vector.broadcast %add3A_1427 : i32 to vector<16xi32>
      %add3A_1429 = arith.addi %add3A_1428, %iota3A_1426 : vector<16xi32>
      %gather3A_1430 = tpu.vector_load_idx %arg8[%add3A_1429, %broadcast_in_dim3A] : memref<128x50xi32, #tpu.memory_space<vmem>>[vector<16xi32>, vector<16xi32>], vector<16xi32>,
      %mul3A_1431 = arith.constant 2 : i32
      %mul3A_1432 = vector.broadcast %mul3A_1431 : i32 to vector<16xi32>
      %mul3A_1433 = arith.muli %gather3A_1430, %mul3A_1432 : vector<16xi32>
      %ge3A_1434 = arith.constant 507904 : i32
      %ge3A_1435 = vector.broadcast %ge3A_1434 : i32 to vector<16xi32>
      %ge3A_1436 = arith.cmpi sge, %gather3A_1430, %ge3A_1435 : vector<16xi32>
      %jit3A_1437 = arith.constant 1015807 : i32
      %jit3A_1438 = arith.constant 0 : i32
      %broadcast_in_dim3A_1439 = vector.broadcast %jit3A_1437 : i32 to vector<16xi32>
      %broadcast_in_dim3A_1440 = vector.broadcast %jit3A_1438 : i32 to vector<16xi32>
      %select_n3A_1441 = arith.select %ge3A_1436, %broadcast_in_dim3A_1439, %broadcast_in_dim3A_1440 : vector<16xi1>, vector<16xi32>
      %sub3A_1442 = arith.subi %mul3A_1433, %select_n3A_1441 : vector<16xi32>
      %swap3A_1443 = arith.index_cast %scan3A_1412 : i32 to index
      %swap3A_1444 = arith.constant 16 : index
      %swap3A_1445 = tpu.vector_load %arg10[%swap3A_1443, %swap3A_1444] {strides = array<i32>} : memref<50x128xi32, #tpu.memory_space<vmem>>, vector<16xi32>,
      tpu.vector_store %arg10[%swap3A_1443, %swap3A_1444], %sub3A_1442 {strides = array<i32>} : memref<50x128xi32, #tpu.memory_space<vmem>>, vector<16xi32>,
      %iota3A_1446 = tpu.iota {dimensions = array<i32: 0>} : vector<16xi32>
      %add3A_1447 = arith.constant 32 : i32
      %add3A_1448 = vector.broadcast %add3A_1447 : i32 to vector<16xi32>
      %add3A_1449 = arith.addi %add3A_1448, %iota3A_1446 : vector<16xi32>
      %gather3A_1450 = tpu.vector_load_idx %arg8[%add3A_1449, %broadcast_in_dim3A] : memref<128x50xi32, #tpu.memory_space<vmem>>[vector<16xi32>, vector<16xi32>], vector<16xi32>,
      %mul3A_1451 = arith.constant 2 : i32
      %mul3A_1452 = vector.broadcast %mul3A_1451 : i32 to vector<16xi32>
      %mul3A_1453 = arith.muli %gather3A_1450, %mul3A_1452 : vector<16xi32>
      %ge3A_1454 = arith.constant 507904 : i32
      %ge3A_1455 = vector.broadcast %ge3A_1454 : i32 to vector<16xi32>
      %ge3A_1456 = arith.cmpi sge, %gather3A_1450, %ge3A_1455 : vector<16xi32>
      %jit3A_1457 = arith.constant 1015807 : i32
      %jit3A_1458 = arith.constant 0 : i32
      %broadcast_in_dim3A_1459 = vector.broadcast %jit3A_1457 : i32 to vector<16xi32>
      %broadcast_in_dim3A_1460 = vector.broadcast %jit3A_1458 : i32 to vector<16xi32>
      %select_n3A_1461 = arith.select %ge3A_1456, %broadcast_in_dim3A_1459, %broadcast_in_dim3A_1460 : vector<16xi1>, vector<16xi32>
      %sub3A_1462 = arith.subi %mul3A_1453, %select_n3A_1461 : vector<16xi32>
      %swap3A_1463 = arith.index_cast %scan3A_1412 : i32 to index
      %swap3A_1464 = arith.constant 32 : index
      %swap3A_1465 = tpu.vector_load %arg10[%swap3A_1463, %swap3A_1464] {strides = array<i32>} : memref<50x128xi32, #tpu.memory_space<vmem>>, vector<16xi32>,
      tpu.vector_store %arg10[%swap3A_1463, %swap3A_1464], %sub3A_1462 {strides = array<i32>} : memref<50x128xi32, #tpu.memory_space<vmem>>, vector<16xi32>,
      %iota3A_1466 = tpu.iota {dimensions = array<i32: 0>} : vector<16xi32>
      %add3A_1467 = arith.constant 48 : i32
      %add3A_1468 = vector.broadcast %add3A_1467 : i32 to vector<16xi32>
      %add3A_1469 = arith.addi %add3A_1468, %iota3A_1466 : vector<16xi32>
      %gather3A_1470 = tpu.vector_load_idx %arg8[%add3A_1469, %broadcast_in_dim3A] : memref<128x50xi32, #tpu.memory_space<vmem>>[vector<16xi32>, vector<16xi32>], vector<16xi32>,
      %mul3A_1471 = arith.constant 2 : i32
      %mul3A_1472 = vector.broadcast %mul3A_1471 : i32 to vector<16xi32>
      %mul3A_1473 = arith.muli %gather3A_1470, %mul3A_1472 : vector<16xi32>
      %ge3A_1474 = arith.constant 507904 : i32
      %ge3A_1475 = vector.broadcast %ge3A_1474 : i32 to vector<16xi32>
      %ge3A_1476 = arith.cmpi sge, %gather3A_1470, %ge3A_1475 : vector<16xi32>
      %jit3A_1477 = arith.constant 1015807 : i32
      %jit3A_1478 = arith.constant 0 : i32
      %broadcast_in_dim3A_1479 = vector.broadcast %jit3A_1477 : i32 to vector<16xi32>
      %broadcast_in_dim3A_1480 = vector.broadcast %jit3A_1478 : i32 to vector<16xi32>
      %select_n3A_1481 = arith.select %ge3A_1476, %broadcast_in_dim3A_1479, %broadcast_in_dim3A_1480 : vector<16xi1>, vector<16xi32>
      %sub3A_1482 = arith.subi %mul3A_1473, %select_n3A_1481 : vector<16xi32>
      %swap3A_1483 = arith.index_cast %scan3A_1412 : i32 to index
      %swap3A_1484 = arith.constant 48 : index
      %swap3A_1485 = tpu.vector_load %arg10[%swap3A_1483, %swap3A_1484] {strides = array<i32>} : memref<50x128xi32, #tpu.memory_space<vmem>>, vector<16xi32>,
      tpu.vector_store %arg10[%swap3A_1483, %swap3A_1484], %sub3A_1482 {strides = array<i32>} : memref<50x128xi32, #tpu.memory_space<vmem>>, vector<16xi32>,
      %iota3A_1486 = tpu.iota {dimensions = array<i32: 0>} : vector<16xi32>
      %add3A_1487 = arith.constant 64 : i32
      %add3A_1488 = vector.broadcast %add3A_1487 : i32 to vector<16xi32>
      %add3A_1489 = arith.addi %add3A_1488, %iota3A_1486 : vector<16xi32>
      %gather3A_1490 = tpu.vector_load_idx %arg8[%add3A_1489, %broadcast_in_dim3A] : memref<128x50xi32, #tpu.memory_space<vmem>>[vector<16xi32>, vector<16xi32>], vector<16xi32>,
      %mul3A_1491 = arith.constant 2 : i32
      %mul3A_1492 = vector.broadcast %mul3A_1491 : i32 to vector<16xi32>
      %mul3A_1493 = arith.muli %gather3A_1490, %mul3A_1492 : vector<16xi32>
      %ge3A_1494 = arith.constant 507904 : i32
      %ge3A_1495 = vector.broadcast %ge3A_1494 : i32 to vector<16xi32>
      %ge3A_1496 = arith.cmpi sge, %gather3A_1490, %ge3A_1495 : vector<16xi32>
      %jit3A_1497 = arith.constant 1015807 : i32
      %jit3A_1498 = arith.constant 0 : i32
      %broadcast_in_dim3A_1499 = vector.broadcast %jit3A_1497 : i32 to vector<16xi32>
      %broadcast_in_dim3A_1500 = vector.broadcast %jit3A_1498 : i32 to vector<16xi32>
      %select_n3A_1501 = arith.select %ge3A_1496, %broadcast_in_dim3A_1499, %broadcast_in_dim3A_1500 : vector<16xi1>, vector<16xi32>
      %sub3A_1502 = arith.subi %mul3A_1493, %select_n3A_1501 : vector<16xi32>
      %swap3A_1503 = arith.index_cast %scan3A_1412 : i32 to index
      %swap3A_1504 = arith.constant 64 : index
      %swap3A_1505 = tpu.vector_load %arg10[%swap3A_1503, %swap3A_1504] {strides = array<i32>} : memref<50x128xi32, #tpu.memory_space<vmem>>, vector<16xi32>,
      tpu.vector_store %arg10[%swap3A_1503, %swap3A_1504], %sub3A_1502 {strides = array<i32>} : memref<50x128xi32, #tpu.memory_space<vmem>>, vector<16xi32>,
      %iota3A_1506 = tpu.iota {dimensions = array<i32: 0>} : vector<16xi32>
      %add3A_1507 = arith.constant 80 : i32
      %add3A_1508 = vector.broadcast %add3A_1507 : i32 to vector<16xi32>
      %add3A_1509 = arith.addi %add3A_1508, %iota3A_1506 : vector<16xi32>
      %gather3A_1510 = tpu.vector_load_idx %arg8[%add3A_1509, %broadcast_in_dim3A] : memref<128x50xi32, #tpu.memory_space<vmem>>[vector<16xi32>, vector<16xi32>], vector<16xi32>,
      %mul3A_1511 = arith.constant 2 : i32
      %mul3A_1512 = vector.broadcast %mul3A_1511 : i32 to vector<16xi32>
      %mul3A_1513 = arith.muli %gather3A_1510, %mul3A_1512 : vector<16xi32>
      %ge3A_1514 = arith.constant 507904 : i32
      %ge3A_1515 = vector.broadcast %ge3A_1514 : i32 to vector<16xi32>
      %ge3A_1516 = arith.cmpi sge, %gather3A_1510, %ge3A_1515 : vector<16xi32>
      %jit3A_1517 = arith.constant 1015807 : i32
      %jit3A_1518 = arith.constant 0 : i32
      %broadcast_in_dim3A_1519 = vector.broadcast %jit3A_1517 : i32 to vector<16xi32>
      %broadcast_in_dim3A_1520 = vector.broadcast %jit3A_1518 : i32 to vector<16xi32>
      %select_n3A_1521 = arith.select %ge3A_1516, %broadcast_in_dim3A_1519, %broadcast_in_dim3A_1520 : vector<16xi1>, vector<16xi32>
      %sub3A_1522 = arith.subi %mul3A_1513, %select_n3A_1521 : vector<16xi32>
      %swap3A_1523 = arith.index_cast %scan3A_1412 : i32 to index
      %swap3A_1524 = arith.constant 80 : index
      %swap3A_1525 = tpu.vector_load %arg10[%swap3A_1523, %swap3A_1524] {strides = array<i32>} : memref<50x128xi32, #tpu.memory_space<vmem>>, vector<16xi32>,
      tpu.vector_store %arg10[%swap3A_1523, %swap3A_1524], %sub3A_1522 {strides = array<i32>} : memref<50x128xi32, #tpu.memory_space<vmem>>, vector<16xi32>,
      %iota3A_1526 = tpu.iota {dimensions = array<i32: 0>} : vector<16xi32>
      %add3A_1527 = arith.constant 96 : i32
      %add3A_1528 = vector.broadcast %add3A_1527 : i32 to vector<16xi32>
      %add3A_1529 = arith.addi %add3A_1528, %iota3A_1526 : vector<16xi32>
      %gather3A_1530 = tpu.vector_load_idx %arg8[%add3A_1529, %broadcast_in_dim3A] : memref<128x50xi32, #tpu.memory_space<vmem>>[vector<16xi32>, vector<16xi32>], vector<16xi32>,
      %mul3A_1531 = arith.constant 2 : i32
      %mul3A_1532 = vector.broadcast %mul3A_1531 : i32 to vector<16xi32>
      %mul3A_1533 = arith.muli %gather3A_1530, %mul3A_1532 : vector<16xi32>
      %ge3A_1534 = arith.constant 507904 : i32
      %ge3A_1535 = vector.broadcast %ge3A_1534 : i32 to vector<16xi32>
      %ge3A_1536 = arith.cmpi sge, %gather3A_1530, %ge3A_1535 : vector<16xi32>
      %jit3A_1537 = arith.constant 1015807 : i32
      %jit3A_1538 = arith.constant 0 : i32
      %broadcast_in_dim3A_1539 = vector.broadcast %jit3A_1537 : i32 to vector<16xi32>
      %broadcast_in_dim3A_1540 = vector.broadcast %jit3A_1538 : i32 to vector<16xi32>
      %select_n3A_1541 = arith.select %ge3A_1536, %broadcast_in_dim3A_1539, %broadcast_in_dim3A_1540 : vector<16xi1>, vector<16xi32>
      %sub3A_1542 = arith.subi %mul3A_1533, %select_n3A_1541 : vector<16xi32>
      %swap3A_1543 = arith.index_cast %scan3A_1412 : i32 to index
      %swap3A_1544 = arith.constant 96 : index
      %swap3A_1545 = tpu.vector_load %arg10[%swap3A_1543, %swap3A_1544] {strides = array<i32>} : memref<50x128xi32, #tpu.memory_space<vmem>>, vector<16xi32>,
      tpu.vector_store %arg10[%swap3A_1543, %swap3A_1544], %sub3A_1542 {strides = array<i32>} : memref<50x128xi32, #tpu.memory_space<vmem>>, vector<16xi32>,
      %iota3A_1546 = tpu.iota {dimensions = array<i32: 0>} : vector<16xi32>
      %add3A_1547 = arith.constant 112 : i32
      %add3A_1548 = vector.broadcast %add3A_1547 : i32 to vector<16xi32>
      %add3A_1549 = arith.addi %add3A_1548, %iota3A_1546 : vector<16xi32>
      %gather3A_1550 = tpu.vector_load_idx %arg8[%add3A_1549, %broadcast_in_dim3A] : memref<128x50xi32, #tpu.memory_space<vmem>>[vector<16xi32>, vector<16xi32>], vector<16xi32>,
      %mul3A_1551 = arith.constant 2 : i32
      %mul3A_1552 = vector.broadcast %mul3A_1551 : i32 to vector<16xi32>
      %mul3A_1553 = arith.muli %gather3A_1550, %mul3A_1552 : vector<16xi32>
      %ge3A_1554 = arith.constant 507904 : i32
      %ge3A_1555 = vector.broadcast %ge3A_1554 : i32 to vector<16xi32>
      %ge3A_1556 = arith.cmpi sge, %gather3A_1550, %ge3A_1555 : vector<16xi32>
      %jit3A_1557 = arith.constant 1015807 : i32
      %jit3A_1558 = arith.constant 0 : i32
      %broadcast_in_dim3A_1559 = vector.broadcast %jit3A_1557 : i32 to vector<16xi32>
      %broadcast_in_dim3A_1560 = vector.broadcast %jit3A_1558 : i32 to vector<16xi32>
      %select_n3A_1561 = arith.select %ge3A_1556, %broadcast_in_dim3A_1559, %broadcast_in_dim3A_1560 : vector<16xi1>, vector<16xi32>
      %sub3A_1562 = arith.subi %mul3A_1553, %select_n3A_1561 : vector<16xi32>
      %swap3A_1563 = arith.index_cast %scan3A_1412 : i32 to index
      %swap3A_1564 = arith.constant 112 : index
      %swap3A_1565 = tpu.vector_load %arg10[%swap3A_1563, %swap3A_1564] {strides = array<i32>} : memref<50x128xi32, #tpu.memory_space<vmem>>, vector<16xi32>,
      tpu.vector_store %arg10[%swap3A_1563, %swap3A_1564], %sub3A_1562 {strides = array<i32>} : memref<50x128xi32, #tpu.memory_space<vmem>>, vector<16xi32>,
    }
    %scan3A_13 = arith.constant 50 : i32
    %dma_start3A = arith.constant 0 : i32
    %dma_start3A_14 = arith.constant 0 : i32
    %dma_start3A_15 = tpu.memref_slice %arg9[%dma_start3A, %dma_start3A_14] : memref<50x128xi32, #tpu.memory_space<vmem>> -> memref<1x128xi32, #tpu.memory_space<vmem>>
    %dma_start3A_16 = tpu.memref_squeeze %dma_start3A_15 : memref<1x128xi32, #tpu.memory_space<vmem>> -> memref<128xi32, #tpu.memory_space<vmem>>
    %dma_start3A_17 = arith.constant 0 : i32
    %dma_start3A_18 = arith.constant 0 : i32
    %dma_start3A_19 = tpu.memref_slice %arg4[%dma_start3A_17, %dma_start3A_18] : memref<1015808x64xf32, #tpu.memory_space<hbm>> -> memref<1015808x64xf32, #tpu.memory_space<hbm>>
    tpu.enqueue_indirect_dma source(%dma_start3A_19 : memref<1015808x64xf32, #tpu.memory_space<hbm>>) target(%arg11 : memref<128x64xf32, #tpu.memory_space<vmem>>) offsets(%dma_start3A_16 : memref<128xi32, #tpu.memory_space<vmem>>) semaphore(%arg13 : memref<!tpu.dma_semaphore, #tpu.memory_space<semaphore_mem>>)
    %dma_start3A_20 = arith.constant 0 : i32
    %dma_start3A_21 = arith.constant 0 : i32
    %dma_start3A_22 = tpu.memref_slice %arg10[%dma_start3A_20, %dma_start3A_21] : memref<50x128xi32, #tpu.memory_space<vmem>> -> memref<1x128xi32, #tpu.memory_space<vmem>>
    %dma_start3A_23 = tpu.memref_squeeze %dma_start3A_22 : memref<1x128xi32, #tpu.memory_space<vmem>> -> memref<128xi32, #tpu.memory_space<vmem>>
    %dma_start3A_24 = arith.constant 0 : i32
    %dma_start3A_25 = arith.constant 0 : i32
    %dma_start3A_26 = tpu.memref_slice %arg4[%dma_start3A_24, %dma_start3A_25] : memref<1015808x64xf32, #tpu.memory_space<hbm>> -> memref<1015808x64xf32, #tpu.memory_space<hbm>>
    tpu.enqueue_indirect_dma source(%dma_start3A_26 : memref<1015808x64xf32, #tpu.memory_space<hbm>>) target(%arg12 : memref<128x64xf32, #tpu.memory_space<vmem>>) offsets(%dma_start3A_23 : memref<128xi32, #tpu.memory_space<vmem>>) semaphore(%arg13 : memref<!tpu.dma_semaphore, #tpu.memory_space<semaphore_mem>>)
    %dma_wait3A = arith.constant 0 : i32
    %dma_wait3A_27 = arith.constant 0 : i32
    %dma_wait3A_28 = tpu.memref_slice %arg9[%dma_wait3A, %dma_wait3A_27] : memref<50x128xi32, #tpu.memory_space<vmem>> -> memref<1x128xi32, #tpu.memory_space<vmem>>
    %dma_wait3A_29 = tpu.memref_squeeze %dma_wait3A_28 : memref<1x128xi32, #tpu.memory_space<vmem>> -> memref<128xi32, #tpu.memory_space<vmem>>
    %dma_wait3A_30 = arith.constant 0 : i32
    %dma_wait3A_31 = arith.constant 0 : i32
    %dma_wait3A_32 = tpu.memref_slice %arg4[%dma_wait3A_30, %dma_wait3A_31] : memref<1015808x64xf32, #tpu.memory_space<hbm>> -> memref<1015808x64xf32, #tpu.memory_space<hbm>>
    tpu.wait_indirect_dma semaphore(%arg13 : memref<!tpu.dma_semaphore, #tpu.memory_space<semaphore_mem>>) src(%dma_wait3A_32 : memref<1015808x64xf32, #tpu.memory_space<hbm>>) dst(%arg11 : memref<128x64xf32, #tpu.memory_space<vmem>>)
    %dma_wait3A_33 = arith.constant 0 : i32
    %dma_wait3A_34 = arith.constant 0 : i32
    %dma_wait3A_35 = tpu.memref_slice %arg10[%dma_wait3A_33, %dma_wait3A_34] : memref<50x128xi32, #tpu.memory_space<vmem>> -> memref<1x128xi32, #tpu.memory_space<vmem>>
    %dma_wait3A_36 = tpu.memref_squeeze %dma_wait3A_35 : memref<1x128xi32, #tpu.memory_space<vmem>> -> memref<128xi32, #tpu.memory_space<vmem>>
    %dma_wait3A_37 = arith.constant 0 : i32
    %dma_wait3A_38 = arith.constant 0 : i32
    %dma_wait3A_39 = tpu.memref_slice %arg4[%dma_wait3A_37, %dma_wait3A_38] : memref<1015808x64xf32, #tpu.memory_space<hbm>> -> memref<1015808x64xf32, #tpu.memory_space<hbm>>
    tpu.wait_indirect_dma semaphore(%arg13 : memref<!tpu.dma_semaphore, #tpu.memory_space<semaphore_mem>>) src(%dma_wait3A_39 : memref<1015808x64xf32, #tpu.memory_space<hbm>>) dst(%arg12 : memref<128x64xf32, #tpu.memory_space<vmem>>)
    %dma_start3A_40 = arith.constant 1 : i32
    %dma_start3A_41 = arith.constant 0 : i32
    %dma_start3A_42 = tpu.memref_slice %arg9[%dma_start3A_40, %dma_start3A_41] : memref<50x128xi32, #tpu.memory_space<vmem>> -> memref<1x128xi32, #tpu.memory_space<vmem>>
    %dma_start3A_43 = tpu.memref_squeeze %dma_start3A_42 : memref<1x128xi32, #tpu.memory_space<vmem>> -> memref<128xi32, #tpu.memory_space<vmem>>
    %dma_start3A_44 = arith.constant 0 : i32
    %dma_start3A_45 = arith.constant 0 : i32
    %dma_start3A_46 = tpu.memref_slice %arg4[%dma_start3A_44, %dma_start3A_45] : memref<1015808x64xf32, #tpu.memory_space<hbm>> -> memref<1015808x64xf32, #tpu.memory_space<hbm>>
    tpu.enqueue_indirect_dma source(%dma_start3A_46 : memref<1015808x64xf32, #tpu.memory_space<hbm>>) target(%arg11 : memref<128x64xf32, #tpu.memory_space<vmem>>) offsets(%dma_start3A_43 : memref<128xi32, #tpu.memory_space<vmem>>) semaphore(%arg13 : memref<!tpu.dma_semaphore, #tpu.memory_space<semaphore_mem>>) {add = true}
    %dma_start3A_47 = arith.constant 1 : i32
    %dma_start3A_48 = arith.constant 0 : i32
    %dma_start3A_49 = tpu.memref_slice %arg10[%dma_start3A_47, %dma_start3A_48] : memref<50x128xi32, #tpu.memory_space<vmem>> -> memref<1x128xi32, #tpu.memory_space<vmem>>
    %dma_start3A_50 = tpu.memref_squeeze %dma_start3A_49 : memref<1x128xi32, #tpu.memory_space<vmem>> -> memref<128xi32, #tpu.memory_space<vmem>>
    %dma_start3A_51 = arith.constant 0 : i32
    %dma_start3A_52 = arith.constant 0 : i32
    %dma_start3A_53 = tpu.memref_slice %arg4[%dma_start3A_51, %dma_start3A_52] : memref<1015808x64xf32, #tpu.memory_space<hbm>> -> memref<1015808x64xf32, #tpu.memory_space<hbm>>
    tpu.enqueue_indirect_dma source(%dma_start3A_53 : memref<1015808x64xf32, #tpu.memory_space<hbm>>) target(%arg12 : memref<128x64xf32, #tpu.memory_space<vmem>>) offsets(%dma_start3A_50 : memref<128xi32, #tpu.memory_space<vmem>>) semaphore(%arg13 : memref<!tpu.dma_semaphore, #tpu.memory_space<semaphore_mem>>) {add = true}
    %dma_start3A_54 = arith.constant 2 : i32
    %dma_start3A_55 = arith.constant 0 : i32
    %dma_start3A_56 = tpu.memref_slice %arg9[%dma_start3A_54, %dma_start3A_55] : memref<50x128xi32, #tpu.memory_space<vmem>> -> memref<1x128xi32, #tpu.memory_space<vmem>>
    %dma_start3A_57 = tpu.memref_squeeze %dma_start3A_56 : memref<1x128xi32, #tpu.memory_space<vmem>> -> memref<128xi32, #tpu.memory_space<vmem>>
    %dma_start3A_58 = arith.constant 0 : i32
    %dma_start3A_59 = arith.constant 0 : i32
    %dma_start3A_60 = tpu.memref_slice %arg4[%dma_start3A_58, %dma_start3A_59] : memref<1015808x64xf32, #tpu.memory_space<hbm>> -> memref<1015808x64xf32, #tpu.memory_space<hbm>>
    tpu.enqueue_indirect_dma source(%dma_start3A_60 : memref<1015808x64xf32, #tpu.memory_space<hbm>>) target(%arg11 : memref<128x64xf32, #tpu.memory_space<vmem>>) offsets(%dma_start3A_57 : memref<128xi32, #tpu.memory_space<vmem>>) semaphore(%arg13 : memref<!tpu.dma_semaphore, #tpu.memory_space<semaphore_mem>>) {add = true}
    %dma_start3A_61 = arith.constant 2 : i32
    %dma_start3A_62 = arith.constant 0 : i32
    %dma_start3A_63 = tpu.memref_slice %arg10[%dma_start3A_61, %dma_start3A_62] : memref<50x128xi32, #tpu.memory_space<vmem>> -> memref<1x128xi32, #tpu.memory_space<vmem>>
    %dma_start3A_64 = tpu.memref_squeeze %dma_start3A_63 : memref<1x128xi32, #tpu.memory_space<vmem>> -> memref<128xi32, #tpu.memory_space<vmem>>
    %dma_start3A_65 = arith.constant 0 : i32
    %dma_start3A_66 = arith.constant 0 : i32
    %dma_start3A_67 = tpu.memref_slice %arg4[%dma_start3A_65, %dma_start3A_66] : memref<1015808x64xf32, #tpu.memory_space<hbm>> -> memref<1015808x64xf32, #tpu.memory_space<hbm>>
    tpu.enqueue_indirect_dma source(%dma_start3A_67 : memref<1015808x64xf32, #tpu.memory_space<hbm>>) target(%arg12 : memref<128x64xf32, #tpu.memory_space<vmem>>) offsets(%dma_start3A_64 : memref<128xi32, #tpu.memory_space<vmem>>) semaphore(%arg13 : memref<!tpu.dma_semaphore, #tpu.memory_space<semaphore_mem>>) {add = true}
    %dma_start3A_68 = arith.constant 3 : i32
    %dma_start3A_69 = arith.constant 0 : i32
    %dma_start3A_70 = tpu.memref_slice %arg9[%dma_start3A_68, %dma_start3A_69] : memref<50x128xi32, #tpu.memory_space<vmem>> -> memref<1x128xi32, #tpu.memory_space<vmem>>
    %dma_start3A_71 = tpu.memref_squeeze %dma_start3A_70 : memref<1x128xi32, #tpu.memory_space<vmem>> -> memref<128xi32, #tpu.memory_space<vmem>>
    %dma_start3A_72 = arith.constant 0 : i32
    %dma_start3A_73 = arith.constant 0 : i32
    %dma_start3A_74 = tpu.memref_slice %arg4[%dma_start3A_72, %dma_start3A_73] : memref<1015808x64xf32, #tpu.memory_space<hbm>> -> memref<1015808x64xf32, #tpu.memory_space<hbm>>
    tpu.enqueue_indirect_dma source(%dma_start3A_74 : memref<1015808x64xf32, #tpu.memory_space<hbm>>) target(%arg11 : memref<128x64xf32, #tpu.memory_space<vmem>>) offsets(%dma_start3A_71 : memref<128xi32, #tpu.memory_space<vmem>>) semaphore(%arg13 : memref<!tpu.dma_semaphore, #tpu.memory_space<semaphore_mem>>) {add = true}
    %dma_start3A_75 = arith.constant 3 : i32
    %dma_start3A_76 = arith.constant 0 : i32
    %dma_start3A_77 = tpu.memref_slice %arg10[%dma_start3A_75, %dma_start3A_76] : memref<50x128xi32, #tpu.memory_space<vmem>> -> memref<1x128xi32, #tpu.memory_space<vmem>>
    %dma_start3A_78 = tpu.memref_squeeze %dma_start3A_77 : memref<1x128xi32, #tpu.memory_space<vmem>> -> memref<128xi32, #tpu.memory_space<vmem>>
    %dma_start3A_79 = arith.constant 0 : i32
    %dma_start3A_80 = arith.constant 0 : i32
    %dma_start3A_81 = tpu.memref_slice %arg4[%dma_start3A_79, %dma_start3A_80] : memref<1015808x64xf32, #tpu.memory_space<hbm>> -> memref<1015808x64xf32, #tpu.memory_space<hbm>>
    tpu.enqueue_indirect_dma source(%dma_start3A_81 : memref<1015808x64xf32, #tpu.memory_space<hbm>>) target(%arg12 : memref<128x64xf32, #tpu.memory_space<vmem>>) offsets(%dma_start3A_78 : memref<128xi32, #tpu.memory_space<vmem>>) semaphore(%arg13 : memref<!tpu.dma_semaphore, #tpu.memory_space<semaphore_mem>>) {add = true}
    %dma_start3A_82 = arith.constant 4 : i32
    %dma_start3A_83 = arith.constant 0 : i32
    %dma_start3A_84 = tpu.memref_slice %arg9[%dma_start3A_82, %dma_start3A_83] : memref<50x128xi32, #tpu.memory_space<vmem>> -> memref<1x128xi32, #tpu.memory_space<vmem>>
    %dma_start3A_85 = tpu.memref_squeeze %dma_start3A_84 : memref<1x128xi32, #tpu.memory_space<vmem>> -> memref<128xi32, #tpu.memory_space<vmem>>
    %dma_start3A_86 = arith.constant 0 : i32
    %dma_start3A_87 = arith.constant 0 : i32
    %dma_start3A_88 = tpu.memref_slice %arg4[%dma_start3A_86, %dma_start3A_87] : memref<1015808x64xf32, #tpu.memory_space<hbm>> -> memref<1015808x64xf32, #tpu.memory_space<hbm>>
    tpu.enqueue_indirect_dma source(%dma_start3A_88 : memref<1015808x64xf32, #tpu.memory_space<hbm>>) target(%arg11 : memref<128x64xf32, #tpu.memory_space<vmem>>) offsets(%dma_start3A_85 : memref<128xi32, #tpu.memory_space<vmem>>) semaphore(%arg13 : memref<!tpu.dma_semaphore, #tpu.memory_space<semaphore_mem>>) {add = true}
    %dma_start3A_89 = arith.constant 4 : i32
    %dma_start3A_90 = arith.constant 0 : i32
    %dma_start3A_91 = tpu.memref_slice %arg10[%dma_start3A_89, %dma_start3A_90] : memref<50x128xi32, #tpu.memory_space<vmem>> -> memref<1x128xi32, #tpu.memory_space<vmem>>
    %dma_start3A_92 = tpu.memref_squeeze %dma_start3A_91 : memref<1x128xi32, #tpu.memory_space<vmem>> -> memref<128xi32, #tpu.memory_space<vmem>>
    %dma_start3A_93 = arith.constant 0 : i32
    %dma_start3A_94 = arith.constant 0 : i32
    %dma_start3A_95 = tpu.memref_slice %arg4[%dma_start3A_93, %dma_start3A_94] : memref<1015808x64xf32, #tpu.memory_space<hbm>> -> memref<1015808x64xf32, #tpu.memory_space<hbm>>
    tpu.enqueue_indirect_dma source(%dma_start3A_95 : memref<1015808x64xf32, #tpu.memory_space<hbm>>) target(%arg12 : memref<128x64xf32, #tpu.memory_space<vmem>>) offsets(%dma_start3A_92 : memref<128xi32, #tpu.memory_space<vmem>>) semaphore(%arg13 : memref<!tpu.dma_semaphore, #tpu.memory_space<semaphore_mem>>) {add = true}
    %dma_start3A_96 = arith.constant 5 : i32
    %dma_start3A_97 = arith.constant 0 : i32
    %dma_start3A_98 = tpu.memref_slice %arg9[%dma_start3A_96, %dma_start3A_97] : memref<50x128xi32, #tpu.memory_space<vmem>> -> memref<1x128xi32, #tpu.memory_space<vmem>>
    %dma_start3A_99 = tpu.memref_squeeze %dma_start3A_98 : memref<1x128xi32, #tpu.memory_space<vmem>> -> memref<128xi32, #tpu.memory_space<vmem>>
    %dma_start3A_100 = arith.constant 0 : i32
    %dma_start3A_101 = arith.constant 0 : i32
    %dma_start3A_102 = tpu.memref_slice %arg4[%dma_start3A_100, %dma_start3A_101] : memref<1015808x64xf32, #tpu.memory_space<hbm>> -> memref<1015808x64xf32, #tpu.memory_space<hbm>>
    tpu.enqueue_indirect_dma source(%dma_start3A_102 : memref<1015808x64xf32, #tpu.memory_space<hbm>>) target(%arg11 : memref<128x64xf32, #tpu.memory_space<vmem>>) offsets(%dma_start3A_99 : memref<128xi32, #tpu.memory_space<vmem>>) semaphore(%arg13 : memref<!tpu.dma_semaphore, #tpu.memory_space<semaphore_mem>>) {add = true}
    %dma_start3A_103 = arith.constant 5 : i32
    %dma_start3A_104 = arith.constant 0 : i32
    %dma_start3A_105 = tpu.memref_slice %arg10[%dma_start3A_103, %dma_start3A_104] : memref<50x128xi32, #tpu.memory_space<vmem>> -> memref<1x128xi32, #tpu.memory_space<vmem>>
    %dma_start3A_106 = tpu.memref_squeeze %dma_start3A_105 : memref<1x128xi32, #tpu.memory_space<vmem>> -> memref<128xi32, #tpu.memory_space<vmem>>
    %dma_start3A_107 = arith.constant 0 : i32
    %dma_start3A_108 = arith.constant 0 : i32
    %dma_start3A_109 = tpu.memref_slice %arg4[%dma_start3A_107, %dma_start3A_108] : memref<1015808x64xf32, #tpu.memory_space<hbm>> -> memref<1015808x64xf32, #tpu.memory_space<hbm>>
    tpu.enqueue_indirect_dma source(%dma_start3A_109 : memref<1015808x64xf32, #tpu.memory_space<hbm>>) target(%arg12 : memref<128x64xf32, #tpu.memory_space<vmem>>) offsets(%dma_start3A_106 : memref<128xi32, #tpu.memory_space<vmem>>) semaphore(%arg13 : memref<!tpu.dma_semaphore, #tpu.memory_space<semaphore_mem>>) {add = true}
    %dma_start3A_110 = arith.constant 6 : i32
    %dma_start3A_111 = arith.constant 0 : i32
    %dma_start3A_112 = tpu.memref_slice %arg9[%dma_start3A_110, %dma_start3A_111] : memref<50x128xi32, #tpu.memory_space<vmem>> -> memref<1x128xi32, #tpu.memory_space<vmem>>
    %dma_start3A_113 = tpu.memref_squeeze %dma_start3A_112 : memref<1x128xi32, #tpu.memory_space<vmem>> -> memref<128xi32, #tpu.memory_space<vmem>>
    %dma_start3A_114 = arith.constant 0 : i32
    %dma_start3A_115 = arith.constant 0 : i32
    %dma_start3A_116 = tpu.memref_slice %arg4[%dma_start3A_114, %dma_start3A_115] : memref<1015808x64xf32, #tpu.memory_space<hbm>> -> memref<1015808x64xf32, #tpu.memory_space<hbm>>
    tpu.enqueue_indirect_dma source(%dma_start3A_116 : memref<1015808x64xf32, #tpu.memory_space<hbm>>) target(%arg11 : memref<128x64xf32, #tpu.memory_space<vmem>>) offsets(%dma_start3A_113 : memref<128xi32, #tpu.memory_space<vmem>>) semaphore(%arg13 : memref<!tpu.dma_semaphore, #tpu.memory_space<semaphore_mem>>) {add = true}
    %dma_start3A_117 = arith.constant 6 : i32
    %dma_start3A_118 = arith.constant 0 : i32
    %dma_start3A_119 = tpu.memref_slice %arg10[%dma_start3A_117, %dma_start3A_118] : memref<50x128xi32, #tpu.memory_space<vmem>> -> memref<1x128xi32, #tpu.memory_space<vmem>>
    %dma_start3A_120 = tpu.memref_squeeze %dma_start3A_119 : memref<1x128xi32, #tpu.memory_space<vmem>> -> memref<128xi32, #tpu.memory_space<vmem>>
    %dma_start3A_121 = arith.constant 0 : i32
    %dma_start3A_122 = arith.constant 0 : i32
    %dma_start3A_123 = tpu.memref_slice %arg4[%dma_start3A_121, %dma_start3A_122] : memref<1015808x64xf32, #tpu.memory_space<hbm>> -> memref<1015808x64xf32, #tpu.memory_space<hbm>>
    tpu.enqueue_indirect_dma source(%dma_start3A_123 : memref<1015808x64xf32, #tpu.memory_space<hbm>>) target(%arg12 : memref<128x64xf32, #tpu.memory_space<vmem>>) offsets(%dma_start3A_120 : memref<128xi32, #tpu.memory_space<vmem>>) semaphore(%arg13 : memref<!tpu.dma_semaphore, #tpu.memory_space<semaphore_mem>>) {add = true}
    %dma_start3A_124 = arith.constant 7 : i32
    %dma_start3A_125 = arith.constant 0 : i32
    %dma_start3A_126 = tpu.memref_slice %arg9[%dma_start3A_124, %dma_start3A_125] : memref<50x128xi32, #tpu.memory_space<vmem>> -> memref<1x128xi32, #tpu.memory_space<vmem>>
    %dma_start3A_127 = tpu.memref_squeeze %dma_start3A_126 : memref<1x128xi32, #tpu.memory_space<vmem>> -> memref<128xi32, #tpu.memory_space<vmem>>
    %dma_start3A_128 = arith.constant 0 : i32
    %dma_start3A_129 = arith.constant 0 : i32
    %dma_start3A_130 = tpu.memref_slice %arg4[%dma_start3A_128, %dma_start3A_129] : memref<1015808x64xf32, #tpu.memory_space<hbm>> -> memref<1015808x64xf32, #tpu.memory_space<hbm>>
    tpu.enqueue_indirect_dma source(%dma_start3A_130 : memref<1015808x64xf32, #tpu.memory_space<hbm>>) target(%arg11 : memref<128x64xf32, #tpu.memory_space<vmem>>) offsets(%dma_start3A_127 : memref<128xi32, #tpu.memory_space<vmem>>) semaphore(%arg13 : memref<!tpu.dma_semaphore, #tpu.memory_space<semaphore_mem>>) {add = true}
    %dma_start3A_131 = arith.constant 7 : i32
    %dma_start3A_132 = arith.constant 0 : i32
    %dma_start3A_133 = tpu.memref_slice %arg10[%dma_start3A_131, %dma_start3A_132] : memref<50x128xi32, #tpu.memory_space<vmem>> -> memref<1x128xi32, #tpu.memory_space<vmem>>
    %dma_start3A_134 = tpu.memref_squeeze %dma_start3A_133 : memref<1x128xi32, #tpu.memory_space<vmem>> -> memref<128xi32, #tpu.memory_space<vmem>>
    %dma_start3A_135 = arith.constant 0 : i32
    %dma_start3A_136 = arith.constant 0 : i32
    %dma_start3A_137 = tpu.memref_slice %arg4[%dma_start3A_135, %dma_start3A_136] : memref<1015808x64xf32, #tpu.memory_space<hbm>> -> memref<1015808x64xf32, #tpu.memory_space<hbm>>
    tpu.enqueue_indirect_dma source(%dma_start3A_137 : memref<1015808x64xf32, #tpu.memory_space<hbm>>) target(%arg12 : memref<128x64xf32, #tpu.memory_space<vmem>>) offsets(%dma_start3A_134 : memref<128xi32, #tpu.memory_space<vmem>>) semaphore(%arg13 : memref<!tpu.dma_semaphore, #tpu.memory_space<semaphore_mem>>) {add = true}
    %dma_start3A_138 = arith.constant 8 : i32
    %dma_start3A_139 = arith.constant 0 : i32
    %dma_start3A_140 = tpu.memref_slice %arg9[%dma_start3A_138, %dma_start3A_139] : memref<50x128xi32, #tpu.memory_space<vmem>> -> memref<1x128xi32, #tpu.memory_space<vmem>>
    %dma_start3A_141 = tpu.memref_squeeze %dma_start3A_140 : memref<1x128xi32, #tpu.memory_space<vmem>> -> memref<128xi32, #tpu.memory_space<vmem>>
    %dma_start3A_142 = arith.constant 0 : i32
    %dma_start3A_143 = arith.constant 0 : i32
    %dma_start3A_144 = tpu.memref_slice %arg4[%dma_start3A_142, %dma_start3A_143] : memref<1015808x64xf32, #tpu.memory_space<hbm>> -> memref<1015808x64xf32, #tpu.memory_space<hbm>>
    tpu.enqueue_indirect_dma source(%dma_start3A_144 : memref<1015808x64xf32, #tpu.memory_space<hbm>>) target(%arg11 : memref<128x64xf32, #tpu.memory_space<vmem>>) offsets(%dma_start3A_141 : memref<128xi32, #tpu.memory_space<vmem>>) semaphore(%arg13 : memref<!tpu.dma_semaphore, #tpu.memory_space<semaphore_mem>>) {add = true}
    %dma_start3A_145 = arith.constant 8 : i32
    %dma_start3A_146 = arith.constant 0 : i32
    %dma_start3A_147 = tpu.memref_slice %arg10[%dma_start3A_145, %dma_start3A_146] : memref<50x128xi32, #tpu.memory_space<vmem>> -> memref<1x128xi32, #tpu.memory_space<vmem>>
    %dma_start3A_148 = tpu.memref_squeeze %dma_start3A_147 : memref<1x128xi32, #tpu.memory_space<vmem>> -> memref<128xi32, #tpu.memory_space<vmem>>
    %dma_start3A_149 = arith.constant 0 : i32
    %dma_start3A_150 = arith.constant 0 : i32
    %dma_start3A_151 = tpu.memref_slice %arg4[%dma_start3A_149, %dma_start3A_150] : memref<1015808x64xf32, #tpu.memory_space<hbm>> -> memref<1015808x64xf32, #tpu.memory_space<hbm>>
    tpu.enqueue_indirect_dma source(%dma_start3A_151 : memref<1015808x64xf32, #tpu.memory_space<hbm>>) target(%arg12 : memref<128x64xf32, #tpu.memory_space<vmem>>) offsets(%dma_start3A_148 : memref<128xi32, #tpu.memory_space<vmem>>) semaphore(%arg13 : memref<!tpu.dma_semaphore, #tpu.memory_space<semaphore_mem>>) {add = true}
    %dma_start3A_152 = arith.constant 9 : i32
    %dma_start3A_153 = arith.constant 0 : i32
    %dma_start3A_154 = tpu.memref_slice %arg9[%dma_start3A_152, %dma_start3A_153] : memref<50x128xi32, #tpu.memory_space<vmem>> -> memref<1x128xi32, #tpu.memory_space<vmem>>
    %dma_start3A_155 = tpu.memref_squeeze %dma_start3A_154 : memref<1x128xi32, #tpu.memory_space<vmem>> -> memref<128xi32, #tpu.memory_space<vmem>>
    %dma_start3A_156 = arith.constant 0 : i32
    %dma_start3A_157 = arith.constant 0 : i32
    %dma_start3A_158 = tpu.memref_slice %arg4[%dma_start3A_156, %dma_start3A_157] : memref<1015808x64xf32, #tpu.memory_space<hbm>> -> memref<1015808x64xf32, #tpu.memory_space<hbm>>
    tpu.enqueue_indirect_dma source(%dma_start3A_158 : memref<1015808x64xf32, #tpu.memory_space<hbm>>) target(%arg11 : memref<128x64xf32, #tpu.memory_space<vmem>>) offsets(%dma_start3A_155 : memref<128xi32, #tpu.memory_space<vmem>>) semaphore(%arg13 : memref<!tpu.dma_semaphore, #tpu.memory_space<semaphore_mem>>) {add = true}
    %dma_start3A_159 = arith.constant 9 : i32
    %dma_start3A_160 = arith.constant 0 : i32
    %dma_start3A_161 = tpu.memref_slice %arg10[%dma_start3A_159, %dma_start3A_160] : memref<50x128xi32, #tpu.memory_space<vmem>> -> memref<1x128xi32, #tpu.memory_space<vmem>>
    %dma_start3A_162 = tpu.memref_squeeze %dma_start3A_161 : memref<1x128xi32, #tpu.memory_space<vmem>> -> memref<128xi32, #tpu.memory_space<vmem>>
    %dma_start3A_163 = arith.constant 0 : i32
    %dma_start3A_164 = arith.constant 0 : i32
    %dma_start3A_165 = tpu.memref_slice %arg4[%dma_start3A_163, %dma_start3A_164] : memref<1015808x64xf32, #tpu.memory_space<hbm>> -> memref<1015808x64xf32, #tpu.memory_space<hbm>>
    tpu.enqueue_indirect_dma source(%dma_start3A_165 : memref<1015808x64xf32, #tpu.memory_space<hbm>>) target(%arg12 : memref<128x64xf32, #tpu.memory_space<vmem>>) offsets(%dma_start3A_162 : memref<128xi32, #tpu.memory_space<vmem>>) semaphore(%arg13 : memref<!tpu.dma_semaphore, #tpu.memory_space<semaphore_mem>>) {add = true}
    %dma_start3A_166 = arith.constant 10 : i32
    %dma_start3A_167 = arith.constant 0 : i32
    %dma_start3A_168 = tpu.memref_slice %arg9[%dma_start3A_166, %dma_start3A_167] : memref<50x128xi32, #tpu.memory_space<vmem>> -> memref<1x128xi32, #tpu.memory_space<vmem>>
    %dma_start3A_169 = tpu.memref_squeeze %dma_start3A_168 : memref<1x128xi32, #tpu.memory_space<vmem>> -> memref<128xi32, #tpu.memory_space<vmem>>
    %dma_start3A_170 = arith.constant 0 : i32
    %dma_start3A_171 = arith.constant 0 : i32
    %dma_start3A_172 = tpu.memref_slice %arg4[%dma_start3A_170, %dma_start3A_171] : memref<1015808x64xf32, #tpu.memory_space<hbm>> -> memref<1015808x64xf32, #tpu.memory_space<hbm>>
    tpu.enqueue_indirect_dma source(%dma_start3A_172 : memref<1015808x64xf32, #tpu.memory_space<hbm>>) target(%arg11 : memref<128x64xf32, #tpu.memory_space<vmem>>) offsets(%dma_start3A_169 : memref<128xi32, #tpu.memory_space<vmem>>) semaphore(%arg13 : memref<!tpu.dma_semaphore, #tpu.memory_space<semaphore_mem>>) {add = true}
    %dma_start3A_173 = arith.constant 10 : i32
    %dma_start3A_174 = arith.constant 0 : i32
    %dma_start3A_175 = tpu.memref_slice %arg10[%dma_start3A_173, %dma_start3A_174] : memref<50x128xi32, #tpu.memory_space<vmem>> -> memref<1x128xi32, #tpu.memory_space<vmem>>
    %dma_start3A_176 = tpu.memref_squeeze %dma_start3A_175 : memref<1x128xi32, #tpu.memory_space<vmem>> -> memref<128xi32, #tpu.memory_space<vmem>>
    %dma_start3A_177 = arith.constant 0 : i32
    %dma_start3A_178 = arith.constant 0 : i32
    %dma_start3A_179 = tpu.memref_slice %arg4[%dma_start3A_177, %dma_start3A_178] : memref<1015808x64xf32, #tpu.memory_space<hbm>> -> memref<1015808x64xf32, #tpu.memory_space<hbm>>
    tpu.enqueue_indirect_dma source(%dma_start3A_179 : memref<1015808x64xf32, #tpu.memory_space<hbm>>) target(%arg12 : memref<128x64xf32, #tpu.memory_space<vmem>>) offsets(%dma_start3A_176 : memref<128xi32, #tpu.memory_space<vmem>>) semaphore(%arg13 : memref<!tpu.dma_semaphore, #tpu.memory_space<semaphore_mem>>) {add = true}
    %dma_start3A_180 = arith.constant 11 : i32
    %dma_start3A_181 = arith.constant 0 : i32
    %dma_start3A_182 = tpu.memref_slice %arg9[%dma_start3A_180, %dma_start3A_181] : memref<50x128xi32, #tpu.memory_space<vmem>> -> memref<1x128xi32, #tpu.memory_space<vmem>>
    %dma_start3A_183 = tpu.memref_squeeze %dma_start3A_182 : memref<1x128xi32, #tpu.memory_space<vmem>> -> memref<128xi32, #tpu.memory_space<vmem>>
    %dma_start3A_184 = arith.constant 0 : i32
    %dma_start3A_185 = arith.constant 0 : i32
    %dma_start3A_186 = tpu.memref_slice %arg4[%dma_start3A_184, %dma_start3A_185] : memref<1015808x64xf32, #tpu.memory_space<hbm>> -> memref<1015808x64xf32, #tpu.memory_space<hbm>>
    tpu.enqueue_indirect_dma source(%dma_start3A_186 : memref<1015808x64xf32, #tpu.memory_space<hbm>>) target(%arg11 : memref<128x64xf32, #tpu.memory_space<vmem>>) offsets(%dma_start3A_183 : memref<128xi32, #tpu.memory_space<vmem>>) semaphore(%arg13 : memref<!tpu.dma_semaphore, #tpu.memory_space<semaphore_mem>>) {add = true}
    %dma_start3A_187 = arith.constant 11 : i32
    %dma_start3A_188 = arith.constant 0 : i32
    %dma_start3A_189 = tpu.memref_slice %arg10[%dma_start3A_187, %dma_start3A_188] : memref<50x128xi32, #tpu.memory_space<vmem>> -> memref<1x128xi32, #tpu.memory_space<vmem>>
    %dma_start3A_190 = tpu.memref_squeeze %dma_start3A_189 : memref<1x128xi32, #tpu.memory_space<vmem>> -> memref<128xi32, #tpu.memory_space<vmem>>
    %dma_start3A_191 = arith.constant 0 : i32
    %dma_start3A_192 = arith.constant 0 : i32
    %dma_start3A_193 = tpu.memref_slice %arg4[%dma_start3A_191, %dma_start3A_192] : memref<1015808x64xf32, #tpu.memory_space<hbm>> -> memref<1015808x64xf32, #tpu.memory_space<hbm>>
    tpu.enqueue_indirect_dma source(%dma_start3A_193 : memref<1015808x64xf32, #tpu.memory_space<hbm>>) target(%arg12 : memref<128x64xf32, #tpu.memory_space<vmem>>) offsets(%dma_start3A_190 : memref<128xi32, #tpu.memory_space<vmem>>) semaphore(%arg13 : memref<!tpu.dma_semaphore, #tpu.memory_space<semaphore_mem>>) {add = true}
    %dma_start3A_194 = arith.constant 12 : i32
    %dma_start3A_195 = arith.constant 0 : i32
    %dma_start3A_196 = tpu.memref_slice %arg9[%dma_start3A_194, %dma_start3A_195] : memref<50x128xi32, #tpu.memory_space<vmem>> -> memref<1x128xi32, #tpu.memory_space<vmem>>
    %dma_start3A_197 = tpu.memref_squeeze %dma_start3A_196 : memref<1x128xi32, #tpu.memory_space<vmem>> -> memref<128xi32, #tpu.memory_space<vmem>>
    %dma_start3A_198 = arith.constant 0 : i32
    %dma_start3A_199 = arith.constant 0 : i32
    %dma_start3A_200 = tpu.memref_slice %arg4[%dma_start3A_198, %dma_start3A_199] : memref<1015808x64xf32, #tpu.memory_space<hbm>> -> memref<1015808x64xf32, #tpu.memory_space<hbm>>
    tpu.enqueue_indirect_dma source(%dma_start3A_200 : memref<1015808x64xf32, #tpu.memory_space<hbm>>) target(%arg11 : memref<128x64xf32, #tpu.memory_space<vmem>>) offsets(%dma_start3A_197 : memref<128xi32, #tpu.memory_space<vmem>>) semaphore(%arg13 : memref<!tpu.dma_semaphore, #tpu.memory_space<semaphore_mem>>) {add = true}
    %dma_start3A_201 = arith.constant 12 : i32
    %dma_start3A_202 = arith.constant 0 : i32
    %dma_start3A_203 = tpu.memref_slice %arg10[%dma_start3A_201, %dma_start3A_202] : memref<50x128xi32, #tpu.memory_space<vmem>> -> memref<1x128xi32, #tpu.memory_space<vmem>>
    %dma_start3A_204 = tpu.memref_squeeze %dma_start3A_203 : memref<1x128xi32, #tpu.memory_space<vmem>> -> memref<128xi32, #tpu.memory_space<vmem>>
    %dma_start3A_205 = arith.constant 0 : i32
    %dma_start3A_206 = arith.constant 0 : i32
    %dma_start3A_207 = tpu.memref_slice %arg4[%dma_start3A_205, %dma_start3A_206] : memref<1015808x64xf32, #tpu.memory_space<hbm>> -> memref<1015808x64xf32, #tpu.memory_space<hbm>>
    tpu.enqueue_indirect_dma source(%dma_start3A_207 : memref<1015808x64xf32, #tpu.memory_space<hbm>>) target(%arg12 : memref<128x64xf32, #tpu.memory_space<vmem>>) offsets(%dma_start3A_204 : memref<128xi32, #tpu.memory_space<vmem>>) semaphore(%arg13 : memref<!tpu.dma_semaphore, #tpu.memory_space<semaphore_mem>>) {add = true}
    %dma_start3A_208 = arith.constant 13 : i32
    %dma_start3A_209 = arith.constant 0 : i32
    %dma_start3A_210 = tpu.memref_slice %arg9[%dma_start3A_208, %dma_start3A_209] : memref<50x128xi32, #tpu.memory_space<vmem>> -> memref<1x128xi32, #tpu.memory_space<vmem>>
    %dma_start3A_211 = tpu.memref_squeeze %dma_start3A_210 : memref<1x128xi32, #tpu.memory_space<vmem>> -> memref<128xi32, #tpu.memory_space<vmem>>
    %dma_start3A_212 = arith.constant 0 : i32
    %dma_start3A_213 = arith.constant 0 : i32
    %dma_start3A_214 = tpu.memref_slice %arg4[%dma_start3A_212, %dma_start3A_213] : memref<1015808x64xf32, #tpu.memory_space<hbm>> -> memref<1015808x64xf32, #tpu.memory_space<hbm>>
    tpu.enqueue_indirect_dma source(%dma_start3A_214 : memref<1015808x64xf32, #tpu.memory_space<hbm>>) target(%arg11 : memref<128x64xf32, #tpu.memory_space<vmem>>) offsets(%dma_start3A_211 : memref<128xi32, #tpu.memory_space<vmem>>) semaphore(%arg13 : memref<!tpu.dma_semaphore, #tpu.memory_space<semaphore_mem>>) {add = true}
    %dma_start3A_215 = arith.constant 13 : i32
    %dma_start3A_216 = arith.constant 0 : i32
    %dma_start3A_217 = tpu.memref_slice %arg10[%dma_start3A_215, %dma_start3A_216] : memref<50x128xi32, #tpu.memory_space<vmem>> -> memref<1x128xi32, #tpu.memory_space<vmem>>
    %dma_start3A_218 = tpu.memref_squeeze %dma_start3A_217 : memref<1x128xi32, #tpu.memory_space<vmem>> -> memref<128xi32, #tpu.memory_space<vmem>>
    %dma_start3A_219 = arith.constant 0 : i32
    %dma_start3A_220 = arith.constant 0 : i32
    %dma_start3A_221 = tpu.memref_slice %arg4[%dma_start3A_219, %dma_start3A_220] : memref<1015808x64xf32, #tpu.memory_space<hbm>> -> memref<1015808x64xf32, #tpu.memory_space<hbm>>
    tpu.enqueue_indirect_dma source(%dma_start3A_221 : memref<1015808x64xf32, #tpu.memory_space<hbm>>) target(%arg12 : memref<128x64xf32, #tpu.memory_space<vmem>>) offsets(%dma_start3A_218 : memref<128xi32, #tpu.memory_space<vmem>>) semaphore(%arg13 : memref<!tpu.dma_semaphore, #tpu.memory_space<semaphore_mem>>) {add = true}
    %dma_start3A_222 = arith.constant 14 : i32
    %dma_start3A_223 = arith.constant 0 : i32
    %dma_start3A_224 = tpu.memref_slice %arg9[%dma_start3A_222, %dma_start3A_223] : memref<50x128xi32, #tpu.memory_space<vmem>> -> memref<1x128xi32, #tpu.memory_space<vmem>>
    %dma_start3A_225 = tpu.memref_squeeze %dma_start3A_224 : memref<1x128xi32, #tpu.memory_space<vmem>> -> memref<128xi32, #tpu.memory_space<vmem>>
    %dma_start3A_226 = arith.constant 0 : i32
    %dma_start3A_227 = arith.constant 0 : i32
    %dma_start3A_228 = tpu.memref_slice %arg4[%dma_start3A_226, %dma_start3A_227] : memref<1015808x64xf32, #tpu.memory_space<hbm>> -> memref<1015808x64xf32, #tpu.memory_space<hbm>>
    tpu.enqueue_indirect_dma source(%dma_start3A_228 : memref<1015808x64xf32, #tpu.memory_space<hbm>>) target(%arg11 : memref<128x64xf32, #tpu.memory_space<vmem>>) offsets(%dma_start3A_225 : memref<128xi32, #tpu.memory_space<vmem>>) semaphore(%arg13 : memref<!tpu.dma_semaphore, #tpu.memory_space<semaphore_mem>>) {add = true}
    %dma_start3A_229 = arith.constant 14 : i32
    %dma_start3A_230 = arith.constant 0 : i32
    %dma_start3A_231 = tpu.memref_slice %arg10[%dma_start3A_229, %dma_start3A_230] : memref<50x128xi32, #tpu.memory_space<vmem>> -> memref<1x128xi32, #tpu.memory_space<vmem>>
    %dma_start3A_232 = tpu.memref_squeeze %dma_start3A_231 : memref<1x128xi32, #tpu.memory_space<vmem>> -> memref<128xi32, #tpu.memory_space<vmem>>
    %dma_start3A_233 = arith.constant 0 : i32
    %dma_start3A_234 = arith.constant 0 : i32
    %dma_start3A_235 = tpu.memref_slice %arg4[%dma_start3A_233, %dma_start3A_234] : memref<1015808x64xf32, #tpu.memory_space<hbm>> -> memref<1015808x64xf32, #tpu.memory_space<hbm>>
    tpu.enqueue_indirect_dma source(%dma_start3A_235 : memref<1015808x64xf32, #tpu.memory_space<hbm>>) target(%arg12 : memref<128x64xf32, #tpu.memory_space<vmem>>) offsets(%dma_start3A_232 : memref<128xi32, #tpu.memory_space<vmem>>) semaphore(%arg13 : memref<!tpu.dma_semaphore, #tpu.memory_space<semaphore_mem>>) {add = true}
    %dma_start3A_236 = arith.constant 15 : i32
    %dma_start3A_237 = arith.constant 0 : i32
    %dma_start3A_238 = tpu.memref_slice %arg9[%dma_start3A_236, %dma_start3A_237] : memref<50x128xi32, #tpu.memory_space<vmem>> -> memref<1x128xi32, #tpu.memory_space<vmem>>
    %dma_start3A_239 = tpu.memref_squeeze %dma_start3A_238 : memref<1x128xi32, #tpu.memory_space<vmem>> -> memref<128xi32, #tpu.memory_space<vmem>>
    %dma_start3A_240 = arith.constant 0 : i32
    %dma_start3A_241 = arith.constant 0 : i32
    %dma_start3A_242 = tpu.memref_slice %arg4[%dma_start3A_240, %dma_start3A_241] : memref<1015808x64xf32, #tpu.memory_space<hbm>> -> memref<1015808x64xf32, #tpu.memory_space<hbm>>
    tpu.enqueue_indirect_dma source(%dma_start3A_242 : memref<1015808x64xf32, #tpu.memory_space<hbm>>) target(%arg11 : memref<128x64xf32, #tpu.memory_space<vmem>>) offsets(%dma_start3A_239 : memref<128xi32, #tpu.memory_space<vmem>>) semaphore(%arg13 : memref<!tpu.dma_semaphore, #tpu.memory_space<semaphore_mem>>) {add = true}
    %dma_start3A_243 = arith.constant 15 : i32
    %dma_start3A_244 = arith.constant 0 : i32
    %dma_start3A_245 = tpu.memref_slice %arg10[%dma_start3A_243, %dma_start3A_244] : memref<50x128xi32, #tpu.memory_space<vmem>> -> memref<1x128xi32, #tpu.memory_space<vmem>>
    %dma_start3A_246 = tpu.memref_squeeze %dma_start3A_245 : memref<1x128xi32, #tpu.memory_space<vmem>> -> memref<128xi32, #tpu.memory_space<vmem>>
    %dma_start3A_247 = arith.constant 0 : i32
    %dma_start3A_248 = arith.constant 0 : i32
    %dma_start3A_249 = tpu.memref_slice %arg4[%dma_start3A_247, %dma_start3A_248] : memref<1015808x64xf32, #tpu.memory_space<hbm>> -> memref<1015808x64xf32, #tpu.memory_space<hbm>>
    tpu.enqueue_indirect_dma source(%dma_start3A_249 : memref<1015808x64xf32, #tpu.memory_space<hbm>>) target(%arg12 : memref<128x64xf32, #tpu.memory_space<vmem>>) offsets(%dma_start3A_246 : memref<128xi32, #tpu.memory_space<vmem>>) semaphore(%arg13 : memref<!tpu.dma_semaphore, #tpu.memory_space<semaphore_mem>>) {add = true}
    %dma_start3A_250 = arith.constant 16 : i32
    %dma_start3A_251 = arith.constant 0 : i32
    %dma_start3A_252 = tpu.memref_slice %arg9[%dma_start3A_250, %dma_start3A_251] : memref<50x128xi32, #tpu.memory_space<vmem>> -> memref<1x128xi32, #tpu.memory_space<vmem>>
    %dma_start3A_253 = tpu.memref_squeeze %dma_start3A_252 : memref<1x128xi32, #tpu.memory_space<vmem>> -> memref<128xi32, #tpu.memory_space<vmem>>
    %dma_start3A_254 = arith.constant 0 : i32
    %dma_start3A_255 = arith.constant 0 : i32
    %dma_start3A_256 = tpu.memref_slice %arg4[%dma_start3A_254, %dma_start3A_255] : memref<1015808x64xf32, #tpu.memory_space<hbm>> -> memref<1015808x64xf32, #tpu.memory_space<hbm>>
    tpu.enqueue_indirect_dma source(%dma_start3A_256 : memref<1015808x64xf32, #tpu.memory_space<hbm>>) target(%arg11 : memref<128x64xf32, #tpu.memory_space<vmem>>) offsets(%dma_start3A_253 : memref<128xi32, #tpu.memory_space<vmem>>) semaphore(%arg13 : memref<!tpu.dma_semaphore, #tpu.memory_space<semaphore_mem>>) {add = true}
    %dma_start3A_257 = arith.constant 16 : i32
    %dma_start3A_258 = arith.constant 0 : i32
    %dma_start3A_259 = tpu.memref_slice %arg10[%dma_start3A_257, %dma_start3A_258] : memref<50x128xi32, #tpu.memory_space<vmem>> -> memref<1x128xi32, #tpu.memory_space<vmem>>
    %dma_start3A_260 = tpu.memref_squeeze %dma_start3A_259 : memref<1x128xi32, #tpu.memory_space<vmem>> -> memref<128xi32, #tpu.memory_space<vmem>>
    %dma_start3A_261 = arith.constant 0 : i32
    %dma_start3A_262 = arith.constant 0 : i32
    %dma_start3A_263 = tpu.memref_slice %arg4[%dma_start3A_261, %dma_start3A_262] : memref<1015808x64xf32, #tpu.memory_space<hbm>> -> memref<1015808x64xf32, #tpu.memory_space<hbm>>
    tpu.enqueue_indirect_dma source(%dma_start3A_263 : memref<1015808x64xf32, #tpu.memory_space<hbm>>) target(%arg12 : memref<128x64xf32, #tpu.memory_space<vmem>>) offsets(%dma_start3A_260 : memref<128xi32, #tpu.memory_space<vmem>>) semaphore(%arg13 : memref<!tpu.dma_semaphore, #tpu.memory_space<semaphore_mem>>) {add = true}
    %dma_start3A_264 = arith.constant 17 : i32
    %dma_start3A_265 = arith.constant 0 : i32
    %dma_start3A_266 = tpu.memref_slice %arg9[%dma_start3A_264, %dma_start3A_265] : memref<50x128xi32, #tpu.memory_space<vmem>> -> memref<1x128xi32, #tpu.memory_space<vmem>>
    %dma_start3A_267 = tpu.memref_squeeze %dma_start3A_266 : memref<1x128xi32, #tpu.memory_space<vmem>> -> memref<128xi32, #tpu.memory_space<vmem>>
    %dma_start3A_268 = arith.constant 0 : i32
    %dma_start3A_269 = arith.constant 0 : i32
    %dma_start3A_270 = tpu.memref_slice %arg4[%dma_start3A_268, %dma_start3A_269] : memref<1015808x64xf32, #tpu.memory_space<hbm>> -> memref<1015808x64xf32, #tpu.memory_space<hbm>>
    tpu.enqueue_indirect_dma source(%dma_start3A_270 : memref<1015808x64xf32, #tpu.memory_space<hbm>>) target(%arg11 : memref<128x64xf32, #tpu.memory_space<vmem>>) offsets(%dma_start3A_267 : memref<128xi32, #tpu.memory_space<vmem>>) semaphore(%arg13 : memref<!tpu.dma_semaphore, #tpu.memory_space<semaphore_mem>>) {add = true}
    %dma_start3A_271 = arith.constant 17 : i32
    %dma_start3A_272 = arith.constant 0 : i32
    %dma_start3A_273 = tpu.memref_slice %arg10[%dma_start3A_271, %dma_start3A_272] : memref<50x128xi32, #tpu.memory_space<vmem>> -> memref<1x128xi32, #tpu.memory_space<vmem>>
    %dma_start3A_274 = tpu.memref_squeeze %dma_start3A_273 : memref<1x128xi32, #tpu.memory_space<vmem>> -> memref<128xi32, #tpu.memory_space<vmem>>
    %dma_start3A_275 = arith.constant 0 : i32
    %dma_start3A_276 = arith.constant 0 : i32
    %dma_start3A_277 = tpu.memref_slice %arg4[%dma_start3A_275, %dma_start3A_276] : memref<1015808x64xf32, #tpu.memory_space<hbm>> -> memref<1015808x64xf32, #tpu.memory_space<hbm>>
    tpu.enqueue_indirect_dma source(%dma_start3A_277 : memref<1015808x64xf32, #tpu.memory_space<hbm>>) target(%arg12 : memref<128x64xf32, #tpu.memory_space<vmem>>) offsets(%dma_start3A_274 : memref<128xi32, #tpu.memory_space<vmem>>) semaphore(%arg13 : memref<!tpu.dma_semaphore, #tpu.memory_space<semaphore_mem>>) {add = true}
    %dma_start3A_278 = arith.constant 18 : i32
    %dma_start3A_279 = arith.constant 0 : i32
    %dma_start3A_280 = tpu.memref_slice %arg9[%dma_start3A_278, %dma_start3A_279] : memref<50x128xi32, #tpu.memory_space<vmem>> -> memref<1x128xi32, #tpu.memory_space<vmem>>
    %dma_start3A_281 = tpu.memref_squeeze %dma_start3A_280 : memref<1x128xi32, #tpu.memory_space<vmem>> -> memref<128xi32, #tpu.memory_space<vmem>>
    %dma_start3A_282 = arith.constant 0 : i32
    %dma_start3A_283 = arith.constant 0 : i32
    %dma_start3A_284 = tpu.memref_slice %arg4[%dma_start3A_282, %dma_start3A_283] : memref<1015808x64xf32, #tpu.memory_space<hbm>> -> memref<1015808x64xf32, #tpu.memory_space<hbm>>
    tpu.enqueue_indirect_dma source(%dma_start3A_284 : memref<1015808x64xf32, #tpu.memory_space<hbm>>) target(%arg11 : memref<128x64xf32, #tpu.memory_space<vmem>>) offsets(%dma_start3A_281 : memref<128xi32, #tpu.memory_space<vmem>>) semaphore(%arg13 : memref<!tpu.dma_semaphore, #tpu.memory_space<semaphore_mem>>) {add = true}
    %dma_start3A_285 = arith.constant 18 : i32
    %dma_start3A_286 = arith.constant 0 : i32
    %dma_start3A_287 = tpu.memref_slice %arg10[%dma_start3A_285, %dma_start3A_286] : memref<50x128xi32, #tpu.memory_space<vmem>> -> memref<1x128xi32, #tpu.memory_space<vmem>>
    %dma_start3A_288 = tpu.memref_squeeze %dma_start3A_287 : memref<1x128xi32, #tpu.memory_space<vmem>> -> memref<128xi32, #tpu.memory_space<vmem>>
    %dma_start3A_289 = arith.constant 0 : i32
    %dma_start3A_290 = arith.constant 0 : i32
    %dma_start3A_291 = tpu.memref_slice %arg4[%dma_start3A_289, %dma_start3A_290] : memref<1015808x64xf32, #tpu.memory_space<hbm>> -> memref<1015808x64xf32, #tpu.memory_space<hbm>>
    tpu.enqueue_indirect_dma source(%dma_start3A_291 : memref<1015808x64xf32, #tpu.memory_space<hbm>>) target(%arg12 : memref<128x64xf32, #tpu.memory_space<vmem>>) offsets(%dma_start3A_288 : memref<128xi32, #tpu.memory_space<vmem>>) semaphore(%arg13 : memref<!tpu.dma_semaphore, #tpu.memory_space<semaphore_mem>>) {add = true}
    %dma_start3A_292 = arith.constant 19 : i32
    %dma_start3A_293 = arith.constant 0 : i32
    %dma_start3A_294 = tpu.memref_slice %arg9[%dma_start3A_292, %dma_start3A_293] : memref<50x128xi32, #tpu.memory_space<vmem>> -> memref<1x128xi32, #tpu.memory_space<vmem>>
    %dma_start3A_295 = tpu.memref_squeeze %dma_start3A_294 : memref<1x128xi32, #tpu.memory_space<vmem>> -> memref<128xi32, #tpu.memory_space<vmem>>
    %dma_start3A_296 = arith.constant 0 : i32
    %dma_start3A_297 = arith.constant 0 : i32
    %dma_start3A_298 = tpu.memref_slice %arg4[%dma_start3A_296, %dma_start3A_297] : memref<1015808x64xf32, #tpu.memory_space<hbm>> -> memref<1015808x64xf32, #tpu.memory_space<hbm>>
    tpu.enqueue_indirect_dma source(%dma_start3A_298 : memref<1015808x64xf32, #tpu.memory_space<hbm>>) target(%arg11 : memref<128x64xf32, #tpu.memory_space<vmem>>) offsets(%dma_start3A_295 : memref<128xi32, #tpu.memory_space<vmem>>) semaphore(%arg13 : memref<!tpu.dma_semaphore, #tpu.memory_space<semaphore_mem>>) {add = true}
    %dma_start3A_299 = arith.constant 19 : i32
    %dma_start3A_300 = arith.constant 0 : i32
    %dma_start3A_301 = tpu.memref_slice %arg10[%dma_start3A_299, %dma_start3A_300] : memref<50x128xi32, #tpu.memory_space<vmem>> -> memref<1x128xi32, #tpu.memory_space<vmem>>
    %dma_start3A_302 = tpu.memref_squeeze %dma_start3A_301 : memref<1x128xi32, #tpu.memory_space<vmem>> -> memref<128xi32, #tpu.memory_space<vmem>>
    %dma_start3A_303 = arith.constant 0 : i32
    %dma_start3A_304 = arith.constant 0 : i32
    %dma_start3A_305 = tpu.memref_slice %arg4[%dma_start3A_303, %dma_start3A_304] : memref<1015808x64xf32, #tpu.memory_space<hbm>> -> memref<1015808x64xf32, #tpu.memory_space<hbm>>
    tpu.enqueue_indirect_dma source(%dma_start3A_305 : memref<1015808x64xf32, #tpu.memory_space<hbm>>) target(%arg12 : memref<128x64xf32, #tpu.memory_space<vmem>>) offsets(%dma_start3A_302 : memref<128xi32, #tpu.memory_space<vmem>>) semaphore(%arg13 : memref<!tpu.dma_semaphore, #tpu.memory_space<semaphore_mem>>) {add = true}
    %dma_start3A_306 = arith.constant 20 : i32
    %dma_start3A_307 = arith.constant 0 : i32
    %dma_start3A_308 = tpu.memref_slice %arg9[%dma_start3A_306, %dma_start3A_307] : memref<50x128xi32, #tpu.memory_space<vmem>> -> memref<1x128xi32, #tpu.memory_space<vmem>>
    %dma_start3A_309 = tpu.memref_squeeze %dma_start3A_308 : memref<1x128xi32, #tpu.memory_space<vmem>> -> memref<128xi32, #tpu.memory_space<vmem>>
    %dma_start3A_310 = arith.constant 0 : i32
    %dma_start3A_311 = arith.constant 0 : i32
    %dma_start3A_312 = tpu.memref_slice %arg4[%dma_start3A_310, %dma_start3A_311] : memref<1015808x64xf32, #tpu.memory_space<hbm>> -> memref<1015808x64xf32, #tpu.memory_space<hbm>>
    tpu.enqueue_indirect_dma source(%dma_start3A_312 : memref<1015808x64xf32, #tpu.memory_space<hbm>>) target(%arg11 : memref<128x64xf32, #tpu.memory_space<vmem>>) offsets(%dma_start3A_309 : memref<128xi32, #tpu.memory_space<vmem>>) semaphore(%arg13 : memref<!tpu.dma_semaphore, #tpu.memory_space<semaphore_mem>>) {add = true}
    %dma_start3A_313 = arith.constant 20 : i32
    %dma_start3A_314 = arith.constant 0 : i32
    %dma_start3A_315 = tpu.memref_slice %arg10[%dma_start3A_313, %dma_start3A_314] : memref<50x128xi32, #tpu.memory_space<vmem>> -> memref<1x128xi32, #tpu.memory_space<vmem>>
    %dma_start3A_316 = tpu.memref_squeeze %dma_start3A_315 : memref<1x128xi32, #tpu.memory_space<vmem>> -> memref<128xi32, #tpu.memory_space<vmem>>
    %dma_start3A_317 = arith.constant 0 : i32
    %dma_start3A_318 = arith.constant 0 : i32
    %dma_start3A_319 = tpu.memref_slice %arg4[%dma_start3A_317, %dma_start3A_318] : memref<1015808x64xf32, #tpu.memory_space<hbm>> -> memref<1015808x64xf32, #tpu.memory_space<hbm>>
    tpu.enqueue_indirect_dma source(%dma_start3A_319 : memref<1015808x64xf32, #tpu.memory_space<hbm>>) target(%arg12 : memref<128x64xf32, #tpu.memory_space<vmem>>) offsets(%dma_start3A_316 : memref<128xi32, #tpu.memory_space<vmem>>) semaphore(%arg13 : memref<!tpu.dma_semaphore, #tpu.memory_space<semaphore_mem>>) {add = true}
    %dma_start3A_320 = arith.constant 21 : i32
    %dma_start3A_321 = arith.constant 0 : i32
    %dma_start3A_322 = tpu.memref_slice %arg9[%dma_start3A_320, %dma_start3A_321] : memref<50x128xi32, #tpu.memory_space<vmem>> -> memref<1x128xi32, #tpu.memory_space<vmem>>
    %dma_start3A_323 = tpu.memref_squeeze %dma_start3A_322 : memref<1x128xi32, #tpu.memory_space<vmem>> -> memref<128xi32, #tpu.memory_space<vmem>>
    %dma_start3A_324 = arith.constant 0 : i32
    %dma_start3A_325 = arith.constant 0 : i32
    %dma_start3A_326 = tpu.memref_slice %arg4[%dma_start3A_324, %dma_start3A_325] : memref<1015808x64xf32, #tpu.memory_space<hbm>> -> memref<1015808x64xf32, #tpu.memory_space<hbm>>
    tpu.enqueue_indirect_dma source(%dma_start3A_326 : memref<1015808x64xf32, #tpu.memory_space<hbm>>) target(%arg11 : memref<128x64xf32, #tpu.memory_space<vmem>>) offsets(%dma_start3A_323 : memref<128xi32, #tpu.memory_space<vmem>>) semaphore(%arg13 : memref<!tpu.dma_semaphore, #tpu.memory_space<semaphore_mem>>) {add = true}
    %dma_start3A_327 = arith.constant 21 : i32
    %dma_start3A_328 = arith.constant 0 : i32
    %dma_start3A_329 = tpu.memref_slice %arg10[%dma_start3A_327, %dma_start3A_328] : memref<50x128xi32, #tpu.memory_space<vmem>> -> memref<1x128xi32, #tpu.memory_space<vmem>>
    %dma_start3A_330 = tpu.memref_squeeze %dma_start3A_329 : memref<1x128xi32, #tpu.memory_space<vmem>> -> memref<128xi32, #tpu.memory_space<vmem>>
    %dma_start3A_331 = arith.constant 0 : i32
    %dma_start3A_332 = arith.constant 0 : i32
    %dma_start3A_333 = tpu.memref_slice %arg4[%dma_start3A_331, %dma_start3A_332] : memref<1015808x64xf32, #tpu.memory_space<hbm>> -> memref<1015808x64xf32, #tpu.memory_space<hbm>>
    tpu.enqueue_indirect_dma source(%dma_start3A_333 : memref<1015808x64xf32, #tpu.memory_space<hbm>>) target(%arg12 : memref<128x64xf32, #tpu.memory_space<vmem>>) offsets(%dma_start3A_330 : memref<128xi32, #tpu.memory_space<vmem>>) semaphore(%arg13 : memref<!tpu.dma_semaphore, #tpu.memory_space<semaphore_mem>>) {add = true}
    %dma_start3A_334 = arith.constant 22 : i32
    %dma_start3A_335 = arith.constant 0 : i32
    %dma_start3A_336 = tpu.memref_slice %arg9[%dma_start3A_334, %dma_start3A_335] : memref<50x128xi32, #tpu.memory_space<vmem>> -> memref<1x128xi32, #tpu.memory_space<vmem>>
    %dma_start3A_337 = tpu.memref_squeeze %dma_start3A_336 : memref<1x128xi32, #tpu.memory_space<vmem>> -> memref<128xi32, #tpu.memory_space<vmem>>
    %dma_start3A_338 = arith.constant 0 : i32
    %dma_start3A_339 = arith.constant 0 : i32
    %dma_start3A_340 = tpu.memref_slice %arg4[%dma_start3A_338, %dma_start3A_339] : memref<1015808x64xf32, #tpu.memory_space<hbm>> -> memref<1015808x64xf32, #tpu.memory_space<hbm>>
    tpu.enqueue_indirect_dma source(%dma_start3A_340 : memref<1015808x64xf32, #tpu.memory_space<hbm>>) target(%arg11 : memref<128x64xf32, #tpu.memory_space<vmem>>) offsets(%dma_start3A_337 : memref<128xi32, #tpu.memory_space<vmem>>) semaphore(%arg13 : memref<!tpu.dma_semaphore, #tpu.memory_space<semaphore_mem>>) {add = true}
    %dma_start3A_341 = arith.constant 22 : i32
    %dma_start3A_342 = arith.constant 0 : i32
    %dma_start3A_343 = tpu.memref_slice %arg10[%dma_start3A_341, %dma_start3A_342] : memref<50x128xi32, #tpu.memory_space<vmem>> -> memref<1x128xi32, #tpu.memory_space<vmem>>
    %dma_start3A_344 = tpu.memref_squeeze %dma_start3A_343 : memref<1x128xi32, #tpu.memory_space<vmem>> -> memref<128xi32, #tpu.memory_space<vmem>>
    %dma_start3A_345 = arith.constant 0 : i32
    %dma_start3A_346 = arith.constant 0 : i32
    %dma_start3A_347 = tpu.memref_slice %arg4[%dma_start3A_345, %dma_start3A_346] : memref<1015808x64xf32, #tpu.memory_space<hbm>> -> memref<1015808x64xf32, #tpu.memory_space<hbm>>
    tpu.enqueue_indirect_dma source(%dma_start3A_347 : memref<1015808x64xf32, #tpu.memory_space<hbm>>) target(%arg12 : memref<128x64xf32, #tpu.memory_space<vmem>>) offsets(%dma_start3A_344 : memref<128xi32, #tpu.memory_space<vmem>>) semaphore(%arg13 : memref<!tpu.dma_semaphore, #tpu.memory_space<semaphore_mem>>) {add = true}
    %dma_start3A_348 = arith.constant 23 : i32
    %dma_start3A_349 = arith.constant 0 : i32
    %dma_start3A_350 = tpu.memref_slice %arg9[%dma_start3A_348, %dma_start3A_349] : memref<50x128xi32, #tpu.memory_space<vmem>> -> memref<1x128xi32, #tpu.memory_space<vmem>>
    %dma_start3A_351 = tpu.memref_squeeze %dma_start3A_350 : memref<1x128xi32, #tpu.memory_space<vmem>> -> memref<128xi32, #tpu.memory_space<vmem>>
    %dma_start3A_352 = arith.constant 0 : i32
    %dma_start3A_353 = arith.constant 0 : i32
    %dma_start3A_354 = tpu.memref_slice %arg4[%dma_start3A_352, %dma_start3A_353] : memref<1015808x64xf32, #tpu.memory_space<hbm>> -> memref<1015808x64xf32, #tpu.memory_space<hbm>>
    tpu.enqueue_indirect_dma source(%dma_start3A_354 : memref<1015808x64xf32, #tpu.memory_space<hbm>>) target(%arg11 : memref<128x64xf32, #tpu.memory_space<vmem>>) offsets(%dma_start3A_351 : memref<128xi32, #tpu.memory_space<vmem>>) semaphore(%arg13 : memref<!tpu.dma_semaphore, #tpu.memory_space<semaphore_mem>>) {add = true}
    %dma_start3A_355 = arith.constant 23 : i32
    %dma_start3A_356 = arith.constant 0 : i32
    %dma_start3A_357 = tpu.memref_slice %arg10[%dma_start3A_355, %dma_start3A_356] : memref<50x128xi32, #tpu.memory_space<vmem>> -> memref<1x128xi32, #tpu.memory_space<vmem>>
    %dma_start3A_358 = tpu.memref_squeeze %dma_start3A_357 : memref<1x128xi32, #tpu.memory_space<vmem>> -> memref<128xi32, #tpu.memory_space<vmem>>
    %dma_start3A_359 = arith.constant 0 : i32
    %dma_start3A_360 = arith.constant 0 : i32
    %dma_start3A_361 = tpu.memref_slice %arg4[%dma_start3A_359, %dma_start3A_360] : memref<1015808x64xf32, #tpu.memory_space<hbm>> -> memref<1015808x64xf32, #tpu.memory_space<hbm>>
    tpu.enqueue_indirect_dma source(%dma_start3A_361 : memref<1015808x64xf32, #tpu.memory_space<hbm>>) target(%arg12 : memref<128x64xf32, #tpu.memory_space<vmem>>) offsets(%dma_start3A_358 : memref<128xi32, #tpu.memory_space<vmem>>) semaphore(%arg13 : memref<!tpu.dma_semaphore, #tpu.memory_space<semaphore_mem>>) {add = true}
    %dma_start3A_362 = arith.constant 24 : i32
    %dma_start3A_363 = arith.constant 0 : i32
    %dma_start3A_364 = tpu.memref_slice %arg9[%dma_start3A_362, %dma_start3A_363] : memref<50x128xi32, #tpu.memory_space<vmem>> -> memref<1x128xi32, #tpu.memory_space<vmem>>
    %dma_start3A_365 = tpu.memref_squeeze %dma_start3A_364 : memref<1x128xi32, #tpu.memory_space<vmem>> -> memref<128xi32, #tpu.memory_space<vmem>>
    %dma_start3A_366 = arith.constant 0 : i32
    %dma_start3A_367 = arith.constant 0 : i32
    %dma_start3A_368 = tpu.memref_slice %arg4[%dma_start3A_366, %dma_start3A_367] : memref<1015808x64xf32, #tpu.memory_space<hbm>> -> memref<1015808x64xf32, #tpu.memory_space<hbm>>
    tpu.enqueue_indirect_dma source(%dma_start3A_368 : memref<1015808x64xf32, #tpu.memory_space<hbm>>) target(%arg11 : memref<128x64xf32, #tpu.memory_space<vmem>>) offsets(%dma_start3A_365 : memref<128xi32, #tpu.memory_space<vmem>>) semaphore(%arg13 : memref<!tpu.dma_semaphore, #tpu.memory_space<semaphore_mem>>) {add = true}
    %dma_start3A_369 = arith.constant 24 : i32
    %dma_start3A_370 = arith.constant 0 : i32
    %dma_start3A_371 = tpu.memref_slice %arg10[%dma_start3A_369, %dma_start3A_370] : memref<50x128xi32, #tpu.memory_space<vmem>> -> memref<1x128xi32, #tpu.memory_space<vmem>>
    %dma_start3A_372 = tpu.memref_squeeze %dma_start3A_371 : memref<1x128xi32, #tpu.memory_space<vmem>> -> memref<128xi32, #tpu.memory_space<vmem>>
    %dma_start3A_373 = arith.constant 0 : i32
    %dma_start3A_374 = arith.constant 0 : i32
    %dma_start3A_375 = tpu.memref_slice %arg4[%dma_start3A_373, %dma_start3A_374] : memref<1015808x64xf32, #tpu.memory_space<hbm>> -> memref<1015808x64xf32, #tpu.memory_space<hbm>>
    tpu.enqueue_indirect_dma source(%dma_start3A_375 : memref<1015808x64xf32, #tpu.memory_space<hbm>>) target(%arg12 : memref<128x64xf32, #tpu.memory_space<vmem>>) offsets(%dma_start3A_372 : memref<128xi32, #tpu.memory_space<vmem>>) semaphore(%arg13 : memref<!tpu.dma_semaphore, #tpu.memory_space<semaphore_mem>>) {add = true}
    %dma_start3A_376 = arith.constant 25 : i32
    %dma_start3A_377 = arith.constant 0 : i32
    %dma_start3A_378 = tpu.memref_slice %arg9[%dma_start3A_376, %dma_start3A_377] : memref<50x128xi32, #tpu.memory_space<vmem>> -> memref<1x128xi32, #tpu.memory_space<vmem>>
    %dma_start3A_379 = tpu.memref_squeeze %dma_start3A_378 : memref<1x128xi32, #tpu.memory_space<vmem>> -> memref<128xi32, #tpu.memory_space<vmem>>
    %dma_start3A_380 = arith.constant 0 : i32
    %dma_start3A_381 = arith.constant 0 : i32
    %dma_start3A_382 = tpu.memref_slice %arg4[%dma_start3A_380, %dma_start3A_381] : memref<1015808x64xf32, #tpu.memory_space<hbm>> -> memref<1015808x64xf32, #tpu.memory_space<hbm>>
    tpu.enqueue_indirect_dma source(%dma_start3A_382 : memref<1015808x64xf32, #tpu.memory_space<hbm>>) target(%arg11 : memref<128x64xf32, #tpu.memory_space<vmem>>) offsets(%dma_start3A_379 : memref<128xi32, #tpu.memory_space<vmem>>) semaphore(%arg13 : memref<!tpu.dma_semaphore, #tpu.memory_space<semaphore_mem>>) {add = true}
    %dma_start3A_383 = arith.constant 25 : i32
    %dma_start3A_384 = arith.constant 0 : i32
    %dma_start3A_385 = tpu.memref_slice %arg10[%dma_start3A_383, %dma_start3A_384] : memref<50x128xi32, #tpu.memory_space<vmem>> -> memref<1x128xi32, #tpu.memory_space<vmem>>
    %dma_start3A_386 = tpu.memref_squeeze %dma_start3A_385 : memref<1x128xi32, #tpu.memory_space<vmem>> -> memref<128xi32, #tpu.memory_space<vmem>>
    %dma_start3A_387 = arith.constant 0 : i32
    %dma_start3A_388 = arith.constant 0 : i32
    %dma_start3A_389 = tpu.memref_slice %arg4[%dma_start3A_387, %dma_start3A_388] : memref<1015808x64xf32, #tpu.memory_space<hbm>> -> memref<1015808x64xf32, #tpu.memory_space<hbm>>
    tpu.enqueue_indirect_dma source(%dma_start3A_389 : memref<1015808x64xf32, #tpu.memory_space<hbm>>) target(%arg12 : memref<128x64xf32, #tpu.memory_space<vmem>>) offsets(%dma_start3A_386 : memref<128xi32, #tpu.memory_space<vmem>>) semaphore(%arg13 : memref<!tpu.dma_semaphore, #tpu.memory_space<semaphore_mem>>) {add = true}
    %dma_start3A_390 = arith.constant 26 : i32
    %dma_start3A_391 = arith.constant 0 : i32
    %dma_start3A_392 = tpu.memref_slice %arg9[%dma_start3A_390, %dma_start3A_391] : memref<50x128xi32, #tpu.memory_space<vmem>> -> memref<1x128xi32, #tpu.memory_space<vmem>>
    %dma_start3A_393 = tpu.memref_squeeze %dma_start3A_392 : memref<1x128xi32, #tpu.memory_space<vmem>> -> memref<128xi32, #tpu.memory_space<vmem>>
    %dma_start3A_394 = arith.constant 0 : i32
    %dma_start3A_395 = arith.constant 0 : i32
    %dma_start3A_396 = tpu.memref_slice %arg4[%dma_start3A_394, %dma_start3A_395] : memref<1015808x64xf32, #tpu.memory_space<hbm>> -> memref<1015808x64xf32, #tpu.memory_space<hbm>>
    tpu.enqueue_indirect_dma source(%dma_start3A_396 : memref<1015808x64xf32, #tpu.memory_space<hbm>>) target(%arg11 : memref<128x64xf32, #tpu.memory_space<vmem>>) offsets(%dma_start3A_393 : memref<128xi32, #tpu.memory_space<vmem>>) semaphore(%arg13 : memref<!tpu.dma_semaphore, #tpu.memory_space<semaphore_mem>>) {add = true}
    %dma_start3A_397 = arith.constant 26 : i32
    %dma_start3A_398 = arith.constant 0 : i32
    %dma_start3A_399 = tpu.memref_slice %arg10[%dma_start3A_397, %dma_start3A_398] : memref<50x128xi32, #tpu.memory_space<vmem>> -> memref<1x128xi32, #tpu.memory_space<vmem>>
    %dma_start3A_400 = tpu.memref_squeeze %dma_start3A_399 : memref<1x128xi32, #tpu.memory_space<vmem>> -> memref<128xi32, #tpu.memory_space<vmem>>
    %dma_start3A_401 = arith.constant 0 : i32
    %dma_start3A_402 = arith.constant 0 : i32
    %dma_start3A_403 = tpu.memref_slice %arg4[%dma_start3A_401, %dma_start3A_402] : memref<1015808x64xf32, #tpu.memory_space<hbm>> -> memref<1015808x64xf32, #tpu.memory_space<hbm>>
    tpu.enqueue_indirect_dma source(%dma_start3A_403 : memref<1015808x64xf32, #tpu.memory_space<hbm>>) target(%arg12 : memref<128x64xf32, #tpu.memory_space<vmem>>) offsets(%dma_start3A_400 : memref<128xi32, #tpu.memory_space<vmem>>) semaphore(%arg13 : memref<!tpu.dma_semaphore, #tpu.memory_space<semaphore_mem>>) {add = true}
    %dma_start3A_404 = arith.constant 27 : i32
    %dma_start3A_405 = arith.constant 0 : i32
    %dma_start3A_406 = tpu.memref_slice %arg9[%dma_start3A_404, %dma_start3A_405] : memref<50x128xi32, #tpu.memory_space<vmem>> -> memref<1x128xi32, #tpu.memory_space<vmem>>
    %dma_start3A_407 = tpu.memref_squeeze %dma_start3A_406 : memref<1x128xi32, #tpu.memory_space<vmem>> -> memref<128xi32, #tpu.memory_space<vmem>>
    %dma_start3A_408 = arith.constant 0 : i32
    %dma_start3A_409 = arith.constant 0 : i32
    %dma_start3A_410 = tpu.memref_slice %arg4[%dma_start3A_408, %dma_start3A_409] : memref<1015808x64xf32, #tpu.memory_space<hbm>> -> memref<1015808x64xf32, #tpu.memory_space<hbm>>
    tpu.enqueue_indirect_dma source(%dma_start3A_410 : memref<1015808x64xf32, #tpu.memory_space<hbm>>) target(%arg11 : memref<128x64xf32, #tpu.memory_space<vmem>>) offsets(%dma_start3A_407 : memref<128xi32, #tpu.memory_space<vmem>>) semaphore(%arg13 : memref<!tpu.dma_semaphore, #tpu.memory_space<semaphore_mem>>) {add = true}
    %dma_start3A_411 = arith.constant 27 : i32
    %dma_start3A_412 = arith.constant 0 : i32
    %dma_start3A_413 = tpu.memref_slice %arg10[%dma_start3A_411, %dma_start3A_412] : memref<50x128xi32, #tpu.memory_space<vmem>> -> memref<1x128xi32, #tpu.memory_space<vmem>>
    %dma_start3A_414 = tpu.memref_squeeze %dma_start3A_413 : memref<1x128xi32, #tpu.memory_space<vmem>> -> memref<128xi32, #tpu.memory_space<vmem>>
    %dma_start3A_415 = arith.constant 0 : i32
    %dma_start3A_416 = arith.constant 0 : i32
    %dma_start3A_417 = tpu.memref_slice %arg4[%dma_start3A_415, %dma_start3A_416] : memref<1015808x64xf32, #tpu.memory_space<hbm>> -> memref<1015808x64xf32, #tpu.memory_space<hbm>>
    tpu.enqueue_indirect_dma source(%dma_start3A_417 : memref<1015808x64xf32, #tpu.memory_space<hbm>>) target(%arg12 : memref<128x64xf32, #tpu.memory_space<vmem>>) offsets(%dma_start3A_414 : memref<128xi32, #tpu.memory_space<vmem>>) semaphore(%arg13 : memref<!tpu.dma_semaphore, #tpu.memory_space<semaphore_mem>>) {add = true}
    %dma_start3A_418 = arith.constant 28 : i32
    %dma_start3A_419 = arith.constant 0 : i32
    %dma_start3A_420 = tpu.memref_slice %arg9[%dma_start3A_418, %dma_start3A_419] : memref<50x128xi32, #tpu.memory_space<vmem>> -> memref<1x128xi32, #tpu.memory_space<vmem>>
    %dma_start3A_421 = tpu.memref_squeeze %dma_start3A_420 : memref<1x128xi32, #tpu.memory_space<vmem>> -> memref<128xi32, #tpu.memory_space<vmem>>
    %dma_start3A_422 = arith.constant 0 : i32
    %dma_start3A_423 = arith.constant 0 : i32
    %dma_start3A_424 = tpu.memref_slice %arg4[%dma_start3A_422, %dma_start3A_423] : memref<1015808x64xf32, #tpu.memory_space<hbm>> -> memref<1015808x64xf32, #tpu.memory_space<hbm>>
    tpu.enqueue_indirect_dma source(%dma_start3A_424 : memref<1015808x64xf32, #tpu.memory_space<hbm>>) target(%arg11 : memref<128x64xf32, #tpu.memory_space<vmem>>) offsets(%dma_start3A_421 : memref<128xi32, #tpu.memory_space<vmem>>) semaphore(%arg13 : memref<!tpu.dma_semaphore, #tpu.memory_space<semaphore_mem>>) {add = true}
    %dma_start3A_425 = arith.constant 28 : i32
    %dma_start3A_426 = arith.constant 0 : i32
    %dma_start3A_427 = tpu.memref_slice %arg10[%dma_start3A_425, %dma_start3A_426] : memref<50x128xi32, #tpu.memory_space<vmem>> -> memref<1x128xi32, #tpu.memory_space<vmem>>
    %dma_start3A_428 = tpu.memref_squeeze %dma_start3A_427 : memref<1x128xi32, #tpu.memory_space<vmem>> -> memref<128xi32, #tpu.memory_space<vmem>>
    %dma_start3A_429 = arith.constant 0 : i32
    %dma_start3A_430 = arith.constant 0 : i32
    %dma_start3A_431 = tpu.memref_slice %arg4[%dma_start3A_429, %dma_start3A_430] : memref<1015808x64xf32, #tpu.memory_space<hbm>> -> memref<1015808x64xf32, #tpu.memory_space<hbm>>
    tpu.enqueue_indirect_dma source(%dma_start3A_431 : memref<1015808x64xf32, #tpu.memory_space<hbm>>) target(%arg12 : memref<128x64xf32, #tpu.memory_space<vmem>>) offsets(%dma_start3A_428 : memref<128xi32, #tpu.memory_space<vmem>>) semaphore(%arg13 : memref<!tpu.dma_semaphore, #tpu.memory_space<semaphore_mem>>) {add = true}
    %dma_start3A_432 = arith.constant 29 : i32
    %dma_start3A_433 = arith.constant 0 : i32
    %dma_start3A_434 = tpu.memref_slice %arg9[%dma_start3A_432, %dma_start3A_433] : memref<50x128xi32, #tpu.memory_space<vmem>> -> memref<1x128xi32, #tpu.memory_space<vmem>>
    %dma_start3A_435 = tpu.memref_squeeze %dma_start3A_434 : memref<1x128xi32, #tpu.memory_space<vmem>> -> memref<128xi32, #tpu.memory_space<vmem>>
    %dma_start3A_436 = arith.constant 0 : i32
    %dma_start3A_437 = arith.constant 0 : i32
    %dma_start3A_438 = tpu.memref_slice %arg4[%dma_start3A_436, %dma_start3A_437] : memref<1015808x64xf32, #tpu.memory_space<hbm>> -> memref<1015808x64xf32, #tpu.memory_space<hbm>>
    tpu.enqueue_indirect_dma source(%dma_start3A_438 : memref<1015808x64xf32, #tpu.memory_space<hbm>>) target(%arg11 : memref<128x64xf32, #tpu.memory_space<vmem>>) offsets(%dma_start3A_435 : memref<128xi32, #tpu.memory_space<vmem>>) semaphore(%arg13 : memref<!tpu.dma_semaphore, #tpu.memory_space<semaphore_mem>>) {add = true}
    %dma_start3A_439 = arith.constant 29 : i32
    %dma_start3A_440 = arith.constant 0 : i32
    %dma_start3A_441 = tpu.memref_slice %arg10[%dma_start3A_439, %dma_start3A_440] : memref<50x128xi32, #tpu.memory_space<vmem>> -> memref<1x128xi32, #tpu.memory_space<vmem>>
    %dma_start3A_442 = tpu.memref_squeeze %dma_start3A_441 : memref<1x128xi32, #tpu.memory_space<vmem>> -> memref<128xi32, #tpu.memory_space<vmem>>
    %dma_start3A_443 = arith.constant 0 : i32
    %dma_start3A_444 = arith.constant 0 : i32
    %dma_start3A_445 = tpu.memref_slice %arg4[%dma_start3A_443, %dma_start3A_444] : memref<1015808x64xf32, #tpu.memory_space<hbm>> -> memref<1015808x64xf32, #tpu.memory_space<hbm>>
    tpu.enqueue_indirect_dma source(%dma_start3A_445 : memref<1015808x64xf32, #tpu.memory_space<hbm>>) target(%arg12 : memref<128x64xf32, #tpu.memory_space<vmem>>) offsets(%dma_start3A_442 : memref<128xi32, #tpu.memory_space<vmem>>) semaphore(%arg13 : memref<!tpu.dma_semaphore, #tpu.memory_space<semaphore_mem>>) {add = true}
    %dma_start3A_446 = arith.constant 30 : i32
    %dma_start3A_447 = arith.constant 0 : i32
    %dma_start3A_448 = tpu.memref_slice %arg9[%dma_start3A_446, %dma_start3A_447] : memref<50x128xi32, #tpu.memory_space<vmem>> -> memref<1x128xi32, #tpu.memory_space<vmem>>
    %dma_start3A_449 = tpu.memref_squeeze %dma_start3A_448 : memref<1x128xi32, #tpu.memory_space<vmem>> -> memref<128xi32, #tpu.memory_space<vmem>>
    %dma_start3A_450 = arith.constant 0 : i32
    %dma_start3A_451 = arith.constant 0 : i32
    %dma_start3A_452 = tpu.memref_slice %arg4[%dma_start3A_450, %dma_start3A_451] : memref<1015808x64xf32, #tpu.memory_space<hbm>> -> memref<1015808x64xf32, #tpu.memory_space<hbm>>
    tpu.enqueue_indirect_dma source(%dma_start3A_452 : memref<1015808x64xf32, #tpu.memory_space<hbm>>) target(%arg11 : memref<128x64xf32, #tpu.memory_space<vmem>>) offsets(%dma_start3A_449 : memref<128xi32, #tpu.memory_space<vmem>>) semaphore(%arg13 : memref<!tpu.dma_semaphore, #tpu.memory_space<semaphore_mem>>) {add = true}
    %dma_start3A_453 = arith.constant 30 : i32
    %dma_start3A_454 = arith.constant 0 : i32
    %dma_start3A_455 = tpu.memref_slice %arg10[%dma_start3A_453, %dma_start3A_454] : memref<50x128xi32, #tpu.memory_space<vmem>> -> memref<1x128xi32, #tpu.memory_space<vmem>>
    %dma_start3A_456 = tpu.memref_squeeze %dma_start3A_455 : memref<1x128xi32, #tpu.memory_space<vmem>> -> memref<128xi32, #tpu.memory_space<vmem>>
    %dma_start3A_457 = arith.constant 0 : i32
    %dma_start3A_458 = arith.constant 0 : i32
    %dma_start3A_459 = tpu.memref_slice %arg4[%dma_start3A_457, %dma_start3A_458] : memref<1015808x64xf32, #tpu.memory_space<hbm>> -> memref<1015808x64xf32, #tpu.memory_space<hbm>>
    tpu.enqueue_indirect_dma source(%dma_start3A_459 : memref<1015808x64xf32, #tpu.memory_space<hbm>>) target(%arg12 : memref<128x64xf32, #tpu.memory_space<vmem>>) offsets(%dma_start3A_456 : memref<128xi32, #tpu.memory_space<vmem>>) semaphore(%arg13 : memref<!tpu.dma_semaphore, #tpu.memory_space<semaphore_mem>>) {add = true}
    %dma_start3A_460 = arith.constant 31 : i32
    %dma_start3A_461 = arith.constant 0 : i32
    %dma_start3A_462 = tpu.memref_slice %arg9[%dma_start3A_460, %dma_start3A_461] : memref<50x128xi32, #tpu.memory_space<vmem>> -> memref<1x128xi32, #tpu.memory_space<vmem>>
    %dma_start3A_463 = tpu.memref_squeeze %dma_start3A_462 : memref<1x128xi32, #tpu.memory_space<vmem>> -> memref<128xi32, #tpu.memory_space<vmem>>
    %dma_start3A_464 = arith.constant 0 : i32
    %dma_start3A_465 = arith.constant 0 : i32
    %dma_start3A_466 = tpu.memref_slice %arg4[%dma_start3A_464, %dma_start3A_465] : memref<1015808x64xf32, #tpu.memory_space<hbm>> -> memref<1015808x64xf32, #tpu.memory_space<hbm>>
    tpu.enqueue_indirect_dma source(%dma_start3A_466 : memref<1015808x64xf32, #tpu.memory_space<hbm>>) target(%arg11 : memref<128x64xf32, #tpu.memory_space<vmem>>) offsets(%dma_start3A_463 : memref<128xi32, #tpu.memory_space<vmem>>) semaphore(%arg13 : memref<!tpu.dma_semaphore, #tpu.memory_space<semaphore_mem>>) {add = true}
    %dma_start3A_467 = arith.constant 31 : i32
    %dma_start3A_468 = arith.constant 0 : i32
    %dma_start3A_469 = tpu.memref_slice %arg10[%dma_start3A_467, %dma_start3A_468] : memref<50x128xi32, #tpu.memory_space<vmem>> -> memref<1x128xi32, #tpu.memory_space<vmem>>
    %dma_start3A_470 = tpu.memref_squeeze %dma_start3A_469 : memref<1x128xi32, #tpu.memory_space<vmem>> -> memref<128xi32, #tpu.memory_space<vmem>>
    %dma_start3A_471 = arith.constant 0 : i32
    %dma_start3A_472 = arith.constant 0 : i32
    %dma_start3A_473 = tpu.memref_slice %arg4[%dma_start3A_471, %dma_start3A_472] : memref<1015808x64xf32, #tpu.memory_space<hbm>> -> memref<1015808x64xf32, #tpu.memory_space<hbm>>
    tpu.enqueue_indirect_dma source(%dma_start3A_473 : memref<1015808x64xf32, #tpu.memory_space<hbm>>) target(%arg12 : memref<128x64xf32, #tpu.memory_space<vmem>>) offsets(%dma_start3A_470 : memref<128xi32, #tpu.memory_space<vmem>>) semaphore(%arg13 : memref<!tpu.dma_semaphore, #tpu.memory_space<semaphore_mem>>) {add = true}
    %dma_start3A_474 = arith.constant 32 : i32
    %dma_start3A_475 = arith.constant 0 : i32
    %dma_start3A_476 = tpu.memref_slice %arg9[%dma_start3A_474, %dma_start3A_475] : memref<50x128xi32, #tpu.memory_space<vmem>> -> memref<1x128xi32, #tpu.memory_space<vmem>>
    %dma_start3A_477 = tpu.memref_squeeze %dma_start3A_476 : memref<1x128xi32, #tpu.memory_space<vmem>> -> memref<128xi32, #tpu.memory_space<vmem>>
    %dma_start3A_478 = arith.constant 0 : i32
    %dma_start3A_479 = arith.constant 0 : i32
    %dma_start3A_480 = tpu.memref_slice %arg4[%dma_start3A_478, %dma_start3A_479] : memref<1015808x64xf32, #tpu.memory_space<hbm>> -> memref<1015808x64xf32, #tpu.memory_space<hbm>>
    tpu.enqueue_indirect_dma source(%dma_start3A_480 : memref<1015808x64xf32, #tpu.memory_space<hbm>>) target(%arg11 : memref<128x64xf32, #tpu.memory_space<vmem>>) offsets(%dma_start3A_477 : memref<128xi32, #tpu.memory_space<vmem>>) semaphore(%arg13 : memref<!tpu.dma_semaphore, #tpu.memory_space<semaphore_mem>>) {add = true}
    %dma_start3A_481 = arith.constant 32 : i32
    %dma_start3A_482 = arith.constant 0 : i32
    %dma_start3A_483 = tpu.memref_slice %arg10[%dma_start3A_481, %dma_start3A_482] : memref<50x128xi32, #tpu.memory_space<vmem>> -> memref<1x128xi32, #tpu.memory_space<vmem>>
    %dma_start3A_484 = tpu.memref_squeeze %dma_start3A_483 : memref<1x128xi32, #tpu.memory_space<vmem>> -> memref<128xi32, #tpu.memory_space<vmem>>
    %dma_start3A_485 = arith.constant 0 : i32
    %dma_start3A_486 = arith.constant 0 : i32
    %dma_start3A_487 = tpu.memref_slice %arg4[%dma_start3A_485, %dma_start3A_486] : memref<1015808x64xf32, #tpu.memory_space<hbm>> -> memref<1015808x64xf32, #tpu.memory_space<hbm>>
    tpu.enqueue_indirect_dma source(%dma_start3A_487 : memref<1015808x64xf32, #tpu.memory_space<hbm>>) target(%arg12 : memref<128x64xf32, #tpu.memory_space<vmem>>) offsets(%dma_start3A_484 : memref<128xi32, #tpu.memory_space<vmem>>) semaphore(%arg13 : memref<!tpu.dma_semaphore, #tpu.memory_space<semaphore_mem>>) {add = true}
    %dma_start3A_488 = arith.constant 33 : i32
    %dma_start3A_489 = arith.constant 0 : i32
    %dma_start3A_490 = tpu.memref_slice %arg9[%dma_start3A_488, %dma_start3A_489] : memref<50x128xi32, #tpu.memory_space<vmem>> -> memref<1x128xi32, #tpu.memory_space<vmem>>
    %dma_start3A_491 = tpu.memref_squeeze %dma_start3A_490 : memref<1x128xi32, #tpu.memory_space<vmem>> -> memref<128xi32, #tpu.memory_space<vmem>>
    %dma_start3A_492 = arith.constant 0 : i32
    %dma_start3A_493 = arith.constant 0 : i32
    %dma_start3A_494 = tpu.memref_slice %arg4[%dma_start3A_492, %dma_start3A_493] : memref<1015808x64xf32, #tpu.memory_space<hbm>> -> memref<1015808x64xf32, #tpu.memory_space<hbm>>
    tpu.enqueue_indirect_dma source(%dma_start3A_494 : memref<1015808x64xf32, #tpu.memory_space<hbm>>) target(%arg11 : memref<128x64xf32, #tpu.memory_space<vmem>>) offsets(%dma_start3A_491 : memref<128xi32, #tpu.memory_space<vmem>>) semaphore(%arg13 : memref<!tpu.dma_semaphore, #tpu.memory_space<semaphore_mem>>) {add = true}
    %dma_start3A_495 = arith.constant 33 : i32
    %dma_start3A_496 = arith.constant 0 : i32
    %dma_start3A_497 = tpu.memref_slice %arg10[%dma_start3A_495, %dma_start3A_496] : memref<50x128xi32, #tpu.memory_space<vmem>> -> memref<1x128xi32, #tpu.memory_space<vmem>>
    %dma_start3A_498 = tpu.memref_squeeze %dma_start3A_497 : memref<1x128xi32, #tpu.memory_space<vmem>> -> memref<128xi32, #tpu.memory_space<vmem>>
    %dma_start3A_499 = arith.constant 0 : i32
    %dma_start3A_500 = arith.constant 0 : i32
    %dma_start3A_501 = tpu.memref_slice %arg4[%dma_start3A_499, %dma_start3A_500] : memref<1015808x64xf32, #tpu.memory_space<hbm>> -> memref<1015808x64xf32, #tpu.memory_space<hbm>>
    tpu.enqueue_indirect_dma source(%dma_start3A_501 : memref<1015808x64xf32, #tpu.memory_space<hbm>>) target(%arg12 : memref<128x64xf32, #tpu.memory_space<vmem>>) offsets(%dma_start3A_498 : memref<128xi32, #tpu.memory_space<vmem>>) semaphore(%arg13 : memref<!tpu.dma_semaphore, #tpu.memory_space<semaphore_mem>>) {add = true}
    %dma_start3A_502 = arith.constant 34 : i32
    %dma_start3A_503 = arith.constant 0 : i32
    %dma_start3A_504 = tpu.memref_slice %arg9[%dma_start3A_502, %dma_start3A_503] : memref<50x128xi32, #tpu.memory_space<vmem>> -> memref<1x128xi32, #tpu.memory_space<vmem>>
    %dma_start3A_505 = tpu.memref_squeeze %dma_start3A_504 : memref<1x128xi32, #tpu.memory_space<vmem>> -> memref<128xi32, #tpu.memory_space<vmem>>
    %dma_start3A_506 = arith.constant 0 : i32
    %dma_start3A_507 = arith.constant 0 : i32
    %dma_start3A_508 = tpu.memref_slice %arg4[%dma_start3A_506, %dma_start3A_507] : memref<1015808x64xf32, #tpu.memory_space<hbm>> -> memref<1015808x64xf32, #tpu.memory_space<hbm>>
    tpu.enqueue_indirect_dma source(%dma_start3A_508 : memref<1015808x64xf32, #tpu.memory_space<hbm>>) target(%arg11 : memref<128x64xf32, #tpu.memory_space<vmem>>) offsets(%dma_start3A_505 : memref<128xi32, #tpu.memory_space<vmem>>) semaphore(%arg13 : memref<!tpu.dma_semaphore, #tpu.memory_space<semaphore_mem>>) {add = true}
    %dma_start3A_509 = arith.constant 34 : i32
    %dma_start3A_510 = arith.constant 0 : i32
    %dma_start3A_511 = tpu.memref_slice %arg10[%dma_start3A_509, %dma_start3A_510] : memref<50x128xi32, #tpu.memory_space<vmem>> -> memref<1x128xi32, #tpu.memory_space<vmem>>
    %dma_start3A_512 = tpu.memref_squeeze %dma_start3A_511 : memref<1x128xi32, #tpu.memory_space<vmem>> -> memref<128xi32, #tpu.memory_space<vmem>>
    %dma_start3A_513 = arith.constant 0 : i32
    %dma_start3A_514 = arith.constant 0 : i32
    %dma_start3A_515 = tpu.memref_slice %arg4[%dma_start3A_513, %dma_start3A_514] : memref<1015808x64xf32, #tpu.memory_space<hbm>> -> memref<1015808x64xf32, #tpu.memory_space<hbm>>
    tpu.enqueue_indirect_dma source(%dma_start3A_515 : memref<1015808x64xf32, #tpu.memory_space<hbm>>) target(%arg12 : memref<128x64xf32, #tpu.memory_space<vmem>>) offsets(%dma_start3A_512 : memref<128xi32, #tpu.memory_space<vmem>>) semaphore(%arg13 : memref<!tpu.dma_semaphore, #tpu.memory_space<semaphore_mem>>) {add = true}
    %dma_start3A_516 = arith.constant 35 : i32
    %dma_start3A_517 = arith.constant 0 : i32
    %dma_start3A_518 = tpu.memref_slice %arg9[%dma_start3A_516, %dma_start3A_517] : memref<50x128xi32, #tpu.memory_space<vmem>> -> memref<1x128xi32, #tpu.memory_space<vmem>>
    %dma_start3A_519 = tpu.memref_squeeze %dma_start3A_518 : memref<1x128xi32, #tpu.memory_space<vmem>> -> memref<128xi32, #tpu.memory_space<vmem>>
    %dma_start3A_520 = arith.constant 0 : i32
    %dma_start3A_521 = arith.constant 0 : i32
    %dma_start3A_522 = tpu.memref_slice %arg4[%dma_start3A_520, %dma_start3A_521] : memref<1015808x64xf32, #tpu.memory_space<hbm>> -> memref<1015808x64xf32, #tpu.memory_space<hbm>>
    tpu.enqueue_indirect_dma source(%dma_start3A_522 : memref<1015808x64xf32, #tpu.memory_space<hbm>>) target(%arg11 : memref<128x64xf32, #tpu.memory_space<vmem>>) offsets(%dma_start3A_519 : memref<128xi32, #tpu.memory_space<vmem>>) semaphore(%arg13 : memref<!tpu.dma_semaphore, #tpu.memory_space<semaphore_mem>>) {add = true}
    %dma_start3A_523 = arith.constant 35 : i32
    %dma_start3A_524 = arith.constant 0 : i32
    %dma_start3A_525 = tpu.memref_slice %arg10[%dma_start3A_523, %dma_start3A_524] : memref<50x128xi32, #tpu.memory_space<vmem>> -> memref<1x128xi32, #tpu.memory_space<vmem>>
    %dma_start3A_526 = tpu.memref_squeeze %dma_start3A_525 : memref<1x128xi32, #tpu.memory_space<vmem>> -> memref<128xi32, #tpu.memory_space<vmem>>
    %dma_start3A_527 = arith.constant 0 : i32
    %dma_start3A_528 = arith.constant 0 : i32
    %dma_start3A_529 = tpu.memref_slice %arg4[%dma_start3A_527, %dma_start3A_528] : memref<1015808x64xf32, #tpu.memory_space<hbm>> -> memref<1015808x64xf32, #tpu.memory_space<hbm>>
    tpu.enqueue_indirect_dma source(%dma_start3A_529 : memref<1015808x64xf32, #tpu.memory_space<hbm>>) target(%arg12 : memref<128x64xf32, #tpu.memory_space<vmem>>) offsets(%dma_start3A_526 : memref<128xi32, #tpu.memory_space<vmem>>) semaphore(%arg13 : memref<!tpu.dma_semaphore, #tpu.memory_space<semaphore_mem>>) {add = true}
    %dma_start3A_530 = arith.constant 36 : i32
    %dma_start3A_531 = arith.constant 0 : i32
    %dma_start3A_532 = tpu.memref_slice %arg9[%dma_start3A_530, %dma_start3A_531] : memref<50x128xi32, #tpu.memory_space<vmem>> -> memref<1x128xi32, #tpu.memory_space<vmem>>
    %dma_start3A_533 = tpu.memref_squeeze %dma_start3A_532 : memref<1x128xi32, #tpu.memory_space<vmem>> -> memref<128xi32, #tpu.memory_space<vmem>>
    %dma_start3A_534 = arith.constant 0 : i32
    %dma_start3A_535 = arith.constant 0 : i32
    %dma_start3A_536 = tpu.memref_slice %arg4[%dma_start3A_534, %dma_start3A_535] : memref<1015808x64xf32, #tpu.memory_space<hbm>> -> memref<1015808x64xf32, #tpu.memory_space<hbm>>
    tpu.enqueue_indirect_dma source(%dma_start3A_536 : memref<1015808x64xf32, #tpu.memory_space<hbm>>) target(%arg11 : memref<128x64xf32, #tpu.memory_space<vmem>>) offsets(%dma_start3A_533 : memref<128xi32, #tpu.memory_space<vmem>>) semaphore(%arg13 : memref<!tpu.dma_semaphore, #tpu.memory_space<semaphore_mem>>) {add = true}
    %dma_start3A_537 = arith.constant 36 : i32
    %dma_start3A_538 = arith.constant 0 : i32
    %dma_start3A_539 = tpu.memref_slice %arg10[%dma_start3A_537, %dma_start3A_538] : memref<50x128xi32, #tpu.memory_space<vmem>> -> memref<1x128xi32, #tpu.memory_space<vmem>>
    %dma_start3A_540 = tpu.memref_squeeze %dma_start3A_539 : memref<1x128xi32, #tpu.memory_space<vmem>> -> memref<128xi32, #tpu.memory_space<vmem>>
    %dma_start3A_541 = arith.constant 0 : i32
    %dma_start3A_542 = arith.constant 0 : i32
    %dma_start3A_543 = tpu.memref_slice %arg4[%dma_start3A_541, %dma_start3A_542] : memref<1015808x64xf32, #tpu.memory_space<hbm>> -> memref<1015808x64xf32, #tpu.memory_space<hbm>>
    tpu.enqueue_indirect_dma source(%dma_start3A_543 : memref<1015808x64xf32, #tpu.memory_space<hbm>>) target(%arg12 : memref<128x64xf32, #tpu.memory_space<vmem>>) offsets(%dma_start3A_540 : memref<128xi32, #tpu.memory_space<vmem>>) semaphore(%arg13 : memref<!tpu.dma_semaphore, #tpu.memory_space<semaphore_mem>>) {add = true}
    %dma_start3A_544 = arith.constant 37 : i32
    %dma_start3A_545 = arith.constant 0 : i32
    %dma_start3A_546 = tpu.memref_slice %arg9[%dma_start3A_544, %dma_start3A_545] : memref<50x128xi32, #tpu.memory_space<vmem>> -> memref<1x128xi32, #tpu.memory_space<vmem>>
    %dma_start3A_547 = tpu.memref_squeeze %dma_start3A_546 : memref<1x128xi32, #tpu.memory_space<vmem>> -> memref<128xi32, #tpu.memory_space<vmem>>
    %dma_start3A_548 = arith.constant 0 : i32
    %dma_start3A_549 = arith.constant 0 : i32
    %dma_start3A_550 = tpu.memref_slice %arg4[%dma_start3A_548, %dma_start3A_549] : memref<1015808x64xf32, #tpu.memory_space<hbm>> -> memref<1015808x64xf32, #tpu.memory_space<hbm>>
    tpu.enqueue_indirect_dma source(%dma_start3A_550 : memref<1015808x64xf32, #tpu.memory_space<hbm>>) target(%arg11 : memref<128x64xf32, #tpu.memory_space<vmem>>) offsets(%dma_start3A_547 : memref<128xi32, #tpu.memory_space<vmem>>) semaphore(%arg13 : memref<!tpu.dma_semaphore, #tpu.memory_space<semaphore_mem>>) {add = true}
    %dma_start3A_551 = arith.constant 37 : i32
    %dma_start3A_552 = arith.constant 0 : i32
    %dma_start3A_553 = tpu.memref_slice %arg10[%dma_start3A_551, %dma_start3A_552] : memref<50x128xi32, #tpu.memory_space<vmem>> -> memref<1x128xi32, #tpu.memory_space<vmem>>
    %dma_start3A_554 = tpu.memref_squeeze %dma_start3A_553 : memref<1x128xi32, #tpu.memory_space<vmem>> -> memref<128xi32, #tpu.memory_space<vmem>>
    %dma_start3A_555 = arith.constant 0 : i32
    %dma_start3A_556 = arith.constant 0 : i32
    %dma_start3A_557 = tpu.memref_slice %arg4[%dma_start3A_555, %dma_start3A_556] : memref<1015808x64xf32, #tpu.memory_space<hbm>> -> memref<1015808x64xf32, #tpu.memory_space<hbm>>
    tpu.enqueue_indirect_dma source(%dma_start3A_557 : memref<1015808x64xf32, #tpu.memory_space<hbm>>) target(%arg12 : memref<128x64xf32, #tpu.memory_space<vmem>>) offsets(%dma_start3A_554 : memref<128xi32, #tpu.memory_space<vmem>>) semaphore(%arg13 : memref<!tpu.dma_semaphore, #tpu.memory_space<semaphore_mem>>) {add = true}
    %dma_start3A_558 = arith.constant 38 : i32
    %dma_start3A_559 = arith.constant 0 : i32
    %dma_start3A_560 = tpu.memref_slice %arg9[%dma_start3A_558, %dma_start3A_559] : memref<50x128xi32, #tpu.memory_space<vmem>> -> memref<1x128xi32, #tpu.memory_space<vmem>>
    %dma_start3A_561 = tpu.memref_squeeze %dma_start3A_560 : memref<1x128xi32, #tpu.memory_space<vmem>> -> memref<128xi32, #tpu.memory_space<vmem>>
    %dma_start3A_562 = arith.constant 0 : i32
    %dma_start3A_563 = arith.constant 0 : i32
    %dma_start3A_564 = tpu.memref_slice %arg4[%dma_start3A_562, %dma_start3A_563] : memref<1015808x64xf32, #tpu.memory_space<hbm>> -> memref<1015808x64xf32, #tpu.memory_space<hbm>>
    tpu.enqueue_indirect_dma source(%dma_start3A_564 : memref<1015808x64xf32, #tpu.memory_space<hbm>>) target(%arg11 : memref<128x64xf32, #tpu.memory_space<vmem>>) offsets(%dma_start3A_561 : memref<128xi32, #tpu.memory_space<vmem>>) semaphore(%arg13 : memref<!tpu.dma_semaphore, #tpu.memory_space<semaphore_mem>>) {add = true}
    %dma_start3A_565 = arith.constant 38 : i32
    %dma_start3A_566 = arith.constant 0 : i32
    %dma_start3A_567 = tpu.memref_slice %arg10[%dma_start3A_565, %dma_start3A_566] : memref<50x128xi32, #tpu.memory_space<vmem>> -> memref<1x128xi32, #tpu.memory_space<vmem>>
    %dma_start3A_568 = tpu.memref_squeeze %dma_start3A_567 : memref<1x128xi32, #tpu.memory_space<vmem>> -> memref<128xi32, #tpu.memory_space<vmem>>
    %dma_start3A_569 = arith.constant 0 : i32
    %dma_start3A_570 = arith.constant 0 : i32
    %dma_start3A_571 = tpu.memref_slice %arg4[%dma_start3A_569, %dma_start3A_570] : memref<1015808x64xf32, #tpu.memory_space<hbm>> -> memref<1015808x64xf32, #tpu.memory_space<hbm>>
    tpu.enqueue_indirect_dma source(%dma_start3A_571 : memref<1015808x64xf32, #tpu.memory_space<hbm>>) target(%arg12 : memref<128x64xf32, #tpu.memory_space<vmem>>) offsets(%dma_start3A_568 : memref<128xi32, #tpu.memory_space<vmem>>) semaphore(%arg13 : memref<!tpu.dma_semaphore, #tpu.memory_space<semaphore_mem>>) {add = true}
    %dma_start3A_572 = arith.constant 39 : i32
    %dma_start3A_573 = arith.constant 0 : i32
    %dma_start3A_574 = tpu.memref_slice %arg9[%dma_start3A_572, %dma_start3A_573] : memref<50x128xi32, #tpu.memory_space<vmem>> -> memref<1x128xi32, #tpu.memory_space<vmem>>
    %dma_start3A_575 = tpu.memref_squeeze %dma_start3A_574 : memref<1x128xi32, #tpu.memory_space<vmem>> -> memref<128xi32, #tpu.memory_space<vmem>>
    %dma_start3A_576 = arith.constant 0 : i32
    %dma_start3A_577 = arith.constant 0 : i32
    %dma_start3A_578 = tpu.memref_slice %arg4[%dma_start3A_576, %dma_start3A_577] : memref<1015808x64xf32, #tpu.memory_space<hbm>> -> memref<1015808x64xf32, #tpu.memory_space<hbm>>
    tpu.enqueue_indirect_dma source(%dma_start3A_578 : memref<1015808x64xf32, #tpu.memory_space<hbm>>) target(%arg11 : memref<128x64xf32, #tpu.memory_space<vmem>>) offsets(%dma_start3A_575 : memref<128xi32, #tpu.memory_space<vmem>>) semaphore(%arg13 : memref<!tpu.dma_semaphore, #tpu.memory_space<semaphore_mem>>) {add = true}
    %dma_start3A_579 = arith.constant 39 : i32
    %dma_start3A_580 = arith.constant 0 : i32
    %dma_start3A_581 = tpu.memref_slice %arg10[%dma_start3A_579, %dma_start3A_580] : memref<50x128xi32, #tpu.memory_space<vmem>> -> memref<1x128xi32, #tpu.memory_space<vmem>>
    %dma_start3A_582 = tpu.memref_squeeze %dma_start3A_581 : memref<1x128xi32, #tpu.memory_space<vmem>> -> memref<128xi32, #tpu.memory_space<vmem>>
    %dma_start3A_583 = arith.constant 0 : i32
    %dma_start3A_584 = arith.constant 0 : i32
    %dma_start3A_585 = tpu.memref_slice %arg4[%dma_start3A_583, %dma_start3A_584] : memref<1015808x64xf32, #tpu.memory_space<hbm>> -> memref<1015808x64xf32, #tpu.memory_space<hbm>>
    tpu.enqueue_indirect_dma source(%dma_start3A_585 : memref<1015808x64xf32, #tpu.memory_space<hbm>>) target(%arg12 : memref<128x64xf32, #tpu.memory_space<vmem>>) offsets(%dma_start3A_582 : memref<128xi32, #tpu.memory_space<vmem>>) semaphore(%arg13 : memref<!tpu.dma_semaphore, #tpu.memory_space<semaphore_mem>>) {add = true}
    %dma_start3A_586 = arith.constant 40 : i32
    %dma_start3A_587 = arith.constant 0 : i32
    %dma_start3A_588 = tpu.memref_slice %arg9[%dma_start3A_586, %dma_start3A_587] : memref<50x128xi32, #tpu.memory_space<vmem>> -> memref<1x128xi32, #tpu.memory_space<vmem>>
    %dma_start3A_589 = tpu.memref_squeeze %dma_start3A_588 : memref<1x128xi32, #tpu.memory_space<vmem>> -> memref<128xi32, #tpu.memory_space<vmem>>
    %dma_start3A_590 = arith.constant 0 : i32
    %dma_start3A_591 = arith.constant 0 : i32
    %dma_start3A_592 = tpu.memref_slice %arg4[%dma_start3A_590, %dma_start3A_591] : memref<1015808x64xf32, #tpu.memory_space<hbm>> -> memref<1015808x64xf32, #tpu.memory_space<hbm>>
    tpu.enqueue_indirect_dma source(%dma_start3A_592 : memref<1015808x64xf32, #tpu.memory_space<hbm>>) target(%arg11 : memref<128x64xf32, #tpu.memory_space<vmem>>) offsets(%dma_start3A_589 : memref<128xi32, #tpu.memory_space<vmem>>) semaphore(%arg13 : memref<!tpu.dma_semaphore, #tpu.memory_space<semaphore_mem>>) {add = true}
    %dma_start3A_593 = arith.constant 40 : i32
    %dma_start3A_594 = arith.constant 0 : i32
    %dma_start3A_595 = tpu.memref_slice %arg10[%dma_start3A_593, %dma_start3A_594] : memref<50x128xi32, #tpu.memory_space<vmem>> -> memref<1x128xi32, #tpu.memory_space<vmem>>
    %dma_start3A_596 = tpu.memref_squeeze %dma_start3A_595 : memref<1x128xi32, #tpu.memory_space<vmem>> -> memref<128xi32, #tpu.memory_space<vmem>>
    %dma_start3A_597 = arith.constant 0 : i32
    %dma_start3A_598 = arith.constant 0 : i32
    %dma_start3A_599 = tpu.memref_slice %arg4[%dma_start3A_597, %dma_start3A_598] : memref<1015808x64xf32, #tpu.memory_space<hbm>> -> memref<1015808x64xf32, #tpu.memory_space<hbm>>
    tpu.enqueue_indirect_dma source(%dma_start3A_599 : memref<1015808x64xf32, #tpu.memory_space<hbm>>) target(%arg12 : memref<128x64xf32, #tpu.memory_space<vmem>>) offsets(%dma_start3A_596 : memref<128xi32, #tpu.memory_space<vmem>>) semaphore(%arg13 : memref<!tpu.dma_semaphore, #tpu.memory_space<semaphore_mem>>) {add = true}
    %dma_start3A_600 = arith.constant 41 : i32
    %dma_start3A_601 = arith.constant 0 : i32
    %dma_start3A_602 = tpu.memref_slice %arg9[%dma_start3A_600, %dma_start3A_601] : memref<50x128xi32, #tpu.memory_space<vmem>> -> memref<1x128xi32, #tpu.memory_space<vmem>>
    %dma_start3A_603 = tpu.memref_squeeze %dma_start3A_602 : memref<1x128xi32, #tpu.memory_space<vmem>> -> memref<128xi32, #tpu.memory_space<vmem>>
    %dma_start3A_604 = arith.constant 0 : i32
    %dma_start3A_605 = arith.constant 0 : i32
    %dma_start3A_606 = tpu.memref_slice %arg4[%dma_start3A_604, %dma_start3A_605] : memref<1015808x64xf32, #tpu.memory_space<hbm>> -> memref<1015808x64xf32, #tpu.memory_space<hbm>>
    tpu.enqueue_indirect_dma source(%dma_start3A_606 : memref<1015808x64xf32, #tpu.memory_space<hbm>>) target(%arg11 : memref<128x64xf32, #tpu.memory_space<vmem>>) offsets(%dma_start3A_603 : memref<128xi32, #tpu.memory_space<vmem>>) semaphore(%arg13 : memref<!tpu.dma_semaphore, #tpu.memory_space<semaphore_mem>>) {add = true}
    %dma_start3A_607 = arith.constant 41 : i32
    %dma_start3A_608 = arith.constant 0 : i32
    %dma_start3A_609 = tpu.memref_slice %arg10[%dma_start3A_607, %dma_start3A_608] : memref<50x128xi32, #tpu.memory_space<vmem>> -> memref<1x128xi32, #tpu.memory_space<vmem>>
    %dma_start3A_610 = tpu.memref_squeeze %dma_start3A_609 : memref<1x128xi32, #tpu.memory_space<vmem>> -> memref<128xi32, #tpu.memory_space<vmem>>
    %dma_start3A_611 = arith.constant 0 : i32
    %dma_start3A_612 = arith.constant 0 : i32
    %dma_start3A_613 = tpu.memref_slice %arg4[%dma_start3A_611, %dma_start3A_612] : memref<1015808x64xf32, #tpu.memory_space<hbm>> -> memref<1015808x64xf32, #tpu.memory_space<hbm>>
    tpu.enqueue_indirect_dma source(%dma_start3A_613 : memref<1015808x64xf32, #tpu.memory_space<hbm>>) target(%arg12 : memref<128x64xf32, #tpu.memory_space<vmem>>) offsets(%dma_start3A_610 : memref<128xi32, #tpu.memory_space<vmem>>) semaphore(%arg13 : memref<!tpu.dma_semaphore, #tpu.memory_space<semaphore_mem>>) {add = true}
    %dma_start3A_614 = arith.constant 42 : i32
    %dma_start3A_615 = arith.constant 0 : i32
    %dma_start3A_616 = tpu.memref_slice %arg9[%dma_start3A_614, %dma_start3A_615] : memref<50x128xi32, #tpu.memory_space<vmem>> -> memref<1x128xi32, #tpu.memory_space<vmem>>
    %dma_start3A_617 = tpu.memref_squeeze %dma_start3A_616 : memref<1x128xi32, #tpu.memory_space<vmem>> -> memref<128xi32, #tpu.memory_space<vmem>>
    %dma_start3A_618 = arith.constant 0 : i32
    %dma_start3A_619 = arith.constant 0 : i32
    %dma_start3A_620 = tpu.memref_slice %arg4[%dma_start3A_618, %dma_start3A_619] : memref<1015808x64xf32, #tpu.memory_space<hbm>> -> memref<1015808x64xf32, #tpu.memory_space<hbm>>
    tpu.enqueue_indirect_dma source(%dma_start3A_620 : memref<1015808x64xf32, #tpu.memory_space<hbm>>) target(%arg11 : memref<128x64xf32, #tpu.memory_space<vmem>>) offsets(%dma_start3A_617 : memref<128xi32, #tpu.memory_space<vmem>>) semaphore(%arg13 : memref<!tpu.dma_semaphore, #tpu.memory_space<semaphore_mem>>) {add = true}
    %dma_start3A_621 = arith.constant 42 : i32
    %dma_start3A_622 = arith.constant 0 : i32
    %dma_start3A_623 = tpu.memref_slice %arg10[%dma_start3A_621, %dma_start3A_622] : memref<50x128xi32, #tpu.memory_space<vmem>> -> memref<1x128xi32, #tpu.memory_space<vmem>>
    %dma_start3A_624 = tpu.memref_squeeze %dma_start3A_623 : memref<1x128xi32, #tpu.memory_space<vmem>> -> memref<128xi32, #tpu.memory_space<vmem>>
    %dma_start3A_625 = arith.constant 0 : i32
    %dma_start3A_626 = arith.constant 0 : i32
    %dma_start3A_627 = tpu.memref_slice %arg4[%dma_start3A_625, %dma_start3A_626] : memref<1015808x64xf32, #tpu.memory_space<hbm>> -> memref<1015808x64xf32, #tpu.memory_space<hbm>>
    tpu.enqueue_indirect_dma source(%dma_start3A_627 : memref<1015808x64xf32, #tpu.memory_space<hbm>>) target(%arg12 : memref<128x64xf32, #tpu.memory_space<vmem>>) offsets(%dma_start3A_624 : memref<128xi32, #tpu.memory_space<vmem>>) semaphore(%arg13 : memref<!tpu.dma_semaphore, #tpu.memory_space<semaphore_mem>>) {add = true}
    %dma_start3A_628 = arith.constant 43 : i32
    %dma_start3A_629 = arith.constant 0 : i32
    %dma_start3A_630 = tpu.memref_slice %arg9[%dma_start3A_628, %dma_start3A_629] : memref<50x128xi32, #tpu.memory_space<vmem>> -> memref<1x128xi32, #tpu.memory_space<vmem>>
    %dma_start3A_631 = tpu.memref_squeeze %dma_start3A_630 : memref<1x128xi32, #tpu.memory_space<vmem>> -> memref<128xi32, #tpu.memory_space<vmem>>
    %dma_start3A_632 = arith.constant 0 : i32
    %dma_start3A_633 = arith.constant 0 : i32
    %dma_start3A_634 = tpu.memref_slice %arg4[%dma_start3A_632, %dma_start3A_633] : memref<1015808x64xf32, #tpu.memory_space<hbm>> -> memref<1015808x64xf32, #tpu.memory_space<hbm>>
    tpu.enqueue_indirect_dma source(%dma_start3A_634 : memref<1015808x64xf32, #tpu.memory_space<hbm>>) target(%arg11 : memref<128x64xf32, #tpu.memory_space<vmem>>) offsets(%dma_start3A_631 : memref<128xi32, #tpu.memory_space<vmem>>) semaphore(%arg13 : memref<!tpu.dma_semaphore, #tpu.memory_space<semaphore_mem>>) {add = true}
    %dma_start3A_635 = arith.constant 43 : i32
    %dma_start3A_636 = arith.constant 0 : i32
    %dma_start3A_637 = tpu.memref_slice %arg10[%dma_start3A_635, %dma_start3A_636] : memref<50x128xi32, #tpu.memory_space<vmem>> -> memref<1x128xi32, #tpu.memory_space<vmem>>
    %dma_start3A_638 = tpu.memref_squeeze %dma_start3A_637 : memref<1x128xi32, #tpu.memory_space<vmem>> -> memref<128xi32, #tpu.memory_space<vmem>>
    %dma_start3A_639 = arith.constant 0 : i32
    %dma_start3A_640 = arith.constant 0 : i32
    %dma_start3A_641 = tpu.memref_slice %arg4[%dma_start3A_639, %dma_start3A_640] : memref<1015808x64xf32, #tpu.memory_space<hbm>> -> memref<1015808x64xf32, #tpu.memory_space<hbm>>
    tpu.enqueue_indirect_dma source(%dma_start3A_641 : memref<1015808x64xf32, #tpu.memory_space<hbm>>) target(%arg12 : memref<128x64xf32, #tpu.memory_space<vmem>>) offsets(%dma_start3A_638 : memref<128xi32, #tpu.memory_space<vmem>>) semaphore(%arg13 : memref<!tpu.dma_semaphore, #tpu.memory_space<semaphore_mem>>) {add = true}
    %dma_start3A_642 = arith.constant 44 : i32
    %dma_start3A_643 = arith.constant 0 : i32
    %dma_start3A_644 = tpu.memref_slice %arg9[%dma_start3A_642, %dma_start3A_643] : memref<50x128xi32, #tpu.memory_space<vmem>> -> memref<1x128xi32, #tpu.memory_space<vmem>>
    %dma_start3A_645 = tpu.memref_squeeze %dma_start3A_644 : memref<1x128xi32, #tpu.memory_space<vmem>> -> memref<128xi32, #tpu.memory_space<vmem>>
    %dma_start3A_646 = arith.constant 0 : i32
    %dma_start3A_647 = arith.constant 0 : i32
    %dma_start3A_648 = tpu.memref_slice %arg4[%dma_start3A_646, %dma_start3A_647] : memref<1015808x64xf32, #tpu.memory_space<hbm>> -> memref<1015808x64xf32, #tpu.memory_space<hbm>>
    tpu.enqueue_indirect_dma source(%dma_start3A_648 : memref<1015808x64xf32, #tpu.memory_space<hbm>>) target(%arg11 : memref<128x64xf32, #tpu.memory_space<vmem>>) offsets(%dma_start3A_645 : memref<128xi32, #tpu.memory_space<vmem>>) semaphore(%arg13 : memref<!tpu.dma_semaphore, #tpu.memory_space<semaphore_mem>>) {add = true}
    %dma_start3A_649 = arith.constant 44 : i32
    %dma_start3A_650 = arith.constant 0 : i32
    %dma_start3A_651 = tpu.memref_slice %arg10[%dma_start3A_649, %dma_start3A_650] : memref<50x128xi32, #tpu.memory_space<vmem>> -> memref<1x128xi32, #tpu.memory_space<vmem>>
    %dma_start3A_652 = tpu.memref_squeeze %dma_start3A_651 : memref<1x128xi32, #tpu.memory_space<vmem>> -> memref<128xi32, #tpu.memory_space<vmem>>
    %dma_start3A_653 = arith.constant 0 : i32
    %dma_start3A_654 = arith.constant 0 : i32
    %dma_start3A_655 = tpu.memref_slice %arg4[%dma_start3A_653, %dma_start3A_654] : memref<1015808x64xf32, #tpu.memory_space<hbm>> -> memref<1015808x64xf32, #tpu.memory_space<hbm>>
    tpu.enqueue_indirect_dma source(%dma_start3A_655 : memref<1015808x64xf32, #tpu.memory_space<hbm>>) target(%arg12 : memref<128x64xf32, #tpu.memory_space<vmem>>) offsets(%dma_start3A_652 : memref<128xi32, #tpu.memory_space<vmem>>) semaphore(%arg13 : memref<!tpu.dma_semaphore, #tpu.memory_space<semaphore_mem>>) {add = true}
    %dma_start3A_656 = arith.constant 45 : i32
    %dma_start3A_657 = arith.constant 0 : i32
    %dma_start3A_658 = tpu.memref_slice %arg9[%dma_start3A_656, %dma_start3A_657] : memref<50x128xi32, #tpu.memory_space<vmem>> -> memref<1x128xi32, #tpu.memory_space<vmem>>
    %dma_start3A_659 = tpu.memref_squeeze %dma_start3A_658 : memref<1x128xi32, #tpu.memory_space<vmem>> -> memref<128xi32, #tpu.memory_space<vmem>>
    %dma_start3A_660 = arith.constant 0 : i32
    %dma_start3A_661 = arith.constant 0 : i32
    %dma_start3A_662 = tpu.memref_slice %arg4[%dma_start3A_660, %dma_start3A_661] : memref<1015808x64xf32, #tpu.memory_space<hbm>> -> memref<1015808x64xf32, #tpu.memory_space<hbm>>
    tpu.enqueue_indirect_dma source(%dma_start3A_662 : memref<1015808x64xf32, #tpu.memory_space<hbm>>) target(%arg11 : memref<128x64xf32, #tpu.memory_space<vmem>>) offsets(%dma_start3A_659 : memref<128xi32, #tpu.memory_space<vmem>>) semaphore(%arg13 : memref<!tpu.dma_semaphore, #tpu.memory_space<semaphore_mem>>) {add = true}
    %dma_start3A_663 = arith.constant 45 : i32
    %dma_start3A_664 = arith.constant 0 : i32
    %dma_start3A_665 = tpu.memref_slice %arg10[%dma_start3A_663, %dma_start3A_664] : memref<50x128xi32, #tpu.memory_space<vmem>> -> memref<1x128xi32, #tpu.memory_space<vmem>>
    %dma_start3A_666 = tpu.memref_squeeze %dma_start3A_665 : memref<1x128xi32, #tpu.memory_space<vmem>> -> memref<128xi32, #tpu.memory_space<vmem>>
    %dma_start3A_667 = arith.constant 0 : i32
    %dma_start3A_668 = arith.constant 0 : i32
    %dma_start3A_669 = tpu.memref_slice %arg4[%dma_start3A_667, %dma_start3A_668] : memref<1015808x64xf32, #tpu.memory_space<hbm>> -> memref<1015808x64xf32, #tpu.memory_space<hbm>>
    tpu.enqueue_indirect_dma source(%dma_start3A_669 : memref<1015808x64xf32, #tpu.memory_space<hbm>>) target(%arg12 : memref<128x64xf32, #tpu.memory_space<vmem>>) offsets(%dma_start3A_666 : memref<128xi32, #tpu.memory_space<vmem>>) semaphore(%arg13 : memref<!tpu.dma_semaphore, #tpu.memory_space<semaphore_mem>>) {add = true}
    %dma_start3A_670 = arith.constant 46 : i32
    %dma_start3A_671 = arith.constant 0 : i32
    %dma_start3A_672 = tpu.memref_slice %arg9[%dma_start3A_670, %dma_start3A_671] : memref<50x128xi32, #tpu.memory_space<vmem>> -> memref<1x128xi32, #tpu.memory_space<vmem>>
    %dma_start3A_673 = tpu.memref_squeeze %dma_start3A_672 : memref<1x128xi32, #tpu.memory_space<vmem>> -> memref<128xi32, #tpu.memory_space<vmem>>
    %dma_start3A_674 = arith.constant 0 : i32
    %dma_start3A_675 = arith.constant 0 : i32
    %dma_start3A_676 = tpu.memref_slice %arg4[%dma_start3A_674, %dma_start3A_675] : memref<1015808x64xf32, #tpu.memory_space<hbm>> -> memref<1015808x64xf32, #tpu.memory_space<hbm>>
    tpu.enqueue_indirect_dma source(%dma_start3A_676 : memref<1015808x64xf32, #tpu.memory_space<hbm>>) target(%arg11 : memref<128x64xf32, #tpu.memory_space<vmem>>) offsets(%dma_start3A_673 : memref<128xi32, #tpu.memory_space<vmem>>) semaphore(%arg13 : memref<!tpu.dma_semaphore, #tpu.memory_space<semaphore_mem>>) {add = true}
    %dma_start3A_677 = arith.constant 46 : i32
    %dma_start3A_678 = arith.constant 0 : i32
    %dma_start3A_679 = tpu.memref_slice %arg10[%dma_start3A_677, %dma_start3A_678] : memref<50x128xi32, #tpu.memory_space<vmem>> -> memref<1x128xi32, #tpu.memory_space<vmem>>
    %dma_start3A_680 = tpu.memref_squeeze %dma_start3A_679 : memref<1x128xi32, #tpu.memory_space<vmem>> -> memref<128xi32, #tpu.memory_space<vmem>>
    %dma_start3A_681 = arith.constant 0 : i32
    %dma_start3A_682 = arith.constant 0 : i32
    %dma_start3A_683 = tpu.memref_slice %arg4[%dma_start3A_681, %dma_start3A_682] : memref<1015808x64xf32, #tpu.memory_space<hbm>> -> memref<1015808x64xf32, #tpu.memory_space<hbm>>
    tpu.enqueue_indirect_dma source(%dma_start3A_683 : memref<1015808x64xf32, #tpu.memory_space<hbm>>) target(%arg12 : memref<128x64xf32, #tpu.memory_space<vmem>>) offsets(%dma_start3A_680 : memref<128xi32, #tpu.memory_space<vmem>>) semaphore(%arg13 : memref<!tpu.dma_semaphore, #tpu.memory_space<semaphore_mem>>) {add = true}
    %dma_start3A_684 = arith.constant 47 : i32
    %dma_start3A_685 = arith.constant 0 : i32
    %dma_start3A_686 = tpu.memref_slice %arg9[%dma_start3A_684, %dma_start3A_685] : memref<50x128xi32, #tpu.memory_space<vmem>> -> memref<1x128xi32, #tpu.memory_space<vmem>>
    %dma_start3A_687 = tpu.memref_squeeze %dma_start3A_686 : memref<1x128xi32, #tpu.memory_space<vmem>> -> memref<128xi32, #tpu.memory_space<vmem>>
    %dma_start3A_688 = arith.constant 0 : i32
    %dma_start3A_689 = arith.constant 0 : i32
    %dma_start3A_690 = tpu.memref_slice %arg4[%dma_start3A_688, %dma_start3A_689] : memref<1015808x64xf32, #tpu.memory_space<hbm>> -> memref<1015808x64xf32, #tpu.memory_space<hbm>>
    tpu.enqueue_indirect_dma source(%dma_start3A_690 : memref<1015808x64xf32, #tpu.memory_space<hbm>>) target(%arg11 : memref<128x64xf32, #tpu.memory_space<vmem>>) offsets(%dma_start3A_687 : memref<128xi32, #tpu.memory_space<vmem>>) semaphore(%arg13 : memref<!tpu.dma_semaphore, #tpu.memory_space<semaphore_mem>>) {add = true}
    %dma_start3A_691 = arith.constant 47 : i32
    %dma_start3A_692 = arith.constant 0 : i32
    %dma_start3A_693 = tpu.memref_slice %arg10[%dma_start3A_691, %dma_start3A_692] : memref<50x128xi32, #tpu.memory_space<vmem>> -> memref<1x128xi32, #tpu.memory_space<vmem>>
    %dma_start3A_694 = tpu.memref_squeeze %dma_start3A_693 : memref<1x128xi32, #tpu.memory_space<vmem>> -> memref<128xi32, #tpu.memory_space<vmem>>
    %dma_start3A_695 = arith.constant 0 : i32
    %dma_start3A_696 = arith.constant 0 : i32
    %dma_start3A_697 = tpu.memref_slice %arg4[%dma_start3A_695, %dma_start3A_696] : memref<1015808x64xf32, #tpu.memory_space<hbm>> -> memref<1015808x64xf32, #tpu.memory_space<hbm>>
    tpu.enqueue_indirect_dma source(%dma_start3A_697 : memref<1015808x64xf32, #tpu.memory_space<hbm>>) target(%arg12 : memref<128x64xf32, #tpu.memory_space<vmem>>) offsets(%dma_start3A_694 : memref<128xi32, #tpu.memory_space<vmem>>) semaphore(%arg13 : memref<!tpu.dma_semaphore, #tpu.memory_space<semaphore_mem>>) {add = true}
    %dma_start3A_698 = arith.constant 48 : i32
    %dma_start3A_699 = arith.constant 0 : i32
    %dma_start3A_700 = tpu.memref_slice %arg9[%dma_start3A_698, %dma_start3A_699] : memref<50x128xi32, #tpu.memory_space<vmem>> -> memref<1x128xi32, #tpu.memory_space<vmem>>
    %dma_start3A_701 = tpu.memref_squeeze %dma_start3A_700 : memref<1x128xi32, #tpu.memory_space<vmem>> -> memref<128xi32, #tpu.memory_space<vmem>>
    %dma_start3A_702 = arith.constant 0 : i32
    %dma_start3A_703 = arith.constant 0 : i32
    %dma_start3A_704 = tpu.memref_slice %arg4[%dma_start3A_702, %dma_start3A_703] : memref<1015808x64xf32, #tpu.memory_space<hbm>> -> memref<1015808x64xf32, #tpu.memory_space<hbm>>
    tpu.enqueue_indirect_dma source(%dma_start3A_704 : memref<1015808x64xf32, #tpu.memory_space<hbm>>) target(%arg11 : memref<128x64xf32, #tpu.memory_space<vmem>>) offsets(%dma_start3A_701 : memref<128xi32, #tpu.memory_space<vmem>>) semaphore(%arg13 : memref<!tpu.dma_semaphore, #tpu.memory_space<semaphore_mem>>) {add = true}
    %dma_start3A_705 = arith.constant 48 : i32
    %dma_start3A_706 = arith.constant 0 : i32
    %dma_start3A_707 = tpu.memref_slice %arg10[%dma_start3A_705, %dma_start3A_706] : memref<50x128xi32, #tpu.memory_space<vmem>> -> memref<1x128xi32, #tpu.memory_space<vmem>>
    %dma_start3A_708 = tpu.memref_squeeze %dma_start3A_707 : memref<1x128xi32, #tpu.memory_space<vmem>> -> memref<128xi32, #tpu.memory_space<vmem>>
    %dma_start3A_709 = arith.constant 0 : i32
    %dma_start3A_710 = arith.constant 0 : i32
    %dma_start3A_711 = tpu.memref_slice %arg4[%dma_start3A_709, %dma_start3A_710] : memref<1015808x64xf32, #tpu.memory_space<hbm>> -> memref<1015808x64xf32, #tpu.memory_space<hbm>>
    tpu.enqueue_indirect_dma source(%dma_start3A_711 : memref<1015808x64xf32, #tpu.memory_space<hbm>>) target(%arg12 : memref<128x64xf32, #tpu.memory_space<vmem>>) offsets(%dma_start3A_708 : memref<128xi32, #tpu.memory_space<vmem>>) semaphore(%arg13 : memref<!tpu.dma_semaphore, #tpu.memory_space<semaphore_mem>>) {add = true}
    %dma_start3A_712 = arith.constant 49 : i32
    %dma_start3A_713 = arith.constant 0 : i32
    %dma_start3A_714 = tpu.memref_slice %arg9[%dma_start3A_712, %dma_start3A_713] : memref<50x128xi32, #tpu.memory_space<vmem>> -> memref<1x128xi32, #tpu.memory_space<vmem>>
    %dma_start3A_715 = tpu.memref_squeeze %dma_start3A_714 : memref<1x128xi32, #tpu.memory_space<vmem>> -> memref<128xi32, #tpu.memory_space<vmem>>
    %dma_start3A_716 = arith.constant 0 : i32
    %dma_start3A_717 = arith.constant 0 : i32
    %dma_start3A_718 = tpu.memref_slice %arg4[%dma_start3A_716, %dma_start3A_717] : memref<1015808x64xf32, #tpu.memory_space<hbm>> -> memref<1015808x64xf32, #tpu.memory_space<hbm>>
    tpu.enqueue_indirect_dma source(%dma_start3A_718 : memref<1015808x64xf32, #tpu.memory_space<hbm>>) target(%arg11 : memref<128x64xf32, #tpu.memory_space<vmem>>) offsets(%dma_start3A_715 : memref<128xi32, #tpu.memory_space<vmem>>) semaphore(%arg13 : memref<!tpu.dma_semaphore, #tpu.memory_space<semaphore_mem>>) {add = true}
    %dma_start3A_719 = arith.constant 49 : i32
    %dma_start3A_720 = arith.constant 0 : i32
    %dma_start3A_721 = tpu.memref_slice %arg10[%dma_start3A_719, %dma_start3A_720] : memref<50x128xi32, #tpu.memory_space<vmem>> -> memref<1x128xi32, #tpu.memory_space<vmem>>
    %dma_start3A_722 = tpu.memref_squeeze %dma_start3A_721 : memref<1x128xi32, #tpu.memory_space<vmem>> -> memref<128xi32, #tpu.memory_space<vmem>>
    %dma_start3A_723 = arith.constant 0 : i32
    %dma_start3A_724 = arith.constant 0 : i32
    %dma_start3A_725 = tpu.memref_slice %arg4[%dma_start3A_723, %dma_start3A_724] : memref<1015808x64xf32, #tpu.memory_space<hbm>> -> memref<1015808x64xf32, #tpu.memory_space<hbm>>
    tpu.enqueue_indirect_dma source(%dma_start3A_725 : memref<1015808x64xf32, #tpu.memory_space<hbm>>) target(%arg12 : memref<128x64xf32, #tpu.memory_space<vmem>>) offsets(%dma_start3A_722 : memref<128xi32, #tpu.memory_space<vmem>>) semaphore(%arg13 : memref<!tpu.dma_semaphore, #tpu.memory_space<semaphore_mem>>) {add = true}
    %dma_wait3A_726 = arith.constant 1 : i32
    %dma_wait3A_727 = arith.constant 0 : i32
    %dma_wait3A_728 = tpu.memref_slice %arg9[%dma_wait3A_726, %dma_wait3A_727] : memref<50x128xi32, #tpu.memory_space<vmem>> -> memref<1x128xi32, #tpu.memory_space<vmem>>
    %dma_wait3A_729 = tpu.memref_squeeze %dma_wait3A_728 : memref<1x128xi32, #tpu.memory_space<vmem>> -> memref<128xi32, #tpu.memory_space<vmem>>
    %dma_wait3A_730 = arith.constant 0 : i32
    %dma_wait3A_731 = arith.constant 0 : i32
    %dma_wait3A_732 = tpu.memref_slice %arg4[%dma_wait3A_730, %dma_wait3A_731] : memref<1015808x64xf32, #tpu.memory_space<hbm>> -> memref<1015808x64xf32, #tpu.memory_space<hbm>>
    tpu.wait_indirect_dma semaphore(%arg13 : memref<!tpu.dma_semaphore, #tpu.memory_space<semaphore_mem>>) src(%dma_wait3A_732 : memref<1015808x64xf32, #tpu.memory_space<hbm>>) dst(%arg11 : memref<128x64xf32, #tpu.memory_space<vmem>>)
    %dma_wait3A_733 = arith.constant 1 : i32
    %dma_wait3A_734 = arith.constant 0 : i32
    %dma_wait3A_735 = tpu.memref_slice %arg10[%dma_wait3A_733, %dma_wait3A_734] : memref<50x128xi32, #tpu.memory_space<vmem>> -> memref<1x128xi32, #tpu.memory_space<vmem>>
    %dma_wait3A_736 = tpu.memref_squeeze %dma_wait3A_735 : memref<1x128xi32, #tpu.memory_space<vmem>> -> memref<128xi32, #tpu.memory_space<vmem>>
    %dma_wait3A_737 = arith.constant 0 : i32
    %dma_wait3A_738 = arith.constant 0 : i32
    %dma_wait3A_739 = tpu.memref_slice %arg4[%dma_wait3A_737, %dma_wait3A_738] : memref<1015808x64xf32, #tpu.memory_space<hbm>> -> memref<1015808x64xf32, #tpu.memory_space<hbm>>
    tpu.wait_indirect_dma semaphore(%arg13 : memref<!tpu.dma_semaphore, #tpu.memory_space<semaphore_mem>>) src(%dma_wait3A_739 : memref<1015808x64xf32, #tpu.memory_space<hbm>>) dst(%arg12 : memref<128x64xf32, #tpu.memory_space<vmem>>)
    %dma_wait3A_740 = arith.constant 2 : i32
    %dma_wait3A_741 = arith.constant 0 : i32
    %dma_wait3A_742 = tpu.memref_slice %arg9[%dma_wait3A_740, %dma_wait3A_741] : memref<50x128xi32, #tpu.memory_space<vmem>> -> memref<1x128xi32, #tpu.memory_space<vmem>>
    %dma_wait3A_743 = tpu.memref_squeeze %dma_wait3A_742 : memref<1x128xi32, #tpu.memory_space<vmem>> -> memref<128xi32, #tpu.memory_space<vmem>>
    %dma_wait3A_744 = arith.constant 0 : i32
    %dma_wait3A_745 = arith.constant 0 : i32
    %dma_wait3A_746 = tpu.memref_slice %arg4[%dma_wait3A_744, %dma_wait3A_745] : memref<1015808x64xf32, #tpu.memory_space<hbm>> -> memref<1015808x64xf32, #tpu.memory_space<hbm>>
    tpu.wait_indirect_dma semaphore(%arg13 : memref<!tpu.dma_semaphore, #tpu.memory_space<semaphore_mem>>) src(%dma_wait3A_746 : memref<1015808x64xf32, #tpu.memory_space<hbm>>) dst(%arg11 : memref<128x64xf32, #tpu.memory_space<vmem>>)
    %dma_wait3A_747 = arith.constant 2 : i32
    %dma_wait3A_748 = arith.constant 0 : i32
    %dma_wait3A_749 = tpu.memref_slice %arg10[%dma_wait3A_747, %dma_wait3A_748] : memref<50x128xi32, #tpu.memory_space<vmem>> -> memref<1x128xi32, #tpu.memory_space<vmem>>
    %dma_wait3A_750 = tpu.memref_squeeze %dma_wait3A_749 : memref<1x128xi32, #tpu.memory_space<vmem>> -> memref<128xi32, #tpu.memory_space<vmem>>
    %dma_wait3A_751 = arith.constant 0 : i32
    %dma_wait3A_752 = arith.constant 0 : i32
    %dma_wait3A_753 = tpu.memref_slice %arg4[%dma_wait3A_751, %dma_wait3A_752] : memref<1015808x64xf32, #tpu.memory_space<hbm>> -> memref<1015808x64xf32, #tpu.memory_space<hbm>>
    tpu.wait_indirect_dma semaphore(%arg13 : memref<!tpu.dma_semaphore, #tpu.memory_space<semaphore_mem>>) src(%dma_wait3A_753 : memref<1015808x64xf32, #tpu.memory_space<hbm>>) dst(%arg12 : memref<128x64xf32, #tpu.memory_space<vmem>>)
    %dma_wait3A_754 = arith.constant 3 : i32
    %dma_wait3A_755 = arith.constant 0 : i32
    %dma_wait3A_756 = tpu.memref_slice %arg9[%dma_wait3A_754, %dma_wait3A_755] : memref<50x128xi32, #tpu.memory_space<vmem>> -> memref<1x128xi32, #tpu.memory_space<vmem>>
    %dma_wait3A_757 = tpu.memref_squeeze %dma_wait3A_756 : memref<1x128xi32, #tpu.memory_space<vmem>> -> memref<128xi32, #tpu.memory_space<vmem>>
    %dma_wait3A_758 = arith.constant 0 : i32
    %dma_wait3A_759 = arith.constant 0 : i32
    %dma_wait3A_760 = tpu.memref_slice %arg4[%dma_wait3A_758, %dma_wait3A_759] : memref<1015808x64xf32, #tpu.memory_space<hbm>> -> memref<1015808x64xf32, #tpu.memory_space<hbm>>
    tpu.wait_indirect_dma semaphore(%arg13 : memref<!tpu.dma_semaphore, #tpu.memory_space<semaphore_mem>>) src(%dma_wait3A_760 : memref<1015808x64xf32, #tpu.memory_space<hbm>>) dst(%arg11 : memref<128x64xf32, #tpu.memory_space<vmem>>)
    %dma_wait3A_761 = arith.constant 3 : i32
    %dma_wait3A_762 = arith.constant 0 : i32
    %dma_wait3A_763 = tpu.memref_slice %arg10[%dma_wait3A_761, %dma_wait3A_762] : memref<50x128xi32, #tpu.memory_space<vmem>> -> memref<1x128xi32, #tpu.memory_space<vmem>>
    %dma_wait3A_764 = tpu.memref_squeeze %dma_wait3A_763 : memref<1x128xi32, #tpu.memory_space<vmem>> -> memref<128xi32, #tpu.memory_space<vmem>>
    %dma_wait3A_765 = arith.constant 0 : i32
    %dma_wait3A_766 = arith.constant 0 : i32
    %dma_wait3A_767 = tpu.memref_slice %arg4[%dma_wait3A_765, %dma_wait3A_766] : memref<1015808x64xf32, #tpu.memory_space<hbm>> -> memref<1015808x64xf32, #tpu.memory_space<hbm>>
    tpu.wait_indirect_dma semaphore(%arg13 : memref<!tpu.dma_semaphore, #tpu.memory_space<semaphore_mem>>) src(%dma_wait3A_767 : memref<1015808x64xf32, #tpu.memory_space<hbm>>) dst(%arg12 : memref<128x64xf32, #tpu.memory_space<vmem>>)
    %dma_wait3A_768 = arith.constant 4 : i32
    %dma_wait3A_769 = arith.constant 0 : i32
    %dma_wait3A_770 = tpu.memref_slice %arg9[%dma_wait3A_768, %dma_wait3A_769] : memref<50x128xi32, #tpu.memory_space<vmem>> -> memref<1x128xi32, #tpu.memory_space<vmem>>
    %dma_wait3A_771 = tpu.memref_squeeze %dma_wait3A_770 : memref<1x128xi32, #tpu.memory_space<vmem>> -> memref<128xi32, #tpu.memory_space<vmem>>
    %dma_wait3A_772 = arith.constant 0 : i32
    %dma_wait3A_773 = arith.constant 0 : i32
    %dma_wait3A_774 = tpu.memref_slice %arg4[%dma_wait3A_772, %dma_wait3A_773] : memref<1015808x64xf32, #tpu.memory_space<hbm>> -> memref<1015808x64xf32, #tpu.memory_space<hbm>>
    tpu.wait_indirect_dma semaphore(%arg13 : memref<!tpu.dma_semaphore, #tpu.memory_space<semaphore_mem>>) src(%dma_wait3A_774 : memref<1015808x64xf32, #tpu.memory_space<hbm>>) dst(%arg11 : memref<128x64xf32, #tpu.memory_space<vmem>>)
    %dma_wait3A_775 = arith.constant 4 : i32
    %dma_wait3A_776 = arith.constant 0 : i32
    %dma_wait3A_777 = tpu.memref_slice %arg10[%dma_wait3A_775, %dma_wait3A_776] : memref<50x128xi32, #tpu.memory_space<vmem>> -> memref<1x128xi32, #tpu.memory_space<vmem>>
    %dma_wait3A_778 = tpu.memref_squeeze %dma_wait3A_777 : memref<1x128xi32, #tpu.memory_space<vmem>> -> memref<128xi32, #tpu.memory_space<vmem>>
    %dma_wait3A_779 = arith.constant 0 : i32
    %dma_wait3A_780 = arith.constant 0 : i32
    %dma_wait3A_781 = tpu.memref_slice %arg4[%dma_wait3A_779, %dma_wait3A_780] : memref<1015808x64xf32, #tpu.memory_space<hbm>> -> memref<1015808x64xf32, #tpu.memory_space<hbm>>
    tpu.wait_indirect_dma semaphore(%arg13 : memref<!tpu.dma_semaphore, #tpu.memory_space<semaphore_mem>>) src(%dma_wait3A_781 : memref<1015808x64xf32, #tpu.memory_space<hbm>>) dst(%arg12 : memref<128x64xf32, #tpu.memory_space<vmem>>)
    %dma_wait3A_782 = arith.constant 5 : i32
    %dma_wait3A_783 = arith.constant 0 : i32
    %dma_wait3A_784 = tpu.memref_slice %arg9[%dma_wait3A_782, %dma_wait3A_783] : memref<50x128xi32, #tpu.memory_space<vmem>> -> memref<1x128xi32, #tpu.memory_space<vmem>>
    %dma_wait3A_785 = tpu.memref_squeeze %dma_wait3A_784 : memref<1x128xi32, #tpu.memory_space<vmem>> -> memref<128xi32, #tpu.memory_space<vmem>>
    %dma_wait3A_786 = arith.constant 0 : i32
    %dma_wait3A_787 = arith.constant 0 : i32
    %dma_wait3A_788 = tpu.memref_slice %arg4[%dma_wait3A_786, %dma_wait3A_787] : memref<1015808x64xf32, #tpu.memory_space<hbm>> -> memref<1015808x64xf32, #tpu.memory_space<hbm>>
    tpu.wait_indirect_dma semaphore(%arg13 : memref<!tpu.dma_semaphore, #tpu.memory_space<semaphore_mem>>) src(%dma_wait3A_788 : memref<1015808x64xf32, #tpu.memory_space<hbm>>) dst(%arg11 : memref<128x64xf32, #tpu.memory_space<vmem>>)
    %dma_wait3A_789 = arith.constant 5 : i32
    %dma_wait3A_790 = arith.constant 0 : i32
    %dma_wait3A_791 = tpu.memref_slice %arg10[%dma_wait3A_789, %dma_wait3A_790] : memref<50x128xi32, #tpu.memory_space<vmem>> -> memref<1x128xi32, #tpu.memory_space<vmem>>
    %dma_wait3A_792 = tpu.memref_squeeze %dma_wait3A_791 : memref<1x128xi32, #tpu.memory_space<vmem>> -> memref<128xi32, #tpu.memory_space<vmem>>
    %dma_wait3A_793 = arith.constant 0 : i32
    %dma_wait3A_794 = arith.constant 0 : i32
    %dma_wait3A_795 = tpu.memref_slice %arg4[%dma_wait3A_793, %dma_wait3A_794] : memref<1015808x64xf32, #tpu.memory_space<hbm>> -> memref<1015808x64xf32, #tpu.memory_space<hbm>>
    tpu.wait_indirect_dma semaphore(%arg13 : memref<!tpu.dma_semaphore, #tpu.memory_space<semaphore_mem>>) src(%dma_wait3A_795 : memref<1015808x64xf32, #tpu.memory_space<hbm>>) dst(%arg12 : memref<128x64xf32, #tpu.memory_space<vmem>>)
    %dma_wait3A_796 = arith.constant 6 : i32
    %dma_wait3A_797 = arith.constant 0 : i32
    %dma_wait3A_798 = tpu.memref_slice %arg9[%dma_wait3A_796, %dma_wait3A_797] : memref<50x128xi32, #tpu.memory_space<vmem>> -> memref<1x128xi32, #tpu.memory_space<vmem>>
    %dma_wait3A_799 = tpu.memref_squeeze %dma_wait3A_798 : memref<1x128xi32, #tpu.memory_space<vmem>> -> memref<128xi32, #tpu.memory_space<vmem>>
    %dma_wait3A_800 = arith.constant 0 : i32
    %dma_wait3A_801 = arith.constant 0 : i32
    %dma_wait3A_802 = tpu.memref_slice %arg4[%dma_wait3A_800, %dma_wait3A_801] : memref<1015808x64xf32, #tpu.memory_space<hbm>> -> memref<1015808x64xf32, #tpu.memory_space<hbm>>
    tpu.wait_indirect_dma semaphore(%arg13 : memref<!tpu.dma_semaphore, #tpu.memory_space<semaphore_mem>>) src(%dma_wait3A_802 : memref<1015808x64xf32, #tpu.memory_space<hbm>>) dst(%arg11 : memref<128x64xf32, #tpu.memory_space<vmem>>)
    %dma_wait3A_803 = arith.constant 6 : i32
    %dma_wait3A_804 = arith.constant 0 : i32
    %dma_wait3A_805 = tpu.memref_slice %arg10[%dma_wait3A_803, %dma_wait3A_804] : memref<50x128xi32, #tpu.memory_space<vmem>> -> memref<1x128xi32, #tpu.memory_space<vmem>>
    %dma_wait3A_806 = tpu.memref_squeeze %dma_wait3A_805 : memref<1x128xi32, #tpu.memory_space<vmem>> -> memref<128xi32, #tpu.memory_space<vmem>>
    %dma_wait3A_807 = arith.constant 0 : i32
    %dma_wait3A_808 = arith.constant 0 : i32
    %dma_wait3A_809 = tpu.memref_slice %arg4[%dma_wait3A_807, %dma_wait3A_808] : memref<1015808x64xf32, #tpu.memory_space<hbm>> -> memref<1015808x64xf32, #tpu.memory_space<hbm>>
    tpu.wait_indirect_dma semaphore(%arg13 : memref<!tpu.dma_semaphore, #tpu.memory_space<semaphore_mem>>) src(%dma_wait3A_809 : memref<1015808x64xf32, #tpu.memory_space<hbm>>) dst(%arg12 : memref<128x64xf32, #tpu.memory_space<vmem>>)
    %dma_wait3A_810 = arith.constant 7 : i32
    %dma_wait3A_811 = arith.constant 0 : i32
    %dma_wait3A_812 = tpu.memref_slice %arg9[%dma_wait3A_810, %dma_wait3A_811] : memref<50x128xi32, #tpu.memory_space<vmem>> -> memref<1x128xi32, #tpu.memory_space<vmem>>
    %dma_wait3A_813 = tpu.memref_squeeze %dma_wait3A_812 : memref<1x128xi32, #tpu.memory_space<vmem>> -> memref<128xi32, #tpu.memory_space<vmem>>
    %dma_wait3A_814 = arith.constant 0 : i32
    %dma_wait3A_815 = arith.constant 0 : i32
    %dma_wait3A_816 = tpu.memref_slice %arg4[%dma_wait3A_814, %dma_wait3A_815] : memref<1015808x64xf32, #tpu.memory_space<hbm>> -> memref<1015808x64xf32, #tpu.memory_space<hbm>>
    tpu.wait_indirect_dma semaphore(%arg13 : memref<!tpu.dma_semaphore, #tpu.memory_space<semaphore_mem>>) src(%dma_wait3A_816 : memref<1015808x64xf32, #tpu.memory_space<hbm>>) dst(%arg11 : memref<128x64xf32, #tpu.memory_space<vmem>>)
    %dma_wait3A_817 = arith.constant 7 : i32
    %dma_wait3A_818 = arith.constant 0 : i32
    %dma_wait3A_819 = tpu.memref_slice %arg10[%dma_wait3A_817, %dma_wait3A_818] : memref<50x128xi32, #tpu.memory_space<vmem>> -> memref<1x128xi32, #tpu.memory_space<vmem>>
    %dma_wait3A_820 = tpu.memref_squeeze %dma_wait3A_819 : memref<1x128xi32, #tpu.memory_space<vmem>> -> memref<128xi32, #tpu.memory_space<vmem>>
    %dma_wait3A_821 = arith.constant 0 : i32
    %dma_wait3A_822 = arith.constant 0 : i32
    %dma_wait3A_823 = tpu.memref_slice %arg4[%dma_wait3A_821, %dma_wait3A_822] : memref<1015808x64xf32, #tpu.memory_space<hbm>> -> memref<1015808x64xf32, #tpu.memory_space<hbm>>
    tpu.wait_indirect_dma semaphore(%arg13 : memref<!tpu.dma_semaphore, #tpu.memory_space<semaphore_mem>>) src(%dma_wait3A_823 : memref<1015808x64xf32, #tpu.memory_space<hbm>>) dst(%arg12 : memref<128x64xf32, #tpu.memory_space<vmem>>)
    %dma_wait3A_824 = arith.constant 8 : i32
    %dma_wait3A_825 = arith.constant 0 : i32
    %dma_wait3A_826 = tpu.memref_slice %arg9[%dma_wait3A_824, %dma_wait3A_825] : memref<50x128xi32, #tpu.memory_space<vmem>> -> memref<1x128xi32, #tpu.memory_space<vmem>>
    %dma_wait3A_827 = tpu.memref_squeeze %dma_wait3A_826 : memref<1x128xi32, #tpu.memory_space<vmem>> -> memref<128xi32, #tpu.memory_space<vmem>>
    %dma_wait3A_828 = arith.constant 0 : i32
    %dma_wait3A_829 = arith.constant 0 : i32
    %dma_wait3A_830 = tpu.memref_slice %arg4[%dma_wait3A_828, %dma_wait3A_829] : memref<1015808x64xf32, #tpu.memory_space<hbm>> -> memref<1015808x64xf32, #tpu.memory_space<hbm>>
    tpu.wait_indirect_dma semaphore(%arg13 : memref<!tpu.dma_semaphore, #tpu.memory_space<semaphore_mem>>) src(%dma_wait3A_830 : memref<1015808x64xf32, #tpu.memory_space<hbm>>) dst(%arg11 : memref<128x64xf32, #tpu.memory_space<vmem>>)
    %dma_wait3A_831 = arith.constant 8 : i32
    %dma_wait3A_832 = arith.constant 0 : i32
    %dma_wait3A_833 = tpu.memref_slice %arg10[%dma_wait3A_831, %dma_wait3A_832] : memref<50x128xi32, #tpu.memory_space<vmem>> -> memref<1x128xi32, #tpu.memory_space<vmem>>
    %dma_wait3A_834 = tpu.memref_squeeze %dma_wait3A_833 : memref<1x128xi32, #tpu.memory_space<vmem>> -> memref<128xi32, #tpu.memory_space<vmem>>
    %dma_wait3A_835 = arith.constant 0 : i32
    %dma_wait3A_836 = arith.constant 0 : i32
    %dma_wait3A_837 = tpu.memref_slice %arg4[%dma_wait3A_835, %dma_wait3A_836] : memref<1015808x64xf32, #tpu.memory_space<hbm>> -> memref<1015808x64xf32, #tpu.memory_space<hbm>>
    tpu.wait_indirect_dma semaphore(%arg13 : memref<!tpu.dma_semaphore, #tpu.memory_space<semaphore_mem>>) src(%dma_wait3A_837 : memref<1015808x64xf32, #tpu.memory_space<hbm>>) dst(%arg12 : memref<128x64xf32, #tpu.memory_space<vmem>>)
    %dma_wait3A_838 = arith.constant 9 : i32
    %dma_wait3A_839 = arith.constant 0 : i32
    %dma_wait3A_840 = tpu.memref_slice %arg9[%dma_wait3A_838, %dma_wait3A_839] : memref<50x128xi32, #tpu.memory_space<vmem>> -> memref<1x128xi32, #tpu.memory_space<vmem>>
    %dma_wait3A_841 = tpu.memref_squeeze %dma_wait3A_840 : memref<1x128xi32, #tpu.memory_space<vmem>> -> memref<128xi32, #tpu.memory_space<vmem>>
    %dma_wait3A_842 = arith.constant 0 : i32
    %dma_wait3A_843 = arith.constant 0 : i32
    %dma_wait3A_844 = tpu.memref_slice %arg4[%dma_wait3A_842, %dma_wait3A_843] : memref<1015808x64xf32, #tpu.memory_space<hbm>> -> memref<1015808x64xf32, #tpu.memory_space<hbm>>
    tpu.wait_indirect_dma semaphore(%arg13 : memref<!tpu.dma_semaphore, #tpu.memory_space<semaphore_mem>>) src(%dma_wait3A_844 : memref<1015808x64xf32, #tpu.memory_space<hbm>>) dst(%arg11 : memref<128x64xf32, #tpu.memory_space<vmem>>)
    %dma_wait3A_845 = arith.constant 9 : i32
    %dma_wait3A_846 = arith.constant 0 : i32
    %dma_wait3A_847 = tpu.memref_slice %arg10[%dma_wait3A_845, %dma_wait3A_846] : memref<50x128xi32, #tpu.memory_space<vmem>> -> memref<1x128xi32, #tpu.memory_space<vmem>>
    %dma_wait3A_848 = tpu.memref_squeeze %dma_wait3A_847 : memref<1x128xi32, #tpu.memory_space<vmem>> -> memref<128xi32, #tpu.memory_space<vmem>>
    %dma_wait3A_849 = arith.constant 0 : i32
    %dma_wait3A_850 = arith.constant 0 : i32
    %dma_wait3A_851 = tpu.memref_slice %arg4[%dma_wait3A_849, %dma_wait3A_850] : memref<1015808x64xf32, #tpu.memory_space<hbm>> -> memref<1015808x64xf32, #tpu.memory_space<hbm>>
    tpu.wait_indirect_dma semaphore(%arg13 : memref<!tpu.dma_semaphore, #tpu.memory_space<semaphore_mem>>) src(%dma_wait3A_851 : memref<1015808x64xf32, #tpu.memory_space<hbm>>) dst(%arg12 : memref<128x64xf32, #tpu.memory_space<vmem>>)
    %dma_wait3A_852 = arith.constant 10 : i32
    %dma_wait3A_853 = arith.constant 0 : i32
    %dma_wait3A_854 = tpu.memref_slice %arg9[%dma_wait3A_852, %dma_wait3A_853] : memref<50x128xi32, #tpu.memory_space<vmem>> -> memref<1x128xi32, #tpu.memory_space<vmem>>
    %dma_wait3A_855 = tpu.memref_squeeze %dma_wait3A_854 : memref<1x128xi32, #tpu.memory_space<vmem>> -> memref<128xi32, #tpu.memory_space<vmem>>
    %dma_wait3A_856 = arith.constant 0 : i32
    %dma_wait3A_857 = arith.constant 0 : i32
    %dma_wait3A_858 = tpu.memref_slice %arg4[%dma_wait3A_856, %dma_wait3A_857] : memref<1015808x64xf32, #tpu.memory_space<hbm>> -> memref<1015808x64xf32, #tpu.memory_space<hbm>>
    tpu.wait_indirect_dma semaphore(%arg13 : memref<!tpu.dma_semaphore, #tpu.memory_space<semaphore_mem>>) src(%dma_wait3A_858 : memref<1015808x64xf32, #tpu.memory_space<hbm>>) dst(%arg11 : memref<128x64xf32, #tpu.memory_space<vmem>>)
    %dma_wait3A_859 = arith.constant 10 : i32
    %dma_wait3A_860 = arith.constant 0 : i32
    %dma_wait3A_861 = tpu.memref_slice %arg10[%dma_wait3A_859, %dma_wait3A_860] : memref<50x128xi32, #tpu.memory_space<vmem>> -> memref<1x128xi32, #tpu.memory_space<vmem>>
    %dma_wait3A_862 = tpu.memref_squeeze %dma_wait3A_861 : memref<1x128xi32, #tpu.memory_space<vmem>> -> memref<128xi32, #tpu.memory_space<vmem>>
    %dma_wait3A_863 = arith.constant 0 : i32
    %dma_wait3A_864 = arith.constant 0 : i32
    %dma_wait3A_865 = tpu.memref_slice %arg4[%dma_wait3A_863, %dma_wait3A_864] : memref<1015808x64xf32, #tpu.memory_space<hbm>> -> memref<1015808x64xf32, #tpu.memory_space<hbm>>
    tpu.wait_indirect_dma semaphore(%arg13 : memref<!tpu.dma_semaphore, #tpu.memory_space<semaphore_mem>>) src(%dma_wait3A_865 : memref<1015808x64xf32, #tpu.memory_space<hbm>>) dst(%arg12 : memref<128x64xf32, #tpu.memory_space<vmem>>)
    %dma_wait3A_866 = arith.constant 11 : i32
    %dma_wait3A_867 = arith.constant 0 : i32
    %dma_wait3A_868 = tpu.memref_slice %arg9[%dma_wait3A_866, %dma_wait3A_867] : memref<50x128xi32, #tpu.memory_space<vmem>> -> memref<1x128xi32, #tpu.memory_space<vmem>>
    %dma_wait3A_869 = tpu.memref_squeeze %dma_wait3A_868 : memref<1x128xi32, #tpu.memory_space<vmem>> -> memref<128xi32, #tpu.memory_space<vmem>>
    %dma_wait3A_870 = arith.constant 0 : i32
    %dma_wait3A_871 = arith.constant 0 : i32
    %dma_wait3A_872 = tpu.memref_slice %arg4[%dma_wait3A_870, %dma_wait3A_871] : memref<1015808x64xf32, #tpu.memory_space<hbm>> -> memref<1015808x64xf32, #tpu.memory_space<hbm>>
    tpu.wait_indirect_dma semaphore(%arg13 : memref<!tpu.dma_semaphore, #tpu.memory_space<semaphore_mem>>) src(%dma_wait3A_872 : memref<1015808x64xf32, #tpu.memory_space<hbm>>) dst(%arg11 : memref<128x64xf32, #tpu.memory_space<vmem>>)
    %dma_wait3A_873 = arith.constant 11 : i32
    %dma_wait3A_874 = arith.constant 0 : i32
    %dma_wait3A_875 = tpu.memref_slice %arg10[%dma_wait3A_873, %dma_wait3A_874] : memref<50x128xi32, #tpu.memory_space<vmem>> -> memref<1x128xi32, #tpu.memory_space<vmem>>
    %dma_wait3A_876 = tpu.memref_squeeze %dma_wait3A_875 : memref<1x128xi32, #tpu.memory_space<vmem>> -> memref<128xi32, #tpu.memory_space<vmem>>
    %dma_wait3A_877 = arith.constant 0 : i32
    %dma_wait3A_878 = arith.constant 0 : i32
    %dma_wait3A_879 = tpu.memref_slice %arg4[%dma_wait3A_877, %dma_wait3A_878] : memref<1015808x64xf32, #tpu.memory_space<hbm>> -> memref<1015808x64xf32, #tpu.memory_space<hbm>>
    tpu.wait_indirect_dma semaphore(%arg13 : memref<!tpu.dma_semaphore, #tpu.memory_space<semaphore_mem>>) src(%dma_wait3A_879 : memref<1015808x64xf32, #tpu.memory_space<hbm>>) dst(%arg12 : memref<128x64xf32, #tpu.memory_space<vmem>>)
    %dma_wait3A_880 = arith.constant 12 : i32
    %dma_wait3A_881 = arith.constant 0 : i32
    %dma_wait3A_882 = tpu.memref_slice %arg9[%dma_wait3A_880, %dma_wait3A_881] : memref<50x128xi32, #tpu.memory_space<vmem>> -> memref<1x128xi32, #tpu.memory_space<vmem>>
    %dma_wait3A_883 = tpu.memref_squeeze %dma_wait3A_882 : memref<1x128xi32, #tpu.memory_space<vmem>> -> memref<128xi32, #tpu.memory_space<vmem>>
    %dma_wait3A_884 = arith.constant 0 : i32
    %dma_wait3A_885 = arith.constant 0 : i32
    %dma_wait3A_886 = tpu.memref_slice %arg4[%dma_wait3A_884, %dma_wait3A_885] : memref<1015808x64xf32, #tpu.memory_space<hbm>> -> memref<1015808x64xf32, #tpu.memory_space<hbm>>
    tpu.wait_indirect_dma semaphore(%arg13 : memref<!tpu.dma_semaphore, #tpu.memory_space<semaphore_mem>>) src(%dma_wait3A_886 : memref<1015808x64xf32, #tpu.memory_space<hbm>>) dst(%arg11 : memref<128x64xf32, #tpu.memory_space<vmem>>)
    %dma_wait3A_887 = arith.constant 12 : i32
    %dma_wait3A_888 = arith.constant 0 : i32
    %dma_wait3A_889 = tpu.memref_slice %arg10[%dma_wait3A_887, %dma_wait3A_888] : memref<50x128xi32, #tpu.memory_space<vmem>> -> memref<1x128xi32, #tpu.memory_space<vmem>>
    %dma_wait3A_890 = tpu.memref_squeeze %dma_wait3A_889 : memref<1x128xi32, #tpu.memory_space<vmem>> -> memref<128xi32, #tpu.memory_space<vmem>>
    %dma_wait3A_891 = arith.constant 0 : i32
    %dma_wait3A_892 = arith.constant 0 : i32
    %dma_wait3A_893 = tpu.memref_slice %arg4[%dma_wait3A_891, %dma_wait3A_892] : memref<1015808x64xf32, #tpu.memory_space<hbm>> -> memref<1015808x64xf32, #tpu.memory_space<hbm>>
    tpu.wait_indirect_dma semaphore(%arg13 : memref<!tpu.dma_semaphore, #tpu.memory_space<semaphore_mem>>) src(%dma_wait3A_893 : memref<1015808x64xf32, #tpu.memory_space<hbm>>) dst(%arg12 : memref<128x64xf32, #tpu.memory_space<vmem>>)
    %dma_wait3A_894 = arith.constant 13 : i32
    %dma_wait3A_895 = arith.constant 0 : i32
    %dma_wait3A_896 = tpu.memref_slice %arg9[%dma_wait3A_894, %dma_wait3A_895] : memref<50x128xi32, #tpu.memory_space<vmem>> -> memref<1x128xi32, #tpu.memory_space<vmem>>
    %dma_wait3A_897 = tpu.memref_squeeze %dma_wait3A_896 : memref<1x128xi32, #tpu.memory_space<vmem>> -> memref<128xi32, #tpu.memory_space<vmem>>
    %dma_wait3A_898 = arith.constant 0 : i32
    %dma_wait3A_899 = arith.constant 0 : i32
    %dma_wait3A_900 = tpu.memref_slice %arg4[%dma_wait3A_898, %dma_wait3A_899] : memref<1015808x64xf32, #tpu.memory_space<hbm>> -> memref<1015808x64xf32, #tpu.memory_space<hbm>>
    tpu.wait_indirect_dma semaphore(%arg13 : memref<!tpu.dma_semaphore, #tpu.memory_space<semaphore_mem>>) src(%dma_wait3A_900 : memref<1015808x64xf32, #tpu.memory_space<hbm>>) dst(%arg11 : memref<128x64xf32, #tpu.memory_space<vmem>>)
    %dma_wait3A_901 = arith.constant 13 : i32
    %dma_wait3A_902 = arith.constant 0 : i32
    %dma_wait3A_903 = tpu.memref_slice %arg10[%dma_wait3A_901, %dma_wait3A_902] : memref<50x128xi32, #tpu.memory_space<vmem>> -> memref<1x128xi32, #tpu.memory_space<vmem>>
    %dma_wait3A_904 = tpu.memref_squeeze %dma_wait3A_903 : memref<1x128xi32, #tpu.memory_space<vmem>> -> memref<128xi32, #tpu.memory_space<vmem>>
    %dma_wait3A_905 = arith.constant 0 : i32
    %dma_wait3A_906 = arith.constant 0 : i32
    %dma_wait3A_907 = tpu.memref_slice %arg4[%dma_wait3A_905, %dma_wait3A_906] : memref<1015808x64xf32, #tpu.memory_space<hbm>> -> memref<1015808x64xf32, #tpu.memory_space<hbm>>
    tpu.wait_indirect_dma semaphore(%arg13 : memref<!tpu.dma_semaphore, #tpu.memory_space<semaphore_mem>>) src(%dma_wait3A_907 : memref<1015808x64xf32, #tpu.memory_space<hbm>>) dst(%arg12 : memref<128x64xf32, #tpu.memory_space<vmem>>)
    %dma_wait3A_908 = arith.constant 14 : i32
    %dma_wait3A_909 = arith.constant 0 : i32
    %dma_wait3A_910 = tpu.memref_slice %arg9[%dma_wait3A_908, %dma_wait3A_909] : memref<50x128xi32, #tpu.memory_space<vmem>> -> memref<1x128xi32, #tpu.memory_space<vmem>>
    %dma_wait3A_911 = tpu.memref_squeeze %dma_wait3A_910 : memref<1x128xi32, #tpu.memory_space<vmem>> -> memref<128xi32, #tpu.memory_space<vmem>>
    %dma_wait3A_912 = arith.constant 0 : i32
    %dma_wait3A_913 = arith.constant 0 : i32
    %dma_wait3A_914 = tpu.memref_slice %arg4[%dma_wait3A_912, %dma_wait3A_913] : memref<1015808x64xf32, #tpu.memory_space<hbm>> -> memref<1015808x64xf32, #tpu.memory_space<hbm>>
    tpu.wait_indirect_dma semaphore(%arg13 : memref<!tpu.dma_semaphore, #tpu.memory_space<semaphore_mem>>) src(%dma_wait3A_914 : memref<1015808x64xf32, #tpu.memory_space<hbm>>) dst(%arg11 : memref<128x64xf32, #tpu.memory_space<vmem>>)
    %dma_wait3A_915 = arith.constant 14 : i32
    %dma_wait3A_916 = arith.constant 0 : i32
    %dma_wait3A_917 = tpu.memref_slice %arg10[%dma_wait3A_915, %dma_wait3A_916] : memref<50x128xi32, #tpu.memory_space<vmem>> -> memref<1x128xi32, #tpu.memory_space<vmem>>
    %dma_wait3A_918 = tpu.memref_squeeze %dma_wait3A_917 : memref<1x128xi32, #tpu.memory_space<vmem>> -> memref<128xi32, #tpu.memory_space<vmem>>
    %dma_wait3A_919 = arith.constant 0 : i32
    %dma_wait3A_920 = arith.constant 0 : i32
    %dma_wait3A_921 = tpu.memref_slice %arg4[%dma_wait3A_919, %dma_wait3A_920] : memref<1015808x64xf32, #tpu.memory_space<hbm>> -> memref<1015808x64xf32, #tpu.memory_space<hbm>>
    tpu.wait_indirect_dma semaphore(%arg13 : memref<!tpu.dma_semaphore, #tpu.memory_space<semaphore_mem>>) src(%dma_wait3A_921 : memref<1015808x64xf32, #tpu.memory_space<hbm>>) dst(%arg12 : memref<128x64xf32, #tpu.memory_space<vmem>>)
    %dma_wait3A_922 = arith.constant 15 : i32
    %dma_wait3A_923 = arith.constant 0 : i32
    %dma_wait3A_924 = tpu.memref_slice %arg9[%dma_wait3A_922, %dma_wait3A_923] : memref<50x128xi32, #tpu.memory_space<vmem>> -> memref<1x128xi32, #tpu.memory_space<vmem>>
    %dma_wait3A_925 = tpu.memref_squeeze %dma_wait3A_924 : memref<1x128xi32, #tpu.memory_space<vmem>> -> memref<128xi32, #tpu.memory_space<vmem>>
    %dma_wait3A_926 = arith.constant 0 : i32
    %dma_wait3A_927 = arith.constant 0 : i32
    %dma_wait3A_928 = tpu.memref_slice %arg4[%dma_wait3A_926, %dma_wait3A_927] : memref<1015808x64xf32, #tpu.memory_space<hbm>> -> memref<1015808x64xf32, #tpu.memory_space<hbm>>
    tpu.wait_indirect_dma semaphore(%arg13 : memref<!tpu.dma_semaphore, #tpu.memory_space<semaphore_mem>>) src(%dma_wait3A_928 : memref<1015808x64xf32, #tpu.memory_space<hbm>>) dst(%arg11 : memref<128x64xf32, #tpu.memory_space<vmem>>)
    %dma_wait3A_929 = arith.constant 15 : i32
    %dma_wait3A_930 = arith.constant 0 : i32
    %dma_wait3A_931 = tpu.memref_slice %arg10[%dma_wait3A_929, %dma_wait3A_930] : memref<50x128xi32, #tpu.memory_space<vmem>> -> memref<1x128xi32, #tpu.memory_space<vmem>>
    %dma_wait3A_932 = tpu.memref_squeeze %dma_wait3A_931 : memref<1x128xi32, #tpu.memory_space<vmem>> -> memref<128xi32, #tpu.memory_space<vmem>>
    %dma_wait3A_933 = arith.constant 0 : i32
    %dma_wait3A_934 = arith.constant 0 : i32
    %dma_wait3A_935 = tpu.memref_slice %arg4[%dma_wait3A_933, %dma_wait3A_934] : memref<1015808x64xf32, #tpu.memory_space<hbm>> -> memref<1015808x64xf32, #tpu.memory_space<hbm>>
    tpu.wait_indirect_dma semaphore(%arg13 : memref<!tpu.dma_semaphore, #tpu.memory_space<semaphore_mem>>) src(%dma_wait3A_935 : memref<1015808x64xf32, #tpu.memory_space<hbm>>) dst(%arg12 : memref<128x64xf32, #tpu.memory_space<vmem>>)
    %dma_wait3A_936 = arith.constant 16 : i32
    %dma_wait3A_937 = arith.constant 0 : i32
    %dma_wait3A_938 = tpu.memref_slice %arg9[%dma_wait3A_936, %dma_wait3A_937] : memref<50x128xi32, #tpu.memory_space<vmem>> -> memref<1x128xi32, #tpu.memory_space<vmem>>
    %dma_wait3A_939 = tpu.memref_squeeze %dma_wait3A_938 : memref<1x128xi32, #tpu.memory_space<vmem>> -> memref<128xi32, #tpu.memory_space<vmem>>
    %dma_wait3A_940 = arith.constant 0 : i32
    %dma_wait3A_941 = arith.constant 0 : i32
    %dma_wait3A_942 = tpu.memref_slice %arg4[%dma_wait3A_940, %dma_wait3A_941] : memref<1015808x64xf32, #tpu.memory_space<hbm>> -> memref<1015808x64xf32, #tpu.memory_space<hbm>>
    tpu.wait_indirect_dma semaphore(%arg13 : memref<!tpu.dma_semaphore, #tpu.memory_space<semaphore_mem>>) src(%dma_wait3A_942 : memref<1015808x64xf32, #tpu.memory_space<hbm>>) dst(%arg11 : memref<128x64xf32, #tpu.memory_space<vmem>>)
    %dma_wait3A_943 = arith.constant 16 : i32
    %dma_wait3A_944 = arith.constant 0 : i32
    %dma_wait3A_945 = tpu.memref_slice %arg10[%dma_wait3A_943, %dma_wait3A_944] : memref<50x128xi32, #tpu.memory_space<vmem>> -> memref<1x128xi32, #tpu.memory_space<vmem>>
    %dma_wait3A_946 = tpu.memref_squeeze %dma_wait3A_945 : memref<1x128xi32, #tpu.memory_space<vmem>> -> memref<128xi32, #tpu.memory_space<vmem>>
    %dma_wait3A_947 = arith.constant 0 : i32
    %dma_wait3A_948 = arith.constant 0 : i32
    %dma_wait3A_949 = tpu.memref_slice %arg4[%dma_wait3A_947, %dma_wait3A_948] : memref<1015808x64xf32, #tpu.memory_space<hbm>> -> memref<1015808x64xf32, #tpu.memory_space<hbm>>
    tpu.wait_indirect_dma semaphore(%arg13 : memref<!tpu.dma_semaphore, #tpu.memory_space<semaphore_mem>>) src(%dma_wait3A_949 : memref<1015808x64xf32, #tpu.memory_space<hbm>>) dst(%arg12 : memref<128x64xf32, #tpu.memory_space<vmem>>)
    %dma_wait3A_950 = arith.constant 17 : i32
    %dma_wait3A_951 = arith.constant 0 : i32
    %dma_wait3A_952 = tpu.memref_slice %arg9[%dma_wait3A_950, %dma_wait3A_951] : memref<50x128xi32, #tpu.memory_space<vmem>> -> memref<1x128xi32, #tpu.memory_space<vmem>>
    %dma_wait3A_953 = tpu.memref_squeeze %dma_wait3A_952 : memref<1x128xi32, #tpu.memory_space<vmem>> -> memref<128xi32, #tpu.memory_space<vmem>>
    %dma_wait3A_954 = arith.constant 0 : i32
    %dma_wait3A_955 = arith.constant 0 : i32
    %dma_wait3A_956 = tpu.memref_slice %arg4[%dma_wait3A_954, %dma_wait3A_955] : memref<1015808x64xf32, #tpu.memory_space<hbm>> -> memref<1015808x64xf32, #tpu.memory_space<hbm>>
    tpu.wait_indirect_dma semaphore(%arg13 : memref<!tpu.dma_semaphore, #tpu.memory_space<semaphore_mem>>) src(%dma_wait3A_956 : memref<1015808x64xf32, #tpu.memory_space<hbm>>) dst(%arg11 : memref<128x64xf32, #tpu.memory_space<vmem>>)
    %dma_wait3A_957 = arith.constant 17 : i32
    %dma_wait3A_958 = arith.constant 0 : i32
    %dma_wait3A_959 = tpu.memref_slice %arg10[%dma_wait3A_957, %dma_wait3A_958] : memref<50x128xi32, #tpu.memory_space<vmem>> -> memref<1x128xi32, #tpu.memory_space<vmem>>
    %dma_wait3A_960 = tpu.memref_squeeze %dma_wait3A_959 : memref<1x128xi32, #tpu.memory_space<vmem>> -> memref<128xi32, #tpu.memory_space<vmem>>
    %dma_wait3A_961 = arith.constant 0 : i32
    %dma_wait3A_962 = arith.constant 0 : i32
    %dma_wait3A_963 = tpu.memref_slice %arg4[%dma_wait3A_961, %dma_wait3A_962] : memref<1015808x64xf32, #tpu.memory_space<hbm>> -> memref<1015808x64xf32, #tpu.memory_space<hbm>>
    tpu.wait_indirect_dma semaphore(%arg13 : memref<!tpu.dma_semaphore, #tpu.memory_space<semaphore_mem>>) src(%dma_wait3A_963 : memref<1015808x64xf32, #tpu.memory_space<hbm>>) dst(%arg12 : memref<128x64xf32, #tpu.memory_space<vmem>>)
    %dma_wait3A_964 = arith.constant 18 : i32
    %dma_wait3A_965 = arith.constant 0 : i32
    %dma_wait3A_966 = tpu.memref_slice %arg9[%dma_wait3A_964, %dma_wait3A_965] : memref<50x128xi32, #tpu.memory_space<vmem>> -> memref<1x128xi32, #tpu.memory_space<vmem>>
    %dma_wait3A_967 = tpu.memref_squeeze %dma_wait3A_966 : memref<1x128xi32, #tpu.memory_space<vmem>> -> memref<128xi32, #tpu.memory_space<vmem>>
    %dma_wait3A_968 = arith.constant 0 : i32
    %dma_wait3A_969 = arith.constant 0 : i32
    %dma_wait3A_970 = tpu.memref_slice %arg4[%dma_wait3A_968, %dma_wait3A_969] : memref<1015808x64xf32, #tpu.memory_space<hbm>> -> memref<1015808x64xf32, #tpu.memory_space<hbm>>
    tpu.wait_indirect_dma semaphore(%arg13 : memref<!tpu.dma_semaphore, #tpu.memory_space<semaphore_mem>>) src(%dma_wait3A_970 : memref<1015808x64xf32, #tpu.memory_space<hbm>>) dst(%arg11 : memref<128x64xf32, #tpu.memory_space<vmem>>)
    %dma_wait3A_971 = arith.constant 18 : i32
    %dma_wait3A_972 = arith.constant 0 : i32
    %dma_wait3A_973 = tpu.memref_slice %arg10[%dma_wait3A_971, %dma_wait3A_972] : memref<50x128xi32, #tpu.memory_space<vmem>> -> memref<1x128xi32, #tpu.memory_space<vmem>>
    %dma_wait3A_974 = tpu.memref_squeeze %dma_wait3A_973 : memref<1x128xi32, #tpu.memory_space<vmem>> -> memref<128xi32, #tpu.memory_space<vmem>>
    %dma_wait3A_975 = arith.constant 0 : i32
    %dma_wait3A_976 = arith.constant 0 : i32
    %dma_wait3A_977 = tpu.memref_slice %arg4[%dma_wait3A_975, %dma_wait3A_976] : memref<1015808x64xf32, #tpu.memory_space<hbm>> -> memref<1015808x64xf32, #tpu.memory_space<hbm>>
    tpu.wait_indirect_dma semaphore(%arg13 : memref<!tpu.dma_semaphore, #tpu.memory_space<semaphore_mem>>) src(%dma_wait3A_977 : memref<1015808x64xf32, #tpu.memory_space<hbm>>) dst(%arg12 : memref<128x64xf32, #tpu.memory_space<vmem>>)
    %dma_wait3A_978 = arith.constant 19 : i32
    %dma_wait3A_979 = arith.constant 0 : i32
    %dma_wait3A_980 = tpu.memref_slice %arg9[%dma_wait3A_978, %dma_wait3A_979] : memref<50x128xi32, #tpu.memory_space<vmem>> -> memref<1x128xi32, #tpu.memory_space<vmem>>
    %dma_wait3A_981 = tpu.memref_squeeze %dma_wait3A_980 : memref<1x128xi32, #tpu.memory_space<vmem>> -> memref<128xi32, #tpu.memory_space<vmem>>
    %dma_wait3A_982 = arith.constant 0 : i32
    %dma_wait3A_983 = arith.constant 0 : i32
    %dma_wait3A_984 = tpu.memref_slice %arg4[%dma_wait3A_982, %dma_wait3A_983] : memref<1015808x64xf32, #tpu.memory_space<hbm>> -> memref<1015808x64xf32, #tpu.memory_space<hbm>>
    tpu.wait_indirect_dma semaphore(%arg13 : memref<!tpu.dma_semaphore, #tpu.memory_space<semaphore_mem>>) src(%dma_wait3A_984 : memref<1015808x64xf32, #tpu.memory_space<hbm>>) dst(%arg11 : memref<128x64xf32, #tpu.memory_space<vmem>>)
    %dma_wait3A_985 = arith.constant 19 : i32
    %dma_wait3A_986 = arith.constant 0 : i32
    %dma_wait3A_987 = tpu.memref_slice %arg10[%dma_wait3A_985, %dma_wait3A_986] : memref<50x128xi32, #tpu.memory_space<vmem>> -> memref<1x128xi32, #tpu.memory_space<vmem>>
    %dma_wait3A_988 = tpu.memref_squeeze %dma_wait3A_987 : memref<1x128xi32, #tpu.memory_space<vmem>> -> memref<128xi32, #tpu.memory_space<vmem>>
    %dma_wait3A_989 = arith.constant 0 : i32
    %dma_wait3A_990 = arith.constant 0 : i32
    %dma_wait3A_991 = tpu.memref_slice %arg4[%dma_wait3A_989, %dma_wait3A_990] : memref<1015808x64xf32, #tpu.memory_space<hbm>> -> memref<1015808x64xf32, #tpu.memory_space<hbm>>
    tpu.wait_indirect_dma semaphore(%arg13 : memref<!tpu.dma_semaphore, #tpu.memory_space<semaphore_mem>>) src(%dma_wait3A_991 : memref<1015808x64xf32, #tpu.memory_space<hbm>>) dst(%arg12 : memref<128x64xf32, #tpu.memory_space<vmem>>)
    %dma_wait3A_992 = arith.constant 20 : i32
    %dma_wait3A_993 = arith.constant 0 : i32
    %dma_wait3A_994 = tpu.memref_slice %arg9[%dma_wait3A_992, %dma_wait3A_993] : memref<50x128xi32, #tpu.memory_space<vmem>> -> memref<1x128xi32, #tpu.memory_space<vmem>>
    %dma_wait3A_995 = tpu.memref_squeeze %dma_wait3A_994 : memref<1x128xi32, #tpu.memory_space<vmem>> -> memref<128xi32, #tpu.memory_space<vmem>>
    %dma_wait3A_996 = arith.constant 0 : i32
    %dma_wait3A_997 = arith.constant 0 : i32
    %dma_wait3A_998 = tpu.memref_slice %arg4[%dma_wait3A_996, %dma_wait3A_997] : memref<1015808x64xf32, #tpu.memory_space<hbm>> -> memref<1015808x64xf32, #tpu.memory_space<hbm>>
    tpu.wait_indirect_dma semaphore(%arg13 : memref<!tpu.dma_semaphore, #tpu.memory_space<semaphore_mem>>) src(%dma_wait3A_998 : memref<1015808x64xf32, #tpu.memory_space<hbm>>) dst(%arg11 : memref<128x64xf32, #tpu.memory_space<vmem>>)
    %dma_wait3A_999 = arith.constant 20 : i32
    %dma_wait3A_1000 = arith.constant 0 : i32
    %dma_wait3A_1001 = tpu.memref_slice %arg10[%dma_wait3A_999, %dma_wait3A_1000] : memref<50x128xi32, #tpu.memory_space<vmem>> -> memref<1x128xi32, #tpu.memory_space<vmem>>
    %dma_wait3A_1002 = tpu.memref_squeeze %dma_wait3A_1001 : memref<1x128xi32, #tpu.memory_space<vmem>> -> memref<128xi32, #tpu.memory_space<vmem>>
    %dma_wait3A_1003 = arith.constant 0 : i32
    %dma_wait3A_1004 = arith.constant 0 : i32
    %dma_wait3A_1005 = tpu.memref_slice %arg4[%dma_wait3A_1003, %dma_wait3A_1004] : memref<1015808x64xf32, #tpu.memory_space<hbm>> -> memref<1015808x64xf32, #tpu.memory_space<hbm>>
    tpu.wait_indirect_dma semaphore(%arg13 : memref<!tpu.dma_semaphore, #tpu.memory_space<semaphore_mem>>) src(%dma_wait3A_1005 : memref<1015808x64xf32, #tpu.memory_space<hbm>>) dst(%arg12 : memref<128x64xf32, #tpu.memory_space<vmem>>)
    %dma_wait3A_1006 = arith.constant 21 : i32
    %dma_wait3A_1007 = arith.constant 0 : i32
    %dma_wait3A_1008 = tpu.memref_slice %arg9[%dma_wait3A_1006, %dma_wait3A_1007] : memref<50x128xi32, #tpu.memory_space<vmem>> -> memref<1x128xi32, #tpu.memory_space<vmem>>
    %dma_wait3A_1009 = tpu.memref_squeeze %dma_wait3A_1008 : memref<1x128xi32, #tpu.memory_space<vmem>> -> memref<128xi32, #tpu.memory_space<vmem>>
    %dma_wait3A_1010 = arith.constant 0 : i32
    %dma_wait3A_1011 = arith.constant 0 : i32
    %dma_wait3A_1012 = tpu.memref_slice %arg4[%dma_wait3A_1010, %dma_wait3A_1011] : memref<1015808x64xf32, #tpu.memory_space<hbm>> -> memref<1015808x64xf32, #tpu.memory_space<hbm>>
    tpu.wait_indirect_dma semaphore(%arg13 : memref<!tpu.dma_semaphore, #tpu.memory_space<semaphore_mem>>) src(%dma_wait3A_1012 : memref<1015808x64xf32, #tpu.memory_space<hbm>>) dst(%arg11 : memref<128x64xf32, #tpu.memory_space<vmem>>)
    %dma_wait3A_1013 = arith.constant 21 : i32
    %dma_wait3A_1014 = arith.constant 0 : i32
    %dma_wait3A_1015 = tpu.memref_slice %arg10[%dma_wait3A_1013, %dma_wait3A_1014] : memref<50x128xi32, #tpu.memory_space<vmem>> -> memref<1x128xi32, #tpu.memory_space<vmem>>
    %dma_wait3A_1016 = tpu.memref_squeeze %dma_wait3A_1015 : memref<1x128xi32, #tpu.memory_space<vmem>> -> memref<128xi32, #tpu.memory_space<vmem>>
    %dma_wait3A_1017 = arith.constant 0 : i32
    %dma_wait3A_1018 = arith.constant 0 : i32
    %dma_wait3A_1019 = tpu.memref_slice %arg4[%dma_wait3A_1017, %dma_wait3A_1018] : memref<1015808x64xf32, #tpu.memory_space<hbm>> -> memref<1015808x64xf32, #tpu.memory_space<hbm>>
    tpu.wait_indirect_dma semaphore(%arg13 : memref<!tpu.dma_semaphore, #tpu.memory_space<semaphore_mem>>) src(%dma_wait3A_1019 : memref<1015808x64xf32, #tpu.memory_space<hbm>>) dst(%arg12 : memref<128x64xf32, #tpu.memory_space<vmem>>)
    %dma_wait3A_1020 = arith.constant 22 : i32
    %dma_wait3A_1021 = arith.constant 0 : i32
    %dma_wait3A_1022 = tpu.memref_slice %arg9[%dma_wait3A_1020, %dma_wait3A_1021] : memref<50x128xi32, #tpu.memory_space<vmem>> -> memref<1x128xi32, #tpu.memory_space<vmem>>
    %dma_wait3A_1023 = tpu.memref_squeeze %dma_wait3A_1022 : memref<1x128xi32, #tpu.memory_space<vmem>> -> memref<128xi32, #tpu.memory_space<vmem>>
    %dma_wait3A_1024 = arith.constant 0 : i32
    %dma_wait3A_1025 = arith.constant 0 : i32
    %dma_wait3A_1026 = tpu.memref_slice %arg4[%dma_wait3A_1024, %dma_wait3A_1025] : memref<1015808x64xf32, #tpu.memory_space<hbm>> -> memref<1015808x64xf32, #tpu.memory_space<hbm>>
    tpu.wait_indirect_dma semaphore(%arg13 : memref<!tpu.dma_semaphore, #tpu.memory_space<semaphore_mem>>) src(%dma_wait3A_1026 : memref<1015808x64xf32, #tpu.memory_space<hbm>>) dst(%arg11 : memref<128x64xf32, #tpu.memory_space<vmem>>)
    %dma_wait3A_1027 = arith.constant 22 : i32
    %dma_wait3A_1028 = arith.constant 0 : i32
    %dma_wait3A_1029 = tpu.memref_slice %arg10[%dma_wait3A_1027, %dma_wait3A_1028] : memref<50x128xi32, #tpu.memory_space<vmem>> -> memref<1x128xi32, #tpu.memory_space<vmem>>
    %dma_wait3A_1030 = tpu.memref_squeeze %dma_wait3A_1029 : memref<1x128xi32, #tpu.memory_space<vmem>> -> memref<128xi32, #tpu.memory_space<vmem>>
    %dma_wait3A_1031 = arith.constant 0 : i32
    %dma_wait3A_1032 = arith.constant 0 : i32
    %dma_wait3A_1033 = tpu.memref_slice %arg4[%dma_wait3A_1031, %dma_wait3A_1032] : memref<1015808x64xf32, #tpu.memory_space<hbm>> -> memref<1015808x64xf32, #tpu.memory_space<hbm>>
    tpu.wait_indirect_dma semaphore(%arg13 : memref<!tpu.dma_semaphore, #tpu.memory_space<semaphore_mem>>) src(%dma_wait3A_1033 : memref<1015808x64xf32, #tpu.memory_space<hbm>>) dst(%arg12 : memref<128x64xf32, #tpu.memory_space<vmem>>)
    %dma_wait3A_1034 = arith.constant 23 : i32
    %dma_wait3A_1035 = arith.constant 0 : i32
    %dma_wait3A_1036 = tpu.memref_slice %arg9[%dma_wait3A_1034, %dma_wait3A_1035] : memref<50x128xi32, #tpu.memory_space<vmem>> -> memref<1x128xi32, #tpu.memory_space<vmem>>
    %dma_wait3A_1037 = tpu.memref_squeeze %dma_wait3A_1036 : memref<1x128xi32, #tpu.memory_space<vmem>> -> memref<128xi32, #tpu.memory_space<vmem>>
    %dma_wait3A_1038 = arith.constant 0 : i32
    %dma_wait3A_1039 = arith.constant 0 : i32
    %dma_wait3A_1040 = tpu.memref_slice %arg4[%dma_wait3A_1038, %dma_wait3A_1039] : memref<1015808x64xf32, #tpu.memory_space<hbm>> -> memref<1015808x64xf32, #tpu.memory_space<hbm>>
    tpu.wait_indirect_dma semaphore(%arg13 : memref<!tpu.dma_semaphore, #tpu.memory_space<semaphore_mem>>) src(%dma_wait3A_1040 : memref<1015808x64xf32, #tpu.memory_space<hbm>>) dst(%arg11 : memref<128x64xf32, #tpu.memory_space<vmem>>)
    %dma_wait3A_1041 = arith.constant 23 : i32
    %dma_wait3A_1042 = arith.constant 0 : i32
    %dma_wait3A_1043 = tpu.memref_slice %arg10[%dma_wait3A_1041, %dma_wait3A_1042] : memref<50x128xi32, #tpu.memory_space<vmem>> -> memref<1x128xi32, #tpu.memory_space<vmem>>
    %dma_wait3A_1044 = tpu.memref_squeeze %dma_wait3A_1043 : memref<1x128xi32, #tpu.memory_space<vmem>> -> memref<128xi32, #tpu.memory_space<vmem>>
    %dma_wait3A_1045 = arith.constant 0 : i32
    %dma_wait3A_1046 = arith.constant 0 : i32
    %dma_wait3A_1047 = tpu.memref_slice %arg4[%dma_wait3A_1045, %dma_wait3A_1046] : memref<1015808x64xf32, #tpu.memory_space<hbm>> -> memref<1015808x64xf32, #tpu.memory_space<hbm>>
    tpu.wait_indirect_dma semaphore(%arg13 : memref<!tpu.dma_semaphore, #tpu.memory_space<semaphore_mem>>) src(%dma_wait3A_1047 : memref<1015808x64xf32, #tpu.memory_space<hbm>>) dst(%arg12 : memref<128x64xf32, #tpu.memory_space<vmem>>)
    %dma_wait3A_1048 = arith.constant 24 : i32
    %dma_wait3A_1049 = arith.constant 0 : i32
    %dma_wait3A_1050 = tpu.memref_slice %arg9[%dma_wait3A_1048, %dma_wait3A_1049] : memref<50x128xi32, #tpu.memory_space<vmem>> -> memref<1x128xi32, #tpu.memory_space<vmem>>
    %dma_wait3A_1051 = tpu.memref_squeeze %dma_wait3A_1050 : memref<1x128xi32, #tpu.memory_space<vmem>> -> memref<128xi32, #tpu.memory_space<vmem>>
    %dma_wait3A_1052 = arith.constant 0 : i32
    %dma_wait3A_1053 = arith.constant 0 : i32
    %dma_wait3A_1054 = tpu.memref_slice %arg4[%dma_wait3A_1052, %dma_wait3A_1053] : memref<1015808x64xf32, #tpu.memory_space<hbm>> -> memref<1015808x64xf32, #tpu.memory_space<hbm>>
    tpu.wait_indirect_dma semaphore(%arg13 : memref<!tpu.dma_semaphore, #tpu.memory_space<semaphore_mem>>) src(%dma_wait3A_1054 : memref<1015808x64xf32, #tpu.memory_space<hbm>>) dst(%arg11 : memref<128x64xf32, #tpu.memory_space<vmem>>)
    %dma_wait3A_1055 = arith.constant 24 : i32
    %dma_wait3A_1056 = arith.constant 0 : i32
    %dma_wait3A_1057 = tpu.memref_slice %arg10[%dma_wait3A_1055, %dma_wait3A_1056] : memref<50x128xi32, #tpu.memory_space<vmem>> -> memref<1x128xi32, #tpu.memory_space<vmem>>
    %dma_wait3A_1058 = tpu.memref_squeeze %dma_wait3A_1057 : memref<1x128xi32, #tpu.memory_space<vmem>> -> memref<128xi32, #tpu.memory_space<vmem>>
    %dma_wait3A_1059 = arith.constant 0 : i32
    %dma_wait3A_1060 = arith.constant 0 : i32
    %dma_wait3A_1061 = tpu.memref_slice %arg4[%dma_wait3A_1059, %dma_wait3A_1060] : memref<1015808x64xf32, #tpu.memory_space<hbm>> -> memref<1015808x64xf32, #tpu.memory_space<hbm>>
    tpu.wait_indirect_dma semaphore(%arg13 : memref<!tpu.dma_semaphore, #tpu.memory_space<semaphore_mem>>) src(%dma_wait3A_1061 : memref<1015808x64xf32, #tpu.memory_space<hbm>>) dst(%arg12 : memref<128x64xf32, #tpu.memory_space<vmem>>)
    %dma_wait3A_1062 = arith.constant 25 : i32
    %dma_wait3A_1063 = arith.constant 0 : i32
    %dma_wait3A_1064 = tpu.memref_slice %arg9[%dma_wait3A_1062, %dma_wait3A_1063] : memref<50x128xi32, #tpu.memory_space<vmem>> -> memref<1x128xi32, #tpu.memory_space<vmem>>
    %dma_wait3A_1065 = tpu.memref_squeeze %dma_wait3A_1064 : memref<1x128xi32, #tpu.memory_space<vmem>> -> memref<128xi32, #tpu.memory_space<vmem>>
    %dma_wait3A_1066 = arith.constant 0 : i32
    %dma_wait3A_1067 = arith.constant 0 : i32
    %dma_wait3A_1068 = tpu.memref_slice %arg4[%dma_wait3A_1066, %dma_wait3A_1067] : memref<1015808x64xf32, #tpu.memory_space<hbm>> -> memref<1015808x64xf32, #tpu.memory_space<hbm>>
    tpu.wait_indirect_dma semaphore(%arg13 : memref<!tpu.dma_semaphore, #tpu.memory_space<semaphore_mem>>) src(%dma_wait3A_1068 : memref<1015808x64xf32, #tpu.memory_space<hbm>>) dst(%arg11 : memref<128x64xf32, #tpu.memory_space<vmem>>)
    %dma_wait3A_1069 = arith.constant 25 : i32
    %dma_wait3A_1070 = arith.constant 0 : i32
    %dma_wait3A_1071 = tpu.memref_slice %arg10[%dma_wait3A_1069, %dma_wait3A_1070] : memref<50x128xi32, #tpu.memory_space<vmem>> -> memref<1x128xi32, #tpu.memory_space<vmem>>
    %dma_wait3A_1072 = tpu.memref_squeeze %dma_wait3A_1071 : memref<1x128xi32, #tpu.memory_space<vmem>> -> memref<128xi32, #tpu.memory_space<vmem>>
    %dma_wait3A_1073 = arith.constant 0 : i32
    %dma_wait3A_1074 = arith.constant 0 : i32
    %dma_wait3A_1075 = tpu.memref_slice %arg4[%dma_wait3A_1073, %dma_wait3A_1074] : memref<1015808x64xf32, #tpu.memory_space<hbm>> -> memref<1015808x64xf32, #tpu.memory_space<hbm>>
    tpu.wait_indirect_dma semaphore(%arg13 : memref<!tpu.dma_semaphore, #tpu.memory_space<semaphore_mem>>) src(%dma_wait3A_1075 : memref<1015808x64xf32, #tpu.memory_space<hbm>>) dst(%arg12 : memref<128x64xf32, #tpu.memory_space<vmem>>)
    %dma_wait3A_1076 = arith.constant 26 : i32
    %dma_wait3A_1077 = arith.constant 0 : i32
    %dma_wait3A_1078 = tpu.memref_slice %arg9[%dma_wait3A_1076, %dma_wait3A_1077] : memref<50x128xi32, #tpu.memory_space<vmem>> -> memref<1x128xi32, #tpu.memory_space<vmem>>
    %dma_wait3A_1079 = tpu.memref_squeeze %dma_wait3A_1078 : memref<1x128xi32, #tpu.memory_space<vmem>> -> memref<128xi32, #tpu.memory_space<vmem>>
    %dma_wait3A_1080 = arith.constant 0 : i32
    %dma_wait3A_1081 = arith.constant 0 : i32
    %dma_wait3A_1082 = tpu.memref_slice %arg4[%dma_wait3A_1080, %dma_wait3A_1081] : memref<1015808x64xf32, #tpu.memory_space<hbm>> -> memref<1015808x64xf32, #tpu.memory_space<hbm>>
    tpu.wait_indirect_dma semaphore(%arg13 : memref<!tpu.dma_semaphore, #tpu.memory_space<semaphore_mem>>) src(%dma_wait3A_1082 : memref<1015808x64xf32, #tpu.memory_space<hbm>>) dst(%arg11 : memref<128x64xf32, #tpu.memory_space<vmem>>)
    %dma_wait3A_1083 = arith.constant 26 : i32
    %dma_wait3A_1084 = arith.constant 0 : i32
    %dma_wait3A_1085 = tpu.memref_slice %arg10[%dma_wait3A_1083, %dma_wait3A_1084] : memref<50x128xi32, #tpu.memory_space<vmem>> -> memref<1x128xi32, #tpu.memory_space<vmem>>
    %dma_wait3A_1086 = tpu.memref_squeeze %dma_wait3A_1085 : memref<1x128xi32, #tpu.memory_space<vmem>> -> memref<128xi32, #tpu.memory_space<vmem>>
    %dma_wait3A_1087 = arith.constant 0 : i32
    %dma_wait3A_1088 = arith.constant 0 : i32
    %dma_wait3A_1089 = tpu.memref_slice %arg4[%dma_wait3A_1087, %dma_wait3A_1088] : memref<1015808x64xf32, #tpu.memory_space<hbm>> -> memref<1015808x64xf32, #tpu.memory_space<hbm>>
    tpu.wait_indirect_dma semaphore(%arg13 : memref<!tpu.dma_semaphore, #tpu.memory_space<semaphore_mem>>) src(%dma_wait3A_1089 : memref<1015808x64xf32, #tpu.memory_space<hbm>>) dst(%arg12 : memref<128x64xf32, #tpu.memory_space<vmem>>)
    %dma_wait3A_1090 = arith.constant 27 : i32
    %dma_wait3A_1091 = arith.constant 0 : i32
    %dma_wait3A_1092 = tpu.memref_slice %arg9[%dma_wait3A_1090, %dma_wait3A_1091] : memref<50x128xi32, #tpu.memory_space<vmem>> -> memref<1x128xi32, #tpu.memory_space<vmem>>
    %dma_wait3A_1093 = tpu.memref_squeeze %dma_wait3A_1092 : memref<1x128xi32, #tpu.memory_space<vmem>> -> memref<128xi32, #tpu.memory_space<vmem>>
    %dma_wait3A_1094 = arith.constant 0 : i32
    %dma_wait3A_1095 = arith.constant 0 : i32
    %dma_wait3A_1096 = tpu.memref_slice %arg4[%dma_wait3A_1094, %dma_wait3A_1095] : memref<1015808x64xf32, #tpu.memory_space<hbm>> -> memref<1015808x64xf32, #tpu.memory_space<hbm>>
    tpu.wait_indirect_dma semaphore(%arg13 : memref<!tpu.dma_semaphore, #tpu.memory_space<semaphore_mem>>) src(%dma_wait3A_1096 : memref<1015808x64xf32, #tpu.memory_space<hbm>>) dst(%arg11 : memref<128x64xf32, #tpu.memory_space<vmem>>)
    %dma_wait3A_1097 = arith.constant 27 : i32
    %dma_wait3A_1098 = arith.constant 0 : i32
    %dma_wait3A_1099 = tpu.memref_slice %arg10[%dma_wait3A_1097, %dma_wait3A_1098] : memref<50x128xi32, #tpu.memory_space<vmem>> -> memref<1x128xi32, #tpu.memory_space<vmem>>
    %dma_wait3A_1100 = tpu.memref_squeeze %dma_wait3A_1099 : memref<1x128xi32, #tpu.memory_space<vmem>> -> memref<128xi32, #tpu.memory_space<vmem>>
    %dma_wait3A_1101 = arith.constant 0 : i32
    %dma_wait3A_1102 = arith.constant 0 : i32
    %dma_wait3A_1103 = tpu.memref_slice %arg4[%dma_wait3A_1101, %dma_wait3A_1102] : memref<1015808x64xf32, #tpu.memory_space<hbm>> -> memref<1015808x64xf32, #tpu.memory_space<hbm>>
    tpu.wait_indirect_dma semaphore(%arg13 : memref<!tpu.dma_semaphore, #tpu.memory_space<semaphore_mem>>) src(%dma_wait3A_1103 : memref<1015808x64xf32, #tpu.memory_space<hbm>>) dst(%arg12 : memref<128x64xf32, #tpu.memory_space<vmem>>)
    %dma_wait3A_1104 = arith.constant 28 : i32
    %dma_wait3A_1105 = arith.constant 0 : i32
    %dma_wait3A_1106 = tpu.memref_slice %arg9[%dma_wait3A_1104, %dma_wait3A_1105] : memref<50x128xi32, #tpu.memory_space<vmem>> -> memref<1x128xi32, #tpu.memory_space<vmem>>
    %dma_wait3A_1107 = tpu.memref_squeeze %dma_wait3A_1106 : memref<1x128xi32, #tpu.memory_space<vmem>> -> memref<128xi32, #tpu.memory_space<vmem>>
    %dma_wait3A_1108 = arith.constant 0 : i32
    %dma_wait3A_1109 = arith.constant 0 : i32
    %dma_wait3A_1110 = tpu.memref_slice %arg4[%dma_wait3A_1108, %dma_wait3A_1109] : memref<1015808x64xf32, #tpu.memory_space<hbm>> -> memref<1015808x64xf32, #tpu.memory_space<hbm>>
    tpu.wait_indirect_dma semaphore(%arg13 : memref<!tpu.dma_semaphore, #tpu.memory_space<semaphore_mem>>) src(%dma_wait3A_1110 : memref<1015808x64xf32, #tpu.memory_space<hbm>>) dst(%arg11 : memref<128x64xf32, #tpu.memory_space<vmem>>)
    %dma_wait3A_1111 = arith.constant 28 : i32
    %dma_wait3A_1112 = arith.constant 0 : i32
    %dma_wait3A_1113 = tpu.memref_slice %arg10[%dma_wait3A_1111, %dma_wait3A_1112] : memref<50x128xi32, #tpu.memory_space<vmem>> -> memref<1x128xi32, #tpu.memory_space<vmem>>
    %dma_wait3A_1114 = tpu.memref_squeeze %dma_wait3A_1113 : memref<1x128xi32, #tpu.memory_space<vmem>> -> memref<128xi32, #tpu.memory_space<vmem>>
    %dma_wait3A_1115 = arith.constant 0 : i32
    %dma_wait3A_1116 = arith.constant 0 : i32
    %dma_wait3A_1117 = tpu.memref_slice %arg4[%dma_wait3A_1115, %dma_wait3A_1116] : memref<1015808x64xf32, #tpu.memory_space<hbm>> -> memref<1015808x64xf32, #tpu.memory_space<hbm>>
    tpu.wait_indirect_dma semaphore(%arg13 : memref<!tpu.dma_semaphore, #tpu.memory_space<semaphore_mem>>) src(%dma_wait3A_1117 : memref<1015808x64xf32, #tpu.memory_space<hbm>>) dst(%arg12 : memref<128x64xf32, #tpu.memory_space<vmem>>)
    %dma_wait3A_1118 = arith.constant 29 : i32
    %dma_wait3A_1119 = arith.constant 0 : i32
    %dma_wait3A_1120 = tpu.memref_slice %arg9[%dma_wait3A_1118, %dma_wait3A_1119] : memref<50x128xi32, #tpu.memory_space<vmem>> -> memref<1x128xi32, #tpu.memory_space<vmem>>
    %dma_wait3A_1121 = tpu.memref_squeeze %dma_wait3A_1120 : memref<1x128xi32, #tpu.memory_space<vmem>> -> memref<128xi32, #tpu.memory_space<vmem>>
    %dma_wait3A_1122 = arith.constant 0 : i32
    %dma_wait3A_1123 = arith.constant 0 : i32
    %dma_wait3A_1124 = tpu.memref_slice %arg4[%dma_wait3A_1122, %dma_wait3A_1123] : memref<1015808x64xf32, #tpu.memory_space<hbm>> -> memref<1015808x64xf32, #tpu.memory_space<hbm>>
    tpu.wait_indirect_dma semaphore(%arg13 : memref<!tpu.dma_semaphore, #tpu.memory_space<semaphore_mem>>) src(%dma_wait3A_1124 : memref<1015808x64xf32, #tpu.memory_space<hbm>>) dst(%arg11 : memref<128x64xf32, #tpu.memory_space<vmem>>)
    %dma_wait3A_1125 = arith.constant 29 : i32
    %dma_wait3A_1126 = arith.constant 0 : i32
    %dma_wait3A_1127 = tpu.memref_slice %arg10[%dma_wait3A_1125, %dma_wait3A_1126] : memref<50x128xi32, #tpu.memory_space<vmem>> -> memref<1x128xi32, #tpu.memory_space<vmem>>
    %dma_wait3A_1128 = tpu.memref_squeeze %dma_wait3A_1127 : memref<1x128xi32, #tpu.memory_space<vmem>> -> memref<128xi32, #tpu.memory_space<vmem>>
    %dma_wait3A_1129 = arith.constant 0 : i32
    %dma_wait3A_1130 = arith.constant 0 : i32
    %dma_wait3A_1131 = tpu.memref_slice %arg4[%dma_wait3A_1129, %dma_wait3A_1130] : memref<1015808x64xf32, #tpu.memory_space<hbm>> -> memref<1015808x64xf32, #tpu.memory_space<hbm>>
    tpu.wait_indirect_dma semaphore(%arg13 : memref<!tpu.dma_semaphore, #tpu.memory_space<semaphore_mem>>) src(%dma_wait3A_1131 : memref<1015808x64xf32, #tpu.memory_space<hbm>>) dst(%arg12 : memref<128x64xf32, #tpu.memory_space<vmem>>)
    %dma_wait3A_1132 = arith.constant 30 : i32
    %dma_wait3A_1133 = arith.constant 0 : i32
    %dma_wait3A_1134 = tpu.memref_slice %arg9[%dma_wait3A_1132, %dma_wait3A_1133] : memref<50x128xi32, #tpu.memory_space<vmem>> -> memref<1x128xi32, #tpu.memory_space<vmem>>
    %dma_wait3A_1135 = tpu.memref_squeeze %dma_wait3A_1134 : memref<1x128xi32, #tpu.memory_space<vmem>> -> memref<128xi32, #tpu.memory_space<vmem>>
    %dma_wait3A_1136 = arith.constant 0 : i32
    %dma_wait3A_1137 = arith.constant 0 : i32
    %dma_wait3A_1138 = tpu.memref_slice %arg4[%dma_wait3A_1136, %dma_wait3A_1137] : memref<1015808x64xf32, #tpu.memory_space<hbm>> -> memref<1015808x64xf32, #tpu.memory_space<hbm>>
    tpu.wait_indirect_dma semaphore(%arg13 : memref<!tpu.dma_semaphore, #tpu.memory_space<semaphore_mem>>) src(%dma_wait3A_1138 : memref<1015808x64xf32, #tpu.memory_space<hbm>>) dst(%arg11 : memref<128x64xf32, #tpu.memory_space<vmem>>)
    %dma_wait3A_1139 = arith.constant 30 : i32
    %dma_wait3A_1140 = arith.constant 0 : i32
    %dma_wait3A_1141 = tpu.memref_slice %arg10[%dma_wait3A_1139, %dma_wait3A_1140] : memref<50x128xi32, #tpu.memory_space<vmem>> -> memref<1x128xi32, #tpu.memory_space<vmem>>
    %dma_wait3A_1142 = tpu.memref_squeeze %dma_wait3A_1141 : memref<1x128xi32, #tpu.memory_space<vmem>> -> memref<128xi32, #tpu.memory_space<vmem>>
    %dma_wait3A_1143 = arith.constant 0 : i32
    %dma_wait3A_1144 = arith.constant 0 : i32
    %dma_wait3A_1145 = tpu.memref_slice %arg4[%dma_wait3A_1143, %dma_wait3A_1144] : memref<1015808x64xf32, #tpu.memory_space<hbm>> -> memref<1015808x64xf32, #tpu.memory_space<hbm>>
    tpu.wait_indirect_dma semaphore(%arg13 : memref<!tpu.dma_semaphore, #tpu.memory_space<semaphore_mem>>) src(%dma_wait3A_1145 : memref<1015808x64xf32, #tpu.memory_space<hbm>>) dst(%arg12 : memref<128x64xf32, #tpu.memory_space<vmem>>)
    %dma_wait3A_1146 = arith.constant 31 : i32
    %dma_wait3A_1147 = arith.constant 0 : i32
    %dma_wait3A_1148 = tpu.memref_slice %arg9[%dma_wait3A_1146, %dma_wait3A_1147] : memref<50x128xi32, #tpu.memory_space<vmem>> -> memref<1x128xi32, #tpu.memory_space<vmem>>
    %dma_wait3A_1149 = tpu.memref_squeeze %dma_wait3A_1148 : memref<1x128xi32, #tpu.memory_space<vmem>> -> memref<128xi32, #tpu.memory_space<vmem>>
    %dma_wait3A_1150 = arith.constant 0 : i32
    %dma_wait3A_1151 = arith.constant 0 : i32
    %dma_wait3A_1152 = tpu.memref_slice %arg4[%dma_wait3A_1150, %dma_wait3A_1151] : memref<1015808x64xf32, #tpu.memory_space<hbm>> -> memref<1015808x64xf32, #tpu.memory_space<hbm>>
    tpu.wait_indirect_dma semaphore(%arg13 : memref<!tpu.dma_semaphore, #tpu.memory_space<semaphore_mem>>) src(%dma_wait3A_1152 : memref<1015808x64xf32, #tpu.memory_space<hbm>>) dst(%arg11 : memref<128x64xf32, #tpu.memory_space<vmem>>)
    %dma_wait3A_1153 = arith.constant 31 : i32
    %dma_wait3A_1154 = arith.constant 0 : i32
    %dma_wait3A_1155 = tpu.memref_slice %arg10[%dma_wait3A_1153, %dma_wait3A_1154] : memref<50x128xi32, #tpu.memory_space<vmem>> -> memref<1x128xi32, #tpu.memory_space<vmem>>
    %dma_wait3A_1156 = tpu.memref_squeeze %dma_wait3A_1155 : memref<1x128xi32, #tpu.memory_space<vmem>> -> memref<128xi32, #tpu.memory_space<vmem>>
    %dma_wait3A_1157 = arith.constant 0 : i32
    %dma_wait3A_1158 = arith.constant 0 : i32
    %dma_wait3A_1159 = tpu.memref_slice %arg4[%dma_wait3A_1157, %dma_wait3A_1158] : memref<1015808x64xf32, #tpu.memory_space<hbm>> -> memref<1015808x64xf32, #tpu.memory_space<hbm>>
    tpu.wait_indirect_dma semaphore(%arg13 : memref<!tpu.dma_semaphore, #tpu.memory_space<semaphore_mem>>) src(%dma_wait3A_1159 : memref<1015808x64xf32, #tpu.memory_space<hbm>>) dst(%arg12 : memref<128x64xf32, #tpu.memory_space<vmem>>)
    %dma_wait3A_1160 = arith.constant 32 : i32
    %dma_wait3A_1161 = arith.constant 0 : i32
    %dma_wait3A_1162 = tpu.memref_slice %arg9[%dma_wait3A_1160, %dma_wait3A_1161] : memref<50x128xi32, #tpu.memory_space<vmem>> -> memref<1x128xi32, #tpu.memory_space<vmem>>
    %dma_wait3A_1163 = tpu.memref_squeeze %dma_wait3A_1162 : memref<1x128xi32, #tpu.memory_space<vmem>> -> memref<128xi32, #tpu.memory_space<vmem>>
    %dma_wait3A_1164 = arith.constant 0 : i32
    %dma_wait3A_1165 = arith.constant 0 : i32
    %dma_wait3A_1166 = tpu.memref_slice %arg4[%dma_wait3A_1164, %dma_wait3A_1165] : memref<1015808x64xf32, #tpu.memory_space<hbm>> -> memref<1015808x64xf32, #tpu.memory_space<hbm>>
    tpu.wait_indirect_dma semaphore(%arg13 : memref<!tpu.dma_semaphore, #tpu.memory_space<semaphore_mem>>) src(%dma_wait3A_1166 : memref<1015808x64xf32, #tpu.memory_space<hbm>>) dst(%arg11 : memref<128x64xf32, #tpu.memory_space<vmem>>)
    %dma_wait3A_1167 = arith.constant 32 : i32
    %dma_wait3A_1168 = arith.constant 0 : i32
    %dma_wait3A_1169 = tpu.memref_slice %arg10[%dma_wait3A_1167, %dma_wait3A_1168] : memref<50x128xi32, #tpu.memory_space<vmem>> -> memref<1x128xi32, #tpu.memory_space<vmem>>
    %dma_wait3A_1170 = tpu.memref_squeeze %dma_wait3A_1169 : memref<1x128xi32, #tpu.memory_space<vmem>> -> memref<128xi32, #tpu.memory_space<vmem>>
    %dma_wait3A_1171 = arith.constant 0 : i32
    %dma_wait3A_1172 = arith.constant 0 : i32
    %dma_wait3A_1173 = tpu.memref_slice %arg4[%dma_wait3A_1171, %dma_wait3A_1172] : memref<1015808x64xf32, #tpu.memory_space<hbm>> -> memref<1015808x64xf32, #tpu.memory_space<hbm>>
    tpu.wait_indirect_dma semaphore(%arg13 : memref<!tpu.dma_semaphore, #tpu.memory_space<semaphore_mem>>) src(%dma_wait3A_1173 : memref<1015808x64xf32, #tpu.memory_space<hbm>>) dst(%arg12 : memref<128x64xf32, #tpu.memory_space<vmem>>)
    %dma_wait3A_1174 = arith.constant 33 : i32
    %dma_wait3A_1175 = arith.constant 0 : i32
    %dma_wait3A_1176 = tpu.memref_slice %arg9[%dma_wait3A_1174, %dma_wait3A_1175] : memref<50x128xi32, #tpu.memory_space<vmem>> -> memref<1x128xi32, #tpu.memory_space<vmem>>
    %dma_wait3A_1177 = tpu.memref_squeeze %dma_wait3A_1176 : memref<1x128xi32, #tpu.memory_space<vmem>> -> memref<128xi32, #tpu.memory_space<vmem>>
    %dma_wait3A_1178 = arith.constant 0 : i32
    %dma_wait3A_1179 = arith.constant 0 : i32
    %dma_wait3A_1180 = tpu.memref_slice %arg4[%dma_wait3A_1178, %dma_wait3A_1179] : memref<1015808x64xf32, #tpu.memory_space<hbm>> -> memref<1015808x64xf32, #tpu.memory_space<hbm>>
    tpu.wait_indirect_dma semaphore(%arg13 : memref<!tpu.dma_semaphore, #tpu.memory_space<semaphore_mem>>) src(%dma_wait3A_1180 : memref<1015808x64xf32, #tpu.memory_space<hbm>>) dst(%arg11 : memref<128x64xf32, #tpu.memory_space<vmem>>)
    %dma_wait3A_1181 = arith.constant 33 : i32
    %dma_wait3A_1182 = arith.constant 0 : i32
    %dma_wait3A_1183 = tpu.memref_slice %arg10[%dma_wait3A_1181, %dma_wait3A_1182] : memref<50x128xi32, #tpu.memory_space<vmem>> -> memref<1x128xi32, #tpu.memory_space<vmem>>
    %dma_wait3A_1184 = tpu.memref_squeeze %dma_wait3A_1183 : memref<1x128xi32, #tpu.memory_space<vmem>> -> memref<128xi32, #tpu.memory_space<vmem>>
    %dma_wait3A_1185 = arith.constant 0 : i32
    %dma_wait3A_1186 = arith.constant 0 : i32
    %dma_wait3A_1187 = tpu.memref_slice %arg4[%dma_wait3A_1185, %dma_wait3A_1186] : memref<1015808x64xf32, #tpu.memory_space<hbm>> -> memref<1015808x64xf32, #tpu.memory_space<hbm>>
    tpu.wait_indirect_dma semaphore(%arg13 : memref<!tpu.dma_semaphore, #tpu.memory_space<semaphore_mem>>) src(%dma_wait3A_1187 : memref<1015808x64xf32, #tpu.memory_space<hbm>>) dst(%arg12 : memref<128x64xf32, #tpu.memory_space<vmem>>)
    %dma_wait3A_1188 = arith.constant 34 : i32
    %dma_wait3A_1189 = arith.constant 0 : i32
    %dma_wait3A_1190 = tpu.memref_slice %arg9[%dma_wait3A_1188, %dma_wait3A_1189] : memref<50x128xi32, #tpu.memory_space<vmem>> -> memref<1x128xi32, #tpu.memory_space<vmem>>
    %dma_wait3A_1191 = tpu.memref_squeeze %dma_wait3A_1190 : memref<1x128xi32, #tpu.memory_space<vmem>> -> memref<128xi32, #tpu.memory_space<vmem>>
    %dma_wait3A_1192 = arith.constant 0 : i32
    %dma_wait3A_1193 = arith.constant 0 : i32
    %dma_wait3A_1194 = tpu.memref_slice %arg4[%dma_wait3A_1192, %dma_wait3A_1193] : memref<1015808x64xf32, #tpu.memory_space<hbm>> -> memref<1015808x64xf32, #tpu.memory_space<hbm>>
    tpu.wait_indirect_dma semaphore(%arg13 : memref<!tpu.dma_semaphore, #tpu.memory_space<semaphore_mem>>) src(%dma_wait3A_1194 : memref<1015808x64xf32, #tpu.memory_space<hbm>>) dst(%arg11 : memref<128x64xf32, #tpu.memory_space<vmem>>)
    %dma_wait3A_1195 = arith.constant 34 : i32
    %dma_wait3A_1196 = arith.constant 0 : i32
    %dma_wait3A_1197 = tpu.memref_slice %arg10[%dma_wait3A_1195, %dma_wait3A_1196] : memref<50x128xi32, #tpu.memory_space<vmem>> -> memref<1x128xi32, #tpu.memory_space<vmem>>
    %dma_wait3A_1198 = tpu.memref_squeeze %dma_wait3A_1197 : memref<1x128xi32, #tpu.memory_space<vmem>> -> memref<128xi32, #tpu.memory_space<vmem>>
    %dma_wait3A_1199 = arith.constant 0 : i32
    %dma_wait3A_1200 = arith.constant 0 : i32
    %dma_wait3A_1201 = tpu.memref_slice %arg4[%dma_wait3A_1199, %dma_wait3A_1200] : memref<1015808x64xf32, #tpu.memory_space<hbm>> -> memref<1015808x64xf32, #tpu.memory_space<hbm>>
    tpu.wait_indirect_dma semaphore(%arg13 : memref<!tpu.dma_semaphore, #tpu.memory_space<semaphore_mem>>) src(%dma_wait3A_1201 : memref<1015808x64xf32, #tpu.memory_space<hbm>>) dst(%arg12 : memref<128x64xf32, #tpu.memory_space<vmem>>)
    %dma_wait3A_1202 = arith.constant 35 : i32
    %dma_wait3A_1203 = arith.constant 0 : i32
    %dma_wait3A_1204 = tpu.memref_slice %arg9[%dma_wait3A_1202, %dma_wait3A_1203] : memref<50x128xi32, #tpu.memory_space<vmem>> -> memref<1x128xi32, #tpu.memory_space<vmem>>
    %dma_wait3A_1205 = tpu.memref_squeeze %dma_wait3A_1204 : memref<1x128xi32, #tpu.memory_space<vmem>> -> memref<128xi32, #tpu.memory_space<vmem>>
    %dma_wait3A_1206 = arith.constant 0 : i32
    %dma_wait3A_1207 = arith.constant 0 : i32
    %dma_wait3A_1208 = tpu.memref_slice %arg4[%dma_wait3A_1206, %dma_wait3A_1207] : memref<1015808x64xf32, #tpu.memory_space<hbm>> -> memref<1015808x64xf32, #tpu.memory_space<hbm>>
    tpu.wait_indirect_dma semaphore(%arg13 : memref<!tpu.dma_semaphore, #tpu.memory_space<semaphore_mem>>) src(%dma_wait3A_1208 : memref<1015808x64xf32, #tpu.memory_space<hbm>>) dst(%arg11 : memref<128x64xf32, #tpu.memory_space<vmem>>)
    %dma_wait3A_1209 = arith.constant 35 : i32
    %dma_wait3A_1210 = arith.constant 0 : i32
    %dma_wait3A_1211 = tpu.memref_slice %arg10[%dma_wait3A_1209, %dma_wait3A_1210] : memref<50x128xi32, #tpu.memory_space<vmem>> -> memref<1x128xi32, #tpu.memory_space<vmem>>
    %dma_wait3A_1212 = tpu.memref_squeeze %dma_wait3A_1211 : memref<1x128xi32, #tpu.memory_space<vmem>> -> memref<128xi32, #tpu.memory_space<vmem>>
    %dma_wait3A_1213 = arith.constant 0 : i32
    %dma_wait3A_1214 = arith.constant 0 : i32
    %dma_wait3A_1215 = tpu.memref_slice %arg4[%dma_wait3A_1213, %dma_wait3A_1214] : memref<1015808x64xf32, #tpu.memory_space<hbm>> -> memref<1015808x64xf32, #tpu.memory_space<hbm>>
    tpu.wait_indirect_dma semaphore(%arg13 : memref<!tpu.dma_semaphore, #tpu.memory_space<semaphore_mem>>) src(%dma_wait3A_1215 : memref<1015808x64xf32, #tpu.memory_space<hbm>>) dst(%arg12 : memref<128x64xf32, #tpu.memory_space<vmem>>)
    %dma_wait3A_1216 = arith.constant 36 : i32
    %dma_wait3A_1217 = arith.constant 0 : i32
    %dma_wait3A_1218 = tpu.memref_slice %arg9[%dma_wait3A_1216, %dma_wait3A_1217] : memref<50x128xi32, #tpu.memory_space<vmem>> -> memref<1x128xi32, #tpu.memory_space<vmem>>
    %dma_wait3A_1219 = tpu.memref_squeeze %dma_wait3A_1218 : memref<1x128xi32, #tpu.memory_space<vmem>> -> memref<128xi32, #tpu.memory_space<vmem>>
    %dma_wait3A_1220 = arith.constant 0 : i32
    %dma_wait3A_1221 = arith.constant 0 : i32
    %dma_wait3A_1222 = tpu.memref_slice %arg4[%dma_wait3A_1220, %dma_wait3A_1221] : memref<1015808x64xf32, #tpu.memory_space<hbm>> -> memref<1015808x64xf32, #tpu.memory_space<hbm>>
    tpu.wait_indirect_dma semaphore(%arg13 : memref<!tpu.dma_semaphore, #tpu.memory_space<semaphore_mem>>) src(%dma_wait3A_1222 : memref<1015808x64xf32, #tpu.memory_space<hbm>>) dst(%arg11 : memref<128x64xf32, #tpu.memory_space<vmem>>)
    %dma_wait3A_1223 = arith.constant 36 : i32
    %dma_wait3A_1224 = arith.constant 0 : i32
    %dma_wait3A_1225 = tpu.memref_slice %arg10[%dma_wait3A_1223, %dma_wait3A_1224] : memref<50x128xi32, #tpu.memory_space<vmem>> -> memref<1x128xi32, #tpu.memory_space<vmem>>
    %dma_wait3A_1226 = tpu.memref_squeeze %dma_wait3A_1225 : memref<1x128xi32, #tpu.memory_space<vmem>> -> memref<128xi32, #tpu.memory_space<vmem>>
    %dma_wait3A_1227 = arith.constant 0 : i32
    %dma_wait3A_1228 = arith.constant 0 : i32
    %dma_wait3A_1229 = tpu.memref_slice %arg4[%dma_wait3A_1227, %dma_wait3A_1228] : memref<1015808x64xf32, #tpu.memory_space<hbm>> -> memref<1015808x64xf32, #tpu.memory_space<hbm>>
    tpu.wait_indirect_dma semaphore(%arg13 : memref<!tpu.dma_semaphore, #tpu.memory_space<semaphore_mem>>) src(%dma_wait3A_1229 : memref<1015808x64xf32, #tpu.memory_space<hbm>>) dst(%arg12 : memref<128x64xf32, #tpu.memory_space<vmem>>)
    %dma_wait3A_1230 = arith.constant 37 : i32
    %dma_wait3A_1231 = arith.constant 0 : i32
    %dma_wait3A_1232 = tpu.memref_slice %arg9[%dma_wait3A_1230, %dma_wait3A_1231] : memref<50x128xi32, #tpu.memory_space<vmem>> -> memref<1x128xi32, #tpu.memory_space<vmem>>
    %dma_wait3A_1233 = tpu.memref_squeeze %dma_wait3A_1232 : memref<1x128xi32, #tpu.memory_space<vmem>> -> memref<128xi32, #tpu.memory_space<vmem>>
    %dma_wait3A_1234 = arith.constant 0 : i32
    %dma_wait3A_1235 = arith.constant 0 : i32
    %dma_wait3A_1236 = tpu.memref_slice %arg4[%dma_wait3A_1234, %dma_wait3A_1235] : memref<1015808x64xf32, #tpu.memory_space<hbm>> -> memref<1015808x64xf32, #tpu.memory_space<hbm>>
    tpu.wait_indirect_dma semaphore(%arg13 : memref<!tpu.dma_semaphore, #tpu.memory_space<semaphore_mem>>) src(%dma_wait3A_1236 : memref<1015808x64xf32, #tpu.memory_space<hbm>>) dst(%arg11 : memref<128x64xf32, #tpu.memory_space<vmem>>)
    %dma_wait3A_1237 = arith.constant 37 : i32
    %dma_wait3A_1238 = arith.constant 0 : i32
    %dma_wait3A_1239 = tpu.memref_slice %arg10[%dma_wait3A_1237, %dma_wait3A_1238] : memref<50x128xi32, #tpu.memory_space<vmem>> -> memref<1x128xi32, #tpu.memory_space<vmem>>
    %dma_wait3A_1240 = tpu.memref_squeeze %dma_wait3A_1239 : memref<1x128xi32, #tpu.memory_space<vmem>> -> memref<128xi32, #tpu.memory_space<vmem>>
    %dma_wait3A_1241 = arith.constant 0 : i32
    %dma_wait3A_1242 = arith.constant 0 : i32
    %dma_wait3A_1243 = tpu.memref_slice %arg4[%dma_wait3A_1241, %dma_wait3A_1242] : memref<1015808x64xf32, #tpu.memory_space<hbm>> -> memref<1015808x64xf32, #tpu.memory_space<hbm>>
    tpu.wait_indirect_dma semaphore(%arg13 : memref<!tpu.dma_semaphore, #tpu.memory_space<semaphore_mem>>) src(%dma_wait3A_1243 : memref<1015808x64xf32, #tpu.memory_space<hbm>>) dst(%arg12 : memref<128x64xf32, #tpu.memory_space<vmem>>)
    %dma_wait3A_1244 = arith.constant 38 : i32
    %dma_wait3A_1245 = arith.constant 0 : i32
    %dma_wait3A_1246 = tpu.memref_slice %arg9[%dma_wait3A_1244, %dma_wait3A_1245] : memref<50x128xi32, #tpu.memory_space<vmem>> -> memref<1x128xi32, #tpu.memory_space<vmem>>
    %dma_wait3A_1247 = tpu.memref_squeeze %dma_wait3A_1246 : memref<1x128xi32, #tpu.memory_space<vmem>> -> memref<128xi32, #tpu.memory_space<vmem>>
    %dma_wait3A_1248 = arith.constant 0 : i32
    %dma_wait3A_1249 = arith.constant 0 : i32
    %dma_wait3A_1250 = tpu.memref_slice %arg4[%dma_wait3A_1248, %dma_wait3A_1249] : memref<1015808x64xf32, #tpu.memory_space<hbm>> -> memref<1015808x64xf32, #tpu.memory_space<hbm>>
    tpu.wait_indirect_dma semaphore(%arg13 : memref<!tpu.dma_semaphore, #tpu.memory_space<semaphore_mem>>) src(%dma_wait3A_1250 : memref<1015808x64xf32, #tpu.memory_space<hbm>>) dst(%arg11 : memref<128x64xf32, #tpu.memory_space<vmem>>)
    %dma_wait3A_1251 = arith.constant 38 : i32
    %dma_wait3A_1252 = arith.constant 0 : i32
    %dma_wait3A_1253 = tpu.memref_slice %arg10[%dma_wait3A_1251, %dma_wait3A_1252] : memref<50x128xi32, #tpu.memory_space<vmem>> -> memref<1x128xi32, #tpu.memory_space<vmem>>
    %dma_wait3A_1254 = tpu.memref_squeeze %dma_wait3A_1253 : memref<1x128xi32, #tpu.memory_space<vmem>> -> memref<128xi32, #tpu.memory_space<vmem>>
    %dma_wait3A_1255 = arith.constant 0 : i32
    %dma_wait3A_1256 = arith.constant 0 : i32
    %dma_wait3A_1257 = tpu.memref_slice %arg4[%dma_wait3A_1255, %dma_wait3A_1256] : memref<1015808x64xf32, #tpu.memory_space<hbm>> -> memref<1015808x64xf32, #tpu.memory_space<hbm>>
    tpu.wait_indirect_dma semaphore(%arg13 : memref<!tpu.dma_semaphore, #tpu.memory_space<semaphore_mem>>) src(%dma_wait3A_1257 : memref<1015808x64xf32, #tpu.memory_space<hbm>>) dst(%arg12 : memref<128x64xf32, #tpu.memory_space<vmem>>)
    %dma_wait3A_1258 = arith.constant 39 : i32
    %dma_wait3A_1259 = arith.constant 0 : i32
    %dma_wait3A_1260 = tpu.memref_slice %arg9[%dma_wait3A_1258, %dma_wait3A_1259] : memref<50x128xi32, #tpu.memory_space<vmem>> -> memref<1x128xi32, #tpu.memory_space<vmem>>
    %dma_wait3A_1261 = tpu.memref_squeeze %dma_wait3A_1260 : memref<1x128xi32, #tpu.memory_space<vmem>> -> memref<128xi32, #tpu.memory_space<vmem>>
    %dma_wait3A_1262 = arith.constant 0 : i32
    %dma_wait3A_1263 = arith.constant 0 : i32
    %dma_wait3A_1264 = tpu.memref_slice %arg4[%dma_wait3A_1262, %dma_wait3A_1263] : memref<1015808x64xf32, #tpu.memory_space<hbm>> -> memref<1015808x64xf32, #tpu.memory_space<hbm>>
    tpu.wait_indirect_dma semaphore(%arg13 : memref<!tpu.dma_semaphore, #tpu.memory_space<semaphore_mem>>) src(%dma_wait3A_1264 : memref<1015808x64xf32, #tpu.memory_space<hbm>>) dst(%arg11 : memref<128x64xf32, #tpu.memory_space<vmem>>)
    %dma_wait3A_1265 = arith.constant 39 : i32
    %dma_wait3A_1266 = arith.constant 0 : i32
    %dma_wait3A_1267 = tpu.memref_slice %arg10[%dma_wait3A_1265, %dma_wait3A_1266] : memref<50x128xi32, #tpu.memory_space<vmem>> -> memref<1x128xi32, #tpu.memory_space<vmem>>
    %dma_wait3A_1268 = tpu.memref_squeeze %dma_wait3A_1267 : memref<1x128xi32, #tpu.memory_space<vmem>> -> memref<128xi32, #tpu.memory_space<vmem>>
    %dma_wait3A_1269 = arith.constant 0 : i32
    %dma_wait3A_1270 = arith.constant 0 : i32
    %dma_wait3A_1271 = tpu.memref_slice %arg4[%dma_wait3A_1269, %dma_wait3A_1270] : memref<1015808x64xf32, #tpu.memory_space<hbm>> -> memref<1015808x64xf32, #tpu.memory_space<hbm>>
    tpu.wait_indirect_dma semaphore(%arg13 : memref<!tpu.dma_semaphore, #tpu.memory_space<semaphore_mem>>) src(%dma_wait3A_1271 : memref<1015808x64xf32, #tpu.memory_space<hbm>>) dst(%arg12 : memref<128x64xf32, #tpu.memory_space<vmem>>)
    %dma_wait3A_1272 = arith.constant 40 : i32
    %dma_wait3A_1273 = arith.constant 0 : i32
    %dma_wait3A_1274 = tpu.memref_slice %arg9[%dma_wait3A_1272, %dma_wait3A_1273] : memref<50x128xi32, #tpu.memory_space<vmem>> -> memref<1x128xi32, #tpu.memory_space<vmem>>
    %dma_wait3A_1275 = tpu.memref_squeeze %dma_wait3A_1274 : memref<1x128xi32, #tpu.memory_space<vmem>> -> memref<128xi32, #tpu.memory_space<vmem>>
    %dma_wait3A_1276 = arith.constant 0 : i32
    %dma_wait3A_1277 = arith.constant 0 : i32
    %dma_wait3A_1278 = tpu.memref_slice %arg4[%dma_wait3A_1276, %dma_wait3A_1277] : memref<1015808x64xf32, #tpu.memory_space<hbm>> -> memref<1015808x64xf32, #tpu.memory_space<hbm>>
    tpu.wait_indirect_dma semaphore(%arg13 : memref<!tpu.dma_semaphore, #tpu.memory_space<semaphore_mem>>) src(%dma_wait3A_1278 : memref<1015808x64xf32, #tpu.memory_space<hbm>>) dst(%arg11 : memref<128x64xf32, #tpu.memory_space<vmem>>)
    %dma_wait3A_1279 = arith.constant 40 : i32
    %dma_wait3A_1280 = arith.constant 0 : i32
    %dma_wait3A_1281 = tpu.memref_slice %arg10[%dma_wait3A_1279, %dma_wait3A_1280] : memref<50x128xi32, #tpu.memory_space<vmem>> -> memref<1x128xi32, #tpu.memory_space<vmem>>
    %dma_wait3A_1282 = tpu.memref_squeeze %dma_wait3A_1281 : memref<1x128xi32, #tpu.memory_space<vmem>> -> memref<128xi32, #tpu.memory_space<vmem>>
    %dma_wait3A_1283 = arith.constant 0 : i32
    %dma_wait3A_1284 = arith.constant 0 : i32
    %dma_wait3A_1285 = tpu.memref_slice %arg4[%dma_wait3A_1283, %dma_wait3A_1284] : memref<1015808x64xf32, #tpu.memory_space<hbm>> -> memref<1015808x64xf32, #tpu.memory_space<hbm>>
    tpu.wait_indirect_dma semaphore(%arg13 : memref<!tpu.dma_semaphore, #tpu.memory_space<semaphore_mem>>) src(%dma_wait3A_1285 : memref<1015808x64xf32, #tpu.memory_space<hbm>>) dst(%arg12 : memref<128x64xf32, #tpu.memory_space<vmem>>)
    %dma_wait3A_1286 = arith.constant 41 : i32
    %dma_wait3A_1287 = arith.constant 0 : i32
    %dma_wait3A_1288 = tpu.memref_slice %arg9[%dma_wait3A_1286, %dma_wait3A_1287] : memref<50x128xi32, #tpu.memory_space<vmem>> -> memref<1x128xi32, #tpu.memory_space<vmem>>
    %dma_wait3A_1289 = tpu.memref_squeeze %dma_wait3A_1288 : memref<1x128xi32, #tpu.memory_space<vmem>> -> memref<128xi32, #tpu.memory_space<vmem>>
    %dma_wait3A_1290 = arith.constant 0 : i32
    %dma_wait3A_1291 = arith.constant 0 : i32
    %dma_wait3A_1292 = tpu.memref_slice %arg4[%dma_wait3A_1290, %dma_wait3A_1291] : memref<1015808x64xf32, #tpu.memory_space<hbm>> -> memref<1015808x64xf32, #tpu.memory_space<hbm>>
    tpu.wait_indirect_dma semaphore(%arg13 : memref<!tpu.dma_semaphore, #tpu.memory_space<semaphore_mem>>) src(%dma_wait3A_1292 : memref<1015808x64xf32, #tpu.memory_space<hbm>>) dst(%arg11 : memref<128x64xf32, #tpu.memory_space<vmem>>)
    %dma_wait3A_1293 = arith.constant 41 : i32
    %dma_wait3A_1294 = arith.constant 0 : i32
    %dma_wait3A_1295 = tpu.memref_slice %arg10[%dma_wait3A_1293, %dma_wait3A_1294] : memref<50x128xi32, #tpu.memory_space<vmem>> -> memref<1x128xi32, #tpu.memory_space<vmem>>
    %dma_wait3A_1296 = tpu.memref_squeeze %dma_wait3A_1295 : memref<1x128xi32, #tpu.memory_space<vmem>> -> memref<128xi32, #tpu.memory_space<vmem>>
    %dma_wait3A_1297 = arith.constant 0 : i32
    %dma_wait3A_1298 = arith.constant 0 : i32
    %dma_wait3A_1299 = tpu.memref_slice %arg4[%dma_wait3A_1297, %dma_wait3A_1298] : memref<1015808x64xf32, #tpu.memory_space<hbm>> -> memref<1015808x64xf32, #tpu.memory_space<hbm>>
    tpu.wait_indirect_dma semaphore(%arg13 : memref<!tpu.dma_semaphore, #tpu.memory_space<semaphore_mem>>) src(%dma_wait3A_1299 : memref<1015808x64xf32, #tpu.memory_space<hbm>>) dst(%arg12 : memref<128x64xf32, #tpu.memory_space<vmem>>)
    %dma_wait3A_1300 = arith.constant 42 : i32
    %dma_wait3A_1301 = arith.constant 0 : i32
    %dma_wait3A_1302 = tpu.memref_slice %arg9[%dma_wait3A_1300, %dma_wait3A_1301] : memref<50x128xi32, #tpu.memory_space<vmem>> -> memref<1x128xi32, #tpu.memory_space<vmem>>
    %dma_wait3A_1303 = tpu.memref_squeeze %dma_wait3A_1302 : memref<1x128xi32, #tpu.memory_space<vmem>> -> memref<128xi32, #tpu.memory_space<vmem>>
    %dma_wait3A_1304 = arith.constant 0 : i32
    %dma_wait3A_1305 = arith.constant 0 : i32
    %dma_wait3A_1306 = tpu.memref_slice %arg4[%dma_wait3A_1304, %dma_wait3A_1305] : memref<1015808x64xf32, #tpu.memory_space<hbm>> -> memref<1015808x64xf32, #tpu.memory_space<hbm>>
    tpu.wait_indirect_dma semaphore(%arg13 : memref<!tpu.dma_semaphore, #tpu.memory_space<semaphore_mem>>) src(%dma_wait3A_1306 : memref<1015808x64xf32, #tpu.memory_space<hbm>>) dst(%arg11 : memref<128x64xf32, #tpu.memory_space<vmem>>)
    %dma_wait3A_1307 = arith.constant 42 : i32
    %dma_wait3A_1308 = arith.constant 0 : i32
    %dma_wait3A_1309 = tpu.memref_slice %arg10[%dma_wait3A_1307, %dma_wait3A_1308] : memref<50x128xi32, #tpu.memory_space<vmem>> -> memref<1x128xi32, #tpu.memory_space<vmem>>
    %dma_wait3A_1310 = tpu.memref_squeeze %dma_wait3A_1309 : memref<1x128xi32, #tpu.memory_space<vmem>> -> memref<128xi32, #tpu.memory_space<vmem>>
    %dma_wait3A_1311 = arith.constant 0 : i32
    %dma_wait3A_1312 = arith.constant 0 : i32
    %dma_wait3A_1313 = tpu.memref_slice %arg4[%dma_wait3A_1311, %dma_wait3A_1312] : memref<1015808x64xf32, #tpu.memory_space<hbm>> -> memref<1015808x64xf32, #tpu.memory_space<hbm>>
    tpu.wait_indirect_dma semaphore(%arg13 : memref<!tpu.dma_semaphore, #tpu.memory_space<semaphore_mem>>) src(%dma_wait3A_1313 : memref<1015808x64xf32, #tpu.memory_space<hbm>>) dst(%arg12 : memref<128x64xf32, #tpu.memory_space<vmem>>)
    %dma_wait3A_1314 = arith.constant 43 : i32
    %dma_wait3A_1315 = arith.constant 0 : i32
    %dma_wait3A_1316 = tpu.memref_slice %arg9[%dma_wait3A_1314, %dma_wait3A_1315] : memref<50x128xi32, #tpu.memory_space<vmem>> -> memref<1x128xi32, #tpu.memory_space<vmem>>
    %dma_wait3A_1317 = tpu.memref_squeeze %dma_wait3A_1316 : memref<1x128xi32, #tpu.memory_space<vmem>> -> memref<128xi32, #tpu.memory_space<vmem>>
    %dma_wait3A_1318 = arith.constant 0 : i32
    %dma_wait3A_1319 = arith.constant 0 : i32
    %dma_wait3A_1320 = tpu.memref_slice %arg4[%dma_wait3A_1318, %dma_wait3A_1319] : memref<1015808x64xf32, #tpu.memory_space<hbm>> -> memref<1015808x64xf32, #tpu.memory_space<hbm>>
    tpu.wait_indirect_dma semaphore(%arg13 : memref<!tpu.dma_semaphore, #tpu.memory_space<semaphore_mem>>) src(%dma_wait3A_1320 : memref<1015808x64xf32, #tpu.memory_space<hbm>>) dst(%arg11 : memref<128x64xf32, #tpu.memory_space<vmem>>)
    %dma_wait3A_1321 = arith.constant 43 : i32
    %dma_wait3A_1322 = arith.constant 0 : i32
    %dma_wait3A_1323 = tpu.memref_slice %arg10[%dma_wait3A_1321, %dma_wait3A_1322] : memref<50x128xi32, #tpu.memory_space<vmem>> -> memref<1x128xi32, #tpu.memory_space<vmem>>
    %dma_wait3A_1324 = tpu.memref_squeeze %dma_wait3A_1323 : memref<1x128xi32, #tpu.memory_space<vmem>> -> memref<128xi32, #tpu.memory_space<vmem>>
    %dma_wait3A_1325 = arith.constant 0 : i32
    %dma_wait3A_1326 = arith.constant 0 : i32
    %dma_wait3A_1327 = tpu.memref_slice %arg4[%dma_wait3A_1325, %dma_wait3A_1326] : memref<1015808x64xf32, #tpu.memory_space<hbm>> -> memref<1015808x64xf32, #tpu.memory_space<hbm>>
    tpu.wait_indirect_dma semaphore(%arg13 : memref<!tpu.dma_semaphore, #tpu.memory_space<semaphore_mem>>) src(%dma_wait3A_1327 : memref<1015808x64xf32, #tpu.memory_space<hbm>>) dst(%arg12 : memref<128x64xf32, #tpu.memory_space<vmem>>)
    %dma_wait3A_1328 = arith.constant 44 : i32
    %dma_wait3A_1329 = arith.constant 0 : i32
    %dma_wait3A_1330 = tpu.memref_slice %arg9[%dma_wait3A_1328, %dma_wait3A_1329] : memref<50x128xi32, #tpu.memory_space<vmem>> -> memref<1x128xi32, #tpu.memory_space<vmem>>
    %dma_wait3A_1331 = tpu.memref_squeeze %dma_wait3A_1330 : memref<1x128xi32, #tpu.memory_space<vmem>> -> memref<128xi32, #tpu.memory_space<vmem>>
    %dma_wait3A_1332 = arith.constant 0 : i32
    %dma_wait3A_1333 = arith.constant 0 : i32
    %dma_wait3A_1334 = tpu.memref_slice %arg4[%dma_wait3A_1332, %dma_wait3A_1333] : memref<1015808x64xf32, #tpu.memory_space<hbm>> -> memref<1015808x64xf32, #tpu.memory_space<hbm>>
    tpu.wait_indirect_dma semaphore(%arg13 : memref<!tpu.dma_semaphore, #tpu.memory_space<semaphore_mem>>) src(%dma_wait3A_1334 : memref<1015808x64xf32, #tpu.memory_space<hbm>>) dst(%arg11 : memref<128x64xf32, #tpu.memory_space<vmem>>)
    %dma_wait3A_1335 = arith.constant 44 : i32
    %dma_wait3A_1336 = arith.constant 0 : i32
    %dma_wait3A_1337 = tpu.memref_slice %arg10[%dma_wait3A_1335, %dma_wait3A_1336] : memref<50x128xi32, #tpu.memory_space<vmem>> -> memref<1x128xi32, #tpu.memory_space<vmem>>
    %dma_wait3A_1338 = tpu.memref_squeeze %dma_wait3A_1337 : memref<1x128xi32, #tpu.memory_space<vmem>> -> memref<128xi32, #tpu.memory_space<vmem>>
    %dma_wait3A_1339 = arith.constant 0 : i32
    %dma_wait3A_1340 = arith.constant 0 : i32
    %dma_wait3A_1341 = tpu.memref_slice %arg4[%dma_wait3A_1339, %dma_wait3A_1340] : memref<1015808x64xf32, #tpu.memory_space<hbm>> -> memref<1015808x64xf32, #tpu.memory_space<hbm>>
    tpu.wait_indirect_dma semaphore(%arg13 : memref<!tpu.dma_semaphore, #tpu.memory_space<semaphore_mem>>) src(%dma_wait3A_1341 : memref<1015808x64xf32, #tpu.memory_space<hbm>>) dst(%arg12 : memref<128x64xf32, #tpu.memory_space<vmem>>)
    %dma_wait3A_1342 = arith.constant 45 : i32
    %dma_wait3A_1343 = arith.constant 0 : i32
    %dma_wait3A_1344 = tpu.memref_slice %arg9[%dma_wait3A_1342, %dma_wait3A_1343] : memref<50x128xi32, #tpu.memory_space<vmem>> -> memref<1x128xi32, #tpu.memory_space<vmem>>
    %dma_wait3A_1345 = tpu.memref_squeeze %dma_wait3A_1344 : memref<1x128xi32, #tpu.memory_space<vmem>> -> memref<128xi32, #tpu.memory_space<vmem>>
    %dma_wait3A_1346 = arith.constant 0 : i32
    %dma_wait3A_1347 = arith.constant 0 : i32
    %dma_wait3A_1348 = tpu.memref_slice %arg4[%dma_wait3A_1346, %dma_wait3A_1347] : memref<1015808x64xf32, #tpu.memory_space<hbm>> -> memref<1015808x64xf32, #tpu.memory_space<hbm>>
    tpu.wait_indirect_dma semaphore(%arg13 : memref<!tpu.dma_semaphore, #tpu.memory_space<semaphore_mem>>) src(%dma_wait3A_1348 : memref<1015808x64xf32, #tpu.memory_space<hbm>>) dst(%arg11 : memref<128x64xf32, #tpu.memory_space<vmem>>)
    %dma_wait3A_1349 = arith.constant 45 : i32
    %dma_wait3A_1350 = arith.constant 0 : i32
    %dma_wait3A_1351 = tpu.memref_slice %arg10[%dma_wait3A_1349, %dma_wait3A_1350] : memref<50x128xi32, #tpu.memory_space<vmem>> -> memref<1x128xi32, #tpu.memory_space<vmem>>
    %dma_wait3A_1352 = tpu.memref_squeeze %dma_wait3A_1351 : memref<1x128xi32, #tpu.memory_space<vmem>> -> memref<128xi32, #tpu.memory_space<vmem>>
    %dma_wait3A_1353 = arith.constant 0 : i32
    %dma_wait3A_1354 = arith.constant 0 : i32
    %dma_wait3A_1355 = tpu.memref_slice %arg4[%dma_wait3A_1353, %dma_wait3A_1354] : memref<1015808x64xf32, #tpu.memory_space<hbm>> -> memref<1015808x64xf32, #tpu.memory_space<hbm>>
    tpu.wait_indirect_dma semaphore(%arg13 : memref<!tpu.dma_semaphore, #tpu.memory_space<semaphore_mem>>) src(%dma_wait3A_1355 : memref<1015808x64xf32, #tpu.memory_space<hbm>>) dst(%arg12 : memref<128x64xf32, #tpu.memory_space<vmem>>)
    %dma_wait3A_1356 = arith.constant 46 : i32
    %dma_wait3A_1357 = arith.constant 0 : i32
    %dma_wait3A_1358 = tpu.memref_slice %arg9[%dma_wait3A_1356, %dma_wait3A_1357] : memref<50x128xi32, #tpu.memory_space<vmem>> -> memref<1x128xi32, #tpu.memory_space<vmem>>
    %dma_wait3A_1359 = tpu.memref_squeeze %dma_wait3A_1358 : memref<1x128xi32, #tpu.memory_space<vmem>> -> memref<128xi32, #tpu.memory_space<vmem>>
    %dma_wait3A_1360 = arith.constant 0 : i32
    %dma_wait3A_1361 = arith.constant 0 : i32
    %dma_wait3A_1362 = tpu.memref_slice %arg4[%dma_wait3A_1360, %dma_wait3A_1361] : memref<1015808x64xf32, #tpu.memory_space<hbm>> -> memref<1015808x64xf32, #tpu.memory_space<hbm>>
    tpu.wait_indirect_dma semaphore(%arg13 : memref<!tpu.dma_semaphore, #tpu.memory_space<semaphore_mem>>) src(%dma_wait3A_1362 : memref<1015808x64xf32, #tpu.memory_space<hbm>>) dst(%arg11 : memref<128x64xf32, #tpu.memory_space<vmem>>)
    %dma_wait3A_1363 = arith.constant 46 : i32
    %dma_wait3A_1364 = arith.constant 0 : i32
    %dma_wait3A_1365 = tpu.memref_slice %arg10[%dma_wait3A_1363, %dma_wait3A_1364] : memref<50x128xi32, #tpu.memory_space<vmem>> -> memref<1x128xi32, #tpu.memory_space<vmem>>
    %dma_wait3A_1366 = tpu.memref_squeeze %dma_wait3A_1365 : memref<1x128xi32, #tpu.memory_space<vmem>> -> memref<128xi32, #tpu.memory_space<vmem>>
    %dma_wait3A_1367 = arith.constant 0 : i32
    %dma_wait3A_1368 = arith.constant 0 : i32
    %dma_wait3A_1369 = tpu.memref_slice %arg4[%dma_wait3A_1367, %dma_wait3A_1368] : memref<1015808x64xf32, #tpu.memory_space<hbm>> -> memref<1015808x64xf32, #tpu.memory_space<hbm>>
    tpu.wait_indirect_dma semaphore(%arg13 : memref<!tpu.dma_semaphore, #tpu.memory_space<semaphore_mem>>) src(%dma_wait3A_1369 : memref<1015808x64xf32, #tpu.memory_space<hbm>>) dst(%arg12 : memref<128x64xf32, #tpu.memory_space<vmem>>)
    %dma_wait3A_1370 = arith.constant 47 : i32
    %dma_wait3A_1371 = arith.constant 0 : i32
    %dma_wait3A_1372 = tpu.memref_slice %arg9[%dma_wait3A_1370, %dma_wait3A_1371] : memref<50x128xi32, #tpu.memory_space<vmem>> -> memref<1x128xi32, #tpu.memory_space<vmem>>
    %dma_wait3A_1373 = tpu.memref_squeeze %dma_wait3A_1372 : memref<1x128xi32, #tpu.memory_space<vmem>> -> memref<128xi32, #tpu.memory_space<vmem>>
    %dma_wait3A_1374 = arith.constant 0 : i32
    %dma_wait3A_1375 = arith.constant 0 : i32
    %dma_wait3A_1376 = tpu.memref_slice %arg4[%dma_wait3A_1374, %dma_wait3A_1375] : memref<1015808x64xf32, #tpu.memory_space<hbm>> -> memref<1015808x64xf32, #tpu.memory_space<hbm>>
    tpu.wait_indirect_dma semaphore(%arg13 : memref<!tpu.dma_semaphore, #tpu.memory_space<semaphore_mem>>) src(%dma_wait3A_1376 : memref<1015808x64xf32, #tpu.memory_space<hbm>>) dst(%arg11 : memref<128x64xf32, #tpu.memory_space<vmem>>)
    %dma_wait3A_1377 = arith.constant 47 : i32
    %dma_wait3A_1378 = arith.constant 0 : i32
    %dma_wait3A_1379 = tpu.memref_slice %arg10[%dma_wait3A_1377, %dma_wait3A_1378] : memref<50x128xi32, #tpu.memory_space<vmem>> -> memref<1x128xi32, #tpu.memory_space<vmem>>
    %dma_wait3A_1380 = tpu.memref_squeeze %dma_wait3A_1379 : memref<1x128xi32, #tpu.memory_space<vmem>> -> memref<128xi32, #tpu.memory_space<vmem>>
    %dma_wait3A_1381 = arith.constant 0 : i32
    %dma_wait3A_1382 = arith.constant 0 : i32
    %dma_wait3A_1383 = tpu.memref_slice %arg4[%dma_wait3A_1381, %dma_wait3A_1382] : memref<1015808x64xf32, #tpu.memory_space<hbm>> -> memref<1015808x64xf32, #tpu.memory_space<hbm>>
    tpu.wait_indirect_dma semaphore(%arg13 : memref<!tpu.dma_semaphore, #tpu.memory_space<semaphore_mem>>) src(%dma_wait3A_1383 : memref<1015808x64xf32, #tpu.memory_space<hbm>>) dst(%arg12 : memref<128x64xf32, #tpu.memory_space<vmem>>)
    %dma_wait3A_1384 = arith.constant 48 : i32
    %dma_wait3A_1385 = arith.constant 0 : i32
    %dma_wait3A_1386 = tpu.memref_slice %arg9[%dma_wait3A_1384, %dma_wait3A_1385] : memref<50x128xi32, #tpu.memory_space<vmem>> -> memref<1x128xi32, #tpu.memory_space<vmem>>
    %dma_wait3A_1387 = tpu.memref_squeeze %dma_wait3A_1386 : memref<1x128xi32, #tpu.memory_space<vmem>> -> memref<128xi32, #tpu.memory_space<vmem>>
    %dma_wait3A_1388 = arith.constant 0 : i32
    %dma_wait3A_1389 = arith.constant 0 : i32
    %dma_wait3A_1390 = tpu.memref_slice %arg4[%dma_wait3A_1388, %dma_wait3A_1389] : memref<1015808x64xf32, #tpu.memory_space<hbm>> -> memref<1015808x64xf32, #tpu.memory_space<hbm>>
    tpu.wait_indirect_dma semaphore(%arg13 : memref<!tpu.dma_semaphore, #tpu.memory_space<semaphore_mem>>) src(%dma_wait3A_1390 : memref<1015808x64xf32, #tpu.memory_space<hbm>>) dst(%arg11 : memref<128x64xf32, #tpu.memory_space<vmem>>)
    %dma_wait3A_1391 = arith.constant 48 : i32
    %dma_wait3A_1392 = arith.constant 0 : i32
    %dma_wait3A_1393 = tpu.memref_slice %arg10[%dma_wait3A_1391, %dma_wait3A_1392] : memref<50x128xi32, #tpu.memory_space<vmem>> -> memref<1x128xi32, #tpu.memory_space<vmem>>
    %dma_wait3A_1394 = tpu.memref_squeeze %dma_wait3A_1393 : memref<1x128xi32, #tpu.memory_space<vmem>> -> memref<128xi32, #tpu.memory_space<vmem>>
    %dma_wait3A_1395 = arith.constant 0 : i32
    %dma_wait3A_1396 = arith.constant 0 : i32
    %dma_wait3A_1397 = tpu.memref_slice %arg4[%dma_wait3A_1395, %dma_wait3A_1396] : memref<1015808x64xf32, #tpu.memory_space<hbm>> -> memref<1015808x64xf32, #tpu.memory_space<hbm>>
    tpu.wait_indirect_dma semaphore(%arg13 : memref<!tpu.dma_semaphore, #tpu.memory_space<semaphore_mem>>) src(%dma_wait3A_1397 : memref<1015808x64xf32, #tpu.memory_space<hbm>>) dst(%arg12 : memref<128x64xf32, #tpu.memory_space<vmem>>)
    %dma_wait3A_1398 = arith.constant 49 : i32
    %dma_wait3A_1399 = arith.constant 0 : i32
    %dma_wait3A_1400 = tpu.memref_slice %arg9[%dma_wait3A_1398, %dma_wait3A_1399] : memref<50x128xi32, #tpu.memory_space<vmem>> -> memref<1x128xi32, #tpu.memory_space<vmem>>
    %dma_wait3A_1401 = tpu.memref_squeeze %dma_wait3A_1400 : memref<1x128xi32, #tpu.memory_space<vmem>> -> memref<128xi32, #tpu.memory_space<vmem>>
    %dma_wait3A_1402 = arith.constant 0 : i32
    %dma_wait3A_1403 = arith.constant 0 : i32
    %dma_wait3A_1404 = tpu.memref_slice %arg4[%dma_wait3A_1402, %dma_wait3A_1403] : memref<1015808x64xf32, #tpu.memory_space<hbm>> -> memref<1015808x64xf32, #tpu.memory_space<hbm>>
    tpu.wait_indirect_dma semaphore(%arg13 : memref<!tpu.dma_semaphore, #tpu.memory_space<semaphore_mem>>) src(%dma_wait3A_1404 : memref<1015808x64xf32, #tpu.memory_space<hbm>>) dst(%arg11 : memref<128x64xf32, #tpu.memory_space<vmem>>)
    %dma_wait3A_1405 = arith.constant 49 : i32
    %dma_wait3A_1406 = arith.constant 0 : i32
    %dma_wait3A_1407 = tpu.memref_slice %arg10[%dma_wait3A_1405, %dma_wait3A_1406] : memref<50x128xi32, #tpu.memory_space<vmem>> -> memref<1x128xi32, #tpu.memory_space<vmem>>
    %dma_wait3A_1408 = tpu.memref_squeeze %dma_wait3A_1407 : memref<1x128xi32, #tpu.memory_space<vmem>> -> memref<128xi32, #tpu.memory_space<vmem>>
    %dma_wait3A_1409 = arith.constant 0 : i32
    %dma_wait3A_1410 = arith.constant 0 : i32
    %dma_wait3A_1411 = tpu.memref_slice %arg4[%dma_wait3A_1409, %dma_wait3A_1410] : memref<1015808x64xf32, #tpu.memory_space<hbm>> -> memref<1015808x64xf32, #tpu.memory_space<hbm>>
    tpu.wait_indirect_dma semaphore(%arg13 : memref<!tpu.dma_semaphore, #tpu.memory_space<semaphore_mem>>) src(%dma_wait3A_1411 : memref<1015808x64xf32, #tpu.memory_space<hbm>>) dst(%arg12 : memref<128x64xf32, #tpu.memory_space<vmem>>)
    "tpu.region"() ({
      %run_scoped3A = tpu.sem_alloc : memref<!tpu.dma_semaphore, #tpu.memory_space<semaphore_mem>>
      %dma_start3A_1412 = arith.constant 0 : i32
      %dma_start3A_1413 = tpu.memref_slice %arg5[%mul3A_2, %dma_start3A_1412] : memref<4096x64xf32, #tpu.memory_space<hbm>> -> memref<128x64xf32, #tpu.memory_space<hbm>>
      %dma_start3A_1414 = arith.constant 0 : i32
      %dma_start3A_1415 = tpu.memref_slice %arg5[%mul3A_2, %dma_start3A_1414] : memref<4096x64xf32, #tpu.memory_space<hbm>> -> memref<128x64xf32, #tpu.memory_space<hbm>>
      tpu.enqueue_dma source(%arg11 : memref<128x64xf32, #tpu.memory_space<vmem>>) target(%dma_start3A_1415 : memref<128x64xf32, #tpu.memory_space<hbm>>) target_semaphore(%run_scoped3A : memref<!tpu.dma_semaphore, #tpu.memory_space<semaphore_mem>>)
      %dma_wait3A_1416 = arith.constant 0 : i32
      %dma_wait3A_1417 = tpu.memref_slice %arg5[%mul3A_2, %dma_wait3A_1416] : memref<4096x64xf32, #tpu.memory_space<hbm>> -> memref<128x64xf32, #tpu.memory_space<hbm>>
      %dma_wait3A_1418 = arith.constant 0 : i32
      %dma_wait3A_1419 = tpu.memref_slice %arg5[%mul3A_2, %dma_wait3A_1418] : memref<4096x64xf32, #tpu.memory_space<hbm>> -> memref<128x64xf32, #tpu.memory_space<hbm>>
      tpu.wait_dma2 semaphore(%run_scoped3A : memref<!tpu.dma_semaphore, #tpu.memory_space<semaphore_mem>>) src(%arg11 : memref<128x64xf32, #tpu.memory_space<vmem>>) dst(%dma_wait3A_1419 : memref<128x64xf32, #tpu.memory_space<hbm>>)
      tpu.yield
    }) : () -> ()
    "tpu.region"() ({
      %run_scoped3A = tpu.sem_alloc : memref<!tpu.dma_semaphore, #tpu.memory_space<semaphore_mem>>
      %dma_start3A_1412 = arith.constant 0 : i32
      %dma_start3A_1413 = tpu.memref_slice %arg6[%mul3A_2, %dma_start3A_1412] : memref<4096x64xf32, #tpu.memory_space<hbm>> -> memref<128x64xf32, #tpu.memory_space<hbm>>
      %dma_start3A_1414 = arith.constant 0 : i32
      %dma_start3A_1415 = tpu.memref_slice %arg6[%mul3A_2, %dma_start3A_1414] : memref<4096x64xf32, #tpu.memory_space<hbm>> -> memref<128x64xf32, #tpu.memory_space<hbm>>
      tpu.enqueue_dma source(%arg12 : memref<128x64xf32, #tpu.memory_space<vmem>>) target(%dma_start3A_1415 : memref<128x64xf32, #tpu.memory_space<hbm>>) target_semaphore(%run_scoped3A : memref<!tpu.dma_semaphore, #tpu.memory_space<semaphore_mem>>)
      %dma_wait3A_1416 = arith.constant 0 : i32
      %dma_wait3A_1417 = tpu.memref_slice %arg6[%mul3A_2, %dma_wait3A_1416] : memref<4096x64xf32, #tpu.memory_space<hbm>> -> memref<128x64xf32, #tpu.memory_space<hbm>>
      %dma_wait3A_1418 = arith.constant 0 : i32
      %dma_wait3A_1419 = tpu.memref_slice %arg6[%mul3A_2, %dma_wait3A_1418] : memref<4096x64xf32, #tpu.memory_space<hbm>> -> memref<128x64xf32, #tpu.memory_space<hbm>>
      tpu.wait_dma2 semaphore(%run_scoped3A : memref<!tpu.dma_semaphore, #tpu.memory_space<semaphore_mem>>) src(%arg12 : memref<128x64xf32, #tpu.memory_space<vmem>>) dst(%dma_wait3A_1419 : memref<128x64xf32, #tpu.memory_space<hbm>>)
      tpu.yield
    }) : () -> ()
    return
  }
}

module attributes {stable_mosaic.version = 14 : i64} {
  func.func @_tr_body(%arg0: i32, %arg1: memref<64x16384xf32, #tpu.memory_space<vmem>>, %arg2: memref<64x16384xf32, #tpu.memory_space<vmem>>, %arg3: memref<16384x128xf32, #tpu.memory_space<vmem>>) attributes {dimension_semantics = [#tpu.dimension_semantics<arbitrary>], iteration_bounds = array<i64: 31>, scalar_prefetch = 0 : i64, scratch_operands = 0 : i64, tpu.core_type = #tpu.core_type<tc>, window_params = [{transform_indices = @transform_0, window_bounds = array<i64: 64, 16384>}, {transform_indices = @transform_1, window_bounds = array<i64: 64, 16384>}, {transform_indices = @transform_2, window_bounds = array<i64: 16384, 128>}]} {
    %get3A = arith.constant 0 : index
    %get3A_0 = arith.constant 0 : index
    %get3A_1 = vector.load %arg1[%get3A, %get3A_0] : memref<64x16384xf32, #tpu.memory_space<vmem>>, vector<64x16384xf32>
    %get3A_2 = arith.constant 0 : index
    %get3A_3 = arith.constant 0 : index
    %get3A_4 = vector.load %arg2[%get3A_2, %get3A_3] : memref<64x16384xf32, #tpu.memory_space<vmem>>, vector<64x16384xf32>
    %concatenate3A = tpu.concatenate %get3A_1, %get3A_4 in 0 : vector<64x16384xf32>, vector<64x16384xf32> -> vector<128x16384xf32>
    %transpose3A = tpu.transpose %concatenate3A, [1, 0] : vector<128x16384xf32> -> vector<16384x128xf32>
    %swap3A = arith.constant 0 : index
    %swap3A_5 = arith.constant 0 : index
    %swap3A_6 = vector.load %arg3[%swap3A, %swap3A_5] : memref<16384x128xf32, #tpu.memory_space<vmem>>, vector<16384x128xf32>
    tpu.vector_store %arg3[%swap3A, %swap3A_5], %transpose3A {strides = array<i32>} : memref<16384x128xf32, #tpu.memory_space<vmem>>, vector<16384x128xf32>,
    return
  }
  func.func @transform_0(%arg0: i32) -> (i32, i32) {
    %c0_i32 = arith.constant 0 : i32
    %c0_i32_0 = arith.constant 0 : i32
    return %c0_i32, %arg0 : i32, i32
  }
  func.func @transform_1(%arg0: i32) -> (i32, i32) {
    %add3A = arith.constant 31 : i32
    %add3A_0 = arith.addi %arg0, %add3A : i32
    %min3A = arith.constant 61 : i32
    %min3A_1 = arith.minsi %add3A_0, %min3A : i32
    %c0_i32 = arith.constant 0 : i32
    %c0_i32_2 = arith.constant 0 : i32
    return %c0_i32, %min3A_1 : i32, i32
  }
  func.func @transform_2(%arg0: i32) -> (i32, i32) {
    %c0_i32 = arith.constant 0 : i32
    %c0_i32_0 = arith.constant 0 : i32
    return %arg0, %c0_i32 : i32, i32
  }
}

module attributes {stable_mosaic.version = 14 : i64} {
  func.func @_tc_body(%arg0: i32, %arg1: memref<512x64xf32, #tpu.memory_space<vmem>>, %arg2: memref<512x64xf32, #tpu.memory_space<vmem>>, %arg3: memref<512x50xi32, #tpu.memory_space<vmem>>, %arg4: memref<512x50xi32, #tpu.memory_space<vmem>>, %arg5: memref<8x128xf32, #tpu.memory_space<vmem>>, %arg6: memref<128x64xf32, #tpu.memory_space<vmem>>, %arg7: memref<1x64xf32, #tpu.memory_space<vmem>>, %arg8: memref<512x64xf32, #tpu.memory_space<vmem>>) attributes {dimension_semantics = [#tpu.dimension_semantics<arbitrary>], iteration_bounds = array<i64: 8>, scalar_prefetch = 0 : i64, scratch_operands = 0 : i64, tpu.core_type = #tpu.core_type<tc>, window_params = [{transform_indices = @transform_0, window_bounds = array<i64: 512, 64>}, {transform_indices = @transform_1, window_bounds = array<i64: 512, 64>}, {transform_indices = @transform_2, window_bounds = array<i64: 512, 50>}, {transform_indices = @transform_3, window_bounds = array<i64: 512, 50>}, {transform_indices = @transform_4, window_bounds = array<i64: 8, 128>}, {pipeline_mode = #tpu.pipeline_mode<synchronous>, transform_indices = @transform_5, window_bounds = array<i64: 128, 64>}, {pipeline_mode = #tpu.pipeline_mode<synchronous>, transform_indices = @transform_6, window_bounds = array<i64: 1, 64>}, {transform_indices = @transform_7, window_bounds = array<i64: 512, 64>}]} {
    %get3A = arith.constant 0 : index
    %get3A_0 = arith.constant 0 : index
    %get3A_1 = vector.load %arg5[%get3A, %get3A_0] : memref<8x128xf32, #tpu.memory_space<vmem>>, vector<8x128xf32>
    %get3A_2 = arith.constant 0 : index
    %get3A_3 = arith.constant 0 : index
    %get3A_4 = vector.load %arg1[%get3A_2, %get3A_3] : memref<512x64xf32, #tpu.memory_space<vmem>>, vector<512x64xf32>
    %get3A_5 = arith.constant 0 : index
    %get3A_6 = arith.constant 0 : index
    %get3A_7 = vector.load %arg3[%get3A_5, %get3A_6] : memref<512x50xi32, #tpu.memory_space<vmem>>, vector<512x50xi32>
    %eq3A = arith.constant 0 : i32
    %eq3A_8 = vector.broadcast %eq3A : i32 to vector<512x50xi32>
    %eq3A_9 = arith.cmpi eq, %get3A_7, %eq3A_8 : vector<512x50xi32>
    %convert_element_type3A = arith.extui %eq3A_9 : vector<512x50xi1> to vector<512x50xi32>
    %convert_element_type3A_10 = arith.sitofp %convert_element_type3A : vector<512x50xi32> to vector<512x50xf32>
    %reduce_sum3A = arith.constant dense<0.000000e+00> : vector<512xf32>
    %reduce_sum3A_11 = vector.multi_reduction <add>, %convert_element_type3A_10, %reduce_sum3A [1] : vector<512x50xf32> to vector<512xf32>
    %broadcast_in_dim3A = vector.shape_cast %reduce_sum3A_11 : vector<512xf32> to vector<512x1xf32>
    %slice3A = vector.extract_strided_slice %get3A_1 {offsets = [0, 0], sizes = [1, 64], strides = [1, 1]} : vector<8x128xf32> to vector<1x64xf32>
    %squeeze3A = vector.shape_cast %slice3A : vector<1x64xf32> to vector<64xf32>
    %broadcast_in_dim3A_12 = vector.shape_cast %squeeze3A : vector<64xf32> to vector<1x64xf32>
    %mul3A = vector.broadcast %broadcast_in_dim3A : vector<512x1xf32> to vector<512x64xf32>
    %mul3A_13 = vector.broadcast %broadcast_in_dim3A_12 : vector<1x64xf32> to vector<512x64xf32>
    %mul3A_14 = arith.mulf %mul3A, %mul3A_13 : vector<512x64xf32>
    %sub3A = arith.subf %get3A_4, %mul3A_14 : vector<512x64xf32>
    %eq3A_15 = arith.constant 1 : i32
    %eq3A_16 = vector.broadcast %eq3A_15 : i32 to vector<512x50xi32>
    %eq3A_17 = arith.cmpi eq, %get3A_7, %eq3A_16 : vector<512x50xi32>
    %convert_element_type3A_18 = arith.extui %eq3A_17 : vector<512x50xi1> to vector<512x50xi32>
    %convert_element_type3A_19 = arith.sitofp %convert_element_type3A_18 : vector<512x50xi32> to vector<512x50xf32>
    %reduce_sum3A_20 = arith.constant dense<0.000000e+00> : vector<512xf32>
    %reduce_sum3A_21 = vector.multi_reduction <add>, %convert_element_type3A_19, %reduce_sum3A_20 [1] : vector<512x50xf32> to vector<512xf32>
    %broadcast_in_dim3A_22 = vector.shape_cast %reduce_sum3A_21 : vector<512xf32> to vector<512x1xf32>
    %slice3A_23 = vector.extract_strided_slice %get3A_1 {offsets = [1, 0], sizes = [1, 64], strides = [1, 1]} : vector<8x128xf32> to vector<1x64xf32>
    %squeeze3A_24 = vector.shape_cast %slice3A_23 : vector<1x64xf32> to vector<64xf32>
    %broadcast_in_dim3A_25 = vector.shape_cast %squeeze3A_24 : vector<64xf32> to vector<1x64xf32>
    %mul3A_26 = vector.broadcast %broadcast_in_dim3A_22 : vector<512x1xf32> to vector<512x64xf32>
    %mul3A_27 = vector.broadcast %broadcast_in_dim3A_25 : vector<1x64xf32> to vector<512x64xf32>
    %mul3A_28 = arith.mulf %mul3A_26, %mul3A_27 : vector<512x64xf32>
    %sub3A_29 = arith.subf %sub3A, %mul3A_28 : vector<512x64xf32>
    %eq3A_30 = arith.constant 2 : i32
    %eq3A_31 = vector.broadcast %eq3A_30 : i32 to vector<512x50xi32>
    %eq3A_32 = arith.cmpi eq, %get3A_7, %eq3A_31 : vector<512x50xi32>
    %convert_element_type3A_33 = arith.extui %eq3A_32 : vector<512x50xi1> to vector<512x50xi32>
    %convert_element_type3A_34 = arith.sitofp %convert_element_type3A_33 : vector<512x50xi32> to vector<512x50xf32>
    %reduce_sum3A_35 = arith.constant dense<0.000000e+00> : vector<512xf32>
    %reduce_sum3A_36 = vector.multi_reduction <add>, %convert_element_type3A_34, %reduce_sum3A_35 [1] : vector<512x50xf32> to vector<512xf32>
    %broadcast_in_dim3A_37 = vector.shape_cast %reduce_sum3A_36 : vector<512xf32> to vector<512x1xf32>
    %slice3A_38 = vector.extract_strided_slice %get3A_1 {offsets = [2, 0], sizes = [1, 64], strides = [1, 1]} : vector<8x128xf32> to vector<1x64xf32>
    %squeeze3A_39 = vector.shape_cast %slice3A_38 : vector<1x64xf32> to vector<64xf32>
    %broadcast_in_dim3A_40 = vector.shape_cast %squeeze3A_39 : vector<64xf32> to vector<1x64xf32>
    %mul3A_41 = vector.broadcast %broadcast_in_dim3A_37 : vector<512x1xf32> to vector<512x64xf32>
    %mul3A_42 = vector.broadcast %broadcast_in_dim3A_40 : vector<1x64xf32> to vector<512x64xf32>
    %mul3A_43 = arith.mulf %mul3A_41, %mul3A_42 : vector<512x64xf32>
    %sub3A_44 = arith.subf %sub3A_29, %mul3A_43 : vector<512x64xf32>
    %eq3A_45 = arith.constant 3 : i32
    %eq3A_46 = vector.broadcast %eq3A_45 : i32 to vector<512x50xi32>
    %eq3A_47 = arith.cmpi eq, %get3A_7, %eq3A_46 : vector<512x50xi32>
    %convert_element_type3A_48 = arith.extui %eq3A_47 : vector<512x50xi1> to vector<512x50xi32>
    %convert_element_type3A_49 = arith.sitofp %convert_element_type3A_48 : vector<512x50xi32> to vector<512x50xf32>
    %reduce_sum3A_50 = arith.constant dense<0.000000e+00> : vector<512xf32>
    %reduce_sum3A_51 = vector.multi_reduction <add>, %convert_element_type3A_49, %reduce_sum3A_50 [1] : vector<512x50xf32> to vector<512xf32>
    %broadcast_in_dim3A_52 = vector.shape_cast %reduce_sum3A_51 : vector<512xf32> to vector<512x1xf32>
    %slice3A_53 = vector.extract_strided_slice %get3A_1 {offsets = [3, 0], sizes = [1, 64], strides = [1, 1]} : vector<8x128xf32> to vector<1x64xf32>
    %squeeze3A_54 = vector.shape_cast %slice3A_53 : vector<1x64xf32> to vector<64xf32>
    %broadcast_in_dim3A_55 = vector.shape_cast %squeeze3A_54 : vector<64xf32> to vector<1x64xf32>
    %mul3A_56 = vector.broadcast %broadcast_in_dim3A_52 : vector<512x1xf32> to vector<512x64xf32>
    %mul3A_57 = vector.broadcast %broadcast_in_dim3A_55 : vector<1x64xf32> to vector<512x64xf32>
    %mul3A_58 = arith.mulf %mul3A_56, %mul3A_57 : vector<512x64xf32>
    %sub3A_59 = arith.subf %sub3A_44, %mul3A_58 : vector<512x64xf32>
    %get3A_60 = arith.constant 0 : index
    %get3A_61 = arith.constant 0 : index
    %get3A_62 = vector.load %arg2[%get3A_60, %get3A_61] : memref<512x64xf32, #tpu.memory_space<vmem>>, vector<512x64xf32>
    %get3A_63 = arith.constant 0 : index
    %get3A_64 = arith.constant 0 : index
    %get3A_65 = vector.load %arg4[%get3A_63, %get3A_64] : memref<512x50xi32, #tpu.memory_space<vmem>>, vector<512x50xi32>
    %eq3A_66 = arith.constant 0 : i32
    %eq3A_67 = vector.broadcast %eq3A_66 : i32 to vector<512x50xi32>
    %eq3A_68 = arith.cmpi eq, %get3A_65, %eq3A_67 : vector<512x50xi32>
    %convert_element_type3A_69 = arith.extui %eq3A_68 : vector<512x50xi1> to vector<512x50xi32>
    %convert_element_type3A_70 = arith.sitofp %convert_element_type3A_69 : vector<512x50xi32> to vector<512x50xf32>
    %reduce_sum3A_71 = arith.constant dense<0.000000e+00> : vector<512xf32>
    %reduce_sum3A_72 = vector.multi_reduction <add>, %convert_element_type3A_70, %reduce_sum3A_71 [1] : vector<512x50xf32> to vector<512xf32>
    %broadcast_in_dim3A_73 = vector.shape_cast %reduce_sum3A_72 : vector<512xf32> to vector<512x1xf32>
    %slice3A_74 = vector.extract_strided_slice %get3A_1 {offsets = [0, 0], sizes = [1, 64], strides = [1, 1]} : vector<8x128xf32> to vector<1x64xf32>
    %squeeze3A_75 = vector.shape_cast %slice3A_74 : vector<1x64xf32> to vector<64xf32>
    %broadcast_in_dim3A_76 = vector.shape_cast %squeeze3A_75 : vector<64xf32> to vector<1x64xf32>
    %mul3A_77 = vector.broadcast %broadcast_in_dim3A_73 : vector<512x1xf32> to vector<512x64xf32>
    %mul3A_78 = vector.broadcast %broadcast_in_dim3A_76 : vector<1x64xf32> to vector<512x64xf32>
    %mul3A_79 = arith.mulf %mul3A_77, %mul3A_78 : vector<512x64xf32>
    %sub3A_80 = arith.subf %get3A_62, %mul3A_79 : vector<512x64xf32>
    %eq3A_81 = arith.constant 1 : i32
    %eq3A_82 = vector.broadcast %eq3A_81 : i32 to vector<512x50xi32>
    %eq3A_83 = arith.cmpi eq, %get3A_65, %eq3A_82 : vector<512x50xi32>
    %convert_element_type3A_84 = arith.extui %eq3A_83 : vector<512x50xi1> to vector<512x50xi32>
    %convert_element_type3A_85 = arith.sitofp %convert_element_type3A_84 : vector<512x50xi32> to vector<512x50xf32>
    %reduce_sum3A_86 = arith.constant dense<0.000000e+00> : vector<512xf32>
    %reduce_sum3A_87 = vector.multi_reduction <add>, %convert_element_type3A_85, %reduce_sum3A_86 [1] : vector<512x50xf32> to vector<512xf32>
    %broadcast_in_dim3A_88 = vector.shape_cast %reduce_sum3A_87 : vector<512xf32> to vector<512x1xf32>
    %slice3A_89 = vector.extract_strided_slice %get3A_1 {offsets = [1, 0], sizes = [1, 64], strides = [1, 1]} : vector<8x128xf32> to vector<1x64xf32>
    %squeeze3A_90 = vector.shape_cast %slice3A_89 : vector<1x64xf32> to vector<64xf32>
    %broadcast_in_dim3A_91 = vector.shape_cast %squeeze3A_90 : vector<64xf32> to vector<1x64xf32>
    %mul3A_92 = vector.broadcast %broadcast_in_dim3A_88 : vector<512x1xf32> to vector<512x64xf32>
    %mul3A_93 = vector.broadcast %broadcast_in_dim3A_91 : vector<1x64xf32> to vector<512x64xf32>
    %mul3A_94 = arith.mulf %mul3A_92, %mul3A_93 : vector<512x64xf32>
    %sub3A_95 = arith.subf %sub3A_80, %mul3A_94 : vector<512x64xf32>
    %eq3A_96 = arith.constant 2 : i32
    %eq3A_97 = vector.broadcast %eq3A_96 : i32 to vector<512x50xi32>
    %eq3A_98 = arith.cmpi eq, %get3A_65, %eq3A_97 : vector<512x50xi32>
    %convert_element_type3A_99 = arith.extui %eq3A_98 : vector<512x50xi1> to vector<512x50xi32>
    %convert_element_type3A_100 = arith.sitofp %convert_element_type3A_99 : vector<512x50xi32> to vector<512x50xf32>
    %reduce_sum3A_101 = arith.constant dense<0.000000e+00> : vector<512xf32>
    %reduce_sum3A_102 = vector.multi_reduction <add>, %convert_element_type3A_100, %reduce_sum3A_101 [1] : vector<512x50xf32> to vector<512xf32>
    %broadcast_in_dim3A_103 = vector.shape_cast %reduce_sum3A_102 : vector<512xf32> to vector<512x1xf32>
    %slice3A_104 = vector.extract_strided_slice %get3A_1 {offsets = [2, 0], sizes = [1, 64], strides = [1, 1]} : vector<8x128xf32> to vector<1x64xf32>
    %squeeze3A_105 = vector.shape_cast %slice3A_104 : vector<1x64xf32> to vector<64xf32>
    %broadcast_in_dim3A_106 = vector.shape_cast %squeeze3A_105 : vector<64xf32> to vector<1x64xf32>
    %mul3A_107 = vector.broadcast %broadcast_in_dim3A_103 : vector<512x1xf32> to vector<512x64xf32>
    %mul3A_108 = vector.broadcast %broadcast_in_dim3A_106 : vector<1x64xf32> to vector<512x64xf32>
    %mul3A_109 = arith.mulf %mul3A_107, %mul3A_108 : vector<512x64xf32>
    %sub3A_110 = arith.subf %sub3A_95, %mul3A_109 : vector<512x64xf32>
    %eq3A_111 = arith.constant 3 : i32
    %eq3A_112 = vector.broadcast %eq3A_111 : i32 to vector<512x50xi32>
    %eq3A_113 = arith.cmpi eq, %get3A_65, %eq3A_112 : vector<512x50xi32>
    %convert_element_type3A_114 = arith.extui %eq3A_113 : vector<512x50xi1> to vector<512x50xi32>
    %convert_element_type3A_115 = arith.sitofp %convert_element_type3A_114 : vector<512x50xi32> to vector<512x50xf32>
    %reduce_sum3A_116 = arith.constant dense<0.000000e+00> : vector<512xf32>
    %reduce_sum3A_117 = vector.multi_reduction <add>, %convert_element_type3A_115, %reduce_sum3A_116 [1] : vector<512x50xf32> to vector<512xf32>
    %broadcast_in_dim3A_118 = vector.shape_cast %reduce_sum3A_117 : vector<512xf32> to vector<512x1xf32>
    %slice3A_119 = vector.extract_strided_slice %get3A_1 {offsets = [3, 0], sizes = [1, 64], strides = [1, 1]} : vector<8x128xf32> to vector<1x64xf32>
    %squeeze3A_120 = vector.shape_cast %slice3A_119 : vector<1x64xf32> to vector<64xf32>
    %broadcast_in_dim3A_121 = vector.shape_cast %squeeze3A_120 : vector<64xf32> to vector<1x64xf32>
    %mul3A_122 = vector.broadcast %broadcast_in_dim3A_118 : vector<512x1xf32> to vector<512x64xf32>
    %mul3A_123 = vector.broadcast %broadcast_in_dim3A_121 : vector<1x64xf32> to vector<512x64xf32>
    %mul3A_124 = arith.mulf %mul3A_122, %mul3A_123 : vector<512x64xf32>
    %sub3A_125 = arith.subf %sub3A_110, %mul3A_124 : vector<512x64xf32>
    %get3A_126 = arith.constant 0 : index
    %get3A_127 = arith.constant 0 : index
    %get3A_128 = vector.load %arg6[%get3A_126, %get3A_127] : memref<128x64xf32, #tpu.memory_space<vmem>>, vector<128x64xf32>
    %slice3A_129 = vector.extract_strided_slice %get3A_128 {offsets = [0, 0], sizes = [64, 64], strides = [1, 1]} : vector<128x64xf32> to vector<64x64xf32>
    %dot_general3A = arith.constant dense<0.000000e+00> : vector<512x64xf32>
    %dot_general3A_130 = tpu.matmul %sub3A_59, %slice3A_129, %dot_general3A {dimension_numbers = #tpu.dot_dimension_numbers<[1], [0], [0], [1], [0, 0, 1, 1], [], []>, transpose_lhs_hint = false} : vector<512x64xf32>, vector<64x64xf32>, vector<512x64xf32> -> vector<512x64xf32>
    %slice3A_131 = vector.extract_strided_slice %get3A_128 {offsets = [64, 0], sizes = [64, 64], strides = [1, 1]} : vector<128x64xf32> to vector<64x64xf32>
    %dot_general3A_132 = arith.constant dense<0.000000e+00> : vector<512x64xf32>
    %dot_general3A_133 = tpu.matmul %sub3A_125, %slice3A_131, %dot_general3A_132 {dimension_numbers = #tpu.dot_dimension_numbers<[1], [0], [0], [1], [0, 0, 1, 1], [], []>, transpose_lhs_hint = false} : vector<512x64xf32>, vector<64x64xf32>, vector<512x64xf32> -> vector<512x64xf32>
    %add3A = arith.addf %dot_general3A_130, %dot_general3A_133 : vector<512x64xf32>
    %get3A_134 = arith.constant 0 : index
    %get3A_135 = arith.constant 0 : index
    %get3A_136 = vector.load %arg7[%get3A_134, %get3A_135] : memref<1x64xf32, #tpu.memory_space<vmem>>, vector<1x64xf32>
    %add3A_137 = vector.broadcast %get3A_136 : vector<1x64xf32> to vector<512x64xf32>
    %add3A_138 = arith.addf %add3A, %add3A_137 : vector<512x64xf32>
    %tanh3A = math.tanh %add3A_138 : vector<512x64xf32>
    %swap3A = arith.constant 0 : index
    %swap3A_139 = arith.constant 0 : index
    %swap3A_140 = vector.load %arg8[%swap3A, %swap3A_139] : memref<512x64xf32, #tpu.memory_space<vmem>>, vector<512x64xf32>
    tpu.vector_store %arg8[%swap3A, %swap3A_139], %tanh3A {strides = array<i32>} : memref<512x64xf32, #tpu.memory_space<vmem>>, vector<512x64xf32>,
    return
  }
  func.func @transform_0(%arg0: i32) -> (i32, i32) {
    %c0_i32 = arith.constant 0 : i32
    %c0_i32_0 = arith.constant 0 : i32
    return %arg0, %c0_i32 : i32, i32
  }
  func.func @transform_1(%arg0: i32) -> (i32, i32) {
    %c0_i32 = arith.constant 0 : i32
    %c0_i32_0 = arith.constant 0 : i32
    return %arg0, %c0_i32 : i32, i32
  }
  func.func @transform_2(%arg0: i32) -> (i32, i32) {
    %c0_i32 = arith.constant 0 : i32
    %c0_i32_0 = arith.constant 0 : i32
    return %arg0, %c0_i32 : i32, i32
  }
  func.func @transform_3(%arg0: i32) -> (i32, i32) {
    %c0_i32 = arith.constant 0 : i32
    %c0_i32_0 = arith.constant 0 : i32
    return %arg0, %c0_i32 : i32, i32
  }
  func.func @transform_4(%arg0: i32) -> (i32, i32) {
    %c0_i32 = arith.constant 0 : i32
    %c0_i32_0 = arith.constant 0 : i32
    %c0_i32_1 = arith.constant 0 : i32
    return %c0_i32, %c0_i32_0 : i32, i32
  }
  func.func @transform_5(%arg0: i32) -> (i32, i32) {
    %c0_i32 = arith.constant 0 : i32
    %c0_i32_0 = arith.constant 0 : i32
    %c0_i32_1 = arith.constant 0 : i32
    return %c0_i32, %c0_i32_0 : i32, i32
  }
  func.func @transform_6(%arg0: i32) -> (i32, i32) {
    %c0_i32 = arith.constant 0 : i32
    %c0_i32_0 = arith.constant 0 : i32
    %c0_i32_1 = arith.constant 0 : i32
    return %c0_i32, %c0_i32_0 : i32, i32
  }
  func.func @transform_7(%arg0: i32) -> (i32, i32) {
    %c0_i32 = arith.constant 0 : i32
    %c0_i32_0 = arith.constant 0 : i32
    return %arg0, %c0_i32 : i32, i32
  }
}

</mosaic_0001>

<sc_bundles>
// kernel: kernel.5.cloned.1.call-start
scs
__scs_entry_jumppad:
0x0: {  	(pc) =	sbr.rel $0x88, $3  }
0x1: {  	(tag) =	ssettag $0x0;
	lr =	simm.s32 $0x1  }
0x2: {  	[smem:$0x3F9C] =	sst lr;
	_ =	strace $0xD0000000  }
0x3: {  	_ = 	snop  }
0x4: {  	_ = 	snop  }
0x5: {  	_ = 	snop  }
0x6: {  	_ = 	snop  }
0x7: {  	_ = 	snop  }
__scs_overlays_trampoline_lowered:
0x8: {  	[smem:$0x3FAB] =	sst s0  }
0x9: {  	[smem:$0x3FAC] =	sst s1  }
0xa: {  	[smem:$0x3FAD] =	sst s2  }
0xb: {  	[smem:$0x3FAE] =	sst s3  }
0xc: {  	[smem:$0x3FAF] =	sst s4  }
0xd: {  	[smem:$0x3FB0] =	sst s5  }
0xe: {  	[smem:$0x3FB1] =	sst s6  }
0xf: {  	[smem:$0x3FB2] =	sst s7  }
0x10: {  	[smem:$0x3FB3] =	sst s8  }
0x11: {  	[smem:$0x3FB4] =	sst s9;
	s0 =	simm.s32 @!p0 $0x0  }
0x12: {  	s1 =	sld [smem:$0x3F9A];
	s0 =	simm.s32 @p0 $0x1  }
0x13: {  	[smem:$0x3FB5] =	sst s0;
	s0 =	simm.s32 @!p1 $0x0  }
0x14: {  	s2 =	sld [smem:$0x3F99];
	s0 =	simm.s32 @p1 $0x1  }
0x15: {  	[smem:$0x3FB6] =	sst s0;
	s0 =	simm.s32 @!p2 $0x0  }
0x16: {  	s3 =	sld [smem:$0x3FDB];
	s0 =	simm.s32 @p2 $0x1  }
0x17: {  	s4 =	simm.s32 $0x1BF5;
	[smem:$0x3FB8] =	sst s0  }
0x18: {  	s0 =	sld [smem:$0x3F9B];
	_ =	swait.ge [sflag:s4], $0x0  }
0x19: {  	s7 =	sld [smem:$0x3F9C]  }
0x1a: {  	s8 =	sadd.s32 $0xFFFFE003, lr  }
0x1b: {  	s9 =	sadd.s32 $0xFFFFFEF7, lr;
	s5 =	simm.s32 $0xFFFFFFFF;
	p2 =	slt.u32 s8, $0xFFFFF086  }
0x1c: {  	p1 =	slt.u32 s9, $0xF7A;
	s5 =	simm.s32 @!p2 $0x0  }
0x1d: {  	s5 =	simm.s32 @p1 $0x1;
	p0 =	seq.s32 s7, s2  }
0x1e: {  	s7 =	smul.u32 @!p0 $0xF7A, s2;
	p2 =	seq.s32 @!p0 s5, $0x0  }
0x1f: {  	s9 =	smul.u32 $0xF7A, s1;
	s8 =	simm.s32 @!p0 $0x1BF5;
	p2 =	por !p2, p0  }
0x20: {  	[sflag:s8] =	ssyncset.s32 @!p0 $0xFFFFF086;
	s6 =	sadd.s32 @!p0 s3, s7;
	s7 =	simm.s32 @!p0 $0x108  }
0x21: {  	s3 =	sadd.s32 s3, s9;
	s6 =	sadd.s32 @!p0 $0x88, s6;
	s7 =	simm.s32 @p2 $0x1082  }
0x22: {  	[simem:s7], [sflag:s8] =	dma.local @!p0 [hbm:s6], $0xF7A  }
0x23: {  	s9 =	sor.u32 $0xD0000000, s2;
	s6 =	simm.s32 $0x108;
	_ =	swait.ge @!p0 [sflag:s8], $0x0  }
0x24: {  	s3 =	sadd.s32 $0x88, s3;
	s6 =	simm.s32 @!p1 $0x1082;
	[sflag:s4] =	ssyncset.s32 $0xFFFFF086  }
0x25: {  	[simem:s6], [sflag:s4] =	dma.local [hbm:s3], $0xF7A  }
0x26: {  	[smem:$0x3F9C] =	sst s1;
	(tag) =	ssettag s2;
	_ =	strace s9  }
0x27: {  	s1 =	sld [smem:$0x3FAC]  }
0x28: {  	s2 =	sld [smem:$0x3FAD]  }
0x29: {  	s4 =	sld [smem:$0x3FAF]  }
0x2a: {  	p0 =	seq.s32 s5, $0x0;
	s5 =	sld [smem:$0x3FB0]  }
0x2b: {  	s6 =	sld [smem:$0x3FB1]  }
0x2c: {  	s7 =	sld [smem:$0x3FB2]  }
0x2d: {  	s3 =	simm.s32 $0x108;
	s8 =	sld [smem:$0x3FB3]  }
0x2e: {  	s3 =	simm.s32 @!p0 $0x1082;
	s9 =	sld [smem:$0x3FB4]  }
0x2f: {  	lr =	sadd.s32 s0, s3;
	s0 =	sld [smem:$0x3FAB]  }
0x30: {  	s3 =	sld [smem:$0x3FAE]  }
0x31: {  	[smem:$0x3FB7] =	sst s10  }
0x32: {  	s10 =	sld [smem:$0x3FB5];
	_ =	sdelay $0x3  }
0x33: {  	p0 =	seq.s32 s10, $0x1;
	s10 =	sld [smem:$0x3FB7];
	_ =	sdelay $0x3  }
0x34: {  	[smem:$0x3FB7] =	sst s10  }
0x35: {  	s10 =	sld [smem:$0x3FB6];
	_ =	sdelay $0x3  }
0x36: {  	p1 =	seq.s32 s10, $0x1;
	s10 =	sld [smem:$0x3FB7];
	_ =	sdelay $0x3  }
0x37: {  	[smem:$0x3FB7] =	sst s10  }
0x38: {  	s10 =	sld [smem:$0x3FB8]  }
0x39: {  	_ = 	snop;
	(pc) =	sbr.ind lr, $3  }
0x3a: {  	_ = 	snop  }
0x3b: {  	_ = 	snop  }
0x3c: {  	p2 =	seq.s32 s10, $0x1;
	s10 =	sld [smem:$0x3FB7]  }
0x3d: {  	_ =	shalt  }
0x3e: {  	_ =	shalt  }
0x3f: {  	_ =	shalt  }
0x40: {  	_ =	shalt  }
0x41: {  	_ =	shalt  }
0x42: {  	_ =	shalt  }
0x43: {  	_ =	shalt  }
0x44: {  	_ =	shalt  }
0x45: {  	_ =	shalt  }
0x46: {  	_ =	shalt  }
0x47: {  	_ =	shalt  }
0x48: {  	_ =	shalt  }
0x49: {  	_ =	shalt  }
0x4a: {  	_ =	shalt  }
0x4b: {  	_ =	shalt  }
0x4c: {  	_ =	shalt  }
0x4d: {  	_ =	shalt  }
0x4e: {  	_ =	shalt  }
0x4f: {  	_ =	shalt  }
0x50: {  	_ =	shalt  }
0x51: {  	_ =	shalt  }
0x52: {  	_ =	shalt  }
0x53: {  	_ =	shalt  }
0x54: {  	_ =	shalt  }
0x55: {  	_ =	shalt  }
0x56: {  	_ =	shalt  }
0x57: {  	_ =	shalt  }
0x58: {  	_ =	shalt  }
0x59: {  	_ =	shalt  }
0x5a: {  	_ =	shalt  }
0x5b: {  	_ =	shalt  }
0x5c: {  	_ =	shalt  }
0x5d: {  	_ =	shalt  }
0x5e: {  	_ =	shalt  }
0x5f: {  	_ =	shalt  }
0x60: {  	_ =	shalt  }
0x61: {  	_ =	shalt  }
0x62: {  	_ =	shalt  }
0x63: {  	_ =	shalt  }
0x64: {  	_ =	shalt  }
0x65: {  	_ =	shalt  }
0x66: {  	_ =	shalt  }
0x67: {  	_ =	shalt  }
0x68: {  	_ =	shalt  }
0x69: {  	_ =	shalt  }
0x6a: {  	_ =	shalt  }
0x6b: {  	_ =	shalt  }
0x6c: {  	_ =	shalt  }
0x6d: {  	_ =	shalt  }
0x6e: {  	_ =	shalt  }
0x6f: {  	_ =	shalt  }
0x70: {  	_ =	shalt  }
0x71: {  	_ =	shalt  }
0x72: {  	_ =	shalt  }
0x73: {  	_ =	shalt  }
0x74: {  	_ =	shalt  }
0x75: {  	_ =	shalt  }
0x76: {  	_ =	shalt  }
0x77: {  	_ =	shalt  }
0x78: {  	_ =	shalt  }
0x79: {  	_ =	shalt  }
0x7a: {  	_ =	shalt  }
0x7b: {  	_ =	shalt  }
0x7c: {  	_ =	shalt  }
0x7d: {  	_ =	shalt  }
0x7e: {  	_ =	shalt  }
0x7f: {  	_ =	shalt  }
0x80: {  	_ =	shalt  }
0x81: {  	_ =	shalt  }
0x82: {  	_ =	shalt  }
0x83: {  	_ =	shalt  }
0x84: {  	_ =	shalt  }
0x85: {  	_ =	shalt  }
0x86: {  	_ =	shalt  }
0x87: {  	_ =	shalt  }
.Lfunc_end0:
.L_simem_size_0:
called_computation_lowered:
.L_overlay_start_0:
0x88: {  	s2 =	sld [smem:$0x3FD9]  }
0x89: {  	s3 =	sld [smem:$0x3FFE];
	_ =	sdelay $0x1  }
0x8a: {  	s1 =	srdreg.scid  }
0x8b: {  	s0 =	sand.u32 $0x1, s1  }
0x8c: {  	s17 =	sshll.u32 s0, $0xA;
	s2 =	sadd.s32 s3, s2  }
0x8d: {  	s2 =	sadd.s32 s2, s17  }
0x8e: {  	[smem:$0x3FC3] =	sst s2  }
0x8f: {  	_ = 	snop  }
0x90: {  	s2 =	sld [smem:$0x3FD0];
	(tm) =	ssettm $0x1  }
0x91: {  	s18 =	sld [smem:$0x3FFB];
	_ =	sdelay $0x3  }
0x92: {  	_ =	strace s18  }
0x93: {  	s3 =	sld [smem:$0x3FFC];
	_ =	sdelay $0x3  }
0x94: {  	_ =	strace s3  }
0x95: {  	s3 =	sld [smem:$0x3FFD];
	_ =	sdelay $0x3  }
0x96: {  	_ =	strace s3  }
0x97: {  	_ =	strace $0x8FFFFFFF  }
0x98: {  	s19 =	sld [smem:$0x3FDB];
	_ =	sdelay $0x1  }
0x99: {  	s4 =	simm.s32 $_scs_section_size  }
0x9a: {  	s5 =	simm.s32 $_size__tile_overlayer_lowered;
	s6 =	simm.s32 $_tile_overlayer_lowered  }
0x9b: {  	s22 =	simm.s32 $0x1BFF;
	s21 =	sshll.u32 s6, $0x1;
	s3 =	sadd.s32 s4, s19  }
0x9c: {  	s7 =	simm.s32 $0x0;
	s20 =	sshll.u32 s5, $0x1;
	s5 =	sadd.s32 s21, s3  }
0x9d: {  	[timem:s7], [sflag:s22] =	dma.local [hbm:s5], s20  }
0x9e: {  	_ =	swait.ge [sflag:s22], s20  }
0x9f: {  	s4 =	ssub.s32 $0x0, s20;
	[sflag:s22] =	ssyncset.done $0x0  }
0xa0: {  	[sflag:s22] =	ssyncadd.s32 s4;
	_ =	sdelay $0x1  }
0xa1: {  	s23 =	simm.s32 $0x1B8B  }
0xa2: {  	_ =	swait.ge [sflag:s23], $0x1  }
0xa3: {  	[sflag:s23] =	ssyncset.done $0x0  }
0xa4: {  	s25 =	simm.s32 $0x1B8E;
	s24 =	sld [smem:$0x3FFE];
	[sflag:s23] =	ssyncadd.s32 $0xFFFFFFFF  }
0xa5: {  	s26 =	simm.s32 $execute0_lowered;
	[smem:$0x3FD2] =	sst s25  }
0xa6: {  	s5 =	sshll.u32 s26, $0x1;
	_ =	strace $0x80000046;
	[dreg:$0x1] =	wrdreg $0xFFFFFFFF  }
0xa7: {  	s28 =	simm.s32 $_size_execute0_lowered;
	s3 =	sadd.s32 s3, s5;
	[dreg:$0x0] =	wrdreg $0x0  }
0xa8: {  	s5 =	sshll.u32 s28, $0x1;
	[dreg:$0x2] =	wrdreg s3  }
0xa9: {  	[dreg:$0x3] =	wrdreg s5  }
0xaa: {  	[dreg:$0x4] =	wrdreg $0xC0  }
0xab: {  	_ =	task [dreg:s7], $0x5FFFF  }
0xac: {  	[dreg:$0x1] =	wrdreg $0xFFFFFFFF  }
0xad: {  	[dreg:$0x0] =	wrdreg $0x60  }
0xae: {  	[dreg:$0x2] =	wrdreg s24  }
0xaf: {  	[dreg:$0x3] =	wrdreg s2  }
0xb0: {  	[dreg:$0x4] =	wrdreg $0x9  }
0xb1: {  	_ =	task.clear_ibuf [dreg:s7], $0x5FFFF;
	_ =	strace $0x90000046  }
0xb2: {  	s29 =	simm.s32 $0x9;
	_ =	strace $0x80000048  }
0xb3: {  	_ =	swait.ge [sflag:s29], $0x1  }
0xb4: {  	[sflag:s29] =	ssyncadd.s32 $0xFFFFFFFF  }
0xb5: {  	_ =	strace $0x90000048  }
0xb6: {  	_ =	sfence  }
0xb7: {  	s30 =	sld [smem:$0x0];
	_ =	sdelay $0x2  }
0xb8: {  	s31 =	sshll.u32 s1, $0xD;
	s1 =	sshrl.u32 s1, $0x2  }
0xb9: {  	s3 =	sand.u32 $0x4000, s31;
	s1 =	sadd.s32 s1, s30  }
0xba: {  	s0 =	sor.u32 s3, s0;
	s1 =	sshll.u32 s1, $0x11  }
0xbb: {  	s0 =	sor.u32 s1, s0  }
0xbc: {  	s0 =	sadd.s32 $0x8F2B, s0  }
0xbd: {  	[sflag:s0] =	ssyncadd.remote.s32 $0x1  }
0xbe: {  	_ =	sfence.sel $0xFFFF  }
0xbf: {  	[dreg:$0x0] =	wrdreg $0xFFFFFFFF;
	(pc) =	sbr.abs _section_cstart, $3  }
0xc0: {  	[dreg:$0x1] =	wrdreg $0xFFFFFFFF  }
0xc1: {  	_ =	task.clear_ibuf [dreg:s7], $0x2FFFF;
	_ =	strace $0x9FFFFFFF  }
0xc2: {  	(tm) =	ssettm $0x7FFFFFFF  }
0xc3: {  	_ =	shalt  }
tec
execute0_lowered:
.L_overlay_start_1:
0x0: {  	(tag) =	ssettag $0x1  }
0x1: {  	s0 =	srdreg.scid  }
0x2: {  	s2 =	stileid.u32;
	s1 =	rddreg [dreg:$0x0]  }
0x3: {  	s6 =	rddreg [dreg:$0x1];
	s9 =	simm.s32 $0x2;
	s10 =	simm.s32 $0x1C00  }
0x4: {  	s11 =	simm.s32 $0x80;
	s13 =	simm.s32 $0x6A00;
	s15 =	simm.s32 $0x8A00  }
0x5: {  	s16 =	simm.s32 $0x1;
	s30 =	simm.s32 $0x4D80;
	s31 =	simm.s32 $0x6680  }
0x6: {  	s12 =	simm.s32 $0x4E80;
	s14 =	simm.s32 $0x6780;
	s17 =	simm.s32 $0x4F00  }
0x7: {  	s18 =	simm.s32 $0x6800;
	s19 =	simm.s32 $0x4F80;
	s20 =	simm.s32 $0x6880  }
0x8: {  	s21 =	simm.s32 $0x5000;
	s22 =	simm.s32 $0x6900;
	s23 =	simm.s32 $0x5080  }
0x9: {  	s24 =	simm.s32 $0x6980;
	s25 =	simm.s32 $0x0;
	s0 =	sand.u32 $0x1, s0  }
0xa: {  	s2 =	sshll.u32 s2, $0x8;
	s3 =	sshll.u32 s0, $0x7;
	s0 =	ssub.s32 $0x2, s0  }
0xb: {  	v0 =	vlaneseq.u32;
	s4 =	sor.u32 s3, s2;
	s2 =	simm.s32 $0x0;
	s29 =	sshrl.u32 s0, $0x1  }
0xc: {  	v0 =	vmul.u32 $0x38, v0;
	s3 =	smul.u32 $0x7, s4;
	[smem:$0x7FF] =	sst s2;
	s7 =	sshll.u32 s4, $0x3  }
0xd: {  	s0 =	ssub.s32 s0, s29;
	_ =	strace $0x80000047;
	s6 =	sadd.s32 s6, s7  }
0xe: {  	v2 =	vadd.s32 $0x380, v0;
	v3 =	vadd.s32 $0x700, v0;
	s8 =	smax.u32 s0, $0x1;
	s0 =	simm.s32 $0x6700;
	s5 =	sadd.s32 s3, s1  }
0xf: {  	v4 =	vadd.s32 $0xA80, v0;
	v5 =	vadd.s32 $0xE00, v0;
	v6 =	vadd.s32 $0x1180, v0;
	s3 =	sadd.s32 $0x2F800, s1;
	s1 =	sadd.s32 s7, s1;
	s4 =	sadd.s32 $0x28800, s5  }
0x10: {  	v1 =	vimm.s32 $0x0;
	v7 =	vadd.s32 $0x1500, v0;
	v8 =	vadd.s32 $0x1880, v0;
	s5 =	sadd.s32 $0x21800, s5;
	s7 =	sadd.s32 $0x7EF800, s1;
	s1 =	simm.s32 $0x4E00  }
.LBB2_1:
0x11: {  	[tilespmem:s2], [sflag:$0x2] =	stream.linear.gather [hbm4b:s4+s2], $0x1C00, $0x38;
	[tilespmem:$0xAA00] =	vst v63  }
0x12: {  	v9 =	vmov s2;
	_ =	swait.ge [sflag:s9], $0x1C00  }
0x13: {  	v9 =	vand.u32 $0x3F, v9;
	[sflag:s9] =	ssyncset.done $0x0  }
0x14: {  	v10 =	vadd.s32 v0, v9;
	[sflag:s9] =	ssyncadd.s32 $0xFFFFE400  }
0x15: {  	[tilespmem:s10], [sflag:$0x2] =	stream.linear.gather [hbm4b:s5+s2], $0x1C00, $0x38;
	[tilespmem:$0xAA00] =	vst v63  }
0x16: {  	_ =	swait.ge [sflag:s9], $0x1C00  }
0x17: {  	[sflag:s9] =	ssyncset.done $0x0  }
0x18: {  	[sflag:s9] =	ssyncadd.s32 $0xFFFFE400  }
0x19: {  	v10 =	vld.idx.msk [tilespmem:v10+s2+$0x0], $0xffff;
	_ =	sdelay $0x3  }
0x1a: {  	v11 =	vadd.s32 v2, v9  }
0x1b: {  	vm0 =	vgt.s32 v10, $0x7BFFF  }
0x1c: {  	v10 =	vshll.u32 v10, $0x1;
	v12 =	vsel vm0, $0xFFF08001, v1  }
0x1d: {  	s26 =	simm.s32 $0x3840;
	v10 =	vadd.s32 v10, v12  }
0x1e: {  	[tilespmem:s26+$0xFFFFFFC0] =	vst v10  }
0x1f: {  	v10 =	vld.idx.msk [tilespmem:v11+s2+$0x0], $0xffff;
	_ =	sdelay $0x3  }
0x20: {  	v11 =	vadd.s32 v3, v9  }
0x21: {  	vm10 =	vgt.s32 v10, $0x7BFFF  }
0x22: {  	v10 =	vshll.u32 v10, $0x1;
	v59 =	vsel vm10, $0xFFF08001, v1  }
0x23: {  	v10 =	vadd.s32 v10, v59  }
0x24: {  	[tilespmem:s26+$0xFFFFFFD0] =	vst v10  }
0x25: {  	v10 =	vld.idx.msk [tilespmem:v11+s2+$0x0], $0xffff;
	_ =	sdelay $0x3  }
0x26: {  	v11 =	vadd.s32 v4, v9  }
0x27: {  	vm11 =	vgt.s32 v10, $0x7BFFF  }
0x28: {  	v10 =	vshll.u32 v10, $0x1;
	v60 =	vsel vm11, $0xFFF08001, v1  }
0x29: {  	v10 =	vadd.s32 v10, v60  }
0x2a: {  	[tilespmem:s26+$0xFFFFFFE0] =	vst v10  }
0x2b: {  	v10 =	vld.idx.msk [tilespmem:v11+s2+$0x0], $0xffff;
	_ =	sdelay $0x3  }
0x2c: {  	v11 =	vadd.s32 v5, v9  }
0x2d: {  	vm12 =	vgt.s32 v10, $0x7BFFF  }
0x2e: {  	v10 =	vshll.u32 v10, $0x1;
	v61 =	vsel vm12, $0xFFF08001, v1  }
0x2f: {  	v10 =	vadd.s32 v10, v61  }
0x30: {  	[tilespmem:s26+$0xFFFFFFF0] =	vst v10  }
0x31: {  	v10 =	vld.idx.msk [tilespmem:v11+s2+$0x0], $0xffff;
	_ =	sdelay $0x3  }
0x32: {  	v11 =	vadd.s32 v6, v9  }
0x33: {  	vm13 =	vgt.s32 v10, $0x7BFFF  }
0x34: {  	v10 =	vshll.u32 v10, $0x1;
	v62 =	vsel vm13, $0xFFF08001, v1  }
0x35: {  	v10 =	vadd.s32 v10, v62  }
0x36: {  	[tilespmem:s26+$0x0] =	vst v10  }
0x37: {  	v10 =	vld.idx.msk [tilespmem:v11+s2+$0x0], $0xffff;
	_ =	sdelay $0x3  }
0x38: {  	v11 =	vadd.s32 v7, v9  }
0x39: {  	vm14 =	vgt.s32 v10, $0x7BFFF  }
0x3a: {  	v10 =	vshll.u32 v10, $0x1;
	v63 =	vsel vm14, $0xFFF08001, v1  }
0x3b: {  	v10 =	vadd.s32 v10, v63  }
0x3c: {  	[tilespmem:s26+$0x10] =	vst v10  }
0x3d: {  	v10 =	vld.idx.msk [tilespmem:v11+s2+$0x0], $0xffff;
	_ =	sdelay $0x3  }
0x3e: {  	v9 =	vadd.s32 v8, v9  }
0x3f: {  	vm15 =	vgt.s32 v10, $0x7BFFF  }
0x40: {  	v10 =	vshll.u32 v10, $0x1;
	v11 =	vsel vm15, $0xFFF08001, v1  }
0x41: {  	v10 =	vadd.s32 v10, v11  }
0x42: {  	[tilespmem:s26+$0x20] =	vst v10  }
0x43: {  	v9 =	vld.idx.msk [tilespmem:v9+s2+$0x0], $0xffff  }
0x44: {  	s28 =	simm.s32 $0x1  }
0x45: {  	s29 =	simm.s32 $0x2;
	v10 =	vmov s28  }
.LBB2_2:
0x46: {  	p0 =	sne.s32 s29, $0x31;
	v10 =	vand.u32 $0x3F, v10  }
0x47: {  	v11 =	vadd.s32 v0, v10  }
0x48: {  	vm0 =	vgt.s32 v9, $0x7BFFF  }
0x49: {  	v9 =	vshll.u32 v9, $0x1;
	v12 =	vsel vm0, $0xFFF08001, v1  }
0x4a: {  	v9 =	vadd.s32 v9, v12  }
0x4b: {  	s28 =	simm.s32 $0x0;
	[tilespmem:s26+$0x30] =	vst v9  }
0x4c: {  	v9 =	vld.idx.msk [tilespmem:v11+s28+$0x0], $0xffff;
	_ =	sdelay $0x4  }
0x4d: {  	v11 =	vadd.s32 v2, v10  }
0x4e: {  	vm0 =	vgt.s32 v9, $0x7BFFF  }
0x4f: {  	v9 =	vshll.u32 v9, $0x1;
	v12 =	vsel vm0, $0xFFF08001, v1  }
0x50: {  	s26 =	sadd.s32 $0x80, s26;
	v9 =	vadd.s32 v9, v12  }
0x51: {  	[tilespmem:s26+$0xFFFFFFC0] =	vst v9  }
0x52: {  	v9 =	vld.idx.msk [tilespmem:v11+s28+$0x0], $0xffff;
	_ =	sdelay $0x4  }
0x53: {  	v11 =	vadd.s32 v3, v10  }
0x54: {  	vm0 =	vgt.s32 v9, $0x7BFFF  }
0x55: {  	v9 =	vshll.u32 v9, $0x1;
	v12 =	vsel vm0, $0xFFF08001, v1  }
0x56: {  	v9 =	vadd.s32 v9, v12  }
0x57: {  	[tilespmem:s26+$0xFFFFFFD0] =	vst v9  }
0x58: {  	v9 =	vld.idx.msk [tilespmem:v11+s28+$0x0], $0xffff;
	_ =	sdelay $0x4  }
0x59: {  	v11 =	vadd.s32 v4, v10  }
0x5a: {  	vm0 =	vgt.s32 v9, $0x7BFFF  }
0x5b: {  	v9 =	vshll.u32 v9, $0x1;
	v12 =	vsel vm0, $0xFFF08001, v1  }
0x5c: {  	v9 =	vadd.s32 v9, v12  }
0x5d: {  	[tilespmem:s26+$0xFFFFFFE0] =	vst v9  }
0x5e: {  	v9 =	vld.idx.msk [tilespmem:v11+s28+$0x0], $0xffff;
	_ =	sdelay $0x4  }
0x5f: {  	v11 =	vadd.s32 v5, v10  }
0x60: {  	vm0 =	vgt.s32 v9, $0x7BFFF  }
0x61: {  	v9 =	vshll.u32 v9, $0x1;
	v12 =	vsel vm0, $0xFFF08001, v1  }
0x62: {  	v9 =	vadd.s32 v9, v12  }
0x63: {  	[tilespmem:s26+$0xFFFFFFF0] =	vst v9  }
0x64: {  	v9 =	vld.idx.msk [tilespmem:v11+s28+$0x0], $0xffff;
	_ =	sdelay $0x4  }
0x65: {  	v11 =	vadd.s32 v6, v10  }
0x66: {  	vm0 =	vgt.s32 v9, $0x7BFFF  }
0x67: {  	v9 =	vshll.u32 v9, $0x1;
	v12 =	vsel vm0, $0xFFF08001, v1  }
0x68: {  	v9 =	vadd.s32 v9, v12  }
0x69: {  	[tilespmem:s26+$0x0] =	vst v9  }
0x6a: {  	v9 =	vld.idx.msk [tilespmem:v11+s28+$0x0], $0xffff;
	_ =	sdelay $0x4  }
0x6b: {  	v11 =	vadd.s32 v7, v10  }
0x6c: {  	vm0 =	vgt.s32 v9, $0x7BFFF  }
0x6d: {  	v9 =	vshll.u32 v9, $0x1;
	v12 =	vsel vm0, $0xFFF08001, v1  }
0x6e: {  	v9 =	vadd.s32 v9, v12  }
0x6f: {  	[tilespmem:s26+$0x10] =	vst v9  }
0x70: {  	v9 =	vld.idx.msk [tilespmem:v11+s28+$0x0], $0xffff;
	_ =	sdelay $0x4  }
0x71: {  	v10 =	vadd.s32 v8, v10  }
0x72: {  	vm0 =	vgt.s32 v9, $0x7BFFF  }
0x73: {  	v9 =	vshll.u32 v9, $0x1;
	v11 =	vsel vm0, $0xFFF08001, v1  }
0x74: {  	v9 =	vadd.s32 v9, v11  }
.Ltmp0:
0x75: {  	[tilespmem:s26+$0x20] =	vst v9;
	(pc) =	sbr.rel @p0 .LBB2_2-.Ltmp0, $2  }
0x76: {  	v9 =	vld.idx.msk [tilespmem:v10+s28+$0x0], $0xffff;
	_ =	sdelay $0x2  }
0x77: {  	v10 =	vmov s29;
	s29 =	sadd.s32 $0x1, s29  }
0x78: {  	v10 =	vand.u32 $0x3F, v10  }
0x79: {  	v11 =	vadd.s32 v0, v10  }
0x7a: {  	vm0 =	vgt.s32 v9, $0x7BFFF  }
0x7b: {  	v9 =	vshll.u32 v9, $0x1;
	v12 =	vsel vm0, $0xFFF08001, v1  }
0x7c: {  	v9 =	vadd.s32 v9, v12  }
0x7d: {  	[tilespmem:s26+$0x30] =	vst v9  }
0x7e: {  	v9 =	vld.idx.msk [tilespmem:v11+s28+$0x0], $0xffff;
	_ =	sdelay $0x3  }
0x7f: {  	v11 =	vadd.s32 v2, v10  }
0x80: {  	vm8 =	vgt.s32 v9, $0x7BFFF  }
0x81: {  	v9 =	vshll.u32 v9, $0x1;
	v58 =	vsel vm8, $0xFFF08001, v1  }
0x82: {  	s29 =	sadd.s32 $0x80, s26;
	v9 =	vadd.s32 v9, v58  }
0x83: {  	[tilespmem:s29+$0xFFFFFFC0] =	vst v9  }
0x84: {  	v9 =	vld.idx.msk [tilespmem:v11+s28+$0x0], $0xffff;
	_ =	sdelay $0x3  }
0x85: {  	v11 =	vadd.s32 v3, v10  }
0x86: {  	vm9 =	vgt.s32 v9, $0x7BFFF  }
0x87: {  	v9 =	vshll.u32 v9, $0x1;
	v59 =	vsel vm9, $0xFFF08001, v1  }
0x88: {  	v9 =	vadd.s32 v9, v59  }
0x89: {  	[tilespmem:s29+$0xFFFFFFD0] =	vst v9  }
0x8a: {  	v9 =	vld.idx.msk [tilespmem:v11+s28+$0x0], $0xffff;
	_ =	sdelay $0x3  }
0x8b: {  	v11 =	vadd.s32 v4, v10  }
0x8c: {  	vm10 =	vgt.s32 v9, $0x7BFFF  }
0x8d: {  	v9 =	vshll.u32 v9, $0x1;
	v60 =	vsel vm10, $0xFFF08001, v1  }
0x8e: {  	v9 =	vadd.s32 v9, v60  }
0x8f: {  	[tilespmem:s29+$0xFFFFFFE0] =	vst v9  }
0x90: {  	v9 =	vld.idx.msk [tilespmem:v11+s28+$0x0], $0xffff;
	_ =	sdelay $0x3  }
0x91: {  	v11 =	vadd.s32 v5, v10  }
0x92: {  	vm11 =	vgt.s32 v9, $0x7BFFF  }
0x93: {  	v9 =	vshll.u32 v9, $0x1;
	v61 =	vsel vm11, $0xFFF08001, v1  }
0x94: {  	v9 =	vadd.s32 v9, v61  }
0x95: {  	[tilespmem:s29+$0xFFFFFFF0] =	vst v9  }
0x96: {  	v9 =	vld.idx.msk [tilespmem:v11+s28+$0x0], $0xffff;
	_ =	sdelay $0x3  }
0x97: {  	v11 =	vadd.s32 v6, v10  }
0x98: {  	vm12 =	vgt.s32 v9, $0x7BFFF  }
0x99: {  	v9 =	vshll.u32 v9, $0x1;
	v62 =	vsel vm12, $0xFFF08001, v1  }
0x9a: {  	v9 =	vadd.s32 v9, v62  }
0x9b: {  	[tilespmem:s29+$0x0] =	vst v9  }
0x9c: {  	v9 =	vld.idx.msk [tilespmem:v11+s28+$0x0], $0xffff;
	_ =	sdelay $0x3  }
0x9d: {  	v11 =	vadd.s32 v7, v10  }
0x9e: {  	vm13 =	vgt.s32 v9, $0x7BFFF  }
0x9f: {  	v9 =	vshll.u32 v9, $0x1;
	v63 =	vsel vm13, $0xFFF08001, v1  }
0xa0: {  	v9 =	vadd.s32 v9, v63  }
0xa1: {  	[tilespmem:s29+$0x10] =	vst v9  }
0xa2: {  	v9 =	vld.idx.msk [tilespmem:v11+s28+$0x0], $0xffff;
	_ =	sdelay $0x3  }
0xa3: {  	v10 =	vadd.s32 v8, v10  }
0xa4: {  	vm14 =	vgt.s32 v9, $0x7BFFF  }
0xa5: {  	v9 =	vshll.u32 v9, $0x1;
	v11 =	vsel vm14, $0xFFF08001, v1  }
0xa6: {  	v9 =	vadd.s32 v9, v11  }
0xa7: {  	[tilespmem:s29+$0x20] =	vst v9  }
0xa8: {  	v9 =	vld.idx.msk [tilespmem:v10+s28+$0x0], $0xffff;
	_ =	sdelay $0x2  }
0xa9: {  	p1 =	por $0x1, $0x1  }
.Ltmp1:
0xaa: {  	_ = 	snop;
	(pc) =	sbr.rel @!p1 .LBB2_4-.Ltmp1, $4  }
0xab: {  	vm15 =	vgt.s32 v9, $0x7BFFF  }
0xac: {  	v9 =	vshll.u32 v9, $0x1;
	v10 =	vsel vm15, $0xFFF08001, v1  }
0xad: {  	v9 =	vadd.s32 v9, v10  }
0xae: {  	p0 =	por $0x0, $0x0;
	s26 =	simm.s32 $0x5140;
	v10 =	vmov s28;
	s28 =	simm.s32 $0x1;
	[tilespmem:s29+$0x30] =	vst v9  }
0xaf: {  	v9 =	vand.u32 $0x3F, v10  }
0xb0: {  	v10 =	vadd.s32 v0, v9;
	_ =	sdelay $0x4  }
0xb1: {  	v10 =	vld.idx.msk [tilespmem:v10+s10+$0x0], $0xffff;
	_ =	sdelay $0x3  }
0xb2: {  	v11 =	vadd.s32 v2, v9  }
0xb3: {  	vm0 =	vgt.s32 v10, $0x7BFFF  }
0xb4: {  	v10 =	vshll.u32 v10, $0x1;
	v12 =	vsel vm0, $0xFFF08001, v1  }
0xb5: {  	v10 =	vadd.s32 v10, v12  }
0xb6: {  	[tilespmem:s26+$0xFFFFFFC0] =	vst v10  }
0xb7: {  	v10 =	vld.idx.msk [tilespmem:v11+s10+$0x0], $0xffff;
	_ =	sdelay $0x3  }
0xb8: {  	v11 =	vadd.s32 v3, v9  }
0xb9: {  	vm10 =	vgt.s32 v10, $0x7BFFF  }
0xba: {  	v10 =	vshll.u32 v10, $0x1;
	v59 =	vsel vm10, $0xFFF08001, v1  }
0xbb: {  	v10 =	vadd.s32 v10, v59  }
0xbc: {  	[tilespmem:s26+$0xFFFFFFD0] =	vst v10  }
0xbd: {  	v10 =	vld.idx.msk [tilespmem:v11+s10+$0x0], $0xffff;
	_ =	sdelay $0x3  }
0xbe: {  	v11 =	vadd.s32 v4, v9  }
0xbf: {  	vm11 =	vgt.s32 v10, $0x7BFFF  }
0xc0: {  	v10 =	vshll.u32 v10, $0x1;
	v60 =	vsel vm11, $0xFFF08001, v1  }
0xc1: {  	v10 =	vadd.s32 v10, v60  }
0xc2: {  	[tilespmem:s26+$0xFFFFFFE0] =	vst v10  }
0xc3: {  	v10 =	vld.idx.msk [tilespmem:v11+s10+$0x0], $0xffff;
	_ =	sdelay $0x3  }
0xc4: {  	v11 =	vadd.s32 v5, v9  }
0xc5: {  	vm12 =	vgt.s32 v10, $0x7BFFF  }
0xc6: {  	v10 =	vshll.u32 v10, $0x1;
	v61 =	vsel vm12, $0xFFF08001, v1  }
0xc7: {  	v10 =	vadd.s32 v10, v61  }
0xc8: {  	[tilespmem:s26+$0xFFFFFFF0] =	vst v10  }
0xc9: {  	v10 =	vld.idx.msk [tilespmem:v11+s10+$0x0], $0xffff;
	_ =	sdelay $0x3  }
0xca: {  	v11 =	vadd.s32 v6, v9  }
0xcb: {  	vm13 =	vgt.s32 v10, $0x7BFFF  }
0xcc: {  	v10 =	vshll.u32 v10, $0x1;
	v62 =	vsel vm13, $0xFFF08001, v1  }
0xcd: {  	v10 =	vadd.s32 v10, v62  }
0xce: {  	[tilespmem:s26+$0x0] =	vst v10  }
0xcf: {  	v10 =	vld.idx.msk [tilespmem:v11+s10+$0x0], $0xffff;
	_ =	sdelay $0x3  }
0xd0: {  	v11 =	vadd.s32 v7, v9  }
0xd1: {  	vm14 =	vgt.s32 v10, $0x7BFFF  }
0xd2: {  	v10 =	vshll.u32 v10, $0x1;
	v63 =	vsel vm14, $0xFFF08001, v1  }
0xd3: {  	v10 =	vadd.s32 v10, v63  }
0xd4: {  	[tilespmem:s26+$0x10] =	vst v10  }
0xd5: {  	v10 =	vld.idx.msk [tilespmem:v11+s10+$0x0], $0xffff;
	_ =	sdelay $0x3  }
0xd6: {  	v9 =	vadd.s32 v8, v9  }
0xd7: {  	vm15 =	vgt.s32 v10, $0x7BFFF  }
0xd8: {  	p1 =	por $0x1, $0x1;
	v10 =	vshll.u32 v10, $0x1;
	v11 =	vsel vm15, $0xFFF08001, v1  }
.Ltmp2:
0xd9: {  	v10 =	vadd.s32 v10, v11;
	(pc) =	sbr.rel @!p1 .LBB2_6-.Ltmp2, $3  }
0xda: {  	[tilespmem:s26+$0x20] =	vst v10  }
0xdb: {  	v9 =	vld.idx.msk [tilespmem:v9+s10+$0x0], $0xffff;
	_ =	sdelay $0x1  }
0xdc: {  	s29 =	simm.s32 $0x2;
	p0 =	por $0x1, $0x1;
	v10 =	vmov s28;
	s28 =	simm.s32 $0x5140  }
.LBB2_7:
0xdd: {  	p1 =	sne.s32 s29, $0x31;
	v10 =	vand.u32 $0x3F, v10  }
0xde: {  	v11 =	vadd.s32 v0, v10  }
0xdf: {  	vm0 =	vgt.s32 v9, $0x7BFFF  }
0xe0: {  	v9 =	vshll.u32 v9, $0x1;
	v12 =	vsel vm0, $0xFFF08001, v1  }
0xe1: {  	v9 =	vadd.s32 v9, v12  }
0xe2: {  	[tilespmem:s28+$0x30] =	vst v9  }
0xe3: {  	v9 =	vld.idx.msk [tilespmem:v11+s10+$0x0], $0xffff;
	_ =	sdelay $0x4  }
0xe4: {  	v11 =	vadd.s32 v2, v10  }
0xe5: {  	vm0 =	vgt.s32 v9, $0x7BFFF  }
0xe6: {  	v9 =	vshll.u32 v9, $0x1;
	v12 =	vsel vm0, $0xFFF08001, v1  }
0xe7: {  	s28 =	sadd.s32 $0x80, s28;
	v9 =	vadd.s32 v9, v12  }
0xe8: {  	[tilespmem:s28+$0xFFFFFFC0] =	vst v9  }
0xe9: {  	v9 =	vld.idx.msk [tilespmem:v11+s10+$0x0], $0xffff;
	_ =	sdelay $0x4  }
0xea: {  	v11 =	vadd.s32 v3, v10  }
0xeb: {  	vm0 =	vgt.s32 v9, $0x7BFFF  }
0xec: {  	v9 =	vshll.u32 v9, $0x1;
	v12 =	vsel vm0, $0xFFF08001, v1  }
0xed: {  	v9 =	vadd.s32 v9, v12  }
0xee: {  	[tilespmem:s28+$0xFFFFFFD0] =	vst v9  }
0xef: {  	v9 =	vld.idx.msk [tilespmem:v11+s10+$0x0], $0xffff;
	_ =	sdelay $0x4  }
0xf0: {  	v11 =	vadd.s32 v4, v10  }
0xf1: {  	vm0 =	vgt.s32 v9, $0x7BFFF  }
0xf2: {  	v9 =	vshll.u32 v9, $0x1;
	v12 =	vsel vm0, $0xFFF08001, v1  }
0xf3: {  	v9 =	vadd.s32 v9, v12  }
0xf4: {  	[tilespmem:s28+$0xFFFFFFE0] =	vst v9  }
0xf5: {  	v9 =	vld.idx.msk [tilespmem:v11+s10+$0x0], $0xffff;
	_ =	sdelay $0x4  }
0xf6: {  	v11 =	vadd.s32 v5, v10  }
0xf7: {  	vm0 =	vgt.s32 v9, $0x7BFFF  }
0xf8: {  	v9 =	vshll.u32 v9, $0x1;
	v12 =	vsel vm0, $0xFFF08001, v1  }
0xf9: {  	v9 =	vadd.s32 v9, v12  }
0xfa: {  	[tilespmem:s28+$0xFFFFFFF0] =	vst v9  }
0xfb: {  	v9 =	vld.idx.msk [tilespmem:v11+s10+$0x0], $0xffff;
	_ =	sdelay $0x4  }
0xfc: {  	v11 =	vadd.s32 v6, v10  }
0xfd: {  	vm0 =	vgt.s32 v9, $0x7BFFF  }
0xfe: {  	v9 =	vshll.u32 v9, $0x1;
	v12 =	vsel vm0, $0xFFF08001, v1  }
0xff: {  	v9 =	vadd.s32 v9, v12  }
0x100: {  	[tilespmem:s28+$0x0] =	vst v9  }
0x101: {  	v9 =	vld.idx.msk [tilespmem:v11+s10+$0x0], $0xffff;
	_ =	sdelay $0x4  }
0x102: {  	v11 =	vadd.s32 v7, v10  }
0x103: {  	vm0 =	vgt.s32 v9, $0x7BFFF  }
0x104: {  	v9 =	vshll.u32 v9, $0x1;
	v12 =	vsel vm0, $0xFFF08001, v1  }
0x105: {  	v9 =	vadd.s32 v9, v12  }
0x106: {  	[tilespmem:s28+$0x10] =	vst v9  }
0x107: {  	v9 =	vld.idx.msk [tilespmem:v11+s10+$0x0], $0xffff;
	_ =	sdelay $0x4  }
0x108: {  	v10 =	vadd.s32 v8, v10  }
0x109: {  	vm0 =	vgt.s32 v9, $0x7BFFF  }
0x10a: {  	v9 =	vshll.u32 v9, $0x1;
	v11 =	vsel vm0, $0xFFF08001, v1  }
0x10b: {  	v9 =	vadd.s32 v9, v11  }
.Ltmp3:
0x10c: {  	[tilespmem:s28+$0x20] =	vst v9;
	(pc) =	sbr.rel @p1 .LBB2_7-.Ltmp3, $2  }
0x10d: {  	v9 =	vld.idx.msk [tilespmem:v10+s10+$0x0], $0xffff;
	_ =	sdelay $0x2  }
0x10e: {  	v10 =	vmov s29;
	s29 =	sadd.s32 $0x1, s29  }
.LBB2_8:
0x10f: {  	v10 =	vand.u32 $0x3F, v10  }
0x110: {  	v11 =	vadd.s32 v0, v10  }
0x111: {  	vm0 =	vgt.s32 @p0 v9, $0x7BFFF  }
0x112: {  	v9 =	vshll.u32 @p0 v9, $0x1;
	v12 =	vsel @p0 vm0, $0xFFF08001, v1  }
0x113: {  	v9 =	vadd.s32 @p0 v9, v12  }
0x114: {  	[tilespmem:s28+$0x30] =	vst @p0 v9  }
0x115: {  	v9 =	vld.idx.msk [tilespmem:v11+s10+$0x0], $0xffff;
	_ =	sdelay $0x3  }
0x116: {  	v11 =	vadd.s32 v2, v10  }
0x117: {  	vm8 =	vgt.s32 v9, $0x7BFFF  }
0x118: {  	s28 =	sadd.s32 @p0 $0x80, s28;
	v9 =	vshll.u32 v9, $0x1;
	v58 =	vsel vm8, $0xFFF08001, v1  }
0x119: {  	s26 =	smov.u32 @p0 s28;
	v9 =	vadd.s32 v9, v58  }
0x11a: {  	[tilespmem:s26+$0xFFFFFFC0] =	vst v9  }
0x11b: {  	v9 =	vld.idx.msk [tilespmem:v11+s10+$0x0], $0xffff;
	_ =	sdelay $0x3  }
0x11c: {  	v11 =	vadd.s32 v3, v10  }
0x11d: {  	vm9 =	vgt.s32 v9, $0x7BFFF  }
0x11e: {  	v9 =	vshll.u32 v9, $0x1;
	v59 =	vsel vm9, $0xFFF08001, v1  }
0x11f: {  	v9 =	vadd.s32 v9, v59  }
0x120: {  	[tilespmem:s26+$0xFFFFFFD0] =	vst v9  }
0x121: {  	v9 =	vld.idx.msk [tilespmem:v11+s10+$0x0], $0xffff;
	_ =	sdelay $0x3  }
0x122: {  	v11 =	vadd.s32 v4, v10  }
0x123: {  	vm10 =	vgt.s32 v9, $0x7BFFF  }
0x124: {  	v9 =	vshll.u32 v9, $0x1;
	v60 =	vsel vm10, $0xFFF08001, v1  }
0x125: {  	v9 =	vadd.s32 v9, v60  }
0x126: {  	[tilespmem:s26+$0xFFFFFFE0] =	vst v9  }
0x127: {  	v9 =	vld.idx.msk [tilespmem:v11+s10+$0x0], $0xffff;
	_ =	sdelay $0x3  }
0x128: {  	v11 =	vadd.s32 v5, v10  }
0x129: {  	vm11 =	vgt.s32 v9, $0x7BFFF  }
0x12a: {  	v9 =	vshll.u32 v9, $0x1;
	v61 =	vsel vm11, $0xFFF08001, v1  }
0x12b: {  	v9 =	vadd.s32 v9, v61  }
0x12c: {  	[tilespmem:s26+$0xFFFFFFF0] =	vst v9  }
0x12d: {  	v9 =	vld.idx.msk [tilespmem:v11+s10+$0x0], $0xffff;
	_ =	sdelay $0x3  }
0x12e: {  	v11 =	vadd.s32 v6, v10  }
0x12f: {  	vm12 =	vgt.s32 v9, $0x7BFFF  }
0x130: {  	v9 =	vshll.u32 v9, $0x1;
	v62 =	vsel vm12, $0xFFF08001, v1  }
0x131: {  	v9 =	vadd.s32 v9, v62  }
0x132: {  	[tilespmem:s26+$0x0] =	vst v9  }
0x133: {  	v9 =	vld.idx.msk [tilespmem:v11+s10+$0x0], $0xffff;
	_ =	sdelay $0x3  }
0x134: {  	v11 =	vadd.s32 v7, v10  }
0x135: {  	vm13 =	vgt.s32 v9, $0x7BFFF  }
0x136: {  	v9 =	vshll.u32 v9, $0x1;
	v63 =	vsel vm13, $0xFFF08001, v1  }
0x137: {  	v9 =	vadd.s32 v9, v63  }
0x138: {  	[tilespmem:s26+$0x10] =	vst v9  }
0x139: {  	v9 =	vld.idx.msk [tilespmem:v11+s10+$0x0], $0xffff;
	_ =	sdelay $0x3  }
0x13a: {  	v10 =	vadd.s32 v8, v10  }
0x13b: {  	vm14 =	vgt.s32 v9, $0x7BFFF  }
0x13c: {  	v9 =	vshll.u32 v9, $0x1;
	v11 =	vsel vm14, $0xFFF08001, v1  }
0x13d: {  	v9 =	vadd.s32 v9, v11  }
0x13e: {  	[tilespmem:s26+$0x20] =	vst v9  }
0x13f: {  	v9 =	vld.idx.msk [tilespmem:v10+s10+$0x0], $0xffff;
	_ =	sdelay $0x4  }
0x140: {  	vm15 =	vgt.s32 v9, $0x7BFFF  }
0x141: {  	v9 =	vshll.u32 v9, $0x1;
	v10 =	vsel vm15, $0xFFF08001, v1  }
0x142: {  	v9 =	vadd.s32 v9, v10  }
0x143: {  	s28 =	simm.s32 $0x3800;
	[tilespmem:s26+$0x30] =	vst v9  }
0x144: {  	[tilespmem:s13], [sflag:$0x1] =	stream.indirect.gather [hbm4b:s3+s11], $0x40, s28, s11, $0xb8;
	[tilespmem:$0xAA00] =	vst v63  }
0x145: {  	s29 =	simm.s32 $0x5100  }
0x146: {  	[tilespmem:s15], [sflag:$0x1] =	stream.indirect.gather [hbm4b:s3+s11], $0x40, s29, s11, $0xb8;
	[tilespmem:$0xAA00] =	vst v63  }
0x147: {  	_ =	swait.ge [sflag:s16], $0x2000  }
0x148: {  	[sflag:s16] =	ssyncset.done $0x0  }
0x149: {  	[sflag:s16] =	ssyncadd.s32 $0xFFFFE000  }
0x14a: {  	_ =	swait.ge [sflag:s16], $0x2000  }
0x14b: {  	[sflag:s16] =	ssyncset.done $0x0  }
0x14c: {  	s28 =	simm.s32 $0x3880;
	[sflag:s16] =	ssyncadd.s32 $0xFFFFE000  }
0x14d: {  	[tilespmem:s13], [sflag:$0x1] =	stream.indirect.gather.add.f32 [hbm:s3], $0x40, s28, s11, $0xb8;
	[tilespmem:$0xAA00] =	vst v63  }
0x14e: {  	s29 =	simm.s32 $0x5180  }
0x14f: {  	[tilespmem:s15], [sflag:$0x1] =	stream.indirect.gather.add.f32 [hbm:s3], $0x40, s29, s11, $0xb8;
	[tilespmem:$0xAA00] =	vst v63  }
0x150: {  	s28 =	simm.s32 $0x3900  }
0x151: {  	[tilespmem:s13], [sflag:$0x1] =	stream.indirect.gather.add.f32 [hbm:s3], $0x40, s28, s11, $0xb8;
	[tilespmem:$0xAA00] =	vst v63  }
0x152: {  	s29 =	simm.s32 $0x5200  }
0x153: {  	[tilespmem:s15], [sflag:$0x1] =	stream.indirect.gather.add.f32 [hbm:s3], $0x40, s29, s11, $0xb8;
	[tilespmem:$0xAA00] =	vst v63  }
0x154: {  	s28 =	simm.s32 $0x3980  }
0x155: {  	[tilespmem:s13], [sflag:$0x1] =	stream.indirect.gather.add.f32 [hbm:s3], $0x40, s28, s11, $0xb8;
	[tilespmem:$0xAA00] =	vst v63  }
0x156: {  	s29 =	simm.s32 $0x5280  }
0x157: {  	[tilespmem:s15], [sflag:$0x1] =	stream.indirect.gather.add.f32 [hbm:s3], $0x40, s29, s11, $0xb8;
	[tilespmem:$0xAA00] =	vst v63  }
0x158: {  	s28 =	simm.s32 $0x3A00  }
0x159: {  	[tilespmem:s13], [sflag:$0x1] =	stream.indirect.gather.add.f32 [hbm:s3], $0x40, s28, s11, $0xb8;
	[tilespmem:$0xAA00] =	vst v63  }
0x15a: {  	s29 =	simm.s32 $0x5300  }
0x15b: {  	[tilespmem:s15], [sflag:$0x1] =	stream.indirect.gather.add.f32 [hbm:s3], $0x40, s29, s11, $0xb8;
	[tilespmem:$0xAA00] =	vst v63  }
0x15c: {  	s28 =	simm.s32 $0x3A80  }
0x15d: {  	[tilespmem:s13], [sflag:$0x1] =	stream.indirect.gather.add.f32 [hbm:s3], $0x40, s28, s11, $0xb8;
	[tilespmem:$0xAA00] =	vst v63  }
0x15e: {  	s29 =	simm.s32 $0x5380  }
0x15f: {  	[tilespmem:s15], [sflag:$0x1] =	stream.indirect.gather.add.f32 [hbm:s3], $0x40, s29, s11, $0xb8;
	[tilespmem:$0xAA00] =	vst v63  }
0x160: {  	s28 =	simm.s32 $0x3B00  }
0x161: {  	[tilespmem:s13], [sflag:$0x1] =	stream.indirect.gather.add.f32 [hbm:s3], $0x40, s28, s11, $0xb8;
	[tilespmem:$0xAA00] =	vst v63  }
0x162: {  	s29 =	simm.s32 $0x5400  }
0x163: {  	[tilespmem:s15], [sflag:$0x1] =	stream.indirect.gather.add.f32 [hbm:s3], $0x40, s29, s11, $0xb8;
	[tilespmem:$0xAA00] =	vst v63  }
0x164: {  	s28 =	simm.s32 $0x3B80  }
0x165: {  	[tilespmem:s13], [sflag:$0x1] =	stream.indirect.gather.add.f32 [hbm:s3], $0x40, s28, s11, $0xb8;
	[tilespmem:$0xAA00] =	vst v63  }
0x166: {  	s29 =	simm.s32 $0x5480  }
0x167: {  	[tilespmem:s15], [sflag:$0x1] =	stream.indirect.gather.add.f32 [hbm:s3], $0x40, s29, s11, $0xb8;
	[tilespmem:$0xAA00] =	vst v63  }
0x168: {  	s28 =	simm.s32 $0x3C00  }
0x169: {  	[tilespmem:s13], [sflag:$0x1] =	stream.indirect.gather.add.f32 [hbm:s3], $0x40, s28, s11, $0xb8;
	[tilespmem:$0xAA00] =	vst v63  }
0x16a: {  	s29 =	simm.s32 $0x5500  }
0x16b: {  	[tilespmem:s15], [sflag:$0x1] =	stream.indirect.gather.add.f32 [hbm:s3], $0x40, s29, s11, $0xb8;
	[tilespmem:$0xAA00] =	vst v63  }
0x16c: {  	s28 =	simm.s32 $0x3C80  }
0x16d: {  	[tilespmem:s13], [sflag:$0x1] =	stream.indirect.gather.add.f32 [hbm:s3], $0x40, s28, s11, $0xb8;
	[tilespmem:$0xAA00] =	vst v63  }
0x16e: {  	s29 =	simm.s32 $0x5580  }
0x16f: {  	[tilespmem:s15], [sflag:$0x1] =	stream.indirect.gather.add.f32 [hbm:s3], $0x40, s29, s11, $0xb8;
	[tilespmem:$0xAA00] =	vst v63  }
0x170: {  	s28 =	simm.s32 $0x3D00  }
0x171: {  	[tilespmem:s13], [sflag:$0x1] =	stream.indirect.gather.add.f32 [hbm:s3], $0x40, s28, s11, $0xb8;
	[tilespmem:$0xAA00] =	vst v63  }
0x172: {  	s29 =	simm.s32 $0x5600  }
0x173: {  	[tilespmem:s15], [sflag:$0x1] =	stream.indirect.gather.add.f32 [hbm:s3], $0x40, s29, s11, $0xb8;
	[tilespmem:$0xAA00] =	vst v63  }
0x174: {  	s28 =	simm.s32 $0x3D80  }
0x175: {  	[tilespmem:s13], [sflag:$0x1] =	stream.indirect.gather.add.f32 [hbm:s3], $0x40, s28, s11, $0xb8;
	[tilespmem:$0xAA00] =	vst v63  }
0x176: {  	s29 =	simm.s32 $0x5680  }
0x177: {  	[tilespmem:s15], [sflag:$0x1] =	stream.indirect.gather.add.f32 [hbm:s3], $0x40, s29, s11, $0xb8;
	[tilespmem:$0xAA00] =	vst v63  }
0x178: {  	s28 =	simm.s32 $0x3E00  }
0x179: {  	[tilespmem:s13], [sflag:$0x1] =	stream.indirect.gather.add.f32 [hbm:s3], $0x40, s28, s11, $0xb8;
	[tilespmem:$0xAA00] =	vst v63  }
0x17a: {  	s29 =	simm.s32 $0x5700  }
0x17b: {  	[tilespmem:s15], [sflag:$0x1] =	stream.indirect.gather.add.f32 [hbm:s3], $0x40, s29, s11, $0xb8;
	[tilespmem:$0xAA00] =	vst v63  }
0x17c: {  	s28 =	simm.s32 $0x3E80  }
0x17d: {  	[tilespmem:s13], [sflag:$0x1] =	stream.indirect.gather.add.f32 [hbm:s3], $0x40, s28, s11, $0xb8;
	[tilespmem:$0xAA00] =	vst v63  }
0x17e: {  	s29 =	simm.s32 $0x5780  }
0x17f: {  	[tilespmem:s15], [sflag:$0x1] =	stream.indirect.gather.add.f32 [hbm:s3], $0x40, s29, s11, $0xb8;
	[tilespmem:$0xAA00] =	vst v63  }
0x180: {  	s28 =	simm.s32 $0x3F00  }
0x181: {  	[tilespmem:s13], [sflag:$0x1] =	stream.indirect.gather.add.f32 [hbm:s3], $0x40, s28, s11, $0xb8;
	[tilespmem:$0xAA00] =	vst v63  }
0x182: {  	s29 =	simm.s32 $0x5800  }
0x183: {  	[tilespmem:s15], [sflag:$0x1] =	stream.indirect.gather.add.f32 [hbm:s3], $0x40, s29, s11, $0xb8;
	[tilespmem:$0xAA00] =	vst v63  }
0x184: {  	s28 =	simm.s32 $0x3F80  }
0x185: {  	[tilespmem:s13], [sflag:$0x1] =	stream.indirect.gather.add.f32 [hbm:s3], $0x40, s28, s11, $0xb8;
	[tilespmem:$0xAA00] =	vst v63  }
0x186: {  	s29 =	simm.s32 $0x5880  }
0x187: {  	[tilespmem:s15], [sflag:$0x1] =	stream.indirect.gather.add.f32 [hbm:s3], $0x40, s29, s11, $0xb8;
	[tilespmem:$0xAA00] =	vst v63  }
0x188: {  	s28 =	simm.s32 $0x4000  }
0x189: {  	[tilespmem:s13], [sflag:$0x1] =	stream.indirect.gather.add.f32 [hbm:s3], $0x40, s28, s11, $0xb8;
	[tilespmem:$0xAA00] =	vst v63  }
0x18a: {  	s29 =	simm.s32 $0x5900  }
0x18b: {  	[tilespmem:s15], [sflag:$0x1] =	stream.indirect.gather.add.f32 [hbm:s3], $0x40, s29, s11, $0xb8;
	[tilespmem:$0xAA00] =	vst v63  }
0x18c: {  	s28 =	simm.s32 $0x4080  }
0x18d: {  	[tilespmem:s13], [sflag:$0x1] =	stream.indirect.gather.add.f32 [hbm:s3], $0x40, s28, s11, $0xb8;
	[tilespmem:$0xAA00] =	vst v63  }
0x18e: {  	s29 =	simm.s32 $0x5980  }
0x18f: {  	[tilespmem:s15], [sflag:$0x1] =	stream.indirect.gather.add.f32 [hbm:s3], $0x40, s29, s11, $0xb8;
	[tilespmem:$0xAA00] =	vst v63  }
0x190: {  	s28 =	simm.s32 $0x4100  }
0x191: {  	[tilespmem:s13], [sflag:$0x1] =	stream.indirect.gather.add.f32 [hbm:s3], $0x40, s28, s11, $0xb8;
	[tilespmem:$0xAA00] =	vst v63  }
0x192: {  	s29 =	simm.s32 $0x5A00  }
0x193: {  	[tilespmem:s15], [sflag:$0x1] =	stream.indirect.gather.add.f32 [hbm:s3], $0x40, s29, s11, $0xb8;
	[tilespmem:$0xAA00] =	vst v63  }
0x194: {  	s28 =	simm.s32 $0x4180  }
0x195: {  	[tilespmem:s13], [sflag:$0x1] =	stream.indirect.gather.add.f32 [hbm:s3], $0x40, s28, s11, $0xb8;
	[tilespmem:$0xAA00] =	vst v63  }
0x196: {  	s29 =	simm.s32 $0x5A80  }
0x197: {  	[tilespmem:s15], [sflag:$0x1] =	stream.indirect.gather.add.f32 [hbm:s3], $0x40, s29, s11, $0xb8;
	[tilespmem:$0xAA00] =	vst v63  }
0x198: {  	s28 =	simm.s32 $0x4200  }
0x199: {  	[tilespmem:s13], [sflag:$0x1] =	stream.indirect.gather.add.f32 [hbm:s3], $0x40, s28, s11, $0xb8;
	[tilespmem:$0xAA00] =	vst v63  }
0x19a: {  	s29 =	simm.s32 $0x5B00  }
0x19b: {  	[tilespmem:s15], [sflag:$0x1] =	stream.indirect.gather.add.f32 [hbm:s3], $0x40, s29, s11, $0xb8;
	[tilespmem:$0xAA00] =	vst v63  }
0x19c: {  	s28 =	simm.s32 $0x4280  }
0x19d: {  	[tilespmem:s13], [sflag:$0x1] =	stream.indirect.gather.add.f32 [hbm:s3], $0x40, s28, s11, $0xb8;
	[tilespmem:$0xAA00] =	vst v63  }
0x19e: {  	s29 =	simm.s32 $0x5B80  }
0x19f: {  	[tilespmem:s15], [sflag:$0x1] =	stream.indirect.gather.add.f32 [hbm:s3], $0x40, s29, s11, $0xb8;
	[tilespmem:$0xAA00] =	vst v63  }
0x1a0: {  	s28 =	simm.s32 $0x4300  }
0x1a1: {  	[tilespmem:s13], [sflag:$0x1] =	stream.indirect.gather.add.f32 [hbm:s3], $0x40, s28, s11, $0xb8;
	[tilespmem:$0xAA00] =	vst v63  }
0x1a2: {  	s29 =	simm.s32 $0x5C00  }
0x1a3: {  	[tilespmem:s15], [sflag:$0x1] =	stream.indirect.gather.add.f32 [hbm:s3], $0x40, s29, s11, $0xb8;
	[tilespmem:$0xAA00] =	vst v63  }
0x1a4: {  	s28 =	simm.s32 $0x4380  }
0x1a5: {  	[tilespmem:s13], [sflag:$0x1] =	stream.indirect.gather.add.f32 [hbm:s3], $0x40, s28, s11, $0xb8;
	[tilespmem:$0xAA00] =	vst v63  }
0x1a6: {  	s29 =	simm.s32 $0x5C80  }
0x1a7: {  	[tilespmem:s15], [sflag:$0x1] =	stream.indirect.gather.add.f32 [hbm:s3], $0x40, s29, s11, $0xb8;
	[tilespmem:$0xAA00] =	vst v63  }
0x1a8: {  	s28 =	simm.s32 $0x4400  }
0x1a9: {  	[tilespmem:s13], [sflag:$0x1] =	stream.indirect.gather.add.f32 [hbm:s3], $0x40, s28, s11, $0xb8;
	[tilespmem:$0xAA00] =	vst v63  }
0x1aa: {  	s29 =	simm.s32 $0x5D00  }
0x1ab: {  	[tilespmem:s15], [sflag:$0x1] =	stream.indirect.gather.add.f32 [hbm:s3], $0x40, s29, s11, $0xb8;
	[tilespmem:$0xAA00] =	vst v63  }
0x1ac: {  	s28 =	simm.s32 $0x4480  }
0x1ad: {  	[tilespmem:s13], [sflag:$0x1] =	stream.indirect.gather.add.f32 [hbm:s3], $0x40, s28, s11, $0xb8;
	[tilespmem:$0xAA00] =	vst v63  }
0x1ae: {  	s29 =	simm.s32 $0x5D80  }
0x1af: {  	[tilespmem:s15], [sflag:$0x1] =	stream.indirect.gather.add.f32 [hbm:s3], $0x40, s29, s11, $0xb8;
	[tilespmem:$0xAA00] =	vst v63  }
0x1b0: {  	s28 =	simm.s32 $0x4500  }
0x1b1: {  	[tilespmem:s13], [sflag:$0x1] =	stream.indirect.gather.add.f32 [hbm:s3], $0x40, s28, s11, $0xb8;
	[tilespmem:$0xAA00] =	vst v63  }
0x1b2: {  	s29 =	simm.s32 $0x5E00  }
0x1b3: {  	[tilespmem:s15], [sflag:$0x1] =	stream.indirect.gather.add.f32 [hbm:s3], $0x40, s29, s11, $0xb8;
	[tilespmem:$0xAA00] =	vst v63  }
0x1b4: {  	s28 =	simm.s32 $0x4580  }
0x1b5: {  	[tilespmem:s13], [sflag:$0x1] =	stream.indirect.gather.add.f32 [hbm:s3], $0x40, s28, s11, $0xb8;
	[tilespmem:$0xAA00] =	vst v63  }
0x1b6: {  	s29 =	simm.s32 $0x5E80  }
0x1b7: {  	[tilespmem:s15], [sflag:$0x1] =	stream.indirect.gather.add.f32 [hbm:s3], $0x40, s29, s11, $0xb8;
	[tilespmem:$0xAA00] =	vst v63  }
0x1b8: {  	s28 =	simm.s32 $0x4600  }
0x1b9: {  	[tilespmem:s13], [sflag:$0x1] =	stream.indirect.gather.add.f32 [hbm:s3], $0x40, s28, s11, $0xb8;
	[tilespmem:$0xAA00] =	vst v63  }
0x1ba: {  	s29 =	simm.s32 $0x5F00  }
0x1bb: {  	[tilespmem:s15], [sflag:$0x1] =	stream.indirect.gather.add.f32 [hbm:s3], $0x40, s29, s11, $0xb8;
	[tilespmem:$0xAA00] =	vst v63  }
0x1bc: {  	s28 =	simm.s32 $0x4680  }
0x1bd: {  	[tilespmem:s13], [sflag:$0x1] =	stream.indirect.gather.add.f32 [hbm:s3], $0x40, s28, s11, $0xb8;
	[tilespmem:$0xAA00] =	vst v63  }
0x1be: {  	s29 =	simm.s32 $0x5F80  }
0x1bf: {  	[tilespmem:s15], [sflag:$0x1] =	stream.indirect.gather.add.f32 [hbm:s3], $0x40, s29, s11, $0xb8;
	[tilespmem:$0xAA00] =	vst v63  }
0x1c0: {  	s28 =	simm.s32 $0x4700  }
0x1c1: {  	[tilespmem:s13], [sflag:$0x1] =	stream.indirect.gather.add.f32 [hbm:s3], $0x40, s28, s11, $0xb8;
	[tilespmem:$0xAA00] =	vst v63  }
0x1c2: {  	s29 =	simm.s32 $0x6000  }
0x1c3: {  	[tilespmem:s15], [sflag:$0x1] =	stream.indirect.gather.add.f32 [hbm:s3], $0x40, s29, s11, $0xb8;
	[tilespmem:$0xAA00] =	vst v63  }
0x1c4: {  	s28 =	simm.s32 $0x4780  }
0x1c5: {  	[tilespmem:s13], [sflag:$0x1] =	stream.indirect.gather.add.f32 [hbm:s3], $0x40, s28, s11, $0xb8;
	[tilespmem:$0xAA00] =	vst v63  }
0x1c6: {  	s29 =	simm.s32 $0x6080  }
0x1c7: {  	[tilespmem:s15], [sflag:$0x1] =	stream.indirect.gather.add.f32 [hbm:s3], $0x40, s29, s11, $0xb8;
	[tilespmem:$0xAA00] =	vst v63  }
0x1c8: {  	s28 =	simm.s32 $0x4800  }
0x1c9: {  	[tilespmem:s13], [sflag:$0x1] =	stream.indirect.gather.add.f32 [hbm:s3], $0x40, s28, s11, $0xb8;
	[tilespmem:$0xAA00] =	vst v63  }
0x1ca: {  	s29 =	simm.s32 $0x6100  }
0x1cb: {  	[tilespmem:s15], [sflag:$0x1] =	stream.indirect.gather.add.f32 [hbm:s3], $0x40, s29, s11, $0xb8;
	[tilespmem:$0xAA00] =	vst v63  }
0x1cc: {  	s28 =	simm.s32 $0x4880  }
0x1cd: {  	[tilespmem:s13], [sflag:$0x1] =	stream.indirect.gather.add.f32 [hbm:s3], $0x40, s28, s11, $0xb8;
	[tilespmem:$0xAA00] =	vst v63  }
0x1ce: {  	s29 =	simm.s32 $0x6180  }
0x1cf: {  	[tilespmem:s15], [sflag:$0x1] =	stream.indirect.gather.add.f32 [hbm:s3], $0x40, s29, s11, $0xb8;
	[tilespmem:$0xAA00] =	vst v63  }
0x1d0: {  	s28 =	simm.s32 $0x4900  }
0x1d1: {  	[tilespmem:s13], [sflag:$0x1] =	stream.indirect.gather.add.f32 [hbm:s3], $0x40, s28, s11, $0xb8;
	[tilespmem:$0xAA00] =	vst v63  }
0x1d2: {  	s29 =	simm.s32 $0x6200  }
0x1d3: {  	[tilespmem:s15], [sflag:$0x1] =	stream.indirect.gather.add.f32 [hbm:s3], $0x40, s29, s11, $0xb8;
	[tilespmem:$0xAA00] =	vst v63  }
0x1d4: {  	s28 =	simm.s32 $0x4980  }
0x1d5: {  	[tilespmem:s13], [sflag:$0x1] =	stream.indirect.gather.add.f32 [hbm:s3], $0x40, s28, s11, $0xb8;
	[tilespmem:$0xAA00] =	vst v63  }
0x1d6: {  	s29 =	simm.s32 $0x6280  }
0x1d7: {  	[tilespmem:s15], [sflag:$0x1] =	stream.indirect.gather.add.f32 [hbm:s3], $0x40, s29, s11, $0xb8;
	[tilespmem:$0xAA00] =	vst v63  }
0x1d8: {  	s28 =	simm.s32 $0x4A00  }
0x1d9: {  	[tilespmem:s13], [sflag:$0x1] =	stream.indirect.gather.add.f32 [hbm:s3], $0x40, s28, s11, $0xb8;
	[tilespmem:$0xAA00] =	vst v63  }
0x1da: {  	s29 =	simm.s32 $0x6300  }
0x1db: {  	[tilespmem:s15], [sflag:$0x1] =	stream.indirect.gather.add.f32 [hbm:s3], $0x40, s29, s11, $0xb8;
	[tilespmem:$0xAA00] =	vst v63  }
0x1dc: {  	s28 =	simm.s32 $0x4A80  }
0x1dd: {  	[tilespmem:s13], [sflag:$0x1] =	stream.indirect.gather.add.f32 [hbm:s3], $0x40, s28, s11, $0xb8;
	[tilespmem:$0xAA00] =	vst v63  }
0x1de: {  	s29 =	simm.s32 $0x6380  }
0x1df: {  	[tilespmem:s15], [sflag:$0x1] =	stream.indirect.gather.add.f32 [hbm:s3], $0x40, s29, s11, $0xb8;
	[tilespmem:$0xAA00] =	vst v63  }
0x1e0: {  	s28 =	simm.s32 $0x4B00  }
0x1e1: {  	[tilespmem:s13], [sflag:$0x1] =	stream.indirect.gather.add.f32 [hbm:s3], $0x40, s28, s11, $0xb8;
	[tilespmem:$0xAA00] =	vst v63  }
0x1e2: {  	s29 =	simm.s32 $0x6400  }
0x1e3: {  	[tilespmem:s15], [sflag:$0x1] =	stream.indirect.gather.add.f32 [hbm:s3], $0x40, s29, s11, $0xb8;
	[tilespmem:$0xAA00] =	vst v63  }
0x1e4: {  	s28 =	simm.s32 $0x4B80  }
0x1e5: {  	[tilespmem:s13], [sflag:$0x1] =	stream.indirect.gather.add.f32 [hbm:s3], $0x40, s28, s11, $0xb8;
	[tilespmem:$0xAA00] =	vst v63  }
0x1e6: {  	s29 =	simm.s32 $0x6480  }
0x1e7: {  	[tilespmem:s15], [sflag:$0x1] =	stream.indirect.gather.add.f32 [hbm:s3], $0x40, s29, s11, $0xb8;
	[tilespmem:$0xAA00] =	vst v63  }
0x1e8: {  	s28 =	simm.s32 $0x4C00  }
0x1e9: {  	[tilespmem:s13], [sflag:$0x1] =	stream.indirect.gather.add.f32 [hbm:s3], $0x40, s28, s11, $0xb8;
	[tilespmem:$0xAA00] =	vst v63  }
0x1ea: {  	s29 =	simm.s32 $0x6500  }
0x1eb: {  	[tilespmem:s15], [sflag:$0x1] =	stream.indirect.gather.add.f32 [hbm:s3], $0x40, s29, s11, $0xb8;
	[tilespmem:$0xAA00] =	vst v63  }
0x1ec: {  	s28 =	simm.s32 $0x4C80  }
0x1ed: {  	[tilespmem:s13], [sflag:$0x1] =	stream.indirect.gather.add.f32 [hbm:s3], $0x40, s28, s11, $0xb8;
	[tilespmem:$0xAA00] =	vst v63  }
0x1ee: {  	s29 =	simm.s32 $0x6580  }
0x1ef: {  	[tilespmem:s15], [sflag:$0x1] =	stream.indirect.gather.add.f32 [hbm:s3], $0x40, s29, s11, $0xb8;
	[tilespmem:$0xAA00] =	vst v63  }
0x1f0: {  	s28 =	simm.s32 $0x4D00  }
0x1f1: {  	[tilespmem:s13], [sflag:$0x1] =	stream.indirect.gather.add.f32 [hbm:s3], $0x40, s28, s11, $0xb8;
	[tilespmem:$0xAA00] =	vst v63  }
0x1f2: {  	s29 =	simm.s32 $0x6600  }
0x1f3: {  	[tilespmem:s15], [sflag:$0x1] =	stream.indirect.gather.add.f32 [hbm:s3], $0x40, s29, s11, $0xb8;
	[tilespmem:$0xAA00] =	vst v63  }
0x1f4: {  	_ = 	snop  }
0x1f5: {  	[tilespmem:s13], [sflag:$0x1] =	stream.indirect.gather.add.f32 [hbm:s3], $0x40, s30, s11, $0xb8;
	[tilespmem:$0xAA00] =	vst v63  }
0x1f6: {  	_ = 	snop  }
0x1f7: {  	[tilespmem:s15], [sflag:$0x1] =	stream.indirect.gather.add.f32 [hbm:s3], $0x40, s31, s11, $0xb8;
	[tilespmem:$0xAA00] =	vst v63  }
0x1f8: {  	_ = 	snop  }
0x1f9: {  	[tilespmem:s13], [sflag:$0x1] =	stream.indirect.gather.add.f32 [hbm:s3], $0x40, s1, s11, $0xb8;
	[tilespmem:$0xAA00] =	vst v63  }
0x1fa: {  	_ = 	snop  }
0x1fb: {  	[tilespmem:s15], [sflag:$0x1] =	stream.indirect.gather.add.f32 [hbm:s3], $0x40, s0, s11, $0xb8;
	[tilespmem:$0xAA00] =	vst v63  }
0x1fc: {  	_ = 	snop  }
0x1fd: {  	[tilespmem:s13], [sflag:$0x1] =	stream.indirect.gather.add.f32 [hbm:s3], $0x40, s12, s11, $0xb8;
	[tilespmem:$0xAA00] =	vst v63  }
0x1fe: {  	_ = 	snop  }
0x1ff: {  	[tilespmem:s15], [sflag:$0x1] =	stream.indirect.gather.add.f32 [hbm:s3], $0x40, s14, s11, $0xb8;
	[tilespmem:$0xAA00] =	vst v63  }
0x200: {  	_ = 	snop  }
0x201: {  	[tilespmem:s13], [sflag:$0x1] =	stream.indirect.gather.add.f32 [hbm:s3], $0x40, s17, s11, $0xb8;
	[tilespmem:$0xAA00] =	vst v63  }
0x202: {  	_ = 	snop  }
0x203: {  	[tilespmem:s15], [sflag:$0x1] =	stream.indirect.gather.add.f32 [hbm:s3], $0x40, s18, s11, $0xb8;
	[tilespmem:$0xAA00] =	vst v63  }
0x204: {  	_ = 	snop  }
0x205: {  	[tilespmem:s13], [sflag:$0x1] =	stream.indirect.gather.add.f32 [hbm:s3], $0x40, s19, s11, $0xb8;
	[tilespmem:$0xAA00] =	vst v63  }
0x206: {  	_ = 	snop  }
0x207: {  	[tilespmem:s15], [sflag:$0x1] =	stream.indirect.gather.add.f32 [hbm:s3], $0x40, s20, s11, $0xb8;
	[tilespmem:$0xAA00] =	vst v63  }
0x208: {  	_ = 	snop  }
0x209: {  	[tilespmem:s13], [sflag:$0x1] =	stream.indirect.gather.add.f32 [hbm:s3], $0x40, s21, s11, $0xb8;
	[tilespmem:$0xAA00] =	vst v63  }
0x20a: {  	_ = 	snop  }
0x20b: {  	[tilespmem:s15], [sflag:$0x1] =	stream.indirect.gather.add.f32 [hbm:s3], $0x40, s22, s11, $0xb8;
	[tilespmem:$0xAA00] =	vst v63  }
0x20c: {  	_ = 	snop  }
0x20d: {  	[tilespmem:s13], [sflag:$0x1] =	stream.indirect.gather.add.f32 [hbm:s3], $0x40, s23, s11, $0xb8;
	[tilespmem:$0xAA00] =	vst v63  }
0x20e: {  	_ = 	snop  }
0x20f: {  	[tilespmem:s15], [sflag:$0x1] =	stream.indirect.gather.add.f32 [hbm:s3], $0x40, s24, s11, $0xb8;
	[tilespmem:$0xAA00] =	vst v63  }
0x210: {  	_ =	swait.ge [sflag:s16], $0x2000  }
0x211: {  	[sflag:s16] =	ssyncset.done $0x0  }
0x212: {  	[sflag:s16] =	ssyncadd.s32 $0xFFFFE000  }
0x213: {  	_ =	swait.ge [sflag:s16], $0x2000  }
0x214: {  	[sflag:s16] =	ssyncset.done $0x0  }
0x215: {  	[sflag:s16] =	ssyncadd.s32 $0xFFFFE000  }
0x216: {  	_ =	swait.ge [sflag:s16], $0x2000  }
0x217: {  	[sflag:s16] =	ssyncset.done $0x0  }
0x218: {  	[sflag:s16] =	ssyncadd.s32 $0xFFFFE000  }
0x219: {  	_ =	swait.ge [sflag:s16], $0x2000  }
0x21a: {  	[sflag:s16] =	ssyncset.done $0x0  }
0x21b: {  	[sflag:s16] =	ssyncadd.s32 $0xFFFFE000  }
0x21c: {  	_ =	swait.ge [sflag:s16], $0x2000  }
0x21d: {  	[sflag:s16] =	ssyncset.done $0x0  }
0x21e: {  	[sflag:s16] =	ssyncadd.s32 $0xFFFFE000  }
0x21f: {  	_ =	swait.ge [sflag:s16], $0x2000  }
0x220: {  	[sflag:s16] =	ssyncset.done $0x0  }
0x221: {  	[sflag:s16] =	ssyncadd.s32 $0xFFFFE000  }
0x222: {  	_ =	swait.ge [sflag:s16], $0x2000  }
0x223: {  	[sflag:s16] =	ssyncset.done $0x0  }
0x224: {  	[sflag:s16] =	ssyncadd.s32 $0xFFFFE000  }
0x225: {  	_ =	swait.ge [sflag:s16], $0x2000  }
0x226: {  	[sflag:s16] =	ssyncset.done $0x0  }
0x227: {  	[sflag:s16] =	ssyncadd.s32 $0xFFFFE000  }
0x228: {  	_ =	swait.ge [sflag:s16], $0x2000  }
0x229: {  	[sflag:s16] =	ssyncset.done $0x0  }
0x22a: {  	[sflag:s16] =	ssyncadd.s32 $0xFFFFE000  }
0x22b: {  	_ =	swait.ge [sflag:s16], $0x2000  }
0x22c: {  	[sflag:s16] =	ssyncset.done $0x0  }
0x22d: {  	[sflag:s16] =	ssyncadd.s32 $0xFFFFE000  }
0x22e: {  	_ =	swait.ge [sflag:s16], $0x2000  }
0x22f: {  	[sflag:s16] =	ssyncset.done $0x0  }
0x230: {  	[sflag:s16] =	ssyncadd.s32 $0xFFFFE000  }
0x231: {  	_ =	swait.ge [sflag:s16], $0x2000  }
0x232: {  	[sflag:s16] =	ssyncset.done $0x0  }
0x233: {  	[sflag:s16] =	ssyncadd.s32 $0xFFFFE000  }
0x234: {  	_ =	swait.ge [sflag:s16], $0x2000  }
0x235: {  	[sflag:s16] =	ssyncset.done $0x0  }
0x236: {  	[sflag:s16] =	ssyncadd.s32 $0xFFFFE000  }
0x237: {  	_ =	swait.ge [sflag:s16], $0x2000  }
0x238: {  	[sflag:s16] =	ssyncset.done $0x0  }
0x239: {  	[sflag:s16] =	ssyncadd.s32 $0xFFFFE000  }
0x23a: {  	_ =	swait.ge [sflag:s16], $0x2000  }
0x23b: {  	[sflag:s16] =	ssyncset.done $0x0  }
0x23c: {  	[sflag:s16] =	ssyncadd.s32 $0xFFFFE000  }
0x23d: {  	_ =	swait.ge [sflag:s16], $0x2000  }
0x23e: {  	[sflag:s16] =	ssyncset.done $0x0  }
0x23f: {  	[sflag:s16] =	ssyncadd.s32 $0xFFFFE000  }
0x240: {  	_ =	swait.ge [sflag:s16], $0x2000  }
0x241: {  	[sflag:s16] =	ssyncset.done $0x0  }
0x242: {  	[sflag:s16] =	ssyncadd.s32 $0xFFFFE000  }
0x243: {  	_ =	swait.ge [sflag:s16], $0x2000  }
0x244: {  	[sflag:s16] =	ssyncset.done $0x0  }
0x245: {  	[sflag:s16] =	ssyncadd.s32 $0xFFFFE000  }
0x246: {  	_ =	swait.ge [sflag:s16], $0x2000  }
0x247: {  	[sflag:s16] =	ssyncset.done $0x0  }
0x248: {  	[sflag:s16] =	ssyncadd.s32 $0xFFFFE000  }
0x249: {  	_ =	swait.ge [sflag:s16], $0x2000  }
0x24a: {  	[sflag:s16] =	ssyncset.done $0x0  }
0x24b: {  	[sflag:s16] =	ssyncadd.s32 $0xFFFFE000  }
0x24c: {  	_ =	swait.ge [sflag:s16], $0x2000  }
0x24d: {  	[sflag:s16] =	ssyncset.done $0x0  }
0x24e: {  	[sflag:s16] =	ssyncadd.s32 $0xFFFFE000  }
0x24f: {  	_ =	swait.ge [sflag:s16], $0x2000  }
0x250: {  	[sflag:s16] =	ssyncset.done $0x0  }
0x251: {  	[sflag:s16] =	ssyncadd.s32 $0xFFFFE000  }
0x252: {  	_ =	swait.ge [sflag:s16], $0x2000  }
0x253: {  	[sflag:s16] =	ssyncset.done $0x0  }
0x254: {  	[sflag:s16] =	ssyncadd.s32 $0xFFFFE000  }
0x255: {  	_ =	swait.ge [sflag:s16], $0x2000  }
0x256: {  	[sflag:s16] =	ssyncset.done $0x0  }
0x257: {  	[sflag:s16] =	ssyncadd.s32 $0xFFFFE000  }
0x258: {  	_ =	swait.ge [sflag:s16], $0x2000  }
0x259: {  	[sflag:s16] =	ssyncset.done $0x0  }
0x25a: {  	[sflag:s16] =	ssyncadd.s32 $0xFFFFE000  }
0x25b: {  	_ =	swait.ge [sflag:s16], $0x2000  }
0x25c: {  	[sflag:s16] =	ssyncset.done $0x0  }
0x25d: {  	[sflag:s16] =	ssyncadd.s32 $0xFFFFE000  }
0x25e: {  	_ =	swait.ge [sflag:s16], $0x2000  }
0x25f: {  	[sflag:s16] =	ssyncset.done $0x0  }
0x260: {  	[sflag:s16] =	ssyncadd.s32 $0xFFFFE000  }
0x261: {  	_ =	swait.ge [sflag:s16], $0x2000  }
0x262: {  	[sflag:s16] =	ssyncset.done $0x0  }
0x263: {  	[sflag:s16] =	ssyncadd.s32 $0xFFFFE000  }
0x264: {  	_ =	swait.ge [sflag:s16], $0x2000  }
0x265: {  	[sflag:s16] =	ssyncset.done $0x0  }
0x266: {  	[sflag:s16] =	ssyncadd.s32 $0xFFFFE000  }
0x267: {  	_ =	swait.ge [sflag:s16], $0x2000  }
0x268: {  	[sflag:s16] =	ssyncset.done $0x0  }
0x269: {  	[sflag:s16] =	ssyncadd.s32 $0xFFFFE000  }
0x26a: {  	_ =	swait.ge [sflag:s16], $0x2000  }
0x26b: {  	[sflag:s16] =	ssyncset.done $0x0  }
0x26c: {  	[sflag:s16] =	ssyncadd.s32 $0xFFFFE000  }
0x26d: {  	_ =	swait.ge [sflag:s16], $0x2000  }
0x26e: {  	[sflag:s16] =	ssyncset.done $0x0  }
0x26f: {  	[sflag:s16] =	ssyncadd.s32 $0xFFFFE000  }
0x270: {  	_ =	swait.ge [sflag:s16], $0x2000  }
0x271: {  	[sflag:s16] =	ssyncset.done $0x0  }
0x272: {  	[sflag:s16] =	ssyncadd.s32 $0xFFFFE000  }
0x273: {  	_ =	swait.ge [sflag:s16], $0x2000  }
0x274: {  	[sflag:s16] =	ssyncset.done $0x0  }
0x275: {  	[sflag:s16] =	ssyncadd.s32 $0xFFFFE000  }
0x276: {  	_ =	swait.ge [sflag:s16], $0x2000  }
0x277: {  	[sflag:s16] =	ssyncset.done $0x0  }
0x278: {  	[sflag:s16] =	ssyncadd.s32 $0xFFFFE000  }
0x279: {  	_ =	swait.ge [sflag:s16], $0x2000  }
0x27a: {  	[sflag:s16] =	ssyncset.done $0x0  }
0x27b: {  	[sflag:s16] =	ssyncadd.s32 $0xFFFFE000  }
0x27c: {  	_ =	swait.ge [sflag:s16], $0x2000  }
0x27d: {  	[sflag:s16] =	ssyncset.done $0x0  }
0x27e: {  	[sflag:s16] =	ssyncadd.s32 $0xFFFFE000  }
0x27f: {  	_ =	swait.ge [sflag:s16], $0x2000  }
0x280: {  	[sflag:s16] =	ssyncset.done $0x0  }
0x281: {  	[sflag:s16] =	ssyncadd.s32 $0xFFFFE000  }
0x282: {  	_ =	swait.ge [sflag:s16], $0x2000  }
0x283: {  	[sflag:s16] =	ssyncset.done $0x0  }
0x284: {  	[sflag:s16] =	ssyncadd.s32 $0xFFFFE000  }
0x285: {  	_ =	swait.ge [sflag:s16], $0x2000  }
0x286: {  	[sflag:s16] =	ssyncset.done $0x0  }
0x287: {  	[sflag:s16] =	ssyncadd.s32 $0xFFFFE000  }
0x288: {  	_ =	swait.ge [sflag:s16], $0x2000  }
0x289: {  	[sflag:s16] =	ssyncset.done $0x0  }
0x28a: {  	[sflag:s16] =	ssyncadd.s32 $0xFFFFE000  }
0x28b: {  	_ =	swait.ge [sflag:s16], $0x2000  }
0x28c: {  	[sflag:s16] =	ssyncset.done $0x0  }
0x28d: {  	[sflag:s16] =	ssyncadd.s32 $0xFFFFE000  }
0x28e: {  	_ =	swait.ge [sflag:s16], $0x2000  }
0x28f: {  	[sflag:s16] =	ssyncset.done $0x0  }
0x290: {  	[sflag:s16] =	ssyncadd.s32 $0xFFFFE000  }
0x291: {  	_ =	swait.ge [sflag:s16], $0x2000  }
0x292: {  	[sflag:s16] =	ssyncset.done $0x0  }
0x293: {  	[sflag:s16] =	ssyncadd.s32 $0xFFFFE000  }
0x294: {  	_ =	swait.ge [sflag:s16], $0x2000  }
0x295: {  	[sflag:s16] =	ssyncset.done $0x0  }
0x296: {  	[sflag:s16] =	ssyncadd.s32 $0xFFFFE000  }
0x297: {  	_ =	swait.ge [sflag:s16], $0x2000  }
0x298: {  	[sflag:s16] =	ssyncset.done $0x0  }
0x299: {  	[sflag:s16] =	ssyncadd.s32 $0xFFFFE000  }
0x29a: {  	_ =	swait.ge [sflag:s16], $0x2000  }
0x29b: {  	[sflag:s16] =	ssyncset.done $0x0  }
0x29c: {  	[sflag:s16] =	ssyncadd.s32 $0xFFFFE000  }
0x29d: {  	_ =	swait.ge [sflag:s16], $0x2000  }
0x29e: {  	[sflag:s16] =	ssyncset.done $0x0  }
0x29f: {  	[sflag:s16] =	ssyncadd.s32 $0xFFFFE000  }
0x2a0: {  	_ =	swait.ge [sflag:s16], $0x2000  }
0x2a1: {  	[sflag:s16] =	ssyncset.done $0x0  }
0x2a2: {  	[sflag:s16] =	ssyncadd.s32 $0xFFFFE000  }
0x2a3: {  	_ =	swait.ge [sflag:s16], $0x2000  }
0x2a4: {  	[sflag:s16] =	ssyncset.done $0x0  }
0x2a5: {  	[sflag:s16] =	ssyncadd.s32 $0xFFFFE000  }
0x2a6: {  	_ =	swait.ge [sflag:s16], $0x2000  }
0x2a7: {  	[sflag:s16] =	ssyncset.done $0x0  }
0x2a8: {  	[sflag:s16] =	ssyncadd.s32 $0xFFFFE000  }
0x2a9: {  	_ =	swait.ge [sflag:s16], $0x2000  }
0x2aa: {  	[sflag:s16] =	ssyncset.done $0x0  }
0x2ab: {  	[sflag:s16] =	ssyncadd.s32 $0xFFFFE000  }
0x2ac: {  	_ =	swait.ge [sflag:s16], $0x2000  }
0x2ad: {  	[sflag:s16] =	ssyncset.done $0x0  }
0x2ae: {  	[sflag:s16] =	ssyncadd.s32 $0xFFFFE000  }
0x2af: {  	_ =	swait.ge [sflag:s16], $0x2000  }
0x2b0: {  	[sflag:s16] =	ssyncset.done $0x0  }
0x2b1: {  	[sflag:s16] =	ssyncadd.s32 $0xFFFFE000  }
0x2b2: {  	_ =	swait.ge [sflag:s16], $0x2000  }
0x2b3: {  	[sflag:s16] =	ssyncset.done $0x0  }
0x2b4: {  	[sflag:s16] =	ssyncadd.s32 $0xFFFFE000  }
0x2b5: {  	_ =	swait.ge [sflag:s16], $0x2000  }
0x2b6: {  	[sflag:s16] =	ssyncset.done $0x0  }
0x2b7: {  	[sflag:s16] =	ssyncadd.s32 $0xFFFFE000  }
0x2b8: {  	_ =	swait.ge [sflag:s16], $0x2000  }
0x2b9: {  	[sflag:s16] =	ssyncset.done $0x0  }
0x2ba: {  	[sflag:s16] =	ssyncadd.s32 $0xFFFFE000  }
0x2bb: {  	_ =	swait.ge [sflag:s16], $0x2000  }
0x2bc: {  	[sflag:s16] =	ssyncset.done $0x0  }
0x2bd: {  	[sflag:s16] =	ssyncadd.s32 $0xFFFFE000  }
0x2be: {  	_ =	swait.ge [sflag:s16], $0x2000  }
0x2bf: {  	[sflag:s16] =	ssyncset.done $0x0  }
0x2c0: {  	[sflag:s16] =	ssyncadd.s32 $0xFFFFE000  }
0x2c1: {  	_ =	swait.ge [sflag:s16], $0x2000  }
0x2c2: {  	[sflag:s16] =	ssyncset.done $0x0  }
0x2c3: {  	[sflag:s16] =	ssyncadd.s32 $0xFFFFE000  }
0x2c4: {  	_ =	swait.ge [sflag:s16], $0x2000  }
0x2c5: {  	[sflag:s16] =	ssyncset.done $0x0  }
0x2c6: {  	[sflag:s16] =	ssyncadd.s32 $0xFFFFE000  }
0x2c7: {  	_ =	swait.ge [sflag:s16], $0x2000  }
0x2c8: {  	[sflag:s16] =	ssyncset.done $0x0  }
0x2c9: {  	[sflag:s16] =	ssyncadd.s32 $0xFFFFE000  }
0x2ca: {  	_ =	swait.ge [sflag:s16], $0x2000  }
0x2cb: {  	[sflag:s16] =	ssyncset.done $0x0  }
0x2cc: {  	[sflag:s16] =	ssyncadd.s32 $0xFFFFE000  }
0x2cd: {  	_ =	swait.ge [sflag:s16], $0x2000  }
0x2ce: {  	[sflag:s16] =	ssyncset.done $0x0  }
0x2cf: {  	[sflag:s16] =	ssyncadd.s32 $0xFFFFE000  }
0x2d0: {  	_ =	swait.ge [sflag:s16], $0x2000  }
0x2d1: {  	[sflag:s16] =	ssyncset.done $0x0  }
0x2d2: {  	[sflag:s16] =	ssyncadd.s32 $0xFFFFE000  }
0x2d3: {  	_ =	swait.ge [sflag:s16], $0x2000  }
0x2d4: {  	[sflag:s16] =	ssyncset.done $0x0  }
0x2d5: {  	[sflag:s16] =	ssyncadd.s32 $0xFFFFE000  }
0x2d6: {  	_ =	swait.ge [sflag:s16], $0x2000  }
0x2d7: {  	[sflag:s16] =	ssyncset.done $0x0  }
0x2d8: {  	[sflag:s16] =	ssyncadd.s32 $0xFFFFE000  }
0x2d9: {  	_ =	swait.ge [sflag:s16], $0x2000  }
0x2da: {  	[sflag:s16] =	ssyncset.done $0x0  }
0x2db: {  	[sflag:s16] =	ssyncadd.s32 $0xFFFFE000  }
0x2dc: {  	_ =	swait.ge [sflag:s16], $0x2000  }
0x2dd: {  	[sflag:s16] =	ssyncset.done $0x0  }
0x2de: {  	[sflag:s16] =	ssyncadd.s32 $0xFFFFE000  }
0x2df: {  	_ =	swait.ge [sflag:s16], $0x2000  }
0x2e0: {  	[sflag:s16] =	ssyncset.done $0x0  }
0x2e1: {  	[sflag:s16] =	ssyncadd.s32 $0xFFFFE000  }
0x2e2: {  	_ =	swait.ge [sflag:s16], $0x2000  }
0x2e3: {  	[sflag:s16] =	ssyncset.done $0x0  }
0x2e4: {  	[sflag:s16] =	ssyncadd.s32 $0xFFFFE000  }
0x2e5: {  	_ =	swait.ge [sflag:s16], $0x2000  }
0x2e6: {  	[sflag:s16] =	ssyncset.done $0x0  }
0x2e7: {  	[sflag:s16] =	ssyncadd.s32 $0xFFFFE000  }
0x2e8: {  	_ =	swait.ge [sflag:s16], $0x2000  }
0x2e9: {  	[sflag:s16] =	ssyncset.done $0x0  }
0x2ea: {  	[sflag:s16] =	ssyncadd.s32 $0xFFFFE000  }
0x2eb: {  	_ =	swait.ge [sflag:s16], $0x2000  }
0x2ec: {  	[sflag:s16] =	ssyncset.done $0x0  }
0x2ed: {  	[sflag:s16] =	ssyncadd.s32 $0xFFFFE000  }
0x2ee: {  	_ =	swait.ge [sflag:s16], $0x2000  }
0x2ef: {  	[sflag:s16] =	ssyncset.done $0x0  }
0x2f0: {  	[sflag:s16] =	ssyncadd.s32 $0xFFFFE000  }
0x2f1: {  	_ =	swait.ge [sflag:s16], $0x2000  }
0x2f2: {  	[sflag:s16] =	ssyncset.done $0x0  }
0x2f3: {  	[sflag:s16] =	ssyncadd.s32 $0xFFFFE000  }
0x2f4: {  	_ =	swait.ge [sflag:s16], $0x2000  }
0x2f5: {  	[sflag:s16] =	ssyncset.done $0x0  }
0x2f6: {  	[sflag:s16] =	ssyncadd.s32 $0xFFFFE000  }
0x2f7: {  	_ =	swait.ge [sflag:s16], $0x2000  }
0x2f8: {  	[sflag:s16] =	ssyncset.done $0x0  }
0x2f9: {  	[sflag:s16] =	ssyncadd.s32 $0xFFFFE000  }
0x2fa: {  	_ =	swait.ge [sflag:s16], $0x2000  }
0x2fb: {  	[sflag:s16] =	ssyncset.done $0x0  }
0x2fc: {  	[sflag:s16] =	ssyncadd.s32 $0xFFFFE000  }
0x2fd: {  	_ =	swait.ge [sflag:s16], $0x2000  }
0x2fe: {  	[sflag:s16] =	ssyncset.done $0x0  }
0x2ff: {  	[sflag:s16] =	ssyncadd.s32 $0xFFFFE000  }
0x300: {  	_ =	swait.ge [sflag:s16], $0x2000  }
0x301: {  	[sflag:s16] =	ssyncset.done $0x0  }
0x302: {  	[sflag:s16] =	ssyncadd.s32 $0xFFFFE000  }
0x303: {  	_ =	swait.ge [sflag:s16], $0x2000  }
0x304: {  	[sflag:s16] =	ssyncset.done $0x0  }
0x305: {  	[sflag:s16] =	ssyncadd.s32 $0xFFFFE000  }
0x306: {  	_ =	swait.ge [sflag:s16], $0x2000  }
0x307: {  	[sflag:s16] =	ssyncset.done $0x0  }
0x308: {  	[sflag:s16] =	ssyncadd.s32 $0xFFFFE000  }
0x309: {  	_ =	swait.ge [sflag:s16], $0x2000  }
0x30a: {  	[sflag:s16] =	ssyncset.done $0x0  }
0x30b: {  	[sflag:s16] =	ssyncadd.s32 $0xFFFFE000  }
0x30c: {  	_ =	swait.ge [sflag:s16], $0x2000  }
0x30d: {  	[sflag:s16] =	ssyncset.done $0x0  }
0x30e: {  	[sflag:s16] =	ssyncadd.s32 $0xFFFFE000  }
0x30f: {  	_ =	swait.ge [sflag:s16], $0x2000  }
0x310: {  	[sflag:s16] =	ssyncset.done $0x0  }
0x311: {  	[sflag:s16] =	ssyncadd.s32 $0xFFFFE000  }
0x312: {  	_ =	swait.ge [sflag:s16], $0x2000  }
0x313: {  	[sflag:s16] =	ssyncset.done $0x0  }
0x314: {  	[sflag:s16] =	ssyncadd.s32 $0xFFFFE000  }
0x315: {  	_ =	swait.ge [sflag:s16], $0x2000  }
0x316: {  	[sflag:s16] =	ssyncset.done $0x0  }
0x317: {  	[sflag:s16] =	ssyncadd.s32 $0xFFFFE000  }
0x318: {  	_ =	swait.ge [sflag:s16], $0x2000  }
0x319: {  	[sflag:s16] =	ssyncset.done $0x0  }
0x31a: {  	[sflag:s16] =	ssyncadd.s32 $0xFFFFE000  }
0x31b: {  	_ =	swait.ge [sflag:s16], $0x2000  }
0x31c: {  	[sflag:s16] =	ssyncset.done $0x0  }
0x31d: {  	[sflag:s16] =	ssyncadd.s32 $0xFFFFE000  }
0x31e: {  	_ =	swait.ge [sflag:s16], $0x2000  }
0x31f: {  	[sflag:s16] =	ssyncset.done $0x0  }
0x320: {  	[sflag:s16] =	ssyncadd.s32 $0xFFFFE000  }
0x321: {  	_ =	swait.ge [sflag:s16], $0x2000  }
0x322: {  	[sflag:s16] =	ssyncset.done $0x0  }
0x323: {  	[sflag:s16] =	ssyncadd.s32 $0xFFFFE000  }
0x324: {  	_ =	swait.ge [sflag:s16], $0x2000  }
0x325: {  	[sflag:s16] =	ssyncset.done $0x0  }
0x326: {  	[sflag:s16] =	ssyncadd.s32 $0xFFFFE000  }
0x327: {  	_ =	swait.ge [sflag:s16], $0x2000  }
0x328: {  	[sflag:s16] =	ssyncset.done $0x0  }
0x329: {  	[sflag:s16] =	ssyncadd.s32 $0xFFFFE000  }
0x32a: {  	_ =	swait.ge [sflag:s16], $0x2000  }
0x32b: {  	[sflag:s16] =	ssyncset.done $0x0  }
0x32c: {  	[sflag:s16] =	ssyncadd.s32 $0xFFFFE000  }
0x32d: {  	_ =	swait.ge [sflag:s16], $0x2000  }
0x32e: {  	[sflag:s16] =	ssyncset.done $0x0  }
0x32f: {  	[sflag:s16] =	ssyncadd.s32 $0xFFFFE000  }
0x330: {  	_ =	swait.ge [sflag:s16], $0x2000  }
0x331: {  	[sflag:s16] =	ssyncset.done $0x0  }
0x332: {  	[sflag:s16] =	ssyncadd.s32 $0xFFFFE000  }
0x333: {  	_ =	swait.ge [sflag:s16], $0x2000  }
0x334: {  	[sflag:s16] =	ssyncset.done $0x0  }
0x335: {  	[sflag:s16] =	ssyncadd.s32 $0xFFFFE000  }
0x336: {  	[hbm4b:s6+s2] =	stream.linear.scatter [tilespmem:s13], [sflag:$0x2], $0x2000, $0x38;
	[tilespmem:$0xAA00] =	vst v63  }
0x337: {  	_ =	swait.ge [sflag:s9], $0x2000  }
0x338: {  	s25 =	sadd.s32 $0x1, s25;
	[sflag:s9] =	ssyncset.done $0x0  }
0x339: {  	p0 =	sne.s32 s25, s8;
	[sflag:s9] =	ssyncadd.s32 $0xFFFFE000  }
0x33a: {  	[hbm4b:s7+s2] =	stream.linear.scatter [tilespmem:s15], [sflag:$0x2], $0x2000, $0x38;
	[tilespmem:$0xAA00] =	vst v63  }
.Ltmp4:
0x33b: {  	_ = 	snop;
	(pc) =	sbr.rel @p0 .LBB2_1-.Ltmp4, $4  }
.Ltmp5:
0x33c: {  	_ = 	snop;
	(pc) =	sbr.rel @!p0 .LBB2_9-.Ltmp5, $4  }
0x33d: {  	_ =	swait.ge [sflag:s9], $0x2000  }
0x33e: {  	[sflag:s9] =	ssyncset.done $0x0  }
0x33f: {  	[sflag:s9] =	ssyncadd.s32 $0xFFFFE000  }
0x340: {  	_ = 	snop  }
.LBB2_4:
.Ltmp6:
0x341: {  	(pc) =	sbr.rel .LBB2_8-.Ltmp6, $2  }
0x342: {  	_ =	sdelay $0x2  }
0x343: {  	s28 =	simm.s32 $0x5140  }
.LBB2_6:
.Ltmp7:
0x344: {  	(pc) =	sbr.rel .LBB2_8-.Ltmp7, $2  }
0x345: {  	_ =	sdelay $0x2  }
0x346: {  	s28 =	simm.s32 $0x5140  }
.LBB2_9:
0x347: {  	_ =	sfence.sel $0x180000  }
0x348: {  	[bflag:$0x0] =	sbarrier.arrive $0xFFFF  }
0x349: {  	_ =	strace $0x90000047  }
0x34a: {  	s0 =	stileid.u32;
	[bflag:$0x2] =	sbarrier.arrive $0xFFFF  }
0x34b: {  	p0 =	sne.s32 s0, $0x0;
	s0 =	rddreg [dreg:$0x2]  }
0x34c: {  	s0 =	sadd.s32 @!p0 $0x100000, s0  }
0x34d: {  	[sflag:s0] =	ssyncadd.tile.s32 @!p0 $0x1;
	_ =	shalt  }
.Lfunc_end2:
_tile_overlayer_lowered:
.L_overlay_start_2:
0x34e: {  	(tag) =	ssettag $0x2  }
0x34f: {  	s0 =	rddreg [dreg:$0x0];
	s2 =	stileid.u32  }
0x350: {  	s1 =	rddreg [dreg:$0x1];
	p0 =	sne.s32 s2, $0x0  }
0x351: {  	s3 =	rddreg [dreg:$0x2];
	[bflag:$0x3] =	sbarrier.arrive $0xFFFF;
	s2 =	simm.s32 @!p0 $0x1C02  }
0x352: {  	[timem:s3], [sflag:s2] =	dma.local @!p0 [hbm:s0], s1  }
0x353: {  	s0 =	simm.s32 @!p0 $0x2  }
0x354: {  	_ =	swait.ge @!p0 [sflag:s0], s1  }
0x355: {  	s1 =	ssub.s32 @!p0 $0x0, s1;
	[sflag:s0] =	ssyncset.done @!p0 $0x0  }
0x356: {  	[sflag:s0] =	ssyncadd.s32 @!p0 s1  }
0x357: {  	[bflag:$0x3] =	sbarrier.arrive $0xFFFF  }
0x358: {  	_ =	shalt  }

</sc_bundles>
